<compile_context>
chip_gen: v7x
topology: tpu7x:2x2x1
jax: 0.10.2.dev20260603
libtpu: 0.0.44.dev20260713+nightly
codegen_flags: <defaults>
</compile_context>

<pallas_src>
import functools

import jax
import jax.numpy as jnp
from jax import lax
from jax.experimental import pallas as pl
from jax.experimental.pallas import tpu as pltpu
from jax.experimental.pallas import tpu_sc as plsc

B, P, K = 2, 10000, 16
C = 128
COUT = 128
H = W = 100
BP = B * P
NC, NS, L = 2, 16, 16
NW = NC * NS
CP = 8
CPK = CP * K
NCHUNK = BP // CP
TPWP = 80
NBUF = 4


def _tc_matmul(x_flat, W_conv):
    BLK = 2000

    def body(x_ref, w_ref, n_ref):
        w2 = w_ref[...][:, C:]
        dn = (((1,), (1,)), ((), ()))
        n_ref[...] = lax.dot_general(
            x_ref[...], w2, dn, preferred_element_type=jnp.float32)

    return pl.pallas_call(
        body,
        grid=(BP // BLK,),
        in_specs=[
            pl.BlockSpec((BLK, C), lambda i: (i, 0)),
            pl.BlockSpec((COUT, 2 * C), lambda i: (0, 0)),
        ],
        out_specs=pl.BlockSpec((BLK, COUT), lambda i: (i, 0)),
        out_shape=jax.ShapeDtypeStruct((BP, COUT), jnp.float32),
    )(x_flat, W_conv)


def _sc_gather_max(nv, ei2d):
    mesh = plsc.VectorSubcoreMesh(core_axis_name="c", subcore_axis_name="s")
    scratch = (
        [pltpu.VMEM((TPWP * CPK,), jnp.int32)]
        + [pltpu.VMEM((CPK, COUT), jnp.float32) for _ in range(NBUF)]
        + [pltpu.VMEM((CP, COUT), jnp.float32) for _ in range(NBUF)]
        + [pltpu.SemaphoreType.DMA for _ in range(2 * NBUF)]
    )

    @functools.partial(
        pl.kernel,
        out_type=jax.ShapeDtypeStruct((BP, COUT), jnp.float32),
        mesh=mesh,
        scratch_types=scratch,
    )
    def k(nv_hbm, ei_hbm, out_hbm, idxs, *bufs):
        g = bufs[0:NBUF]
        o = bufs[NBUF:2 * NBUF]
        sg = bufs[2 * NBUF:3 * NBUF]
        so = bufs[3 * NBUF:4 * NBUF]
        wid = lax.axis_index("s") * NC + lax.axis_index("c")
        lo = (NCHUNK * wid) // NW
        nw = (NCHUNK * (wid + 1)) // NW - lo
        sbase = jnp.minimum(lo, NCHUNK - TPWP)
        shift = lo - sbase

        pltpu.sync_copy(ei_hbm.at[pl.ds(sbase * CPK, TPWP * CPK)], idxs)

        def fire(b, c):
            pltpu.async_copy(
                nv_hbm.at[idxs.at[pl.ds((c + shift) * CPK, CPK)]], g[b], sg[b])

        for b in range(NBUF):
            @pl.when(b < nw)
            def _(b=b):
                fire(b, b)

        def outer(t, carry):
            base = t * NBUF
            for b in range(NBUF):
                c = base + b

                @pl.when(c < nw)
                def _(b=b, c=c):
                    pltpu.make_async_copy(
                        nv_hbm.at[idxs.at[pl.ds(0, CPK)]], g[b], sg[b]).wait()

                    @pl.when(c >= NBUF)
                    def _():
                        pltpu.make_async_copy(
                            o[b], out_hbm.at[pl.ds(0, CP)], so[b]).wait()

                    def point_body(p, c2):
                        rbase = p * K
                        for cb in range(COUT // L):
                            sl = pl.ds(cb * L, L)
                            m = g[b][rbase, sl]
                            for j in range(1, K):
                                m = jnp.maximum(m, g[b][rbase + j, sl])
                            o[b][p, sl] = m
                        return c2

                    lax.fori_loop(0, CP, point_body, 0)
                    pltpu.async_copy(
                        o[b], out_hbm.at[pl.ds((lo + c) * CP, CP)], so[b])

                    @pl.when(c + NBUF < nw)
                    def _(b=b, c=c):
                        fire(b, c + NBUF)

            return carry

        lax.fori_loop(0, TPWP // NBUF, outer, 0)

        for b in range(NBUF):
            pltpu.make_async_copy(o[b], out_hbm.at[pl.ds(0, CP)], so[b]).wait()

    return k(nv, ei2d)


def _tc_finish(m, x_flat, W_conv, b_row):
    BLK = 2000

    def body(m_ref, x_ref, w_ref, b_ref, o_ref):
        w = w_ref[...]
        dw = w[:, :C] - w[:, C:]
        dn = (((1,), (1,)), ((), ()))
        a = lax.dot_general(
            x_ref[...], dw, dn, preferred_element_type=jnp.float32)
        o_ref[...] = jnp.maximum(a + b_ref[...] + m_ref[...], 0.0)

    return pl.pallas_call(
        body,
        grid=(BP // BLK,),
        in_specs=[
            pl.BlockSpec((BLK, COUT), lambda i: (i, 0)),
            pl.BlockSpec((BLK, C), lambda i: (i, 0)),
            pl.BlockSpec((COUT, 2 * C), lambda i: (0, 0)),
            pl.BlockSpec((1, COUT), lambda i: (0, 0)),
        ],
        out_specs=pl.BlockSpec((BLK, COUT), lambda i: (i, 0)),
        out_shape=jax.ShapeDtypeStruct((BP, COUT), jnp.float32),
    )(m, x_flat, W_conv, b_row)


def kernel(x, edge_index, size, W_conv, b_conv):
    del size
    x_flat = x.reshape(BP, C)
    offs = (jnp.arange(B, dtype=edge_index.dtype) * P).reshape(B, 1, 1)
    ei = (edge_index + offs).reshape(BP * K)
    nv = _tc_matmul(x_flat, W_conv)
    m = _sc_gather_max(nv, ei)
    y3 = _tc_finish(m, x_flat, W_conv, b_conv.reshape(1, COUT))
    y3 = y3.reshape(B, P, COUT)
    return jnp.transpose(y3, (0, 2, 1)).reshape(B, COUT, H, W)

# --- scband reference (transcript-rebuilt; emitter-appended) ---
"""Pipeline reference for scband-edge-conv-69810398429321 (READ-ONLY COPY).

The authoritative reference and input builder live on the scoring server;
editing this copy changes nothing except your own understanding.
"""

import jax, jax.numpy as jnp
import numpy as np

B, P, K = 2, 10000, 16
C_IN, C_OUT = 128, 128
H, W = 100, 100


def setup_inputs(seed: int = 0) -> dict:
    key = jax.random.key(seed)
    k1, k2, k3, k4 = jax.random.split(key, 4)
    x = jax.random.normal(k1, (B, P, C_IN), dtype=jnp.float32)
    edge_index = jax.random.randint(k2, (B, P, K), 0, P, dtype=jnp.int32)
    # learned params of nn.Conv2d(2*C_IN, C_OUT, kernel_size=1): weight [C_OUT, 2*C_IN], bias [C_OUT]
    W_conv = jax.random.normal(k3, (C_OUT, 2 * C_IN), dtype=jnp.float32) * (1.0 / np.sqrt(2 * C_IN))
    b_conv = jax.random.normal(k4, (C_OUT,), dtype=jnp.float32) * 0.01
    size = (B, C_OUT, H, W)
    return {"x": x, "edge_index": edge_index, "size": size, "W_conv": W_conv, "b_conv": b_conv}


def reference(x, edge_index, size, W_conv, b_conv):
    N, C, H_, W_ = size
    batch_size, num_points, num_dims = x.shape
    k = edge_index.shape[-1]
    # offset per-batch indices into flat node index space
    idx_ = (jnp.arange(batch_size, dtype=edge_index.dtype) * num_points).reshape(batch_size, 1, 1)
    ei = (edge_index + idx_).reshape(-1)
    x_flat = x.reshape(-1, num_dims)
    # gather neighbor features
    neighbors = jnp.take(x_flat, ei, axis=0).reshape(batch_size, num_points, k, num_dims)
    x_central = jnp.repeat(x[:, :, None, :], k, axis=2)
    edge_feature = jnp.concatenate([x_central, neighbors - x_central], axis=-1)  # [B,P,k,2C]
    # 1x1 conv over channel dim == linear map, then ReLU
    out = jnp.einsum('bpkc,oc->bpko', edge_feature, W_conv) + b_conv
    out = jax.nn.relu(out)
    # max over neighbor dim k
    out = jnp.max(out, axis=2)  # [B, P, C_OUT]
    # permute to channel-first and reshape to (N, C, H, W)
    out = jnp.transpose(out, (0, 2, 1)).reshape(batch_size, W_conv.shape[0], H, W)
    out = out + jnp.asarray(N + C + H_ + W_, dtype=out.dtype) * 0
    return out

if __name__ == "__main__":
    import jax
    _d = setup_inputs()
    print(jax.jit(kernel)(*tuple(_d.values())))

</pallas_src>

<mosaic_0001>
#map = affine_map<(d0, d1) -> (0, 0)>
#map1 = affine_map<(d0, d1) -> (0)>
module attributes {stable_mosaic.version = 14 : i64} {
  func.func @k(%arg0: i32, %arg1: i32, %arg2: memref<20000x128xf32, #tpu.memory_space<hbm>>, %arg3: memref<320000xi32, #tpu.memory_space<hbm>>, %arg4: memref<20000x128xf32, #tpu.memory_space<hbm>>, %arg5: memref<10240xi32, #tpu.memory_space<vmem>>, %arg6: memref<128x128xf32, #tpu.memory_space<vmem>>, %arg7: memref<128x128xf32, #tpu.memory_space<vmem>>, %arg8: memref<128x128xf32, #tpu.memory_space<vmem>>, %arg9: memref<128x128xf32, #tpu.memory_space<vmem>>, %arg10: memref<8x128xf32, #tpu.memory_space<vmem>>, %arg11: memref<8x128xf32, #tpu.memory_space<vmem>>, %arg12: memref<8x128xf32, #tpu.memory_space<vmem>>, %arg13: memref<8x128xf32, #tpu.memory_space<vmem>>, %arg14: memref<!tpu.dma_semaphore, #tpu.memory_space<semaphore_mem>>, %arg15: memref<!tpu.dma_semaphore, #tpu.memory_space<semaphore_mem>>, %arg16: memref<!tpu.dma_semaphore, #tpu.memory_space<semaphore_mem>>, %arg17: memref<!tpu.dma_semaphore, #tpu.memory_space<semaphore_mem>>, %arg18: memref<!tpu.dma_semaphore, #tpu.memory_space<semaphore_mem>>, %arg19: memref<!tpu.dma_semaphore, #tpu.memory_space<semaphore_mem>>, %arg20: memref<!tpu.dma_semaphore, #tpu.memory_space<semaphore_mem>>, %arg21: memref<!tpu.dma_semaphore, #tpu.memory_space<semaphore_mem>>) attributes {dimension_semantics = [#tpu.dimension_semantics<core_parallel>, #tpu.dimension_semantics<subcore_parallel>], iteration_bounds = array<i64: 2, 16>, scalar_prefetch = 0 : i64, scratch_operands = 17 : i64, tpu.core_type = #tpu.core_type<sc_vector_subcore>, window_params = [{transform_indices = #map}, {transform_indices = #map1}, {transform_indices = #map}]} {
    %mul3A = arith.constant 2 : i32
    %mul3A_0 = arith.muli %arg1, %mul3A : i32
    %add3A = arith.addi %mul3A_0, %arg0 : i32
    %mul3A_1 = arith.constant 2500 : i32
    %mul3A_2 = arith.muli %mul3A_1, %add3A : i32
    %jit3A = arith.constant 32 : i32
    %div3A = arith.divsi %mul3A_2, %jit3A : i32
    %sign3A = arith.constant 0 : i32
    %sign3A_3 = arith.cmpi sgt, %mul3A_2, %sign3A : i32
    %sign3A_4 = arith.extui %sign3A_3 : i1 to i32
    %sign3A_5 = arith.constant 0 : i32
    %sign3A_6 = arith.cmpi slt, %mul3A_2, %sign3A_5 : i32
    %sign3A_7 = arith.extui %sign3A_6 : i1 to i32
    %sign3A_8 = arith.subi %sign3A_4, %sign3A_7 : i32
    %sign3A_9 = arith.constant 0 : i32
    %sign3A_10 = arith.cmpi sgt, %jit3A, %sign3A_9 : i32
    %sign3A_11 = arith.extui %sign3A_10 : i1 to i32
    %sign3A_12 = arith.constant 0 : i32
    %sign3A_13 = arith.cmpi slt, %jit3A, %sign3A_12 : i32
    %sign3A_14 = arith.extui %sign3A_13 : i1 to i32
    %sign3A_15 = arith.subi %sign3A_11, %sign3A_14 : i32
    %ne3A = arith.cmpi ne, %sign3A_8, %sign3A_15 : i32
    %rem3A = arith.remsi %mul3A_2, %jit3A : i32
    %ne3A_16 = arith.constant 0 : i32
    %ne3A_17 = arith.cmpi ne, %rem3A, %ne3A_16 : i32
    %and3A = arith.andi %ne3A, %ne3A_17 : i1
    %sub3A = arith.constant 1 : i32
    %sub3A_18 = arith.subi %div3A, %sub3A : i32
    %select_n3A = arith.select %and3A, %sub3A_18, %div3A : i32
    %add3A_19 = arith.constant 1 : i32
    %add3A_20 = arith.addi %add3A, %add3A_19 : i32
    %mul3A_21 = arith.constant 2500 : i32
    %mul3A_22 = arith.muli %mul3A_21, %add3A_20 : i32
    %jit3A_23 = arith.constant 32 : i32
    %div3A_24 = arith.divsi %mul3A_22, %jit3A_23 : i32
    %sign3A_25 = arith.constant 0 : i32
    %sign3A_26 = arith.cmpi sgt, %mul3A_22, %sign3A_25 : i32
    %sign3A_27 = arith.extui %sign3A_26 : i1 to i32
    %sign3A_28 = arith.constant 0 : i32
    %sign3A_29 = arith.cmpi slt, %mul3A_22, %sign3A_28 : i32
    %sign3A_30 = arith.extui %sign3A_29 : i1 to i32
    %sign3A_31 = arith.subi %sign3A_27, %sign3A_30 : i32
    %sign3A_32 = arith.constant 0 : i32
    %sign3A_33 = arith.cmpi sgt, %jit3A_23, %sign3A_32 : i32
    %sign3A_34 = arith.extui %sign3A_33 : i1 to i32
    %sign3A_35 = arith.constant 0 : i32
    %sign3A_36 = arith.cmpi slt, %jit3A_23, %sign3A_35 : i32
    %sign3A_37 = arith.extui %sign3A_36 : i1 to i32
    %sign3A_38 = arith.subi %sign3A_34, %sign3A_37 : i32
    %ne3A_39 = arith.cmpi ne, %sign3A_31, %sign3A_38 : i32
    %rem3A_40 = arith.remsi %mul3A_22, %jit3A_23 : i32
    %ne3A_41 = arith.constant 0 : i32
    %ne3A_42 = arith.cmpi ne, %rem3A_40, %ne3A_41 : i32
    %and3A_43 = arith.andi %ne3A_39, %ne3A_42 : i1
    %sub3A_44 = arith.constant 1 : i32
    %sub3A_45 = arith.subi %div3A_24, %sub3A_44 : i32
    %select_n3A_46 = arith.select %and3A_43, %sub3A_45, %div3A_24 : i32
    %sub3A_47 = arith.subi %select_n3A_46, %select_n3A : i32
    %min3A = arith.constant 2420 : i32
    %min3A_48 = arith.minsi %select_n3A, %min3A : i32
    %sub3A_49 = arith.subi %select_n3A, %min3A_48 : i32
    %mul3A_50 = arith.constant 128 : i32
    %mul3A_51 = arith.muli %min3A_48, %mul3A_50 : i32
    "tpu.region"() ({
      %run_scoped3A = tpu.sem_alloc : memref<!tpu.dma_semaphore, #tpu.memory_space<semaphore_mem>>
      %dma_start3A = tpu.memref_slice %arg3[%mul3A_51] : memref<320000xi32, #tpu.memory_space<hbm>> -> memref<10240xi32, #tpu.memory_space<hbm>>
      %dma_start3A_97 = tpu.memref_slice %arg3[%mul3A_51] : memref<320000xi32, #tpu.memory_space<hbm>> -> memref<10240xi32, #tpu.memory_space<hbm>>
      tpu.enqueue_dma source(%dma_start3A_97 : memref<10240xi32, #tpu.memory_space<hbm>>) target(%arg5 : memref<10240xi32, #tpu.memory_space<vmem>>) target_semaphore(%run_scoped3A : memref<!tpu.dma_semaphore, #tpu.memory_space<semaphore_mem>>)
      %dma_wait3A_98 = tpu.memref_slice %arg3[%mul3A_51] : memref<320000xi32, #tpu.memory_space<hbm>> -> memref<10240xi32, #tpu.memory_space<hbm>>
      %dma_wait3A_99 = tpu.memref_slice %arg3[%mul3A_51] : memref<320000xi32, #tpu.memory_space<hbm>> -> memref<10240xi32, #tpu.memory_space<hbm>>
      tpu.wait_dma2 semaphore(%run_scoped3A : memref<!tpu.dma_semaphore, #tpu.memory_space<semaphore_mem>>) src(%dma_wait3A_99 : memref<10240xi32, #tpu.memory_space<hbm>>) dst(%arg5 : memref<10240xi32, #tpu.memory_space<vmem>>)
      tpu.yield
    }) : () -> ()
    %gt3A = arith.constant 0 : i32
    %gt3A_52 = arith.cmpi sgt, %sub3A_47, %gt3A : i32
    %convert_element_type3A = arith.extui %gt3A_52 : i1 to i32
    %cond3A = arith.constant 0 : i32
    %cond3A_53 = arith.cmpi ne, %convert_element_type3A, %cond3A : i32
    scf.if %cond3A_53 {
      %add3A_97 = arith.constant 0 : i32
      %add3A_98 = arith.addi %add3A_97, %sub3A_49 : i32
      %mul3A_99 = arith.constant 128 : i32
      %mul3A_100 = arith.muli %add3A_98, %mul3A_99 : i32
      %dma_start3A = tpu.memref_slice %arg5[%mul3A_100] : memref<10240xi32, #tpu.memory_space<vmem>> -> memref<128xi32, #tpu.memory_space<vmem>>
      %dma_start3A_101 = arith.constant 0 : i32
      %dma_start3A_102 = arith.constant 0 : i32
      %dma_start3A_103 = tpu.memref_slice %arg2[%dma_start3A_101, %dma_start3A_102] : memref<20000x128xf32, #tpu.memory_space<hbm>> -> memref<20000x128xf32, #tpu.memory_space<hbm>>
      tpu.enqueue_indirect_dma source(%dma_start3A_103 : memref<20000x128xf32, #tpu.memory_space<hbm>>) target(%arg6 : memref<128x128xf32, #tpu.memory_space<vmem>>) offsets(%dma_start3A : memref<128xi32, #tpu.memory_space<vmem>>) semaphore(%arg14 : memref<!tpu.dma_semaphore, #tpu.memory_space<semaphore_mem>>)
    } else {
    }
    %gt3A_54 = arith.constant 1 : i32
    %gt3A_55 = arith.cmpi sgt, %sub3A_47, %gt3A_54 : i32
    %convert_element_type3A_56 = arith.extui %gt3A_55 : i1 to i32
    %cond3A_57 = arith.constant 0 : i32
    %cond3A_58 = arith.cmpi ne, %convert_element_type3A_56, %cond3A_57 : i32
    scf.if %cond3A_58 {
      %add3A_97 = arith.constant 1 : i32
      %add3A_98 = arith.addi %add3A_97, %sub3A_49 : i32
      %mul3A_99 = arith.constant 128 : i32
      %mul3A_100 = arith.muli %add3A_98, %mul3A_99 : i32
      %dma_start3A = tpu.memref_slice %arg5[%mul3A_100] : memref<10240xi32, #tpu.memory_space<vmem>> -> memref<128xi32, #tpu.memory_space<vmem>>
      %dma_start3A_101 = arith.constant 0 : i32
      %dma_start3A_102 = arith.constant 0 : i32
      %dma_start3A_103 = tpu.memref_slice %arg2[%dma_start3A_101, %dma_start3A_102] : memref<20000x128xf32, #tpu.memory_space<hbm>> -> memref<20000x128xf32, #tpu.memory_space<hbm>>
      tpu.enqueue_indirect_dma source(%dma_start3A_103 : memref<20000x128xf32, #tpu.memory_space<hbm>>) target(%arg7 : memref<128x128xf32, #tpu.memory_space<vmem>>) offsets(%dma_start3A : memref<128xi32, #tpu.memory_space<vmem>>) semaphore(%arg15 : memref<!tpu.dma_semaphore, #tpu.memory_space<semaphore_mem>>)
    } else {
    }
    %gt3A_59 = arith.constant 2 : i32
    %gt3A_60 = arith.cmpi sgt, %sub3A_47, %gt3A_59 : i32
    %convert_element_type3A_61 = arith.extui %gt3A_60 : i1 to i32
    %cond3A_62 = arith.constant 0 : i32
    %cond3A_63 = arith.cmpi ne, %convert_element_type3A_61, %cond3A_62 : i32
    scf.if %cond3A_63 {
      %add3A_97 = arith.constant 2 : i32
      %add3A_98 = arith.addi %add3A_97, %sub3A_49 : i32
      %mul3A_99 = arith.constant 128 : i32
      %mul3A_100 = arith.muli %add3A_98, %mul3A_99 : i32
      %dma_start3A = tpu.memref_slice %arg5[%mul3A_100] : memref<10240xi32, #tpu.memory_space<vmem>> -> memref<128xi32, #tpu.memory_space<vmem>>
      %dma_start3A_101 = arith.constant 0 : i32
      %dma_start3A_102 = arith.constant 0 : i32
      %dma_start3A_103 = tpu.memref_slice %arg2[%dma_start3A_101, %dma_start3A_102] : memref<20000x128xf32, #tpu.memory_space<hbm>> -> memref<20000x128xf32, #tpu.memory_space<hbm>>
      tpu.enqueue_indirect_dma source(%dma_start3A_103 : memref<20000x128xf32, #tpu.memory_space<hbm>>) target(%arg8 : memref<128x128xf32, #tpu.memory_space<vmem>>) offsets(%dma_start3A : memref<128xi32, #tpu.memory_space<vmem>>) semaphore(%arg16 : memref<!tpu.dma_semaphore, #tpu.memory_space<semaphore_mem>>)
    } else {
    }
    %gt3A_64 = arith.constant 3 : i32
    %gt3A_65 = arith.cmpi sgt, %sub3A_47, %gt3A_64 : i32
    %convert_element_type3A_66 = arith.extui %gt3A_65 : i1 to i32
    %cond3A_67 = arith.constant 0 : i32
    %cond3A_68 = arith.cmpi ne, %convert_element_type3A_66, %cond3A_67 : i32
    scf.if %cond3A_68 {
      %add3A_97 = arith.constant 3 : i32
      %add3A_98 = arith.addi %add3A_97, %sub3A_49 : i32
      %mul3A_99 = arith.constant 128 : i32
      %mul3A_100 = arith.muli %add3A_98, %mul3A_99 : i32
      %dma_start3A = tpu.memref_slice %arg5[%mul3A_100] : memref<10240xi32, #tpu.memory_space<vmem>> -> memref<128xi32, #tpu.memory_space<vmem>>
      %dma_start3A_101 = arith.constant 0 : i32
      %dma_start3A_102 = arith.constant 0 : i32
      %dma_start3A_103 = tpu.memref_slice %arg2[%dma_start3A_101, %dma_start3A_102] : memref<20000x128xf32, #tpu.memory_space<hbm>> -> memref<20000x128xf32, #tpu.memory_space<hbm>>
      tpu.enqueue_indirect_dma source(%dma_start3A_103 : memref<20000x128xf32, #tpu.memory_space<hbm>>) target(%arg9 : memref<128x128xf32, #tpu.memory_space<vmem>>) offsets(%dma_start3A : memref<128xi32, #tpu.memory_space<vmem>>) semaphore(%arg17 : memref<!tpu.dma_semaphore, #tpu.memory_space<semaphore_mem>>)
    } else {
    }
    %scan3A = arith.constant 0 : i32
    %scan3A_69 = arith.constant 0 : i32
    %scan3A_70 = arith.constant 20 : i32
    %scan3A_71 = arith.addi %scan3A_69, %scan3A_70 : i32
    %scan3A_72 = arith.constant 1 : i32
    scf.for %scan3A_97 = %scan3A_69 to %scan3A_71 step %scan3A_72  : i32 {
      %mul3A_98 = arith.constant 4 : i32
      %mul3A_99 = arith.muli %scan3A_97, %mul3A_98 : i32
      %add3A_100 = arith.constant 0 : i32
      %add3A_101 = arith.addi %mul3A_99, %add3A_100 : i32
      %lt3A = arith.cmpi slt, %add3A_101, %sub3A_47 : i32
      %convert_element_type3A_102 = arith.extui %lt3A : i1 to i32
      %cond3A_103 = arith.constant 0 : i32
      %cond3A_104 = arith.cmpi ne, %convert_element_type3A_102, %cond3A_103 : i32
      scf.if %cond3A_104 {
        %dma_wait3A_123 = arith.constant 0 : i32
        %dma_wait3A_124 = tpu.memref_slice %arg5[%dma_wait3A_123] : memref<10240xi32, #tpu.memory_space<vmem>> -> memref<128xi32, #tpu.memory_space<vmem>>
        %dma_wait3A_125 = arith.constant 0 : i32
        %dma_wait3A_126 = arith.constant 0 : i32
        %dma_wait3A_127 = tpu.memref_slice %arg2[%dma_wait3A_125, %dma_wait3A_126] : memref<20000x128xf32, #tpu.memory_space<hbm>> -> memref<20000x128xf32, #tpu.memory_space<hbm>>
        tpu.wait_indirect_dma semaphore(%arg14 : memref<!tpu.dma_semaphore, #tpu.memory_space<semaphore_mem>>) src(%dma_wait3A_127 : memref<20000x128xf32, #tpu.memory_space<hbm>>) dst(%arg6 : memref<128x128xf32, #tpu.memory_space<vmem>>)
        %ge3A = arith.constant 4 : i32
        %ge3A_128 = arith.cmpi sge, %add3A_101, %ge3A : i32
        %convert_element_type3A_129 = arith.extui %ge3A_128 : i1 to i32
        %cond3A_130 = arith.constant 0 : i32
        %cond3A_131 = arith.cmpi ne, %convert_element_type3A_129, %cond3A_130 : i32
        scf.if %cond3A_131 {
          %dma_wait3A_150 = arith.constant 0 : i32
          %dma_wait3A_151 = arith.constant 0 : i32
          %dma_wait3A_152 = tpu.memref_slice %arg4[%dma_wait3A_150, %dma_wait3A_151] : memref<20000x128xf32, #tpu.memory_space<hbm>> -> memref<8x128xf32, #tpu.memory_space<hbm>>
          %dma_wait3A_153 = arith.constant 0 : i32
          %dma_wait3A_154 = arith.constant 0 : i32
          %dma_wait3A_155 = tpu.memref_slice %arg4[%dma_wait3A_153, %dma_wait3A_154] : memref<20000x128xf32, #tpu.memory_space<hbm>> -> memref<8x128xf32, #tpu.memory_space<hbm>>
          tpu.wait_dma2 semaphore(%arg18 : memref<!tpu.dma_semaphore, #tpu.memory_space<semaphore_mem>>) src(%arg10 : memref<8x128xf32, #tpu.memory_space<vmem>>) dst(%dma_wait3A_155 : memref<8x128xf32, #tpu.memory_space<hbm>>)
        } else {
        }
        %scan3A_132 = arith.constant 0 : i32
        %scan3A_133 = arith.constant 0 : i32
        %scan3A_134 = arith.constant 8 : i32
        %scan3A_135 = arith.addi %scan3A_133, %scan3A_134 : i32
        %scan3A_136 = arith.constant 1 : i32
        scf.for %scan3A_150 = %scan3A_133 to %scan3A_135 step %scan3A_136  : i32 {
          %mul3A_151 = arith.constant 16 : i32
          %mul3A_152 = arith.muli %scan3A_150, %mul3A_151 : i32
          %get3A = arith.index_cast %mul3A_152 : i32 to index
          %get3A_153 = arith.constant 0 : index
          %get3A_154 = tpu.vector_load %arg6[%get3A, %get3A_153] {strides = array<i32>} : memref<128x128xf32, #tpu.memory_space<vmem>>, vector<1x16xf32>,
          %get3A_155 = vector.shape_cast %get3A_154 : vector<1x16xf32> to vector<16xf32>
          %add3A_156 = arith.constant 1 : i32
          %add3A_157 = arith.addi %mul3A_152, %add3A_156 : i32
          %get3A_158 = arith.index_cast %add3A_157 : i32 to index
          %get3A_159 = arith.constant 0 : index
          %get3A_160 = tpu.vector_load %arg6[%get3A_158, %get3A_159] {strides = array<i32>} : memref<128x128xf32, #tpu.memory_space<vmem>>, vector<1x16xf32>,
          %get3A_161 = vector.shape_cast %get3A_160 : vector<1x16xf32> to vector<16xf32>
          %max3A = arith.maximumf %get3A_155, %get3A_161 : vector<16xf32>
          %add3A_162 = arith.constant 2 : i32
          %add3A_163 = arith.addi %mul3A_152, %add3A_162 : i32
          %get3A_164 = arith.index_cast %add3A_163 : i32 to index
          %get3A_165 = arith.constant 0 : index
          %get3A_166 = tpu.vector_load %arg6[%get3A_164, %get3A_165] {strides = array<i32>} : memref<128x128xf32, #tpu.memory_space<vmem>>, vector<1x16xf32>,
          %get3A_167 = vector.shape_cast %get3A_166 : vector<1x16xf32> to vector<16xf32>
          %max3A_168 = arith.maximumf %max3A, %get3A_167 : vector<16xf32>
          %add3A_169 = arith.constant 3 : i32
          %add3A_170 = arith.addi %mul3A_152, %add3A_169 : i32
          %get3A_171 = arith.index_cast %add3A_170 : i32 to index
          %get3A_172 = arith.constant 0 : index
          %get3A_173 = tpu.vector_load %arg6[%get3A_171, %get3A_172] {strides = array<i32>} : memref<128x128xf32, #tpu.memory_space<vmem>>, vector<1x16xf32>,
          %get3A_174 = vector.shape_cast %get3A_173 : vector<1x16xf32> to vector<16xf32>
          %max3A_175 = arith.maximumf %max3A_168, %get3A_174 : vector<16xf32>
          %add3A_176 = arith.constant 4 : i32
          %add3A_177 = arith.addi %mul3A_152, %add3A_176 : i32
          %get3A_178 = arith.index_cast %add3A_177 : i32 to index
          %get3A_179 = arith.constant 0 : index
          %get3A_180 = tpu.vector_load %arg6[%get3A_178, %get3A_179] {strides = array<i32>} : memref<128x128xf32, #tpu.memory_space<vmem>>, vector<1x16xf32>,
          %get3A_181 = vector.shape_cast %get3A_180 : vector<1x16xf32> to vector<16xf32>
          %max3A_182 = arith.maximumf %max3A_175, %get3A_181 : vector<16xf32>
          %add3A_183 = arith.constant 5 : i32
          %add3A_184 = arith.addi %mul3A_152, %add3A_183 : i32
          %get3A_185 = arith.index_cast %add3A_184 : i32 to index
          %get3A_186 = arith.constant 0 : index
          %get3A_187 = tpu.vector_load %arg6[%get3A_185, %get3A_186] {strides = array<i32>} : memref<128x128xf32, #tpu.memory_space<vmem>>, vector<1x16xf32>,
          %get3A_188 = vector.shape_cast %get3A_187 : vector<1x16xf32> to vector<16xf32>
          %max3A_189 = arith.maximumf %max3A_182, %get3A_188 : vector<16xf32>
          %add3A_190 = arith.constant 6 : i32
          %add3A_191 = arith.addi %mul3A_152, %add3A_190 : i32
          %get3A_192 = arith.index_cast %add3A_191 : i32 to index
          %get3A_193 = arith.constant 0 : index
          %get3A_194 = tpu.vector_load %arg6[%get3A_192, %get3A_193] {strides = array<i32>} : memref<128x128xf32, #tpu.memory_space<vmem>>, vector<1x16xf32>,
          %get3A_195 = vector.shape_cast %get3A_194 : vector<1x16xf32> to vector<16xf32>
          %max3A_196 = arith.maximumf %max3A_189, %get3A_195 : vector<16xf32>
          %add3A_197 = arith.constant 7 : i32
          %add3A_198 = arith.addi %mul3A_152, %add3A_197 : i32
          %get3A_199 = arith.index_cast %add3A_198 : i32 to index
          %get3A_200 = arith.constant 0 : index
          %get3A_201 = tpu.vector_load %arg6[%get3A_199, %get3A_200] {strides = array<i32>} : memref<128x128xf32, #tpu.memory_space<vmem>>, vector<1x16xf32>,
          %get3A_202 = vector.shape_cast %get3A_201 : vector<1x16xf32> to vector<16xf32>
          %max3A_203 = arith.maximumf %max3A_196, %get3A_202 : vector<16xf32>
          %add3A_204 = arith.constant 8 : i32
          %add3A_205 = arith.addi %mul3A_152, %add3A_204 : i32
          %get3A_206 = arith.index_cast %add3A_205 : i32 to index
          %get3A_207 = arith.constant 0 : index
          %get3A_208 = tpu.vector_load %arg6[%get3A_206, %get3A_207] {strides = array<i32>} : memref<128x128xf32, #tpu.memory_space<vmem>>, vector<1x16xf32>,
          %get3A_209 = vector.shape_cast %get3A_208 : vector<1x16xf32> to vector<16xf32>
          %max3A_210 = arith.maximumf %max3A_203, %get3A_209 : vector<16xf32>
          %add3A_211 = arith.constant 9 : i32
          %add3A_212 = arith.addi %mul3A_152, %add3A_211 : i32
          %get3A_213 = arith.index_cast %add3A_212 : i32 to index
          %get3A_214 = arith.constant 0 : index
          %get3A_215 = tpu.vector_load %arg6[%get3A_213, %get3A_214] {strides = array<i32>} : memref<128x128xf32, #tpu.memory_space<vmem>>, vector<1x16xf32>,
          %get3A_216 = vector.shape_cast %get3A_215 : vector<1x16xf32> to vector<16xf32>
          %max3A_217 = arith.maximumf %max3A_210, %get3A_216 : vector<16xf32>
          %add3A_218 = arith.constant 10 : i32
          %add3A_219 = arith.addi %mul3A_152, %add3A_218 : i32
          %get3A_220 = arith.index_cast %add3A_219 : i32 to index
          %get3A_221 = arith.constant 0 : index
          %get3A_222 = tpu.vector_load %arg6[%get3A_220, %get3A_221] {strides = array<i32>} : memref<128x128xf32, #tpu.memory_space<vmem>>, vector<1x16xf32>,
          %get3A_223 = vector.shape_cast %get3A_222 : vector<1x16xf32> to vector<16xf32>
          %max3A_224 = arith.maximumf %max3A_217, %get3A_223 : vector<16xf32>
          %add3A_225 = arith.constant 11 : i32
          %add3A_226 = arith.addi %mul3A_152, %add3A_225 : i32
          %get3A_227 = arith.index_cast %add3A_226 : i32 to index
          %get3A_228 = arith.constant 0 : index
          %get3A_229 = tpu.vector_load %arg6[%get3A_227, %get3A_228] {strides = array<i32>} : memref<128x128xf32, #tpu.memory_space<vmem>>, vector<1x16xf32>,
          %get3A_230 = vector.shape_cast %get3A_229 : vector<1x16xf32> to vector<16xf32>
          %max3A_231 = arith.maximumf %max3A_224, %get3A_230 : vector<16xf32>
          %add3A_232 = arith.constant 12 : i32
          %add3A_233 = arith.addi %mul3A_152, %add3A_232 : i32
          %get3A_234 = arith.index_cast %add3A_233 : i32 to index
          %get3A_235 = arith.constant 0 : index
          %get3A_236 = tpu.vector_load %arg6[%get3A_234, %get3A_235] {strides = array<i32>} : memref<128x128xf32, #tpu.memory_space<vmem>>, vector<1x16xf32>,
          %get3A_237 = vector.shape_cast %get3A_236 : vector<1x16xf32> to vector<16xf32>
          %max3A_238 = arith.maximumf %max3A_231, %get3A_237 : vector<16xf32>
          %add3A_239 = arith.constant 13 : i32
          %add3A_240 = arith.addi %mul3A_152, %add3A_239 : i32
          %get3A_241 = arith.index_cast %add3A_240 : i32 to index
          %get3A_242 = arith.constant 0 : index
          %get3A_243 = tpu.vector_load %arg6[%get3A_241, %get3A_242] {strides = array<i32>} : memref<128x128xf32, #tpu.memory_space<vmem>>, vector<1x16xf32>,
          %get3A_244 = vector.shape_cast %get3A_243 : vector<1x16xf32> to vector<16xf32>
          %max3A_245 = arith.maximumf %max3A_238, %get3A_244 : vector<16xf32>
          %add3A_246 = arith.constant 14 : i32
          %add3A_247 = arith.addi %mul3A_152, %add3A_246 : i32
          %get3A_248 = arith.index_cast %add3A_247 : i32 to index
          %get3A_249 = arith.constant 0 : index
          %get3A_250 = tpu.vector_load %arg6[%get3A_248, %get3A_249] {strides = array<i32>} : memref<128x128xf32, #tpu.memory_space<vmem>>, vector<1x16xf32>,
          %get3A_251 = vector.shape_cast %get3A_250 : vector<1x16xf32> to vector<16xf32>
          %max3A_252 = arith.maximumf %max3A_245, %get3A_251 : vector<16xf32>
          %add3A_253 = arith.constant 15 : i32
          %add3A_254 = arith.addi %mul3A_152, %add3A_253 : i32
          %get3A_255 = arith.index_cast %add3A_254 : i32 to index
          %get3A_256 = arith.constant 0 : index
          %get3A_257 = tpu.vector_load %arg6[%get3A_255, %get3A_256] {strides = array<i32>} : memref<128x128xf32, #tpu.memory_space<vmem>>, vector<1x16xf32>,
          %get3A_258 = vector.shape_cast %get3A_257 : vector<1x16xf32> to vector<16xf32>
          %max3A_259 = arith.maximumf %max3A_252, %get3A_258 : vector<16xf32>
          %swap3A = arith.index_cast %scan3A_150 : i32 to index
          %swap3A_260 = arith.constant 0 : index
          %swap3A_261 = tpu.vector_load %arg10[%swap3A, %swap3A_260] {strides = array<i32>} : memref<8x128xf32, #tpu.memory_space<vmem>>, vector<1x16xf32>,
          %swap3A_262 = vector.shape_cast %swap3A_261 : vector<1x16xf32> to vector<16xf32>
          %swap3A_263 = vector.shape_cast %max3A_259 : vector<16xf32> to vector<1x16xf32>
          tpu.vector_store %arg10[%swap3A, %swap3A_260], %swap3A_263 {strides = array<i32>} : memref<8x128xf32, #tpu.memory_space<vmem>>, vector<1x16xf32>,
          %get3A_264 = arith.index_cast %mul3A_152 : i32 to index
          %get3A_265 = arith.constant 16 : index
          %get3A_266 = tpu.vector_load %arg6[%get3A_264, %get3A_265] {strides = array<i32>} : memref<128x128xf32, #tpu.memory_space<vmem>>, vector<1x16xf32>,
          %get3A_267 = vector.shape_cast %get3A_266 : vector<1x16xf32> to vector<16xf32>
          %add3A_268 = arith.constant 1 : i32
          %add3A_269 = arith.addi %mul3A_152, %add3A_268 : i32
          %get3A_270 = arith.index_cast %add3A_269 : i32 to index
          %get3A_271 = arith.constant 16 : index
          %get3A_272 = tpu.vector_load %arg6[%get3A_270, %get3A_271] {strides = array<i32>} : memref<128x128xf32, #tpu.memory_space<vmem>>, vector<1x16xf32>,
          %get3A_273 = vector.shape_cast %get3A_272 : vector<1x16xf32> to vector<16xf32>
          %max3A_274 = arith.maximumf %get3A_267, %get3A_273 : vector<16xf32>
          %add3A_275 = arith.constant 2 : i32
          %add3A_276 = arith.addi %mul3A_152, %add3A_275 : i32
          %get3A_277 = arith.index_cast %add3A_276 : i32 to index
          %get3A_278 = arith.constant 16 : index
          %get3A_279 = tpu.vector_load %arg6[%get3A_277, %get3A_278] {strides = array<i32>} : memref<128x128xf32, #tpu.memory_space<vmem>>, vector<1x16xf32>,
          %get3A_280 = vector.shape_cast %get3A_279 : vector<1x16xf32> to vector<16xf32>
          %max3A_281 = arith.maximumf %max3A_274, %get3A_280 : vector<16xf32>
          %add3A_282 = arith.constant 3 : i32
          %add3A_283 = arith.addi %mul3A_152, %add3A_282 : i32
          %get3A_284 = arith.index_cast %add3A_283 : i32 to index
          %get3A_285 = arith.constant 16 : index
          %get3A_286 = tpu.vector_load %arg6[%get3A_284, %get3A_285] {strides = array<i32>} : memref<128x128xf32, #tpu.memory_space<vmem>>, vector<1x16xf32>,
          %get3A_287 = vector.shape_cast %get3A_286 : vector<1x16xf32> to vector<16xf32>
          %max3A_288 = arith.maximumf %max3A_281, %get3A_287 : vector<16xf32>
          %add3A_289 = arith.constant 4 : i32
          %add3A_290 = arith.addi %mul3A_152, %add3A_289 : i32
          %get3A_291 = arith.index_cast %add3A_290 : i32 to index
          %get3A_292 = arith.constant 16 : index
          %get3A_293 = tpu.vector_load %arg6[%get3A_291, %get3A_292] {strides = array<i32>} : memref<128x128xf32, #tpu.memory_space<vmem>>, vector<1x16xf32>,
          %get3A_294 = vector.shape_cast %get3A_293 : vector<1x16xf32> to vector<16xf32>
          %max3A_295 = arith.maximumf %max3A_288, %get3A_294 : vector<16xf32>
          %add3A_296 = arith.constant 5 : i32
          %add3A_297 = arith.addi %mul3A_152, %add3A_296 : i32
          %get3A_298 = arith.index_cast %add3A_297 : i32 to index
          %get3A_299 = arith.constant 16 : index
          %get3A_300 = tpu.vector_load %arg6[%get3A_298, %get3A_299] {strides = array<i32>} : memref<128x128xf32, #tpu.memory_space<vmem>>, vector<1x16xf32>,
          %get3A_301 = vector.shape_cast %get3A_300 : vector<1x16xf32> to vector<16xf32>
          %max3A_302 = arith.maximumf %max3A_295, %get3A_301 : vector<16xf32>
          %add3A_303 = arith.constant 6 : i32
          %add3A_304 = arith.addi %mul3A_152, %add3A_303 : i32
          %get3A_305 = arith.index_cast %add3A_304 : i32 to index
          %get3A_306 = arith.constant 16 : index
          %get3A_307 = tpu.vector_load %arg6[%get3A_305, %get3A_306] {strides = array<i32>} : memref<128x128xf32, #tpu.memory_space<vmem>>, vector<1x16xf32>,
          %get3A_308 = vector.shape_cast %get3A_307 : vector<1x16xf32> to vector<16xf32>
          %max3A_309 = arith.maximumf %max3A_302, %get3A_308 : vector<16xf32>
          %add3A_310 = arith.constant 7 : i32
          %add3A_311 = arith.addi %mul3A_152, %add3A_310 : i32
          %get3A_312 = arith.index_cast %add3A_311 : i32 to index
          %get3A_313 = arith.constant 16 : index
          %get3A_314 = tpu.vector_load %arg6[%get3A_312, %get3A_313] {strides = array<i32>} : memref<128x128xf32, #tpu.memory_space<vmem>>, vector<1x16xf32>,
          %get3A_315 = vector.shape_cast %get3A_314 : vector<1x16xf32> to vector<16xf32>
          %max3A_316 = arith.maximumf %max3A_309, %get3A_315 : vector<16xf32>
          %add3A_317 = arith.constant 8 : i32
          %add3A_318 = arith.addi %mul3A_152, %add3A_317 : i32
          %get3A_319 = arith.index_cast %add3A_318 : i32 to index
          %get3A_320 = arith.constant 16 : index
          %get3A_321 = tpu.vector_load %arg6[%get3A_319, %get3A_320] {strides = array<i32>} : memref<128x128xf32, #tpu.memory_space<vmem>>, vector<1x16xf32>,
          %get3A_322 = vector.shape_cast %get3A_321 : vector<1x16xf32> to vector<16xf32>
          %max3A_323 = arith.maximumf %max3A_316, %get3A_322 : vector<16xf32>
          %add3A_324 = arith.constant 9 : i32
          %add3A_325 = arith.addi %mul3A_152, %add3A_324 : i32
          %get3A_326 = arith.index_cast %add3A_325 : i32 to index
          %get3A_327 = arith.constant 16 : index
          %get3A_328 = tpu.vector_load %arg6[%get3A_326, %get3A_327] {strides = array<i32>} : memref<128x128xf32, #tpu.memory_space<vmem>>, vector<1x16xf32>,
          %get3A_329 = vector.shape_cast %get3A_328 : vector<1x16xf32> to vector<16xf32>
          %max3A_330 = arith.maximumf %max3A_323, %get3A_329 : vector<16xf32>
          %add3A_331 = arith.constant 10 : i32
          %add3A_332 = arith.addi %mul3A_152, %add3A_331 : i32
          %get3A_333 = arith.index_cast %add3A_332 : i32 to index
          %get3A_334 = arith.constant 16 : index
          %get3A_335 = tpu.vector_load %arg6[%get3A_333, %get3A_334] {strides = array<i32>} : memref<128x128xf32, #tpu.memory_space<vmem>>, vector<1x16xf32>,
          %get3A_336 = vector.shape_cast %get3A_335 : vector<1x16xf32> to vector<16xf32>
          %max3A_337 = arith.maximumf %max3A_330, %get3A_336 : vector<16xf32>
          %add3A_338 = arith.constant 11 : i32
          %add3A_339 = arith.addi %mul3A_152, %add3A_338 : i32
          %get3A_340 = arith.index_cast %add3A_339 : i32 to index
          %get3A_341 = arith.constant 16 : index
          %get3A_342 = tpu.vector_load %arg6[%get3A_340, %get3A_341] {strides = array<i32>} : memref<128x128xf32, #tpu.memory_space<vmem>>, vector<1x16xf32>,
          %get3A_343 = vector.shape_cast %get3A_342 : vector<1x16xf32> to vector<16xf32>
          %max3A_344 = arith.maximumf %max3A_337, %get3A_343 : vector<16xf32>
          %add3A_345 = arith.constant 12 : i32
          %add3A_346 = arith.addi %mul3A_152, %add3A_345 : i32
          %get3A_347 = arith.index_cast %add3A_346 : i32 to index
          %get3A_348 = arith.constant 16 : index
          %get3A_349 = tpu.vector_load %arg6[%get3A_347, %get3A_348] {strides = array<i32>} : memref<128x128xf32, #tpu.memory_space<vmem>>, vector<1x16xf32>,
          %get3A_350 = vector.shape_cast %get3A_349 : vector<1x16xf32> to vector<16xf32>
          %max3A_351 = arith.maximumf %max3A_344, %get3A_350 : vector<16xf32>
          %add3A_352 = arith.constant 13 : i32
          %add3A_353 = arith.addi %mul3A_152, %add3A_352 : i32
          %get3A_354 = arith.index_cast %add3A_353 : i32 to index
          %get3A_355 = arith.constant 16 : index
          %get3A_356 = tpu.vector_load %arg6[%get3A_354, %get3A_355] {strides = array<i32>} : memref<128x128xf32, #tpu.memory_space<vmem>>, vector<1x16xf32>,
          %get3A_357 = vector.shape_cast %get3A_356 : vector<1x16xf32> to vector<16xf32>
          %max3A_358 = arith.maximumf %max3A_351, %get3A_357 : vector<16xf32>
          %add3A_359 = arith.constant 14 : i32
          %add3A_360 = arith.addi %mul3A_152, %add3A_359 : i32
          %get3A_361 = arith.index_cast %add3A_360 : i32 to index
          %get3A_362 = arith.constant 16 : index
          %get3A_363 = tpu.vector_load %arg6[%get3A_361, %get3A_362] {strides = array<i32>} : memref<128x128xf32, #tpu.memory_space<vmem>>, vector<1x16xf32>,
          %get3A_364 = vector.shape_cast %get3A_363 : vector<1x16xf32> to vector<16xf32>
          %max3A_365 = arith.maximumf %max3A_358, %get3A_364 : vector<16xf32>
          %add3A_366 = arith.constant 15 : i32
          %add3A_367 = arith.addi %mul3A_152, %add3A_366 : i32
          %get3A_368 = arith.index_cast %add3A_367 : i32 to index
          %get3A_369 = arith.constant 16 : index
          %get3A_370 = tpu.vector_load %arg6[%get3A_368, %get3A_369] {strides = array<i32>} : memref<128x128xf32, #tpu.memory_space<vmem>>, vector<1x16xf32>,
          %get3A_371 = vector.shape_cast %get3A_370 : vector<1x16xf32> to vector<16xf32>
          %max3A_372 = arith.maximumf %max3A_365, %get3A_371 : vector<16xf32>
          %swap3A_373 = arith.index_cast %scan3A_150 : i32 to index
          %swap3A_374 = arith.constant 16 : index
          %swap3A_375 = tpu.vector_load %arg10[%swap3A_373, %swap3A_374] {strides = array<i32>} : memref<8x128xf32, #tpu.memory_space<vmem>>, vector<1x16xf32>,
          %swap3A_376 = vector.shape_cast %swap3A_375 : vector<1x16xf32> to vector<16xf32>
          %swap3A_377 = vector.shape_cast %max3A_372 : vector<16xf32> to vector<1x16xf32>
          tpu.vector_store %arg10[%swap3A_373, %swap3A_374], %swap3A_377 {strides = array<i32>} : memref<8x128xf32, #tpu.memory_space<vmem>>, vector<1x16xf32>,
          %get3A_378 = arith.index_cast %mul3A_152 : i32 to index
          %get3A_379 = arith.constant 32 : index
          %get3A_380 = tpu.vector_load %arg6[%get3A_378, %get3A_379] {strides = array<i32>} : memref<128x128xf32, #tpu.memory_space<vmem>>, vector<1x16xf32>,
          %get3A_381 = vector.shape_cast %get3A_380 : vector<1x16xf32> to vector<16xf32>
          %add3A_382 = arith.constant 1 : i32
          %add3A_383 = arith.addi %mul3A_152, %add3A_382 : i32
          %get3A_384 = arith.index_cast %add3A_383 : i32 to index
          %get3A_385 = arith.constant 32 : index
          %get3A_386 = tpu.vector_load %arg6[%get3A_384, %get3A_385] {strides = array<i32>} : memref<128x128xf32, #tpu.memory_space<vmem>>, vector<1x16xf32>,
          %get3A_387 = vector.shape_cast %get3A_386 : vector<1x16xf32> to vector<16xf32>
          %max3A_388 = arith.maximumf %get3A_381, %get3A_387 : vector<16xf32>
          %add3A_389 = arith.constant 2 : i32
          %add3A_390 = arith.addi %mul3A_152, %add3A_389 : i32
          %get3A_391 = arith.index_cast %add3A_390 : i32 to index
          %get3A_392 = arith.constant 32 : index
          %get3A_393 = tpu.vector_load %arg6[%get3A_391, %get3A_392] {strides = array<i32>} : memref<128x128xf32, #tpu.memory_space<vmem>>, vector<1x16xf32>,
          %get3A_394 = vector.shape_cast %get3A_393 : vector<1x16xf32> to vector<16xf32>
          %max3A_395 = arith.maximumf %max3A_388, %get3A_394 : vector<16xf32>
          %add3A_396 = arith.constant 3 : i32
          %add3A_397 = arith.addi %mul3A_152, %add3A_396 : i32
          %get3A_398 = arith.index_cast %add3A_397 : i32 to index
          %get3A_399 = arith.constant 32 : index
          %get3A_400 = tpu.vector_load %arg6[%get3A_398, %get3A_399] {strides = array<i32>} : memref<128x128xf32, #tpu.memory_space<vmem>>, vector<1x16xf32>,
          %get3A_401 = vector.shape_cast %get3A_400 : vector<1x16xf32> to vector<16xf32>
          %max3A_402 = arith.maximumf %max3A_395, %get3A_401 : vector<16xf32>
          %add3A_403 = arith.constant 4 : i32
          %add3A_404 = arith.addi %mul3A_152, %add3A_403 : i32
          %get3A_405 = arith.index_cast %add3A_404 : i32 to index
          %get3A_406 = arith.constant 32 : index
          %get3A_407 = tpu.vector_load %arg6[%get3A_405, %get3A_406] {strides = array<i32>} : memref<128x128xf32, #tpu.memory_space<vmem>>, vector<1x16xf32>,
          %get3A_408 = vector.shape_cast %get3A_407 : vector<1x16xf32> to vector<16xf32>
          %max3A_409 = arith.maximumf %max3A_402, %get3A_408 : vector<16xf32>
          %add3A_410 = arith.constant 5 : i32
          %add3A_411 = arith.addi %mul3A_152, %add3A_410 : i32
          %get3A_412 = arith.index_cast %add3A_411 : i32 to index
          %get3A_413 = arith.constant 32 : index
          %get3A_414 = tpu.vector_load %arg6[%get3A_412, %get3A_413] {strides = array<i32>} : memref<128x128xf32, #tpu.memory_space<vmem>>, vector<1x16xf32>,
          %get3A_415 = vector.shape_cast %get3A_414 : vector<1x16xf32> to vector<16xf32>
          %max3A_416 = arith.maximumf %max3A_409, %get3A_415 : vector<16xf32>
          %add3A_417 = arith.constant 6 : i32
          %add3A_418 = arith.addi %mul3A_152, %add3A_417 : i32
          %get3A_419 = arith.index_cast %add3A_418 : i32 to index
          %get3A_420 = arith.constant 32 : index
          %get3A_421 = tpu.vector_load %arg6[%get3A_419, %get3A_420] {strides = array<i32>} : memref<128x128xf32, #tpu.memory_space<vmem>>, vector<1x16xf32>,
          %get3A_422 = vector.shape_cast %get3A_421 : vector<1x16xf32> to vector<16xf32>
          %max3A_423 = arith.maximumf %max3A_416, %get3A_422 : vector<16xf32>
          %add3A_424 = arith.constant 7 : i32
          %add3A_425 = arith.addi %mul3A_152, %add3A_424 : i32
          %get3A_426 = arith.index_cast %add3A_425 : i32 to index
          %get3A_427 = arith.constant 32 : index
          %get3A_428 = tpu.vector_load %arg6[%get3A_426, %get3A_427] {strides = array<i32>} : memref<128x128xf32, #tpu.memory_space<vmem>>, vector<1x16xf32>,
          %get3A_429 = vector.shape_cast %get3A_428 : vector<1x16xf32> to vector<16xf32>
          %max3A_430 = arith.maximumf %max3A_423, %get3A_429 : vector<16xf32>
          %add3A_431 = arith.constant 8 : i32
          %add3A_432 = arith.addi %mul3A_152, %add3A_431 : i32
          %get3A_433 = arith.index_cast %add3A_432 : i32 to index
          %get3A_434 = arith.constant 32 : index
          %get3A_435 = tpu.vector_load %arg6[%get3A_433, %get3A_434] {strides = array<i32>} : memref<128x128xf32, #tpu.memory_space<vmem>>, vector<1x16xf32>,
          %get3A_436 = vector.shape_cast %get3A_435 : vector<1x16xf32> to vector<16xf32>
          %max3A_437 = arith.maximumf %max3A_430, %get3A_436 : vector<16xf32>
          %add3A_438 = arith.constant 9 : i32
          %add3A_439 = arith.addi %mul3A_152, %add3A_438 : i32
          %get3A_440 = arith.index_cast %add3A_439 : i32 to index
          %get3A_441 = arith.constant 32 : index
          %get3A_442 = tpu.vector_load %arg6[%get3A_440, %get3A_441] {strides = array<i32>} : memref<128x128xf32, #tpu.memory_space<vmem>>, vector<1x16xf32>,
          %get3A_443 = vector.shape_cast %get3A_442 : vector<1x16xf32> to vector<16xf32>
          %max3A_444 = arith.maximumf %max3A_437, %get3A_443 : vector<16xf32>
          %add3A_445 = arith.constant 10 : i32
          %add3A_446 = arith.addi %mul3A_152, %add3A_445 : i32
          %get3A_447 = arith.index_cast %add3A_446 : i32 to index
          %get3A_448 = arith.constant 32 : index
          %get3A_449 = tpu.vector_load %arg6[%get3A_447, %get3A_448] {strides = array<i32>} : memref<128x128xf32, #tpu.memory_space<vmem>>, vector<1x16xf32>,
          %get3A_450 = vector.shape_cast %get3A_449 : vector<1x16xf32> to vector<16xf32>
          %max3A_451 = arith.maximumf %max3A_444, %get3A_450 : vector<16xf32>
          %add3A_452 = arith.constant 11 : i32
          %add3A_453 = arith.addi %mul3A_152, %add3A_452 : i32
          %get3A_454 = arith.index_cast %add3A_453 : i32 to index
          %get3A_455 = arith.constant 32 : index
          %get3A_456 = tpu.vector_load %arg6[%get3A_454, %get3A_455] {strides = array<i32>} : memref<128x128xf32, #tpu.memory_space<vmem>>, vector<1x16xf32>,
          %get3A_457 = vector.shape_cast %get3A_456 : vector<1x16xf32> to vector<16xf32>
          %max3A_458 = arith.maximumf %max3A_451, %get3A_457 : vector<16xf32>
          %add3A_459 = arith.constant 12 : i32
          %add3A_460 = arith.addi %mul3A_152, %add3A_459 : i32
          %get3A_461 = arith.index_cast %add3A_460 : i32 to index
          %get3A_462 = arith.constant 32 : index
          %get3A_463 = tpu.vector_load %arg6[%get3A_461, %get3A_462] {strides = array<i32>} : memref<128x128xf32, #tpu.memory_space<vmem>>, vector<1x16xf32>,
          %get3A_464 = vector.shape_cast %get3A_463 : vector<1x16xf32> to vector<16xf32>
          %max3A_465 = arith.maximumf %max3A_458, %get3A_464 : vector<16xf32>
          %add3A_466 = arith.constant 13 : i32
          %add3A_467 = arith.addi %mul3A_152, %add3A_466 : i32
          %get3A_468 = arith.index_cast %add3A_467 : i32 to index
          %get3A_469 = arith.constant 32 : index
          %get3A_470 = tpu.vector_load %arg6[%get3A_468, %get3A_469] {strides = array<i32>} : memref<128x128xf32, #tpu.memory_space<vmem>>, vector<1x16xf32>,
          %get3A_471 = vector.shape_cast %get3A_470 : vector<1x16xf32> to vector<16xf32>
          %max3A_472 = arith.maximumf %max3A_465, %get3A_471 : vector<16xf32>
          %add3A_473 = arith.constant 14 : i32
          %add3A_474 = arith.addi %mul3A_152, %add3A_473 : i32
          %get3A_475 = arith.index_cast %add3A_474 : i32 to index
          %get3A_476 = arith.constant 32 : index
          %get3A_477 = tpu.vector_load %arg6[%get3A_475, %get3A_476] {strides = array<i32>} : memref<128x128xf32, #tpu.memory_space<vmem>>, vector<1x16xf32>,
          %get3A_478 = vector.shape_cast %get3A_477 : vector<1x16xf32> to vector<16xf32>
          %max3A_479 = arith.maximumf %max3A_472, %get3A_478 : vector<16xf32>
          %add3A_480 = arith.constant 15 : i32
          %add3A_481 = arith.addi %mul3A_152, %add3A_480 : i32
          %get3A_482 = arith.index_cast %add3A_481 : i32 to index
          %get3A_483 = arith.constant 32 : index
          %get3A_484 = tpu.vector_load %arg6[%get3A_482, %get3A_483] {strides = array<i32>} : memref<128x128xf32, #tpu.memory_space<vmem>>, vector<1x16xf32>,
          %get3A_485 = vector.shape_cast %get3A_484 : vector<1x16xf32> to vector<16xf32>
          %max3A_486 = arith.maximumf %max3A_479, %get3A_485 : vector<16xf32>
          %swap3A_487 = arith.index_cast %scan3A_150 : i32 to index
          %swap3A_488 = arith.constant 32 : index
          %swap3A_489 = tpu.vector_load %arg10[%swap3A_487, %swap3A_488] {strides = array<i32>} : memref<8x128xf32, #tpu.memory_space<vmem>>, vector<1x16xf32>,
          %swap3A_490 = vector.shape_cast %swap3A_489 : vector<1x16xf32> to vector<16xf32>
          %swap3A_491 = vector.shape_cast %max3A_486 : vector<16xf32> to vector<1x16xf32>
          tpu.vector_store %arg10[%swap3A_487, %swap3A_488], %swap3A_491 {strides = array<i32>} : memref<8x128xf32, #tpu.memory_space<vmem>>, vector<1x16xf32>,
          %get3A_492 = arith.index_cast %mul3A_152 : i32 to index
          %get3A_493 = arith.constant 48 : index
          %get3A_494 = tpu.vector_load %arg6[%get3A_492, %get3A_493] {strides = array<i32>} : memref<128x128xf32, #tpu.memory_space<vmem>>, vector<1x16xf32>,
          %get3A_495 = vector.shape_cast %get3A_494 : vector<1x16xf32> to vector<16xf32>
          %add3A_496 = arith.constant 1 : i32
          %add3A_497 = arith.addi %mul3A_152, %add3A_496 : i32
          %get3A_498 = arith.index_cast %add3A_497 : i32 to index
          %get3A_499 = arith.constant 48 : index
          %get3A_500 = tpu.vector_load %arg6[%get3A_498, %get3A_499] {strides = array<i32>} : memref<128x128xf32, #tpu.memory_space<vmem>>, vector<1x16xf32>,
          %get3A_501 = vector.shape_cast %get3A_500 : vector<1x16xf32> to vector<16xf32>
          %max3A_502 = arith.maximumf %get3A_495, %get3A_501 : vector<16xf32>
          %add3A_503 = arith.constant 2 : i32
          %add3A_504 = arith.addi %mul3A_152, %add3A_503 : i32
          %get3A_505 = arith.index_cast %add3A_504 : i32 to index
          %get3A_506 = arith.constant 48 : index
          %get3A_507 = tpu.vector_load %arg6[%get3A_505, %get3A_506] {strides = array<i32>} : memref<128x128xf32, #tpu.memory_space<vmem>>, vector<1x16xf32>,
          %get3A_508 = vector.shape_cast %get3A_507 : vector<1x16xf32> to vector<16xf32>
          %max3A_509 = arith.maximumf %max3A_502, %get3A_508 : vector<16xf32>
          %add3A_510 = arith.constant 3 : i32
          %add3A_511 = arith.addi %mul3A_152, %add3A_510 : i32
          %get3A_512 = arith.index_cast %add3A_511 : i32 to index
          %get3A_513 = arith.constant 48 : index
          %get3A_514 = tpu.vector_load %arg6[%get3A_512, %get3A_513] {strides = array<i32>} : memref<128x128xf32, #tpu.memory_space<vmem>>, vector<1x16xf32>,
          %get3A_515 = vector.shape_cast %get3A_514 : vector<1x16xf32> to vector<16xf32>
          %max3A_516 = arith.maximumf %max3A_509, %get3A_515 : vector<16xf32>
          %add3A_517 = arith.constant 4 : i32
          %add3A_518 = arith.addi %mul3A_152, %add3A_517 : i32
          %get3A_519 = arith.index_cast %add3A_518 : i32 to index
          %get3A_520 = arith.constant 48 : index
          %get3A_521 = tpu.vector_load %arg6[%get3A_519, %get3A_520] {strides = array<i32>} : memref<128x128xf32, #tpu.memory_space<vmem>>, vector<1x16xf32>,
          %get3A_522 = vector.shape_cast %get3A_521 : vector<1x16xf32> to vector<16xf32>
          %max3A_523 = arith.maximumf %max3A_516, %get3A_522 : vector<16xf32>
          %add3A_524 = arith.constant 5 : i32
          %add3A_525 = arith.addi %mul3A_152, %add3A_524 : i32
          %get3A_526 = arith.index_cast %add3A_525 : i32 to index
          %get3A_527 = arith.constant 48 : index
          %get3A_528 = tpu.vector_load %arg6[%get3A_526, %get3A_527] {strides = array<i32>} : memref<128x128xf32, #tpu.memory_space<vmem>>, vector<1x16xf32>,
          %get3A_529 = vector.shape_cast %get3A_528 : vector<1x16xf32> to vector<16xf32>
          %max3A_530 = arith.maximumf %max3A_523, %get3A_529 : vector<16xf32>
          %add3A_531 = arith.constant 6 : i32
          %add3A_532 = arith.addi %mul3A_152, %add3A_531 : i32
          %get3A_533 = arith.index_cast %add3A_532 : i32 to index
          %get3A_534 = arith.constant 48 : index
          %get3A_535 = tpu.vector_load %arg6[%get3A_533, %get3A_534] {strides = array<i32>} : memref<128x128xf32, #tpu.memory_space<vmem>>, vector<1x16xf32>,
          %get3A_536 = vector.shape_cast %get3A_535 : vector<1x16xf32> to vector<16xf32>
          %max3A_537 = arith.maximumf %max3A_530, %get3A_536 : vector<16xf32>
          %add3A_538 = arith.constant 7 : i32
          %add3A_539 = arith.addi %mul3A_152, %add3A_538 : i32
          %get3A_540 = arith.index_cast %add3A_539 : i32 to index
          %get3A_541 = arith.constant 48 : index
          %get3A_542 = tpu.vector_load %arg6[%get3A_540, %get3A_541] {strides = array<i32>} : memref<128x128xf32, #tpu.memory_space<vmem>>, vector<1x16xf32>,
          %get3A_543 = vector.shape_cast %get3A_542 : vector<1x16xf32> to vector<16xf32>
          %max3A_544 = arith.maximumf %max3A_537, %get3A_543 : vector<16xf32>
          %add3A_545 = arith.constant 8 : i32
          %add3A_546 = arith.addi %mul3A_152, %add3A_545 : i32
          %get3A_547 = arith.index_cast %add3A_546 : i32 to index
          %get3A_548 = arith.constant 48 : index
          %get3A_549 = tpu.vector_load %arg6[%get3A_547, %get3A_548] {strides = array<i32>} : memref<128x128xf32, #tpu.memory_space<vmem>>, vector<1x16xf32>,
          %get3A_550 = vector.shape_cast %get3A_549 : vector<1x16xf32> to vector<16xf32>
          %max3A_551 = arith.maximumf %max3A_544, %get3A_550 : vector<16xf32>
          %add3A_552 = arith.constant 9 : i32
          %add3A_553 = arith.addi %mul3A_152, %add3A_552 : i32
          %get3A_554 = arith.index_cast %add3A_553 : i32 to index
          %get3A_555 = arith.constant 48 : index
          %get3A_556 = tpu.vector_load %arg6[%get3A_554, %get3A_555] {strides = array<i32>} : memref<128x128xf32, #tpu.memory_space<vmem>>, vector<1x16xf32>,
          %get3A_557 = vector.shape_cast %get3A_556 : vector<1x16xf32> to vector<16xf32>
          %max3A_558 = arith.maximumf %max3A_551, %get3A_557 : vector<16xf32>
          %add3A_559 = arith.constant 10 : i32
          %add3A_560 = arith.addi %mul3A_152, %add3A_559 : i32
          %get3A_561 = arith.index_cast %add3A_560 : i32 to index
          %get3A_562 = arith.constant 48 : index
          %get3A_563 = tpu.vector_load %arg6[%get3A_561, %get3A_562] {strides = array<i32>} : memref<128x128xf32, #tpu.memory_space<vmem>>, vector<1x16xf32>,
          %get3A_564 = vector.shape_cast %get3A_563 : vector<1x16xf32> to vector<16xf32>
          %max3A_565 = arith.maximumf %max3A_558, %get3A_564 : vector<16xf32>
          %add3A_566 = arith.constant 11 : i32
          %add3A_567 = arith.addi %mul3A_152, %add3A_566 : i32
          %get3A_568 = arith.index_cast %add3A_567 : i32 to index
          %get3A_569 = arith.constant 48 : index
          %get3A_570 = tpu.vector_load %arg6[%get3A_568, %get3A_569] {strides = array<i32>} : memref<128x128xf32, #tpu.memory_space<vmem>>, vector<1x16xf32>,
          %get3A_571 = vector.shape_cast %get3A_570 : vector<1x16xf32> to vector<16xf32>
          %max3A_572 = arith.maximumf %max3A_565, %get3A_571 : vector<16xf32>
          %add3A_573 = arith.constant 12 : i32
          %add3A_574 = arith.addi %mul3A_152, %add3A_573 : i32
          %get3A_575 = arith.index_cast %add3A_574 : i32 to index
          %get3A_576 = arith.constant 48 : index
          %get3A_577 = tpu.vector_load %arg6[%get3A_575, %get3A_576] {strides = array<i32>} : memref<128x128xf32, #tpu.memory_space<vmem>>, vector<1x16xf32>,
          %get3A_578 = vector.shape_cast %get3A_577 : vector<1x16xf32> to vector<16xf32>
          %max3A_579 = arith.maximumf %max3A_572, %get3A_578 : vector<16xf32>
          %add3A_580 = arith.constant 13 : i32
          %add3A_581 = arith.addi %mul3A_152, %add3A_580 : i32
          %get3A_582 = arith.index_cast %add3A_581 : i32 to index
          %get3A_583 = arith.constant 48 : index
          %get3A_584 = tpu.vector_load %arg6[%get3A_582, %get3A_583] {strides = array<i32>} : memref<128x128xf32, #tpu.memory_space<vmem>>, vector<1x16xf32>,
          %get3A_585 = vector.shape_cast %get3A_584 : vector<1x16xf32> to vector<16xf32>
          %max3A_586 = arith.maximumf %max3A_579, %get3A_585 : vector<16xf32>
          %add3A_587 = arith.constant 14 : i32
          %add3A_588 = arith.addi %mul3A_152, %add3A_587 : i32
          %get3A_589 = arith.index_cast %add3A_588 : i32 to index
          %get3A_590 = arith.constant 48 : index
          %get3A_591 = tpu.vector_load %arg6[%get3A_589, %get3A_590] {strides = array<i32>} : memref<128x128xf32, #tpu.memory_space<vmem>>, vector<1x16xf32>,
          %get3A_592 = vector.shape_cast %get3A_591 : vector<1x16xf32> to vector<16xf32>
          %max3A_593 = arith.maximumf %max3A_586, %get3A_592 : vector<16xf32>
          %add3A_594 = arith.constant 15 : i32
          %add3A_595 = arith.addi %mul3A_152, %add3A_594 : i32
          %get3A_596 = arith.index_cast %add3A_595 : i32 to index
          %get3A_597 = arith.constant 48 : index
          %get3A_598 = tpu.vector_load %arg6[%get3A_596, %get3A_597] {strides = array<i32>} : memref<128x128xf32, #tpu.memory_space<vmem>>, vector<1x16xf32>,
          %get3A_599 = vector.shape_cast %get3A_598 : vector<1x16xf32> to vector<16xf32>
          %max3A_600 = arith.maximumf %max3A_593, %get3A_599 : vector<16xf32>
          %swap3A_601 = arith.index_cast %scan3A_150 : i32 to index
          %swap3A_602 = arith.constant 48 : index
          %swap3A_603 = tpu.vector_load %arg10[%swap3A_601, %swap3A_602] {strides = array<i32>} : memref<8x128xf32, #tpu.memory_space<vmem>>, vector<1x16xf32>,
          %swap3A_604 = vector.shape_cast %swap3A_603 : vector<1x16xf32> to vector<16xf32>
          %swap3A_605 = vector.shape_cast %max3A_600 : vector<16xf32> to vector<1x16xf32>
          tpu.vector_store %arg10[%swap3A_601, %swap3A_602], %swap3A_605 {strides = array<i32>} : memref<8x128xf32, #tpu.memory_space<vmem>>, vector<1x16xf32>,
          %get3A_606 = arith.index_cast %mul3A_152 : i32 to index
          %get3A_607 = arith.constant 64 : index
          %get3A_608 = tpu.vector_load %arg6[%get3A_606, %get3A_607] {strides = array<i32>} : memref<128x128xf32, #tpu.memory_space<vmem>>, vector<1x16xf32>,
          %get3A_609 = vector.shape_cast %get3A_608 : vector<1x16xf32> to vector<16xf32>
          %add3A_610 = arith.constant 1 : i32
          %add3A_611 = arith.addi %mul3A_152, %add3A_610 : i32
          %get3A_612 = arith.index_cast %add3A_611 : i32 to index
          %get3A_613 = arith.constant 64 : index
          %get3A_614 = tpu.vector_load %arg6[%get3A_612, %get3A_613] {strides = array<i32>} : memref<128x128xf32, #tpu.memory_space<vmem>>, vector<1x16xf32>,
          %get3A_615 = vector.shape_cast %get3A_614 : vector<1x16xf32> to vector<16xf32>
          %max3A_616 = arith.maximumf %get3A_609, %get3A_615 : vector<16xf32>
          %add3A_617 = arith.constant 2 : i32
          %add3A_618 = arith.addi %mul3A_152, %add3A_617 : i32
          %get3A_619 = arith.index_cast %add3A_618 : i32 to index
          %get3A_620 = arith.constant 64 : index
          %get3A_621 = tpu.vector_load %arg6[%get3A_619, %get3A_620] {strides = array<i32>} : memref<128x128xf32, #tpu.memory_space<vmem>>, vector<1x16xf32>,
          %get3A_622 = vector.shape_cast %get3A_621 : vector<1x16xf32> to vector<16xf32>
          %max3A_623 = arith.maximumf %max3A_616, %get3A_622 : vector<16xf32>
          %add3A_624 = arith.constant 3 : i32
          %add3A_625 = arith.addi %mul3A_152, %add3A_624 : i32
          %get3A_626 = arith.index_cast %add3A_625 : i32 to index
          %get3A_627 = arith.constant 64 : index
          %get3A_628 = tpu.vector_load %arg6[%get3A_626, %get3A_627] {strides = array<i32>} : memref<128x128xf32, #tpu.memory_space<vmem>>, vector<1x16xf32>,
          %get3A_629 = vector.shape_cast %get3A_628 : vector<1x16xf32> to vector<16xf32>
          %max3A_630 = arith.maximumf %max3A_623, %get3A_629 : vector<16xf32>
          %add3A_631 = arith.constant 4 : i32
          %add3A_632 = arith.addi %mul3A_152, %add3A_631 : i32
          %get3A_633 = arith.index_cast %add3A_632 : i32 to index
          %get3A_634 = arith.constant 64 : index
          %get3A_635 = tpu.vector_load %arg6[%get3A_633, %get3A_634] {strides = array<i32>} : memref<128x128xf32, #tpu.memory_space<vmem>>, vector<1x16xf32>,
          %get3A_636 = vector.shape_cast %get3A_635 : vector<1x16xf32> to vector<16xf32>
          %max3A_637 = arith.maximumf %max3A_630, %get3A_636 : vector<16xf32>
          %add3A_638 = arith.constant 5 : i32
          %add3A_639 = arith.addi %mul3A_152, %add3A_638 : i32
          %get3A_640 = arith.index_cast %add3A_639 : i32 to index
          %get3A_641 = arith.constant 64 : index
          %get3A_642 = tpu.vector_load %arg6[%get3A_640, %get3A_641] {strides = array<i32>} : memref<128x128xf32, #tpu.memory_space<vmem>>, vector<1x16xf32>,
          %get3A_643 = vector.shape_cast %get3A_642 : vector<1x16xf32> to vector<16xf32>
          %max3A_644 = arith.maximumf %max3A_637, %get3A_643 : vector<16xf32>
          %add3A_645 = arith.constant 6 : i32
          %add3A_646 = arith.addi %mul3A_152, %add3A_645 : i32
          %get3A_647 = arith.index_cast %add3A_646 : i32 to index
          %get3A_648 = arith.constant 64 : index
          %get3A_649 = tpu.vector_load %arg6[%get3A_647, %get3A_648] {strides = array<i32>} : memref<128x128xf32, #tpu.memory_space<vmem>>, vector<1x16xf32>,
          %get3A_650 = vector.shape_cast %get3A_649 : vector<1x16xf32> to vector<16xf32>
          %max3A_651 = arith.maximumf %max3A_644, %get3A_650 : vector<16xf32>
          %add3A_652 = arith.constant 7 : i32
          %add3A_653 = arith.addi %mul3A_152, %add3A_652 : i32
          %get3A_654 = arith.index_cast %add3A_653 : i32 to index
          %get3A_655 = arith.constant 64 : index
          %get3A_656 = tpu.vector_load %arg6[%get3A_654, %get3A_655] {strides = array<i32>} : memref<128x128xf32, #tpu.memory_space<vmem>>, vector<1x16xf32>,
          %get3A_657 = vector.shape_cast %get3A_656 : vector<1x16xf32> to vector<16xf32>
          %max3A_658 = arith.maximumf %max3A_651, %get3A_657 : vector<16xf32>
          %add3A_659 = arith.constant 8 : i32
          %add3A_660 = arith.addi %mul3A_152, %add3A_659 : i32
          %get3A_661 = arith.index_cast %add3A_660 : i32 to index
          %get3A_662 = arith.constant 64 : index
          %get3A_663 = tpu.vector_load %arg6[%get3A_661, %get3A_662] {strides = array<i32>} : memref<128x128xf32, #tpu.memory_space<vmem>>, vector<1x16xf32>,
          %get3A_664 = vector.shape_cast %get3A_663 : vector<1x16xf32> to vector<16xf32>
          %max3A_665 = arith.maximumf %max3A_658, %get3A_664 : vector<16xf32>
          %add3A_666 = arith.constant 9 : i32
          %add3A_667 = arith.addi %mul3A_152, %add3A_666 : i32
          %get3A_668 = arith.index_cast %add3A_667 : i32 to index
          %get3A_669 = arith.constant 64 : index
          %get3A_670 = tpu.vector_load %arg6[%get3A_668, %get3A_669] {strides = array<i32>} : memref<128x128xf32, #tpu.memory_space<vmem>>, vector<1x16xf32>,
          %get3A_671 = vector.shape_cast %get3A_670 : vector<1x16xf32> to vector<16xf32>
          %max3A_672 = arith.maximumf %max3A_665, %get3A_671 : vector<16xf32>
          %add3A_673 = arith.constant 10 : i32
          %add3A_674 = arith.addi %mul3A_152, %add3A_673 : i32
          %get3A_675 = arith.index_cast %add3A_674 : i32 to index
          %get3A_676 = arith.constant 64 : index
          %get3A_677 = tpu.vector_load %arg6[%get3A_675, %get3A_676] {strides = array<i32>} : memref<128x128xf32, #tpu.memory_space<vmem>>, vector<1x16xf32>,
          %get3A_678 = vector.shape_cast %get3A_677 : vector<1x16xf32> to vector<16xf32>
          %max3A_679 = arith.maximumf %max3A_672, %get3A_678 : vector<16xf32>
          %add3A_680 = arith.constant 11 : i32
          %add3A_681 = arith.addi %mul3A_152, %add3A_680 : i32
          %get3A_682 = arith.index_cast %add3A_681 : i32 to index
          %get3A_683 = arith.constant 64 : index
          %get3A_684 = tpu.vector_load %arg6[%get3A_682, %get3A_683] {strides = array<i32>} : memref<128x128xf32, #tpu.memory_space<vmem>>, vector<1x16xf32>,
          %get3A_685 = vector.shape_cast %get3A_684 : vector<1x16xf32> to vector<16xf32>
          %max3A_686 = arith.maximumf %max3A_679, %get3A_685 : vector<16xf32>
          %add3A_687 = arith.constant 12 : i32
          %add3A_688 = arith.addi %mul3A_152, %add3A_687 : i32
          %get3A_689 = arith.index_cast %add3A_688 : i32 to index
          %get3A_690 = arith.constant 64 : index
          %get3A_691 = tpu.vector_load %arg6[%get3A_689, %get3A_690] {strides = array<i32>} : memref<128x128xf32, #tpu.memory_space<vmem>>, vector<1x16xf32>,
          %get3A_692 = vector.shape_cast %get3A_691 : vector<1x16xf32> to vector<16xf32>
          %max3A_693 = arith.maximumf %max3A_686, %get3A_692 : vector<16xf32>
          %add3A_694 = arith.constant 13 : i32
          %add3A_695 = arith.addi %mul3A_152, %add3A_694 : i32
          %get3A_696 = arith.index_cast %add3A_695 : i32 to index
          %get3A_697 = arith.constant 64 : index
          %get3A_698 = tpu.vector_load %arg6[%get3A_696, %get3A_697] {strides = array<i32>} : memref<128x128xf32, #tpu.memory_space<vmem>>, vector<1x16xf32>,
          %get3A_699 = vector.shape_cast %get3A_698 : vector<1x16xf32> to vector<16xf32>
          %max3A_700 = arith.maximumf %max3A_693, %get3A_699 : vector<16xf32>
          %add3A_701 = arith.constant 14 : i32
          %add3A_702 = arith.addi %mul3A_152, %add3A_701 : i32
          %get3A_703 = arith.index_cast %add3A_702 : i32 to index
          %get3A_704 = arith.constant 64 : index
          %get3A_705 = tpu.vector_load %arg6[%get3A_703, %get3A_704] {strides = array<i32>} : memref<128x128xf32, #tpu.memory_space<vmem>>, vector<1x16xf32>,
          %get3A_706 = vector.shape_cast %get3A_705 : vector<1x16xf32> to vector<16xf32>
          %max3A_707 = arith.maximumf %max3A_700, %get3A_706 : vector<16xf32>
          %add3A_708 = arith.constant 15 : i32
          %add3A_709 = arith.addi %mul3A_152, %add3A_708 : i32
          %get3A_710 = arith.index_cast %add3A_709 : i32 to index
          %get3A_711 = arith.constant 64 : index
          %get3A_712 = tpu.vector_load %arg6[%get3A_710, %get3A_711] {strides = array<i32>} : memref<128x128xf32, #tpu.memory_space<vmem>>, vector<1x16xf32>,
          %get3A_713 = vector.shape_cast %get3A_712 : vector<1x16xf32> to vector<16xf32>
          %max3A_714 = arith.maximumf %max3A_707, %get3A_713 : vector<16xf32>
          %swap3A_715 = arith.index_cast %scan3A_150 : i32 to index
          %swap3A_716 = arith.constant 64 : index
          %swap3A_717 = tpu.vector_load %arg10[%swap3A_715, %swap3A_716] {strides = array<i32>} : memref<8x128xf32, #tpu.memory_space<vmem>>, vector<1x16xf32>,
          %swap3A_718 = vector.shape_cast %swap3A_717 : vector<1x16xf32> to vector<16xf32>
          %swap3A_719 = vector.shape_cast %max3A_714 : vector<16xf32> to vector<1x16xf32>
          tpu.vector_store %arg10[%swap3A_715, %swap3A_716], %swap3A_719 {strides = array<i32>} : memref<8x128xf32, #tpu.memory_space<vmem>>, vector<1x16xf32>,
          %get3A_720 = arith.index_cast %mul3A_152 : i32 to index
          %get3A_721 = arith.constant 80 : index
          %get3A_722 = tpu.vector_load %arg6[%get3A_720, %get3A_721] {strides = array<i32>} : memref<128x128xf32, #tpu.memory_space<vmem>>, vector<1x16xf32>,
          %get3A_723 = vector.shape_cast %get3A_722 : vector<1x16xf32> to vector<16xf32>
          %add3A_724 = arith.constant 1 : i32
          %add3A_725 = arith.addi %mul3A_152, %add3A_724 : i32
          %get3A_726 = arith.index_cast %add3A_725 : i32 to index
          %get3A_727 = arith.constant 80 : index
          %get3A_728 = tpu.vector_load %arg6[%get3A_726, %get3A_727] {strides = array<i32>} : memref<128x128xf32, #tpu.memory_space<vmem>>, vector<1x16xf32>,
          %get3A_729 = vector.shape_cast %get3A_728 : vector<1x16xf32> to vector<16xf32>
          %max3A_730 = arith.maximumf %get3A_723, %get3A_729 : vector<16xf32>
          %add3A_731 = arith.constant 2 : i32
          %add3A_732 = arith.addi %mul3A_152, %add3A_731 : i32
          %get3A_733 = arith.index_cast %add3A_732 : i32 to index
          %get3A_734 = arith.constant 80 : index
          %get3A_735 = tpu.vector_load %arg6[%get3A_733, %get3A_734] {strides = array<i32>} : memref<128x128xf32, #tpu.memory_space<vmem>>, vector<1x16xf32>,
          %get3A_736 = vector.shape_cast %get3A_735 : vector<1x16xf32> to vector<16xf32>
          %max3A_737 = arith.maximumf %max3A_730, %get3A_736 : vector<16xf32>
          %add3A_738 = arith.constant 3 : i32
          %add3A_739 = arith.addi %mul3A_152, %add3A_738 : i32
          %get3A_740 = arith.index_cast %add3A_739 : i32 to index
          %get3A_741 = arith.constant 80 : index
          %get3A_742 = tpu.vector_load %arg6[%get3A_740, %get3A_741] {strides = array<i32>} : memref<128x128xf32, #tpu.memory_space<vmem>>, vector<1x16xf32>,
          %get3A_743 = vector.shape_cast %get3A_742 : vector<1x16xf32> to vector<16xf32>
          %max3A_744 = arith.maximumf %max3A_737, %get3A_743 : vector<16xf32>
          %add3A_745 = arith.constant 4 : i32
          %add3A_746 = arith.addi %mul3A_152, %add3A_745 : i32
          %get3A_747 = arith.index_cast %add3A_746 : i32 to index
          %get3A_748 = arith.constant 80 : index
          %get3A_749 = tpu.vector_load %arg6[%get3A_747, %get3A_748] {strides = array<i32>} : memref<128x128xf32, #tpu.memory_space<vmem>>, vector<1x16xf32>,
          %get3A_750 = vector.shape_cast %get3A_749 : vector<1x16xf32> to vector<16xf32>
          %max3A_751 = arith.maximumf %max3A_744, %get3A_750 : vector<16xf32>
          %add3A_752 = arith.constant 5 : i32
          %add3A_753 = arith.addi %mul3A_152, %add3A_752 : i32
          %get3A_754 = arith.index_cast %add3A_753 : i32 to index
          %get3A_755 = arith.constant 80 : index
          %get3A_756 = tpu.vector_load %arg6[%get3A_754, %get3A_755] {strides = array<i32>} : memref<128x128xf32, #tpu.memory_space<vmem>>, vector<1x16xf32>,
          %get3A_757 = vector.shape_cast %get3A_756 : vector<1x16xf32> to vector<16xf32>
          %max3A_758 = arith.maximumf %max3A_751, %get3A_757 : vector<16xf32>
          %add3A_759 = arith.constant 6 : i32
          %add3A_760 = arith.addi %mul3A_152, %add3A_759 : i32
          %get3A_761 = arith.index_cast %add3A_760 : i32 to index
          %get3A_762 = arith.constant 80 : index
          %get3A_763 = tpu.vector_load %arg6[%get3A_761, %get3A_762] {strides = array<i32>} : memref<128x128xf32, #tpu.memory_space<vmem>>, vector<1x16xf32>,
          %get3A_764 = vector.shape_cast %get3A_763 : vector<1x16xf32> to vector<16xf32>
          %max3A_765 = arith.maximumf %max3A_758, %get3A_764 : vector<16xf32>
          %add3A_766 = arith.constant 7 : i32
          %add3A_767 = arith.addi %mul3A_152, %add3A_766 : i32
          %get3A_768 = arith.index_cast %add3A_767 : i32 to index
          %get3A_769 = arith.constant 80 : index
          %get3A_770 = tpu.vector_load %arg6[%get3A_768, %get3A_769] {strides = array<i32>} : memref<128x128xf32, #tpu.memory_space<vmem>>, vector<1x16xf32>,
          %get3A_771 = vector.shape_cast %get3A_770 : vector<1x16xf32> to vector<16xf32>
          %max3A_772 = arith.maximumf %max3A_765, %get3A_771 : vector<16xf32>
          %add3A_773 = arith.constant 8 : i32
          %add3A_774 = arith.addi %mul3A_152, %add3A_773 : i32
          %get3A_775 = arith.index_cast %add3A_774 : i32 to index
          %get3A_776 = arith.constant 80 : index
          %get3A_777 = tpu.vector_load %arg6[%get3A_775, %get3A_776] {strides = array<i32>} : memref<128x128xf32, #tpu.memory_space<vmem>>, vector<1x16xf32>,
          %get3A_778 = vector.shape_cast %get3A_777 : vector<1x16xf32> to vector<16xf32>
          %max3A_779 = arith.maximumf %max3A_772, %get3A_778 : vector<16xf32>
          %add3A_780 = arith.constant 9 : i32
          %add3A_781 = arith.addi %mul3A_152, %add3A_780 : i32
          %get3A_782 = arith.index_cast %add3A_781 : i32 to index
          %get3A_783 = arith.constant 80 : index
          %get3A_784 = tpu.vector_load %arg6[%get3A_782, %get3A_783] {strides = array<i32>} : memref<128x128xf32, #tpu.memory_space<vmem>>, vector<1x16xf32>,
          %get3A_785 = vector.shape_cast %get3A_784 : vector<1x16xf32> to vector<16xf32>
          %max3A_786 = arith.maximumf %max3A_779, %get3A_785 : vector<16xf32>
          %add3A_787 = arith.constant 10 : i32
          %add3A_788 = arith.addi %mul3A_152, %add3A_787 : i32
          %get3A_789 = arith.index_cast %add3A_788 : i32 to index
          %get3A_790 = arith.constant 80 : index
          %get3A_791 = tpu.vector_load %arg6[%get3A_789, %get3A_790] {strides = array<i32>} : memref<128x128xf32, #tpu.memory_space<vmem>>, vector<1x16xf32>,
          %get3A_792 = vector.shape_cast %get3A_791 : vector<1x16xf32> to vector<16xf32>
          %max3A_793 = arith.maximumf %max3A_786, %get3A_792 : vector<16xf32>
          %add3A_794 = arith.constant 11 : i32
          %add3A_795 = arith.addi %mul3A_152, %add3A_794 : i32
          %get3A_796 = arith.index_cast %add3A_795 : i32 to index
          %get3A_797 = arith.constant 80 : index
          %get3A_798 = tpu.vector_load %arg6[%get3A_796, %get3A_797] {strides = array<i32>} : memref<128x128xf32, #tpu.memory_space<vmem>>, vector<1x16xf32>,
          %get3A_799 = vector.shape_cast %get3A_798 : vector<1x16xf32> to vector<16xf32>
          %max3A_800 = arith.maximumf %max3A_793, %get3A_799 : vector<16xf32>
          %add3A_801 = arith.constant 12 : i32
          %add3A_802 = arith.addi %mul3A_152, %add3A_801 : i32
          %get3A_803 = arith.index_cast %add3A_802 : i32 to index
          %get3A_804 = arith.constant 80 : index
          %get3A_805 = tpu.vector_load %arg6[%get3A_803, %get3A_804] {strides = array<i32>} : memref<128x128xf32, #tpu.memory_space<vmem>>, vector<1x16xf32>,
          %get3A_806 = vector.shape_cast %get3A_805 : vector<1x16xf32> to vector<16xf32>
          %max3A_807 = arith.maximumf %max3A_800, %get3A_806 : vector<16xf32>
          %add3A_808 = arith.constant 13 : i32
          %add3A_809 = arith.addi %mul3A_152, %add3A_808 : i32
          %get3A_810 = arith.index_cast %add3A_809 : i32 to index
          %get3A_811 = arith.constant 80 : index
          %get3A_812 = tpu.vector_load %arg6[%get3A_810, %get3A_811] {strides = array<i32>} : memref<128x128xf32, #tpu.memory_space<vmem>>, vector<1x16xf32>,
          %get3A_813 = vector.shape_cast %get3A_812 : vector<1x16xf32> to vector<16xf32>
          %max3A_814 = arith.maximumf %max3A_807, %get3A_813 : vector<16xf32>
          %add3A_815 = arith.constant 14 : i32
          %add3A_816 = arith.addi %mul3A_152, %add3A_815 : i32
          %get3A_817 = arith.index_cast %add3A_816 : i32 to index
          %get3A_818 = arith.constant 80 : index
          %get3A_819 = tpu.vector_load %arg6[%get3A_817, %get3A_818] {strides = array<i32>} : memref<128x128xf32, #tpu.memory_space<vmem>>, vector<1x16xf32>,
          %get3A_820 = vector.shape_cast %get3A_819 : vector<1x16xf32> to vector<16xf32>
          %max3A_821 = arith.maximumf %max3A_814, %get3A_820 : vector<16xf32>
          %add3A_822 = arith.constant 15 : i32
          %add3A_823 = arith.addi %mul3A_152, %add3A_822 : i32
          %get3A_824 = arith.index_cast %add3A_823 : i32 to index
          %get3A_825 = arith.constant 80 : index
          %get3A_826 = tpu.vector_load %arg6[%get3A_824, %get3A_825] {strides = array<i32>} : memref<128x128xf32, #tpu.memory_space<vmem>>, vector<1x16xf32>,
          %get3A_827 = vector.shape_cast %get3A_826 : vector<1x16xf32> to vector<16xf32>
          %max3A_828 = arith.maximumf %max3A_821, %get3A_827 : vector<16xf32>
          %swap3A_829 = arith.index_cast %scan3A_150 : i32 to index
          %swap3A_830 = arith.constant 80 : index
          %swap3A_831 = tpu.vector_load %arg10[%swap3A_829, %swap3A_830] {strides = array<i32>} : memref<8x128xf32, #tpu.memory_space<vmem>>, vector<1x16xf32>,
          %swap3A_832 = vector.shape_cast %swap3A_831 : vector<1x16xf32> to vector<16xf32>
          %swap3A_833 = vector.shape_cast %max3A_828 : vector<16xf32> to vector<1x16xf32>
          tpu.vector_store %arg10[%swap3A_829, %swap3A_830], %swap3A_833 {strides = array<i32>} : memref<8x128xf32, #tpu.memory_space<vmem>>, vector<1x16xf32>,
          %get3A_834 = arith.index_cast %mul3A_152 : i32 to index
          %get3A_835 = arith.constant 96 : index
          %get3A_836 = tpu.vector_load %arg6[%get3A_834, %get3A_835] {strides = array<i32>} : memref<128x128xf32, #tpu.memory_space<vmem>>, vector<1x16xf32>,
          %get3A_837 = vector.shape_cast %get3A_836 : vector<1x16xf32> to vector<16xf32>
          %add3A_838 = arith.constant 1 : i32
          %add3A_839 = arith.addi %mul3A_152, %add3A_838 : i32
          %get3A_840 = arith.index_cast %add3A_839 : i32 to index
          %get3A_841 = arith.constant 96 : index
          %get3A_842 = tpu.vector_load %arg6[%get3A_840, %get3A_841] {strides = array<i32>} : memref<128x128xf32, #tpu.memory_space<vmem>>, vector<1x16xf32>,
          %get3A_843 = vector.shape_cast %get3A_842 : vector<1x16xf32> to vector<16xf32>
          %max3A_844 = arith.maximumf %get3A_837, %get3A_843 : vector<16xf32>
          %add3A_845 = arith.constant 2 : i32
          %add3A_846 = arith.addi %mul3A_152, %add3A_845 : i32
          %get3A_847 = arith.index_cast %add3A_846 : i32 to index
          %get3A_848 = arith.constant 96 : index
          %get3A_849 = tpu.vector_load %arg6[%get3A_847, %get3A_848] {strides = array<i32>} : memref<128x128xf32, #tpu.memory_space<vmem>>, vector<1x16xf32>,
          %get3A_850 = vector.shape_cast %get3A_849 : vector<1x16xf32> to vector<16xf32>
          %max3A_851 = arith.maximumf %max3A_844, %get3A_850 : vector<16xf32>
          %add3A_852 = arith.constant 3 : i32
          %add3A_853 = arith.addi %mul3A_152, %add3A_852 : i32
          %get3A_854 = arith.index_cast %add3A_853 : i32 to index
          %get3A_855 = arith.constant 96 : index
          %get3A_856 = tpu.vector_load %arg6[%get3A_854, %get3A_855] {strides = array<i32>} : memref<128x128xf32, #tpu.memory_space<vmem>>, vector<1x16xf32>,
          %get3A_857 = vector.shape_cast %get3A_856 : vector<1x16xf32> to vector<16xf32>
          %max3A_858 = arith.maximumf %max3A_851, %get3A_857 : vector<16xf32>
          %add3A_859 = arith.constant 4 : i32
          %add3A_860 = arith.addi %mul3A_152, %add3A_859 : i32
          %get3A_861 = arith.index_cast %add3A_860 : i32 to index
          %get3A_862 = arith.constant 96 : index
          %get3A_863 = tpu.vector_load %arg6[%get3A_861, %get3A_862] {strides = array<i32>} : memref<128x128xf32, #tpu.memory_space<vmem>>, vector<1x16xf32>,
          %get3A_864 = vector.shape_cast %get3A_863 : vector<1x16xf32> to vector<16xf32>
          %max3A_865 = arith.maximumf %max3A_858, %get3A_864 : vector<16xf32>
          %add3A_866 = arith.constant 5 : i32
          %add3A_867 = arith.addi %mul3A_152, %add3A_866 : i32
          %get3A_868 = arith.index_cast %add3A_867 : i32 to index
          %get3A_869 = arith.constant 96 : index
          %get3A_870 = tpu.vector_load %arg6[%get3A_868, %get3A_869] {strides = array<i32>} : memref<128x128xf32, #tpu.memory_space<vmem>>, vector<1x16xf32>,
          %get3A_871 = vector.shape_cast %get3A_870 : vector<1x16xf32> to vector<16xf32>
          %max3A_872 = arith.maximumf %max3A_865, %get3A_871 : vector<16xf32>
          %add3A_873 = arith.constant 6 : i32
          %add3A_874 = arith.addi %mul3A_152, %add3A_873 : i32
          %get3A_875 = arith.index_cast %add3A_874 : i32 to index
          %get3A_876 = arith.constant 96 : index
          %get3A_877 = tpu.vector_load %arg6[%get3A_875, %get3A_876] {strides = array<i32>} : memref<128x128xf32, #tpu.memory_space<vmem>>, vector<1x16xf32>,
          %get3A_878 = vector.shape_cast %get3A_877 : vector<1x16xf32> to vector<16xf32>
          %max3A_879 = arith.maximumf %max3A_872, %get3A_878 : vector<16xf32>
          %add3A_880 = arith.constant 7 : i32
          %add3A_881 = arith.addi %mul3A_152, %add3A_880 : i32
          %get3A_882 = arith.index_cast %add3A_881 : i32 to index
          %get3A_883 = arith.constant 96 : index
          %get3A_884 = tpu.vector_load %arg6[%get3A_882, %get3A_883] {strides = array<i32>} : memref<128x128xf32, #tpu.memory_space<vmem>>, vector<1x16xf32>,
          %get3A_885 = vector.shape_cast %get3A_884 : vector<1x16xf32> to vector<16xf32>
          %max3A_886 = arith.maximumf %max3A_879, %get3A_885 : vector<16xf32>
          %add3A_887 = arith.constant 8 : i32
          %add3A_888 = arith.addi %mul3A_152, %add3A_887 : i32
          %get3A_889 = arith.index_cast %add3A_888 : i32 to index
          %get3A_890 = arith.constant 96 : index
          %get3A_891 = tpu.vector_load %arg6[%get3A_889, %get3A_890] {strides = array<i32>} : memref<128x128xf32, #tpu.memory_space<vmem>>, vector<1x16xf32>,
          %get3A_892 = vector.shape_cast %get3A_891 : vector<1x16xf32> to vector<16xf32>
          %max3A_893 = arith.maximumf %max3A_886, %get3A_892 : vector<16xf32>
          %add3A_894 = arith.constant 9 : i32
          %add3A_895 = arith.addi %mul3A_152, %add3A_894 : i32
          %get3A_896 = arith.index_cast %add3A_895 : i32 to index
          %get3A_897 = arith.constant 96 : index
          %get3A_898 = tpu.vector_load %arg6[%get3A_896, %get3A_897] {strides = array<i32>} : memref<128x128xf32, #tpu.memory_space<vmem>>, vector<1x16xf32>,
          %get3A_899 = vector.shape_cast %get3A_898 : vector<1x16xf32> to vector<16xf32>
          %max3A_900 = arith.maximumf %max3A_893, %get3A_899 : vector<16xf32>
          %add3A_901 = arith.constant 10 : i32
          %add3A_902 = arith.addi %mul3A_152, %add3A_901 : i32
          %get3A_903 = arith.index_cast %add3A_902 : i32 to index
          %get3A_904 = arith.constant 96 : index
          %get3A_905 = tpu.vector_load %arg6[%get3A_903, %get3A_904] {strides = array<i32>} : memref<128x128xf32, #tpu.memory_space<vmem>>, vector<1x16xf32>,
          %get3A_906 = vector.shape_cast %get3A_905 : vector<1x16xf32> to vector<16xf32>
          %max3A_907 = arith.maximumf %max3A_900, %get3A_906 : vector<16xf32>
          %add3A_908 = arith.constant 11 : i32
          %add3A_909 = arith.addi %mul3A_152, %add3A_908 : i32
          %get3A_910 = arith.index_cast %add3A_909 : i32 to index
          %get3A_911 = arith.constant 96 : index
          %get3A_912 = tpu.vector_load %arg6[%get3A_910, %get3A_911] {strides = array<i32>} : memref<128x128xf32, #tpu.memory_space<vmem>>, vector<1x16xf32>,
          %get3A_913 = vector.shape_cast %get3A_912 : vector<1x16xf32> to vector<16xf32>
          %max3A_914 = arith.maximumf %max3A_907, %get3A_913 : vector<16xf32>
          %add3A_915 = arith.constant 12 : i32
          %add3A_916 = arith.addi %mul3A_152, %add3A_915 : i32
          %get3A_917 = arith.index_cast %add3A_916 : i32 to index
          %get3A_918 = arith.constant 96 : index
          %get3A_919 = tpu.vector_load %arg6[%get3A_917, %get3A_918] {strides = array<i32>} : memref<128x128xf32, #tpu.memory_space<vmem>>, vector<1x16xf32>,
          %get3A_920 = vector.shape_cast %get3A_919 : vector<1x16xf32> to vector<16xf32>
          %max3A_921 = arith.maximumf %max3A_914, %get3A_920 : vector<16xf32>
          %add3A_922 = arith.constant 13 : i32
          %add3A_923 = arith.addi %mul3A_152, %add3A_922 : i32
          %get3A_924 = arith.index_cast %add3A_923 : i32 to index
          %get3A_925 = arith.constant 96 : index
          %get3A_926 = tpu.vector_load %arg6[%get3A_924, %get3A_925] {strides = array<i32>} : memref<128x128xf32, #tpu.memory_space<vmem>>, vector<1x16xf32>,
          %get3A_927 = vector.shape_cast %get3A_926 : vector<1x16xf32> to vector<16xf32>
          %max3A_928 = arith.maximumf %max3A_921, %get3A_927 : vector<16xf32>
          %add3A_929 = arith.constant 14 : i32
          %add3A_930 = arith.addi %mul3A_152, %add3A_929 : i32
          %get3A_931 = arith.index_cast %add3A_930 : i32 to index
          %get3A_932 = arith.constant 96 : index
          %get3A_933 = tpu.vector_load %arg6[%get3A_931, %get3A_932] {strides = array<i32>} : memref<128x128xf32, #tpu.memory_space<vmem>>, vector<1x16xf32>,
          %get3A_934 = vector.shape_cast %get3A_933 : vector<1x16xf32> to vector<16xf32>
          %max3A_935 = arith.maximumf %max3A_928, %get3A_934 : vector<16xf32>
          %add3A_936 = arith.constant 15 : i32
          %add3A_937 = arith.addi %mul3A_152, %add3A_936 : i32
          %get3A_938 = arith.index_cast %add3A_937 : i32 to index
          %get3A_939 = arith.constant 96 : index
          %get3A_940 = tpu.vector_load %arg6[%get3A_938, %get3A_939] {strides = array<i32>} : memref<128x128xf32, #tpu.memory_space<vmem>>, vector<1x16xf32>,
          %get3A_941 = vector.shape_cast %get3A_940 : vector<1x16xf32> to vector<16xf32>
          %max3A_942 = arith.maximumf %max3A_935, %get3A_941 : vector<16xf32>
          %swap3A_943 = arith.index_cast %scan3A_150 : i32 to index
          %swap3A_944 = arith.constant 96 : index
          %swap3A_945 = tpu.vector_load %arg10[%swap3A_943, %swap3A_944] {strides = array<i32>} : memref<8x128xf32, #tpu.memory_space<vmem>>, vector<1x16xf32>,
          %swap3A_946 = vector.shape_cast %swap3A_945 : vector<1x16xf32> to vector<16xf32>
          %swap3A_947 = vector.shape_cast %max3A_942 : vector<16xf32> to vector<1x16xf32>
          tpu.vector_store %arg10[%swap3A_943, %swap3A_944], %swap3A_947 {strides = array<i32>} : memref<8x128xf32, #tpu.memory_space<vmem>>, vector<1x16xf32>,
          %get3A_948 = arith.index_cast %mul3A_152 : i32 to index
          %get3A_949 = arith.constant 112 : index
          %get3A_950 = tpu.vector_load %arg6[%get3A_948, %get3A_949] {strides = array<i32>} : memref<128x128xf32, #tpu.memory_space<vmem>>, vector<1x16xf32>,
          %get3A_951 = vector.shape_cast %get3A_950 : vector<1x16xf32> to vector<16xf32>
          %add3A_952 = arith.constant 1 : i32
          %add3A_953 = arith.addi %mul3A_152, %add3A_952 : i32
          %get3A_954 = arith.index_cast %add3A_953 : i32 to index
          %get3A_955 = arith.constant 112 : index
          %get3A_956 = tpu.vector_load %arg6[%get3A_954, %get3A_955] {strides = array<i32>} : memref<128x128xf32, #tpu.memory_space<vmem>>, vector<1x16xf32>,
          %get3A_957 = vector.shape_cast %get3A_956 : vector<1x16xf32> to vector<16xf32>
          %max3A_958 = arith.maximumf %get3A_951, %get3A_957 : vector<16xf32>
          %add3A_959 = arith.constant 2 : i32
          %add3A_960 = arith.addi %mul3A_152, %add3A_959 : i32
          %get3A_961 = arith.index_cast %add3A_960 : i32 to index
          %get3A_962 = arith.constant 112 : index
          %get3A_963 = tpu.vector_load %arg6[%get3A_961, %get3A_962] {strides = array<i32>} : memref<128x128xf32, #tpu.memory_space<vmem>>, vector<1x16xf32>,
          %get3A_964 = vector.shape_cast %get3A_963 : vector<1x16xf32> to vector<16xf32>
          %max3A_965 = arith.maximumf %max3A_958, %get3A_964 : vector<16xf32>
          %add3A_966 = arith.constant 3 : i32
          %add3A_967 = arith.addi %mul3A_152, %add3A_966 : i32
          %get3A_968 = arith.index_cast %add3A_967 : i32 to index
          %get3A_969 = arith.constant 112 : index
          %get3A_970 = tpu.vector_load %arg6[%get3A_968, %get3A_969] {strides = array<i32>} : memref<128x128xf32, #tpu.memory_space<vmem>>, vector<1x16xf32>,
          %get3A_971 = vector.shape_cast %get3A_970 : vector<1x16xf32> to vector<16xf32>
          %max3A_972 = arith.maximumf %max3A_965, %get3A_971 : vector<16xf32>
          %add3A_973 = arith.constant 4 : i32
          %add3A_974 = arith.addi %mul3A_152, %add3A_973 : i32
          %get3A_975 = arith.index_cast %add3A_974 : i32 to index
          %get3A_976 = arith.constant 112 : index
          %get3A_977 = tpu.vector_load %arg6[%get3A_975, %get3A_976] {strides = array<i32>} : memref<128x128xf32, #tpu.memory_space<vmem>>, vector<1x16xf32>,
          %get3A_978 = vector.shape_cast %get3A_977 : vector<1x16xf32> to vector<16xf32>
          %max3A_979 = arith.maximumf %max3A_972, %get3A_978 : vector<16xf32>
          %add3A_980 = arith.constant 5 : i32
          %add3A_981 = arith.addi %mul3A_152, %add3A_980 : i32
          %get3A_982 = arith.index_cast %add3A_981 : i32 to index
          %get3A_983 = arith.constant 112 : index
          %get3A_984 = tpu.vector_load %arg6[%get3A_982, %get3A_983] {strides = array<i32>} : memref<128x128xf32, #tpu.memory_space<vmem>>, vector<1x16xf32>,
          %get3A_985 = vector.shape_cast %get3A_984 : vector<1x16xf32> to vector<16xf32>
          %max3A_986 = arith.maximumf %max3A_979, %get3A_985 : vector<16xf32>
          %add3A_987 = arith.constant 6 : i32
          %add3A_988 = arith.addi %mul3A_152, %add3A_987 : i32
          %get3A_989 = arith.index_cast %add3A_988 : i32 to index
          %get3A_990 = arith.constant 112 : index
          %get3A_991 = tpu.vector_load %arg6[%get3A_989, %get3A_990] {strides = array<i32>} : memref<128x128xf32, #tpu.memory_space<vmem>>, vector<1x16xf32>,
          %get3A_992 = vector.shape_cast %get3A_991 : vector<1x16xf32> to vector<16xf32>
          %max3A_993 = arith.maximumf %max3A_986, %get3A_992 : vector<16xf32>
          %add3A_994 = arith.constant 7 : i32
          %add3A_995 = arith.addi %mul3A_152, %add3A_994 : i32
          %get3A_996 = arith.index_cast %add3A_995 : i32 to index
          %get3A_997 = arith.constant 112 : index
          %get3A_998 = tpu.vector_load %arg6[%get3A_996, %get3A_997] {strides = array<i32>} : memref<128x128xf32, #tpu.memory_space<vmem>>, vector<1x16xf32>,
          %get3A_999 = vector.shape_cast %get3A_998 : vector<1x16xf32> to vector<16xf32>
          %max3A_1000 = arith.maximumf %max3A_993, %get3A_999 : vector<16xf32>
          %add3A_1001 = arith.constant 8 : i32
          %add3A_1002 = arith.addi %mul3A_152, %add3A_1001 : i32
          %get3A_1003 = arith.index_cast %add3A_1002 : i32 to index
          %get3A_1004 = arith.constant 112 : index
          %get3A_1005 = tpu.vector_load %arg6[%get3A_1003, %get3A_1004] {strides = array<i32>} : memref<128x128xf32, #tpu.memory_space<vmem>>, vector<1x16xf32>,
          %get3A_1006 = vector.shape_cast %get3A_1005 : vector<1x16xf32> to vector<16xf32>
          %max3A_1007 = arith.maximumf %max3A_1000, %get3A_1006 : vector<16xf32>
          %add3A_1008 = arith.constant 9 : i32
          %add3A_1009 = arith.addi %mul3A_152, %add3A_1008 : i32
          %get3A_1010 = arith.index_cast %add3A_1009 : i32 to index
          %get3A_1011 = arith.constant 112 : index
          %get3A_1012 = tpu.vector_load %arg6[%get3A_1010, %get3A_1011] {strides = array<i32>} : memref<128x128xf32, #tpu.memory_space<vmem>>, vector<1x16xf32>,
          %get3A_1013 = vector.shape_cast %get3A_1012 : vector<1x16xf32> to vector<16xf32>
          %max3A_1014 = arith.maximumf %max3A_1007, %get3A_1013 : vector<16xf32>
          %add3A_1015 = arith.constant 10 : i32
          %add3A_1016 = arith.addi %mul3A_152, %add3A_1015 : i32
          %get3A_1017 = arith.index_cast %add3A_1016 : i32 to index
          %get3A_1018 = arith.constant 112 : index
          %get3A_1019 = tpu.vector_load %arg6[%get3A_1017, %get3A_1018] {strides = array<i32>} : memref<128x128xf32, #tpu.memory_space<vmem>>, vector<1x16xf32>,
          %get3A_1020 = vector.shape_cast %get3A_1019 : vector<1x16xf32> to vector<16xf32>
          %max3A_1021 = arith.maximumf %max3A_1014, %get3A_1020 : vector<16xf32>
          %add3A_1022 = arith.constant 11 : i32
          %add3A_1023 = arith.addi %mul3A_152, %add3A_1022 : i32
          %get3A_1024 = arith.index_cast %add3A_1023 : i32 to index
          %get3A_1025 = arith.constant 112 : index
          %get3A_1026 = tpu.vector_load %arg6[%get3A_1024, %get3A_1025] {strides = array<i32>} : memref<128x128xf32, #tpu.memory_space<vmem>>, vector<1x16xf32>,
          %get3A_1027 = vector.shape_cast %get3A_1026 : vector<1x16xf32> to vector<16xf32>
          %max3A_1028 = arith.maximumf %max3A_1021, %get3A_1027 : vector<16xf32>
          %add3A_1029 = arith.constant 12 : i32
          %add3A_1030 = arith.addi %mul3A_152, %add3A_1029 : i32
          %get3A_1031 = arith.index_cast %add3A_1030 : i32 to index
          %get3A_1032 = arith.constant 112 : index
          %get3A_1033 = tpu.vector_load %arg6[%get3A_1031, %get3A_1032] {strides = array<i32>} : memref<128x128xf32, #tpu.memory_space<vmem>>, vector<1x16xf32>,
          %get3A_1034 = vector.shape_cast %get3A_1033 : vector<1x16xf32> to vector<16xf32>
          %max3A_1035 = arith.maximumf %max3A_1028, %get3A_1034 : vector<16xf32>
          %add3A_1036 = arith.constant 13 : i32
          %add3A_1037 = arith.addi %mul3A_152, %add3A_1036 : i32
          %get3A_1038 = arith.index_cast %add3A_1037 : i32 to index
          %get3A_1039 = arith.constant 112 : index
          %get3A_1040 = tpu.vector_load %arg6[%get3A_1038, %get3A_1039] {strides = array<i32>} : memref<128x128xf32, #tpu.memory_space<vmem>>, vector<1x16xf32>,
          %get3A_1041 = vector.shape_cast %get3A_1040 : vector<1x16xf32> to vector<16xf32>
          %max3A_1042 = arith.maximumf %max3A_1035, %get3A_1041 : vector<16xf32>
          %add3A_1043 = arith.constant 14 : i32
          %add3A_1044 = arith.addi %mul3A_152, %add3A_1043 : i32
          %get3A_1045 = arith.index_cast %add3A_1044 : i32 to index
          %get3A_1046 = arith.constant 112 : index
          %get3A_1047 = tpu.vector_load %arg6[%get3A_1045, %get3A_1046] {strides = array<i32>} : memref<128x128xf32, #tpu.memory_space<vmem>>, vector<1x16xf32>,
          %get3A_1048 = vector.shape_cast %get3A_1047 : vector<1x16xf32> to vector<16xf32>
          %max3A_1049 = arith.maximumf %max3A_1042, %get3A_1048 : vector<16xf32>
          %add3A_1050 = arith.constant 15 : i32
          %add3A_1051 = arith.addi %mul3A_152, %add3A_1050 : i32
          %get3A_1052 = arith.index_cast %add3A_1051 : i32 to index
          %get3A_1053 = arith.constant 112 : index
          %get3A_1054 = tpu.vector_load %arg6[%get3A_1052, %get3A_1053] {strides = array<i32>} : memref<128x128xf32, #tpu.memory_space<vmem>>, vector<1x16xf32>,
          %get3A_1055 = vector.shape_cast %get3A_1054 : vector<1x16xf32> to vector<16xf32>
          %max3A_1056 = arith.maximumf %max3A_1049, %get3A_1055 : vector<16xf32>
          %swap3A_1057 = arith.index_cast %scan3A_150 : i32 to index
          %swap3A_1058 = arith.constant 112 : index
          %swap3A_1059 = tpu.vector_load %arg10[%swap3A_1057, %swap3A_1058] {strides = array<i32>} : memref<8x128xf32, #tpu.memory_space<vmem>>, vector<1x16xf32>,
          %swap3A_1060 = vector.shape_cast %swap3A_1059 : vector<1x16xf32> to vector<16xf32>
          %swap3A_1061 = vector.shape_cast %max3A_1056 : vector<16xf32> to vector<1x16xf32>
          tpu.vector_store %arg10[%swap3A_1057, %swap3A_1058], %swap3A_1061 {strides = array<i32>} : memref<8x128xf32, #tpu.memory_space<vmem>>, vector<1x16xf32>,
        }
        %scan3A_137 = arith.constant 8 : i32
        %add3A_138 = arith.addi %select_n3A, %add3A_101 : i32
        %mul3A_139 = arith.constant 8 : i32
        %mul3A_140 = arith.muli %add3A_138, %mul3A_139 : i32
        %dma_start3A = arith.constant 0 : i32
        %dma_start3A_141 = tpu.memref_slice %arg4[%mul3A_140, %dma_start3A] : memref<20000x128xf32, #tpu.memory_space<hbm>> -> memref<8x128xf32, #tpu.memory_space<hbm>>
        %dma_start3A_142 = arith.constant 0 : i32
        %dma_start3A_143 = tpu.memref_slice %arg4[%mul3A_140, %dma_start3A_142] : memref<20000x128xf32, #tpu.memory_space<hbm>> -> memref<8x128xf32, #tpu.memory_space<hbm>>
        tpu.enqueue_dma source(%arg10 : memref<8x128xf32, #tpu.memory_space<vmem>>) target(%dma_start3A_143 : memref<8x128xf32, #tpu.memory_space<hbm>>) target_semaphore(%arg18 : memref<!tpu.dma_semaphore, #tpu.memory_space<semaphore_mem>>)
        %add3A_144 = arith.constant 4 : i32
        %add3A_145 = arith.addi %add3A_101, %add3A_144 : i32
        %lt3A_146 = arith.cmpi slt, %add3A_145, %sub3A_47 : i32
        %convert_element_type3A_147 = arith.extui %lt3A_146 : i1 to i32
        %cond3A_148 = arith.constant 0 : i32
        %cond3A_149 = arith.cmpi ne, %convert_element_type3A_147, %cond3A_148 : i32
        scf.if %cond3A_149 {
          %add3A_150 = arith.constant 4 : i32
          %add3A_151 = arith.addi %add3A_101, %add3A_150 : i32
          %add3A_152 = arith.addi %add3A_151, %sub3A_49 : i32
          %mul3A_153 = arith.constant 128 : i32
          %mul3A_154 = arith.muli %add3A_152, %mul3A_153 : i32
          %dma_start3A_155 = tpu.memref_slice %arg5[%mul3A_154] : memref<10240xi32, #tpu.memory_space<vmem>> -> memref<128xi32, #tpu.memory_space<vmem>>
          %dma_start3A_156 = arith.constant 0 : i32
          %dma_start3A_157 = arith.constant 0 : i32
          %dma_start3A_158 = tpu.memref_slice %arg2[%dma_start3A_156, %dma_start3A_157] : memref<20000x128xf32, #tpu.memory_space<hbm>> -> memref<20000x128xf32, #tpu.memory_space<hbm>>
          tpu.enqueue_indirect_dma source(%dma_start3A_158 : memref<20000x128xf32, #tpu.memory_space<hbm>>) target(%arg6 : memref<128x128xf32, #tpu.memory_space<vmem>>) offsets(%dma_start3A_155 : memref<128xi32, #tpu.memory_space<vmem>>) semaphore(%arg14 : memref<!tpu.dma_semaphore, #tpu.memory_space<semaphore_mem>>)
        } else {
        }
      } else {
      }
      %add3A_105 = arith.constant 1 : i32
      %add3A_106 = arith.addi %mul3A_99, %add3A_105 : i32
      %lt3A_107 = arith.cmpi slt, %add3A_106, %sub3A_47 : i32
      %convert_element_type3A_108 = arith.extui %lt3A_107 : i1 to i32
      %cond3A_109 = arith.constant 0 : i32
      %cond3A_110 = arith.cmpi ne, %convert_element_type3A_108, %cond3A_109 : i32
      scf.if %cond3A_110 {
        %dma_wait3A_123 = arith.constant 0 : i32
        %dma_wait3A_124 = tpu.memref_slice %arg5[%dma_wait3A_123] : memref<10240xi32, #tpu.memory_space<vmem>> -> memref<128xi32, #tpu.memory_space<vmem>>
        %dma_wait3A_125 = arith.constant 0 : i32
        %dma_wait3A_126 = arith.constant 0 : i32
        %dma_wait3A_127 = tpu.memref_slice %arg2[%dma_wait3A_125, %dma_wait3A_126] : memref<20000x128xf32, #tpu.memory_space<hbm>> -> memref<20000x128xf32, #tpu.memory_space<hbm>>
        tpu.wait_indirect_dma semaphore(%arg15 : memref<!tpu.dma_semaphore, #tpu.memory_space<semaphore_mem>>) src(%dma_wait3A_127 : memref<20000x128xf32, #tpu.memory_space<hbm>>) dst(%arg7 : memref<128x128xf32, #tpu.memory_space<vmem>>)
        %ge3A = arith.constant 4 : i32
        %ge3A_128 = arith.cmpi sge, %add3A_106, %ge3A : i32
        %convert_element_type3A_129 = arith.extui %ge3A_128 : i1 to i32
        %cond3A_130 = arith.constant 0 : i32
        %cond3A_131 = arith.cmpi ne, %convert_element_type3A_129, %cond3A_130 : i32
        scf.if %cond3A_131 {
          %dma_wait3A_150 = arith.constant 0 : i32
          %dma_wait3A_151 = arith.constant 0 : i32
          %dma_wait3A_152 = tpu.memref_slice %arg4[%dma_wait3A_150, %dma_wait3A_151] : memref<20000x128xf32, #tpu.memory_space<hbm>> -> memref<8x128xf32, #tpu.memory_space<hbm>>
          %dma_wait3A_153 = arith.constant 0 : i32
          %dma_wait3A_154 = arith.constant 0 : i32
          %dma_wait3A_155 = tpu.memref_slice %arg4[%dma_wait3A_153, %dma_wait3A_154] : memref<20000x128xf32, #tpu.memory_space<hbm>> -> memref<8x128xf32, #tpu.memory_space<hbm>>
          tpu.wait_dma2 semaphore(%arg19 : memref<!tpu.dma_semaphore, #tpu.memory_space<semaphore_mem>>) src(%arg11 : memref<8x128xf32, #tpu.memory_space<vmem>>) dst(%dma_wait3A_155 : memref<8x128xf32, #tpu.memory_space<hbm>>)
        } else {
        }
        %scan3A_132 = arith.constant 0 : i32
        %scan3A_133 = arith.constant 0 : i32
        %scan3A_134 = arith.constant 8 : i32
        %scan3A_135 = arith.addi %scan3A_133, %scan3A_134 : i32
        %scan3A_136 = arith.constant 1 : i32
        scf.for %scan3A_150 = %scan3A_133 to %scan3A_135 step %scan3A_136  : i32 {
          %mul3A_151 = arith.constant 16 : i32
          %mul3A_152 = arith.muli %scan3A_150, %mul3A_151 : i32
          %get3A = arith.index_cast %mul3A_152 : i32 to index
          %get3A_153 = arith.constant 0 : index
          %get3A_154 = tpu.vector_load %arg7[%get3A, %get3A_153] {strides = array<i32>} : memref<128x128xf32, #tpu.memory_space<vmem>>, vector<1x16xf32>,
          %get3A_155 = vector.shape_cast %get3A_154 : vector<1x16xf32> to vector<16xf32>
          %add3A_156 = arith.constant 1 : i32
          %add3A_157 = arith.addi %mul3A_152, %add3A_156 : i32
          %get3A_158 = arith.index_cast %add3A_157 : i32 to index
          %get3A_159 = arith.constant 0 : index
          %get3A_160 = tpu.vector_load %arg7[%get3A_158, %get3A_159] {strides = array<i32>} : memref<128x128xf32, #tpu.memory_space<vmem>>, vector<1x16xf32>,
          %get3A_161 = vector.shape_cast %get3A_160 : vector<1x16xf32> to vector<16xf32>
          %max3A = arith.maximumf %get3A_155, %get3A_161 : vector<16xf32>
          %add3A_162 = arith.constant 2 : i32
          %add3A_163 = arith.addi %mul3A_152, %add3A_162 : i32
          %get3A_164 = arith.index_cast %add3A_163 : i32 to index
          %get3A_165 = arith.constant 0 : index
          %get3A_166 = tpu.vector_load %arg7[%get3A_164, %get3A_165] {strides = array<i32>} : memref<128x128xf32, #tpu.memory_space<vmem>>, vector<1x16xf32>,
          %get3A_167 = vector.shape_cast %get3A_166 : vector<1x16xf32> to vector<16xf32>
          %max3A_168 = arith.maximumf %max3A, %get3A_167 : vector<16xf32>
          %add3A_169 = arith.constant 3 : i32
          %add3A_170 = arith.addi %mul3A_152, %add3A_169 : i32
          %get3A_171 = arith.index_cast %add3A_170 : i32 to index
          %get3A_172 = arith.constant 0 : index
          %get3A_173 = tpu.vector_load %arg7[%get3A_171, %get3A_172] {strides = array<i32>} : memref<128x128xf32, #tpu.memory_space<vmem>>, vector<1x16xf32>,
          %get3A_174 = vector.shape_cast %get3A_173 : vector<1x16xf32> to vector<16xf32>
          %max3A_175 = arith.maximumf %max3A_168, %get3A_174 : vector<16xf32>
          %add3A_176 = arith.constant 4 : i32
          %add3A_177 = arith.addi %mul3A_152, %add3A_176 : i32
          %get3A_178 = arith.index_cast %add3A_177 : i32 to index
          %get3A_179 = arith.constant 0 : index
          %get3A_180 = tpu.vector_load %arg7[%get3A_178, %get3A_179] {strides = array<i32>} : memref<128x128xf32, #tpu.memory_space<vmem>>, vector<1x16xf32>,
          %get3A_181 = vector.shape_cast %get3A_180 : vector<1x16xf32> to vector<16xf32>
          %max3A_182 = arith.maximumf %max3A_175, %get3A_181 : vector<16xf32>
          %add3A_183 = arith.constant 5 : i32
          %add3A_184 = arith.addi %mul3A_152, %add3A_183 : i32
          %get3A_185 = arith.index_cast %add3A_184 : i32 to index
          %get3A_186 = arith.constant 0 : index
          %get3A_187 = tpu.vector_load %arg7[%get3A_185, %get3A_186] {strides = array<i32>} : memref<128x128xf32, #tpu.memory_space<vmem>>, vector<1x16xf32>,
          %get3A_188 = vector.shape_cast %get3A_187 : vector<1x16xf32> to vector<16xf32>
          %max3A_189 = arith.maximumf %max3A_182, %get3A_188 : vector<16xf32>
          %add3A_190 = arith.constant 6 : i32
          %add3A_191 = arith.addi %mul3A_152, %add3A_190 : i32
          %get3A_192 = arith.index_cast %add3A_191 : i32 to index
          %get3A_193 = arith.constant 0 : index
          %get3A_194 = tpu.vector_load %arg7[%get3A_192, %get3A_193] {strides = array<i32>} : memref<128x128xf32, #tpu.memory_space<vmem>>, vector<1x16xf32>,
          %get3A_195 = vector.shape_cast %get3A_194 : vector<1x16xf32> to vector<16xf32>
          %max3A_196 = arith.maximumf %max3A_189, %get3A_195 : vector<16xf32>
          %add3A_197 = arith.constant 7 : i32
          %add3A_198 = arith.addi %mul3A_152, %add3A_197 : i32
          %get3A_199 = arith.index_cast %add3A_198 : i32 to index
          %get3A_200 = arith.constant 0 : index
          %get3A_201 = tpu.vector_load %arg7[%get3A_199, %get3A_200] {strides = array<i32>} : memref<128x128xf32, #tpu.memory_space<vmem>>, vector<1x16xf32>,
          %get3A_202 = vector.shape_cast %get3A_201 : vector<1x16xf32> to vector<16xf32>
          %max3A_203 = arith.maximumf %max3A_196, %get3A_202 : vector<16xf32>
          %add3A_204 = arith.constant 8 : i32
          %add3A_205 = arith.addi %mul3A_152, %add3A_204 : i32
          %get3A_206 = arith.index_cast %add3A_205 : i32 to index
          %get3A_207 = arith.constant 0 : index
          %get3A_208 = tpu.vector_load %arg7[%get3A_206, %get3A_207] {strides = array<i32>} : memref<128x128xf32, #tpu.memory_space<vmem>>, vector<1x16xf32>,
          %get3A_209 = vector.shape_cast %get3A_208 : vector<1x16xf32> to vector<16xf32>
          %max3A_210 = arith.maximumf %max3A_203, %get3A_209 : vector<16xf32>
          %add3A_211 = arith.constant 9 : i32
          %add3A_212 = arith.addi %mul3A_152, %add3A_211 : i32
          %get3A_213 = arith.index_cast %add3A_212 : i32 to index
          %get3A_214 = arith.constant 0 : index
          %get3A_215 = tpu.vector_load %arg7[%get3A_213, %get3A_214] {strides = array<i32>} : memref<128x128xf32, #tpu.memory_space<vmem>>, vector<1x16xf32>,
          %get3A_216 = vector.shape_cast %get3A_215 : vector<1x16xf32> to vector<16xf32>
          %max3A_217 = arith.maximumf %max3A_210, %get3A_216 : vector<16xf32>
          %add3A_218 = arith.constant 10 : i32
          %add3A_219 = arith.addi %mul3A_152, %add3A_218 : i32
          %get3A_220 = arith.index_cast %add3A_219 : i32 to index
          %get3A_221 = arith.constant 0 : index
          %get3A_222 = tpu.vector_load %arg7[%get3A_220, %get3A_221] {strides = array<i32>} : memref<128x128xf32, #tpu.memory_space<vmem>>, vector<1x16xf32>,
          %get3A_223 = vector.shape_cast %get3A_222 : vector<1x16xf32> to vector<16xf32>
          %max3A_224 = arith.maximumf %max3A_217, %get3A_223 : vector<16xf32>
          %add3A_225 = arith.constant 11 : i32
          %add3A_226 = arith.addi %mul3A_152, %add3A_225 : i32
          %get3A_227 = arith.index_cast %add3A_226 : i32 to index
          %get3A_228 = arith.constant 0 : index
          %get3A_229 = tpu.vector_load %arg7[%get3A_227, %get3A_228] {strides = array<i32>} : memref<128x128xf32, #tpu.memory_space<vmem>>, vector<1x16xf32>,
          %get3A_230 = vector.shape_cast %get3A_229 : vector<1x16xf32> to vector<16xf32>
          %max3A_231 = arith.maximumf %max3A_224, %get3A_230 : vector<16xf32>
          %add3A_232 = arith.constant 12 : i32
          %add3A_233 = arith.addi %mul3A_152, %add3A_232 : i32
          %get3A_234 = arith.index_cast %add3A_233 : i32 to index
          %get3A_235 = arith.constant 0 : index
          %get3A_236 = tpu.vector_load %arg7[%get3A_234, %get3A_235] {strides = array<i32>} : memref<128x128xf32, #tpu.memory_space<vmem>>, vector<1x16xf32>,
          %get3A_237 = vector.shape_cast %get3A_236 : vector<1x16xf32> to vector<16xf32>
          %max3A_238 = arith.maximumf %max3A_231, %get3A_237 : vector<16xf32>
          %add3A_239 = arith.constant 13 : i32
          %add3A_240 = arith.addi %mul3A_152, %add3A_239 : i32
          %get3A_241 = arith.index_cast %add3A_240 : i32 to index
          %get3A_242 = arith.constant 0 : index
          %get3A_243 = tpu.vector_load %arg7[%get3A_241, %get3A_242] {strides = array<i32>} : memref<128x128xf32, #tpu.memory_space<vmem>>, vector<1x16xf32>,
          %get3A_244 = vector.shape_cast %get3A_243 : vector<1x16xf32> to vector<16xf32>
          %max3A_245 = arith.maximumf %max3A_238, %get3A_244 : vector<16xf32>
          %add3A_246 = arith.constant 14 : i32
          %add3A_247 = arith.addi %mul3A_152, %add3A_246 : i32
          %get3A_248 = arith.index_cast %add3A_247 : i32 to index
          %get3A_249 = arith.constant 0 : index
          %get3A_250 = tpu.vector_load %arg7[%get3A_248, %get3A_249] {strides = array<i32>} : memref<128x128xf32, #tpu.memory_space<vmem>>, vector<1x16xf32>,
          %get3A_251 = vector.shape_cast %get3A_250 : vector<1x16xf32> to vector<16xf32>
          %max3A_252 = arith.maximumf %max3A_245, %get3A_251 : vector<16xf32>
          %add3A_253 = arith.constant 15 : i32
          %add3A_254 = arith.addi %mul3A_152, %add3A_253 : i32
          %get3A_255 = arith.index_cast %add3A_254 : i32 to index
          %get3A_256 = arith.constant 0 : index
          %get3A_257 = tpu.vector_load %arg7[%get3A_255, %get3A_256] {strides = array<i32>} : memref<128x128xf32, #tpu.memory_space<vmem>>, vector<1x16xf32>,
          %get3A_258 = vector.shape_cast %get3A_257 : vector<1x16xf32> to vector<16xf32>
          %max3A_259 = arith.maximumf %max3A_252, %get3A_258 : vector<16xf32>
          %swap3A = arith.index_cast %scan3A_150 : i32 to index
          %swap3A_260 = arith.constant 0 : index
          %swap3A_261 = tpu.vector_load %arg11[%swap3A, %swap3A_260] {strides = array<i32>} : memref<8x128xf32, #tpu.memory_space<vmem>>, vector<1x16xf32>,
          %swap3A_262 = vector.shape_cast %swap3A_261 : vector<1x16xf32> to vector<16xf32>
          %swap3A_263 = vector.shape_cast %max3A_259 : vector<16xf32> to vector<1x16xf32>
          tpu.vector_store %arg11[%swap3A, %swap3A_260], %swap3A_263 {strides = array<i32>} : memref<8x128xf32, #tpu.memory_space<vmem>>, vector<1x16xf32>,
          %get3A_264 = arith.index_cast %mul3A_152 : i32 to index
          %get3A_265 = arith.constant 16 : index
          %get3A_266 = tpu.vector_load %arg7[%get3A_264, %get3A_265] {strides = array<i32>} : memref<128x128xf32, #tpu.memory_space<vmem>>, vector<1x16xf32>,
          %get3A_267 = vector.shape_cast %get3A_266 : vector<1x16xf32> to vector<16xf32>
          %add3A_268 = arith.constant 1 : i32
          %add3A_269 = arith.addi %mul3A_152, %add3A_268 : i32
          %get3A_270 = arith.index_cast %add3A_269 : i32 to index
          %get3A_271 = arith.constant 16 : index
          %get3A_272 = tpu.vector_load %arg7[%get3A_270, %get3A_271] {strides = array<i32>} : memref<128x128xf32, #tpu.memory_space<vmem>>, vector<1x16xf32>,
          %get3A_273 = vector.shape_cast %get3A_272 : vector<1x16xf32> to vector<16xf32>
          %max3A_274 = arith.maximumf %get3A_267, %get3A_273 : vector<16xf32>
          %add3A_275 = arith.constant 2 : i32
          %add3A_276 = arith.addi %mul3A_152, %add3A_275 : i32
          %get3A_277 = arith.index_cast %add3A_276 : i32 to index
          %get3A_278 = arith.constant 16 : index
          %get3A_279 = tpu.vector_load %arg7[%get3A_277, %get3A_278] {strides = array<i32>} : memref<128x128xf32, #tpu.memory_space<vmem>>, vector<1x16xf32>,
          %get3A_280 = vector.shape_cast %get3A_279 : vector<1x16xf32> to vector<16xf32>
          %max3A_281 = arith.maximumf %max3A_274, %get3A_280 : vector<16xf32>
          %add3A_282 = arith.constant 3 : i32
          %add3A_283 = arith.addi %mul3A_152, %add3A_282 : i32
          %get3A_284 = arith.index_cast %add3A_283 : i32 to index
          %get3A_285 = arith.constant 16 : index
          %get3A_286 = tpu.vector_load %arg7[%get3A_284, %get3A_285] {strides = array<i32>} : memref<128x128xf32, #tpu.memory_space<vmem>>, vector<1x16xf32>,
          %get3A_287 = vector.shape_cast %get3A_286 : vector<1x16xf32> to vector<16xf32>
          %max3A_288 = arith.maximumf %max3A_281, %get3A_287 : vector<16xf32>
          %add3A_289 = arith.constant 4 : i32
          %add3A_290 = arith.addi %mul3A_152, %add3A_289 : i32
          %get3A_291 = arith.index_cast %add3A_290 : i32 to index
          %get3A_292 = arith.constant 16 : index
          %get3A_293 = tpu.vector_load %arg7[%get3A_291, %get3A_292] {strides = array<i32>} : memref<128x128xf32, #tpu.memory_space<vmem>>, vector<1x16xf32>,
          %get3A_294 = vector.shape_cast %get3A_293 : vector<1x16xf32> to vector<16xf32>
          %max3A_295 = arith.maximumf %max3A_288, %get3A_294 : vector<16xf32>
          %add3A_296 = arith.constant 5 : i32
          %add3A_297 = arith.addi %mul3A_152, %add3A_296 : i32
          %get3A_298 = arith.index_cast %add3A_297 : i32 to index
          %get3A_299 = arith.constant 16 : index
          %get3A_300 = tpu.vector_load %arg7[%get3A_298, %get3A_299] {strides = array<i32>} : memref<128x128xf32, #tpu.memory_space<vmem>>, vector<1x16xf32>,
          %get3A_301 = vector.shape_cast %get3A_300 : vector<1x16xf32> to vector<16xf32>
          %max3A_302 = arith.maximumf %max3A_295, %get3A_301 : vector<16xf32>
          %add3A_303 = arith.constant 6 : i32
          %add3A_304 = arith.addi %mul3A_152, %add3A_303 : i32
          %get3A_305 = arith.index_cast %add3A_304 : i32 to index
          %get3A_306 = arith.constant 16 : index
          %get3A_307 = tpu.vector_load %arg7[%get3A_305, %get3A_306] {strides = array<i32>} : memref<128x128xf32, #tpu.memory_space<vmem>>, vector<1x16xf32>,
          %get3A_308 = vector.shape_cast %get3A_307 : vector<1x16xf32> to vector<16xf32>
          %max3A_309 = arith.maximumf %max3A_302, %get3A_308 : vector<16xf32>
          %add3A_310 = arith.constant 7 : i32
          %add3A_311 = arith.addi %mul3A_152, %add3A_310 : i32
          %get3A_312 = arith.index_cast %add3A_311 : i32 to index
          %get3A_313 = arith.constant 16 : index
          %get3A_314 = tpu.vector_load %arg7[%get3A_312, %get3A_313] {strides = array<i32>} : memref<128x128xf32, #tpu.memory_space<vmem>>, vector<1x16xf32>,
          %get3A_315 = vector.shape_cast %get3A_314 : vector<1x16xf32> to vector<16xf32>
          %max3A_316 = arith.maximumf %max3A_309, %get3A_315 : vector<16xf32>
          %add3A_317 = arith.constant 8 : i32
          %add3A_318 = arith.addi %mul3A_152, %add3A_317 : i32
          %get3A_319 = arith.index_cast %add3A_318 : i32 to index
          %get3A_320 = arith.constant 16 : index
          %get3A_321 = tpu.vector_load %arg7[%get3A_319, %get3A_320] {strides = array<i32>} : memref<128x128xf32, #tpu.memory_space<vmem>>, vector<1x16xf32>,
          %get3A_322 = vector.shape_cast %get3A_321 : vector<1x16xf32> to vector<16xf32>
          %max3A_323 = arith.maximumf %max3A_316, %get3A_322 : vector<16xf32>
          %add3A_324 = arith.constant 9 : i32
          %add3A_325 = arith.addi %mul3A_152, %add3A_324 : i32
          %get3A_326 = arith.index_cast %add3A_325 : i32 to index
          %get3A_327 = arith.constant 16 : index
          %get3A_328 = tpu.vector_load %arg7[%get3A_326, %get3A_327] {strides = array<i32>} : memref<128x128xf32, #tpu.memory_space<vmem>>, vector<1x16xf32>,
          %get3A_329 = vector.shape_cast %get3A_328 : vector<1x16xf32> to vector<16xf32>
          %max3A_330 = arith.maximumf %max3A_323, %get3A_329 : vector<16xf32>
          %add3A_331 = arith.constant 10 : i32
          %add3A_332 = arith.addi %mul3A_152, %add3A_331 : i32
          %get3A_333 = arith.index_cast %add3A_332 : i32 to index
          %get3A_334 = arith.constant 16 : index
          %get3A_335 = tpu.vector_load %arg7[%get3A_333, %get3A_334] {strides = array<i32>} : memref<128x128xf32, #tpu.memory_space<vmem>>, vector<1x16xf32>,
          %get3A_336 = vector.shape_cast %get3A_335 : vector<1x16xf32> to vector<16xf32>
          %max3A_337 = arith.maximumf %max3A_330, %get3A_336 : vector<16xf32>
          %add3A_338 = arith.constant 11 : i32
          %add3A_339 = arith.addi %mul3A_152, %add3A_338 : i32
          %get3A_340 = arith.index_cast %add3A_339 : i32 to index
          %get3A_341 = arith.constant 16 : index
          %get3A_342 = tpu.vector_load %arg7[%get3A_340, %get3A_341] {strides = array<i32>} : memref<128x128xf32, #tpu.memory_space<vmem>>, vector<1x16xf32>,
          %get3A_343 = vector.shape_cast %get3A_342 : vector<1x16xf32> to vector<16xf32>
          %max3A_344 = arith.maximumf %max3A_337, %get3A_343 : vector<16xf32>
          %add3A_345 = arith.constant 12 : i32
          %add3A_346 = arith.addi %mul3A_152, %add3A_345 : i32
          %get3A_347 = arith.index_cast %add3A_346 : i32 to index
          %get3A_348 = arith.constant 16 : index
          %get3A_349 = tpu.vector_load %arg7[%get3A_347, %get3A_348] {strides = array<i32>} : memref<128x128xf32, #tpu.memory_space<vmem>>, vector<1x16xf32>,
          %get3A_350 = vector.shape_cast %get3A_349 : vector<1x16xf32> to vector<16xf32>
          %max3A_351 = arith.maximumf %max3A_344, %get3A_350 : vector<16xf32>
          %add3A_352 = arith.constant 13 : i32
          %add3A_353 = arith.addi %mul3A_152, %add3A_352 : i32
          %get3A_354 = arith.index_cast %add3A_353 : i32 to index
          %get3A_355 = arith.constant 16 : index
          %get3A_356 = tpu.vector_load %arg7[%get3A_354, %get3A_355] {strides = array<i32>} : memref<128x128xf32, #tpu.memory_space<vmem>>, vector<1x16xf32>,
          %get3A_357 = vector.shape_cast %get3A_356 : vector<1x16xf32> to vector<16xf32>
          %max3A_358 = arith.maximumf %max3A_351, %get3A_357 : vector<16xf32>
          %add3A_359 = arith.constant 14 : i32
          %add3A_360 = arith.addi %mul3A_152, %add3A_359 : i32
          %get3A_361 = arith.index_cast %add3A_360 : i32 to index
          %get3A_362 = arith.constant 16 : index
          %get3A_363 = tpu.vector_load %arg7[%get3A_361, %get3A_362] {strides = array<i32>} : memref<128x128xf32, #tpu.memory_space<vmem>>, vector<1x16xf32>,
          %get3A_364 = vector.shape_cast %get3A_363 : vector<1x16xf32> to vector<16xf32>
          %max3A_365 = arith.maximumf %max3A_358, %get3A_364 : vector<16xf32>
          %add3A_366 = arith.constant 15 : i32
          %add3A_367 = arith.addi %mul3A_152, %add3A_366 : i32
          %get3A_368 = arith.index_cast %add3A_367 : i32 to index
          %get3A_369 = arith.constant 16 : index
          %get3A_370 = tpu.vector_load %arg7[%get3A_368, %get3A_369] {strides = array<i32>} : memref<128x128xf32, #tpu.memory_space<vmem>>, vector<1x16xf32>,
          %get3A_371 = vector.shape_cast %get3A_370 : vector<1x16xf32> to vector<16xf32>
          %max3A_372 = arith.maximumf %max3A_365, %get3A_371 : vector<16xf32>
          %swap3A_373 = arith.index_cast %scan3A_150 : i32 to index
          %swap3A_374 = arith.constant 16 : index
          %swap3A_375 = tpu.vector_load %arg11[%swap3A_373, %swap3A_374] {strides = array<i32>} : memref<8x128xf32, #tpu.memory_space<vmem>>, vector<1x16xf32>,
          %swap3A_376 = vector.shape_cast %swap3A_375 : vector<1x16xf32> to vector<16xf32>
          %swap3A_377 = vector.shape_cast %max3A_372 : vector<16xf32> to vector<1x16xf32>
          tpu.vector_store %arg11[%swap3A_373, %swap3A_374], %swap3A_377 {strides = array<i32>} : memref<8x128xf32, #tpu.memory_space<vmem>>, vector<1x16xf32>,
          %get3A_378 = arith.index_cast %mul3A_152 : i32 to index
          %get3A_379 = arith.constant 32 : index
          %get3A_380 = tpu.vector_load %arg7[%get3A_378, %get3A_379] {strides = array<i32>} : memref<128x128xf32, #tpu.memory_space<vmem>>, vector<1x16xf32>,
          %get3A_381 = vector.shape_cast %get3A_380 : vector<1x16xf32> to vector<16xf32>
          %add3A_382 = arith.constant 1 : i32
          %add3A_383 = arith.addi %mul3A_152, %add3A_382 : i32
          %get3A_384 = arith.index_cast %add3A_383 : i32 to index
          %get3A_385 = arith.constant 32 : index
          %get3A_386 = tpu.vector_load %arg7[%get3A_384, %get3A_385] {strides = array<i32>} : memref<128x128xf32, #tpu.memory_space<vmem>>, vector<1x16xf32>,
          %get3A_387 = vector.shape_cast %get3A_386 : vector<1x16xf32> to vector<16xf32>
          %max3A_388 = arith.maximumf %get3A_381, %get3A_387 : vector<16xf32>
          %add3A_389 = arith.constant 2 : i32
          %add3A_390 = arith.addi %mul3A_152, %add3A_389 : i32
          %get3A_391 = arith.index_cast %add3A_390 : i32 to index
          %get3A_392 = arith.constant 32 : index
          %get3A_393 = tpu.vector_load %arg7[%get3A_391, %get3A_392] {strides = array<i32>} : memref<128x128xf32, #tpu.memory_space<vmem>>, vector<1x16xf32>,
          %get3A_394 = vector.shape_cast %get3A_393 : vector<1x16xf32> to vector<16xf32>
          %max3A_395 = arith.maximumf %max3A_388, %get3A_394 : vector<16xf32>
          %add3A_396 = arith.constant 3 : i32
          %add3A_397 = arith.addi %mul3A_152, %add3A_396 : i32
          %get3A_398 = arith.index_cast %add3A_397 : i32 to index
          %get3A_399 = arith.constant 32 : index
          %get3A_400 = tpu.vector_load %arg7[%get3A_398, %get3A_399] {strides = array<i32>} : memref<128x128xf32, #tpu.memory_space<vmem>>, vector<1x16xf32>,
          %get3A_401 = vector.shape_cast %get3A_400 : vector<1x16xf32> to vector<16xf32>
          %max3A_402 = arith.maximumf %max3A_395, %get3A_401 : vector<16xf32>
          %add3A_403 = arith.constant 4 : i32
          %add3A_404 = arith.addi %mul3A_152, %add3A_403 : i32
          %get3A_405 = arith.index_cast %add3A_404 : i32 to index
          %get3A_406 = arith.constant 32 : index
          %get3A_407 = tpu.vector_load %arg7[%get3A_405, %get3A_406] {strides = array<i32>} : memref<128x128xf32, #tpu.memory_space<vmem>>, vector<1x16xf32>,
          %get3A_408 = vector.shape_cast %get3A_407 : vector<1x16xf32> to vector<16xf32>
          %max3A_409 = arith.maximumf %max3A_402, %get3A_408 : vector<16xf32>
          %add3A_410 = arith.constant 5 : i32
          %add3A_411 = arith.addi %mul3A_152, %add3A_410 : i32
          %get3A_412 = arith.index_cast %add3A_411 : i32 to index
          %get3A_413 = arith.constant 32 : index
          %get3A_414 = tpu.vector_load %arg7[%get3A_412, %get3A_413] {strides = array<i32>} : memref<128x128xf32, #tpu.memory_space<vmem>>, vector<1x16xf32>,
          %get3A_415 = vector.shape_cast %get3A_414 : vector<1x16xf32> to vector<16xf32>
          %max3A_416 = arith.maximumf %max3A_409, %get3A_415 : vector<16xf32>
          %add3A_417 = arith.constant 6 : i32
          %add3A_418 = arith.addi %mul3A_152, %add3A_417 : i32
          %get3A_419 = arith.index_cast %add3A_418 : i32 to index
          %get3A_420 = arith.constant 32 : index
          %get3A_421 = tpu.vector_load %arg7[%get3A_419, %get3A_420] {strides = array<i32>} : memref<128x128xf32, #tpu.memory_space<vmem>>, vector<1x16xf32>,
          %get3A_422 = vector.shape_cast %get3A_421 : vector<1x16xf32> to vector<16xf32>
          %max3A_423 = arith.maximumf %max3A_416, %get3A_422 : vector<16xf32>
          %add3A_424 = arith.constant 7 : i32
          %add3A_425 = arith.addi %mul3A_152, %add3A_424 : i32
          %get3A_426 = arith.index_cast %add3A_425 : i32 to index
          %get3A_427 = arith.constant 32 : index
          %get3A_428 = tpu.vector_load %arg7[%get3A_426, %get3A_427] {strides = array<i32>} : memref<128x128xf32, #tpu.memory_space<vmem>>, vector<1x16xf32>,
          %get3A_429 = vector.shape_cast %get3A_428 : vector<1x16xf32> to vector<16xf32>
          %max3A_430 = arith.maximumf %max3A_423, %get3A_429 : vector<16xf32>
          %add3A_431 = arith.constant 8 : i32
          %add3A_432 = arith.addi %mul3A_152, %add3A_431 : i32
          %get3A_433 = arith.index_cast %add3A_432 : i32 to index
          %get3A_434 = arith.constant 32 : index
          %get3A_435 = tpu.vector_load %arg7[%get3A_433, %get3A_434] {strides = array<i32>} : memref<128x128xf32, #tpu.memory_space<vmem>>, vector<1x16xf32>,
          %get3A_436 = vector.shape_cast %get3A_435 : vector<1x16xf32> to vector<16xf32>
          %max3A_437 = arith.maximumf %max3A_430, %get3A_436 : vector<16xf32>
          %add3A_438 = arith.constant 9 : i32
          %add3A_439 = arith.addi %mul3A_152, %add3A_438 : i32
          %get3A_440 = arith.index_cast %add3A_439 : i32 to index
          %get3A_441 = arith.constant 32 : index
          %get3A_442 = tpu.vector_load %arg7[%get3A_440, %get3A_441] {strides = array<i32>} : memref<128x128xf32, #tpu.memory_space<vmem>>, vector<1x16xf32>,
          %get3A_443 = vector.shape_cast %get3A_442 : vector<1x16xf32> to vector<16xf32>
          %max3A_444 = arith.maximumf %max3A_437, %get3A_443 : vector<16xf32>
          %add3A_445 = arith.constant 10 : i32
          %add3A_446 = arith.addi %mul3A_152, %add3A_445 : i32
          %get3A_447 = arith.index_cast %add3A_446 : i32 to index
          %get3A_448 = arith.constant 32 : index
          %get3A_449 = tpu.vector_load %arg7[%get3A_447, %get3A_448] {strides = array<i32>} : memref<128x128xf32, #tpu.memory_space<vmem>>, vector<1x16xf32>,
          %get3A_450 = vector.shape_cast %get3A_449 : vector<1x16xf32> to vector<16xf32>
          %max3A_451 = arith.maximumf %max3A_444, %get3A_450 : vector<16xf32>
          %add3A_452 = arith.constant 11 : i32
          %add3A_453 = arith.addi %mul3A_152, %add3A_452 : i32
          %get3A_454 = arith.index_cast %add3A_453 : i32 to index
          %get3A_455 = arith.constant 32 : index
          %get3A_456 = tpu.vector_load %arg7[%get3A_454, %get3A_455] {strides = array<i32>} : memref<128x128xf32, #tpu.memory_space<vmem>>, vector<1x16xf32>,
          %get3A_457 = vector.shape_cast %get3A_456 : vector<1x16xf32> to vector<16xf32>
          %max3A_458 = arith.maximumf %max3A_451, %get3A_457 : vector<16xf32>
          %add3A_459 = arith.constant 12 : i32
          %add3A_460 = arith.addi %mul3A_152, %add3A_459 : i32
          %get3A_461 = arith.index_cast %add3A_460 : i32 to index
          %get3A_462 = arith.constant 32 : index
          %get3A_463 = tpu.vector_load %arg7[%get3A_461, %get3A_462] {strides = array<i32>} : memref<128x128xf32, #tpu.memory_space<vmem>>, vector<1x16xf32>,
          %get3A_464 = vector.shape_cast %get3A_463 : vector<1x16xf32> to vector<16xf32>
          %max3A_465 = arith.maximumf %max3A_458, %get3A_464 : vector<16xf32>
          %add3A_466 = arith.constant 13 : i32
          %add3A_467 = arith.addi %mul3A_152, %add3A_466 : i32
          %get3A_468 = arith.index_cast %add3A_467 : i32 to index
          %get3A_469 = arith.constant 32 : index
          %get3A_470 = tpu.vector_load %arg7[%get3A_468, %get3A_469] {strides = array<i32>} : memref<128x128xf32, #tpu.memory_space<vmem>>, vector<1x16xf32>,
          %get3A_471 = vector.shape_cast %get3A_470 : vector<1x16xf32> to vector<16xf32>
          %max3A_472 = arith.maximumf %max3A_465, %get3A_471 : vector<16xf32>
          %add3A_473 = arith.constant 14 : i32
          %add3A_474 = arith.addi %mul3A_152, %add3A_473 : i32
          %get3A_475 = arith.index_cast %add3A_474 : i32 to index
          %get3A_476 = arith.constant 32 : index
          %get3A_477 = tpu.vector_load %arg7[%get3A_475, %get3A_476] {strides = array<i32>} : memref<128x128xf32, #tpu.memory_space<vmem>>, vector<1x16xf32>,
          %get3A_478 = vector.shape_cast %get3A_477 : vector<1x16xf32> to vector<16xf32>
          %max3A_479 = arith.maximumf %max3A_472, %get3A_478 : vector<16xf32>
          %add3A_480 = arith.constant 15 : i32
          %add3A_481 = arith.addi %mul3A_152, %add3A_480 : i32
          %get3A_482 = arith.index_cast %add3A_481 : i32 to index
          %get3A_483 = arith.constant 32 : index
          %get3A_484 = tpu.vector_load %arg7[%get3A_482, %get3A_483] {strides = array<i32>} : memref<128x128xf32, #tpu.memory_space<vmem>>, vector<1x16xf32>,
          %get3A_485 = vector.shape_cast %get3A_484 : vector<1x16xf32> to vector<16xf32>
          %max3A_486 = arith.maximumf %max3A_479, %get3A_485 : vector<16xf32>
          %swap3A_487 = arith.index_cast %scan3A_150 : i32 to index
          %swap3A_488 = arith.constant 32 : index
          %swap3A_489 = tpu.vector_load %arg11[%swap3A_487, %swap3A_488] {strides = array<i32>} : memref<8x128xf32, #tpu.memory_space<vmem>>, vector<1x16xf32>,
          %swap3A_490 = vector.shape_cast %swap3A_489 : vector<1x16xf32> to vector<16xf32>
          %swap3A_491 = vector.shape_cast %max3A_486 : vector<16xf32> to vector<1x16xf32>
          tpu.vector_store %arg11[%swap3A_487, %swap3A_488], %swap3A_491 {strides = array<i32>} : memref<8x128xf32, #tpu.memory_space<vmem>>, vector<1x16xf32>,
          %get3A_492 = arith.index_cast %mul3A_152 : i32 to index
          %get3A_493 = arith.constant 48 : index
          %get3A_494 = tpu.vector_load %arg7[%get3A_492, %get3A_493] {strides = array<i32>} : memref<128x128xf32, #tpu.memory_space<vmem>>, vector<1x16xf32>,
          %get3A_495 = vector.shape_cast %get3A_494 : vector<1x16xf32> to vector<16xf32>
          %add3A_496 = arith.constant 1 : i32
          %add3A_497 = arith.addi %mul3A_152, %add3A_496 : i32
          %get3A_498 = arith.index_cast %add3A_497 : i32 to index
          %get3A_499 = arith.constant 48 : index
          %get3A_500 = tpu.vector_load %arg7[%get3A_498, %get3A_499] {strides = array<i32>} : memref<128x128xf32, #tpu.memory_space<vmem>>, vector<1x16xf32>,
          %get3A_501 = vector.shape_cast %get3A_500 : vector<1x16xf32> to vector<16xf32>
          %max3A_502 = arith.maximumf %get3A_495, %get3A_501 : vector<16xf32>
          %add3A_503 = arith.constant 2 : i32
          %add3A_504 = arith.addi %mul3A_152, %add3A_503 : i32
          %get3A_505 = arith.index_cast %add3A_504 : i32 to index
          %get3A_506 = arith.constant 48 : index
          %get3A_507 = tpu.vector_load %arg7[%get3A_505, %get3A_506] {strides = array<i32>} : memref<128x128xf32, #tpu.memory_space<vmem>>, vector<1x16xf32>,
          %get3A_508 = vector.shape_cast %get3A_507 : vector<1x16xf32> to vector<16xf32>
          %max3A_509 = arith.maximumf %max3A_502, %get3A_508 : vector<16xf32>
          %add3A_510 = arith.constant 3 : i32
          %add3A_511 = arith.addi %mul3A_152, %add3A_510 : i32
          %get3A_512 = arith.index_cast %add3A_511 : i32 to index
          %get3A_513 = arith.constant 48 : index
          %get3A_514 = tpu.vector_load %arg7[%get3A_512, %get3A_513] {strides = array<i32>} : memref<128x128xf32, #tpu.memory_space<vmem>>, vector<1x16xf32>,
          %get3A_515 = vector.shape_cast %get3A_514 : vector<1x16xf32> to vector<16xf32>
          %max3A_516 = arith.maximumf %max3A_509, %get3A_515 : vector<16xf32>
          %add3A_517 = arith.constant 4 : i32
          %add3A_518 = arith.addi %mul3A_152, %add3A_517 : i32
          %get3A_519 = arith.index_cast %add3A_518 : i32 to index
          %get3A_520 = arith.constant 48 : index
          %get3A_521 = tpu.vector_load %arg7[%get3A_519, %get3A_520] {strides = array<i32>} : memref<128x128xf32, #tpu.memory_space<vmem>>, vector<1x16xf32>,
          %get3A_522 = vector.shape_cast %get3A_521 : vector<1x16xf32> to vector<16xf32>
          %max3A_523 = arith.maximumf %max3A_516, %get3A_522 : vector<16xf32>
          %add3A_524 = arith.constant 5 : i32
          %add3A_525 = arith.addi %mul3A_152, %add3A_524 : i32
          %get3A_526 = arith.index_cast %add3A_525 : i32 to index
          %get3A_527 = arith.constant 48 : index
          %get3A_528 = tpu.vector_load %arg7[%get3A_526, %get3A_527] {strides = array<i32>} : memref<128x128xf32, #tpu.memory_space<vmem>>, vector<1x16xf32>,
          %get3A_529 = vector.shape_cast %get3A_528 : vector<1x16xf32> to vector<16xf32>
          %max3A_530 = arith.maximumf %max3A_523, %get3A_529 : vector<16xf32>
          %add3A_531 = arith.constant 6 : i32
          %add3A_532 = arith.addi %mul3A_152, %add3A_531 : i32
          %get3A_533 = arith.index_cast %add3A_532 : i32 to index
          %get3A_534 = arith.constant 48 : index
          %get3A_535 = tpu.vector_load %arg7[%get3A_533, %get3A_534] {strides = array<i32>} : memref<128x128xf32, #tpu.memory_space<vmem>>, vector<1x16xf32>,
          %get3A_536 = vector.shape_cast %get3A_535 : vector<1x16xf32> to vector<16xf32>
          %max3A_537 = arith.maximumf %max3A_530, %get3A_536 : vector<16xf32>
          %add3A_538 = arith.constant 7 : i32
          %add3A_539 = arith.addi %mul3A_152, %add3A_538 : i32
          %get3A_540 = arith.index_cast %add3A_539 : i32 to index
          %get3A_541 = arith.constant 48 : index
          %get3A_542 = tpu.vector_load %arg7[%get3A_540, %get3A_541] {strides = array<i32>} : memref<128x128xf32, #tpu.memory_space<vmem>>, vector<1x16xf32>,
          %get3A_543 = vector.shape_cast %get3A_542 : vector<1x16xf32> to vector<16xf32>
          %max3A_544 = arith.maximumf %max3A_537, %get3A_543 : vector<16xf32>
          %add3A_545 = arith.constant 8 : i32
          %add3A_546 = arith.addi %mul3A_152, %add3A_545 : i32
          %get3A_547 = arith.index_cast %add3A_546 : i32 to index
          %get3A_548 = arith.constant 48 : index
          %get3A_549 = tpu.vector_load %arg7[%get3A_547, %get3A_548] {strides = array<i32>} : memref<128x128xf32, #tpu.memory_space<vmem>>, vector<1x16xf32>,
          %get3A_550 = vector.shape_cast %get3A_549 : vector<1x16xf32> to vector<16xf32>
          %max3A_551 = arith.maximumf %max3A_544, %get3A_550 : vector<16xf32>
          %add3A_552 = arith.constant 9 : i32
          %add3A_553 = arith.addi %mul3A_152, %add3A_552 : i32
          %get3A_554 = arith.index_cast %add3A_553 : i32 to index
          %get3A_555 = arith.constant 48 : index
          %get3A_556 = tpu.vector_load %arg7[%get3A_554, %get3A_555] {strides = array<i32>} : memref<128x128xf32, #tpu.memory_space<vmem>>, vector<1x16xf32>,
          %get3A_557 = vector.shape_cast %get3A_556 : vector<1x16xf32> to vector<16xf32>
          %max3A_558 = arith.maximumf %max3A_551, %get3A_557 : vector<16xf32>
          %add3A_559 = arith.constant 10 : i32
          %add3A_560 = arith.addi %mul3A_152, %add3A_559 : i32
          %get3A_561 = arith.index_cast %add3A_560 : i32 to index
          %get3A_562 = arith.constant 48 : index
          %get3A_563 = tpu.vector_load %arg7[%get3A_561, %get3A_562] {strides = array<i32>} : memref<128x128xf32, #tpu.memory_space<vmem>>, vector<1x16xf32>,
          %get3A_564 = vector.shape_cast %get3A_563 : vector<1x16xf32> to vector<16xf32>
          %max3A_565 = arith.maximumf %max3A_558, %get3A_564 : vector<16xf32>
          %add3A_566 = arith.constant 11 : i32
          %add3A_567 = arith.addi %mul3A_152, %add3A_566 : i32
          %get3A_568 = arith.index_cast %add3A_567 : i32 to index
          %get3A_569 = arith.constant 48 : index
          %get3A_570 = tpu.vector_load %arg7[%get3A_568, %get3A_569] {strides = array<i32>} : memref<128x128xf32, #tpu.memory_space<vmem>>, vector<1x16xf32>,
          %get3A_571 = vector.shape_cast %get3A_570 : vector<1x16xf32> to vector<16xf32>
          %max3A_572 = arith.maximumf %max3A_565, %get3A_571 : vector<16xf32>
          %add3A_573 = arith.constant 12 : i32
          %add3A_574 = arith.addi %mul3A_152, %add3A_573 : i32
          %get3A_575 = arith.index_cast %add3A_574 : i32 to index
          %get3A_576 = arith.constant 48 : index
          %get3A_577 = tpu.vector_load %arg7[%get3A_575, %get3A_576] {strides = array<i32>} : memref<128x128xf32, #tpu.memory_space<vmem>>, vector<1x16xf32>,
          %get3A_578 = vector.shape_cast %get3A_577 : vector<1x16xf32> to vector<16xf32>
          %max3A_579 = arith.maximumf %max3A_572, %get3A_578 : vector<16xf32>
          %add3A_580 = arith.constant 13 : i32
          %add3A_581 = arith.addi %mul3A_152, %add3A_580 : i32
          %get3A_582 = arith.index_cast %add3A_581 : i32 to index
          %get3A_583 = arith.constant 48 : index
          %get3A_584 = tpu.vector_load %arg7[%get3A_582, %get3A_583] {strides = array<i32>} : memref<128x128xf32, #tpu.memory_space<vmem>>, vector<1x16xf32>,
          %get3A_585 = vector.shape_cast %get3A_584 : vector<1x16xf32> to vector<16xf32>
          %max3A_586 = arith.maximumf %max3A_579, %get3A_585 : vector<16xf32>
          %add3A_587 = arith.constant 14 : i32
          %add3A_588 = arith.addi %mul3A_152, %add3A_587 : i32
          %get3A_589 = arith.index_cast %add3A_588 : i32 to index
          %get3A_590 = arith.constant 48 : index
          %get3A_591 = tpu.vector_load %arg7[%get3A_589, %get3A_590] {strides = array<i32>} : memref<128x128xf32, #tpu.memory_space<vmem>>, vector<1x16xf32>,
          %get3A_592 = vector.shape_cast %get3A_591 : vector<1x16xf32> to vector<16xf32>
          %max3A_593 = arith.maximumf %max3A_586, %get3A_592 : vector<16xf32>
          %add3A_594 = arith.constant 15 : i32
          %add3A_595 = arith.addi %mul3A_152, %add3A_594 : i32
          %get3A_596 = arith.index_cast %add3A_595 : i32 to index
          %get3A_597 = arith.constant 48 : index
          %get3A_598 = tpu.vector_load %arg7[%get3A_596, %get3A_597] {strides = array<i32>} : memref<128x128xf32, #tpu.memory_space<vmem>>, vector<1x16xf32>,
          %get3A_599 = vector.shape_cast %get3A_598 : vector<1x16xf32> to vector<16xf32>
          %max3A_600 = arith.maximumf %max3A_593, %get3A_599 : vector<16xf32>
          %swap3A_601 = arith.index_cast %scan3A_150 : i32 to index
          %swap3A_602 = arith.constant 48 : index
          %swap3A_603 = tpu.vector_load %arg11[%swap3A_601, %swap3A_602] {strides = array<i32>} : memref<8x128xf32, #tpu.memory_space<vmem>>, vector<1x16xf32>,
          %swap3A_604 = vector.shape_cast %swap3A_603 : vector<1x16xf32> to vector<16xf32>
          %swap3A_605 = vector.shape_cast %max3A_600 : vector<16xf32> to vector<1x16xf32>
          tpu.vector_store %arg11[%swap3A_601, %swap3A_602], %swap3A_605 {strides = array<i32>} : memref<8x128xf32, #tpu.memory_space<vmem>>, vector<1x16xf32>,
          %get3A_606 = arith.index_cast %mul3A_152 : i32 to index
          %get3A_607 = arith.constant 64 : index
          %get3A_608 = tpu.vector_load %arg7[%get3A_606, %get3A_607] {strides = array<i32>} : memref<128x128xf32, #tpu.memory_space<vmem>>, vector<1x16xf32>,
          %get3A_609 = vector.shape_cast %get3A_608 : vector<1x16xf32> to vector<16xf32>
          %add3A_610 = arith.constant 1 : i32
          %add3A_611 = arith.addi %mul3A_152, %add3A_610 : i32
          %get3A_612 = arith.index_cast %add3A_611 : i32 to index
          %get3A_613 = arith.constant 64 : index
          %get3A_614 = tpu.vector_load %arg7[%get3A_612, %get3A_613] {strides = array<i32>} : memref<128x128xf32, #tpu.memory_space<vmem>>, vector<1x16xf32>,
          %get3A_615 = vector.shape_cast %get3A_614 : vector<1x16xf32> to vector<16xf32>
          %max3A_616 = arith.maximumf %get3A_609, %get3A_615 : vector<16xf32>
          %add3A_617 = arith.constant 2 : i32
          %add3A_618 = arith.addi %mul3A_152, %add3A_617 : i32
          %get3A_619 = arith.index_cast %add3A_618 : i32 to index
          %get3A_620 = arith.constant 64 : index
          %get3A_621 = tpu.vector_load %arg7[%get3A_619, %get3A_620] {strides = array<i32>} : memref<128x128xf32, #tpu.memory_space<vmem>>, vector<1x16xf32>,
          %get3A_622 = vector.shape_cast %get3A_621 : vector<1x16xf32> to vector<16xf32>
          %max3A_623 = arith.maximumf %max3A_616, %get3A_622 : vector<16xf32>
          %add3A_624 = arith.constant 3 : i32
          %add3A_625 = arith.addi %mul3A_152, %add3A_624 : i32
          %get3A_626 = arith.index_cast %add3A_625 : i32 to index
          %get3A_627 = arith.constant 64 : index
          %get3A_628 = tpu.vector_load %arg7[%get3A_626, %get3A_627] {strides = array<i32>} : memref<128x128xf32, #tpu.memory_space<vmem>>, vector<1x16xf32>,
          %get3A_629 = vector.shape_cast %get3A_628 : vector<1x16xf32> to vector<16xf32>
          %max3A_630 = arith.maximumf %max3A_623, %get3A_629 : vector<16xf32>
          %add3A_631 = arith.constant 4 : i32
          %add3A_632 = arith.addi %mul3A_152, %add3A_631 : i32
          %get3A_633 = arith.index_cast %add3A_632 : i32 to index
          %get3A_634 = arith.constant 64 : index
          %get3A_635 = tpu.vector_load %arg7[%get3A_633, %get3A_634] {strides = array<i32>} : memref<128x128xf32, #tpu.memory_space<vmem>>, vector<1x16xf32>,
          %get3A_636 = vector.shape_cast %get3A_635 : vector<1x16xf32> to vector<16xf32>
          %max3A_637 = arith.maximumf %max3A_630, %get3A_636 : vector<16xf32>
          %add3A_638 = arith.constant 5 : i32
          %add3A_639 = arith.addi %mul3A_152, %add3A_638 : i32
          %get3A_640 = arith.index_cast %add3A_639 : i32 to index
          %get3A_641 = arith.constant 64 : index
          %get3A_642 = tpu.vector_load %arg7[%get3A_640, %get3A_641] {strides = array<i32>} : memref<128x128xf32, #tpu.memory_space<vmem>>, vector<1x16xf32>,
          %get3A_643 = vector.shape_cast %get3A_642 : vector<1x16xf32> to vector<16xf32>
          %max3A_644 = arith.maximumf %max3A_637, %get3A_643 : vector<16xf32>
          %add3A_645 = arith.constant 6 : i32
          %add3A_646 = arith.addi %mul3A_152, %add3A_645 : i32
          %get3A_647 = arith.index_cast %add3A_646 : i32 to index
          %get3A_648 = arith.constant 64 : index
          %get3A_649 = tpu.vector_load %arg7[%get3A_647, %get3A_648] {strides = array<i32>} : memref<128x128xf32, #tpu.memory_space<vmem>>, vector<1x16xf32>,
          %get3A_650 = vector.shape_cast %get3A_649 : vector<1x16xf32> to vector<16xf32>
          %max3A_651 = arith.maximumf %max3A_644, %get3A_650 : vector<16xf32>
          %add3A_652 = arith.constant 7 : i32
          %add3A_653 = arith.addi %mul3A_152, %add3A_652 : i32
          %get3A_654 = arith.index_cast %add3A_653 : i32 to index
          %get3A_655 = arith.constant 64 : index
          %get3A_656 = tpu.vector_load %arg7[%get3A_654, %get3A_655] {strides = array<i32>} : memref<128x128xf32, #tpu.memory_space<vmem>>, vector<1x16xf32>,
          %get3A_657 = vector.shape_cast %get3A_656 : vector<1x16xf32> to vector<16xf32>
          %max3A_658 = arith.maximumf %max3A_651, %get3A_657 : vector<16xf32>
          %add3A_659 = arith.constant 8 : i32
          %add3A_660 = arith.addi %mul3A_152, %add3A_659 : i32
          %get3A_661 = arith.index_cast %add3A_660 : i32 to index
          %get3A_662 = arith.constant 64 : index
          %get3A_663 = tpu.vector_load %arg7[%get3A_661, %get3A_662] {strides = array<i32>} : memref<128x128xf32, #tpu.memory_space<vmem>>, vector<1x16xf32>,
          %get3A_664 = vector.shape_cast %get3A_663 : vector<1x16xf32> to vector<16xf32>
          %max3A_665 = arith.maximumf %max3A_658, %get3A_664 : vector<16xf32>
          %add3A_666 = arith.constant 9 : i32
          %add3A_667 = arith.addi %mul3A_152, %add3A_666 : i32
          %get3A_668 = arith.index_cast %add3A_667 : i32 to index
          %get3A_669 = arith.constant 64 : index
          %get3A_670 = tpu.vector_load %arg7[%get3A_668, %get3A_669] {strides = array<i32>} : memref<128x128xf32, #tpu.memory_space<vmem>>, vector<1x16xf32>,
          %get3A_671 = vector.shape_cast %get3A_670 : vector<1x16xf32> to vector<16xf32>
          %max3A_672 = arith.maximumf %max3A_665, %get3A_671 : vector<16xf32>
          %add3A_673 = arith.constant 10 : i32
          %add3A_674 = arith.addi %mul3A_152, %add3A_673 : i32
          %get3A_675 = arith.index_cast %add3A_674 : i32 to index
          %get3A_676 = arith.constant 64 : index
          %get3A_677 = tpu.vector_load %arg7[%get3A_675, %get3A_676] {strides = array<i32>} : memref<128x128xf32, #tpu.memory_space<vmem>>, vector<1x16xf32>,
          %get3A_678 = vector.shape_cast %get3A_677 : vector<1x16xf32> to vector<16xf32>
          %max3A_679 = arith.maximumf %max3A_672, %get3A_678 : vector<16xf32>
          %add3A_680 = arith.constant 11 : i32
          %add3A_681 = arith.addi %mul3A_152, %add3A_680 : i32
          %get3A_682 = arith.index_cast %add3A_681 : i32 to index
          %get3A_683 = arith.constant 64 : index
          %get3A_684 = tpu.vector_load %arg7[%get3A_682, %get3A_683] {strides = array<i32>} : memref<128x128xf32, #tpu.memory_space<vmem>>, vector<1x16xf32>,
          %get3A_685 = vector.shape_cast %get3A_684 : vector<1x16xf32> to vector<16xf32>
          %max3A_686 = arith.maximumf %max3A_679, %get3A_685 : vector<16xf32>
          %add3A_687 = arith.constant 12 : i32
          %add3A_688 = arith.addi %mul3A_152, %add3A_687 : i32
          %get3A_689 = arith.index_cast %add3A_688 : i32 to index
          %get3A_690 = arith.constant 64 : index
          %get3A_691 = tpu.vector_load %arg7[%get3A_689, %get3A_690] {strides = array<i32>} : memref<128x128xf32, #tpu.memory_space<vmem>>, vector<1x16xf32>,
          %get3A_692 = vector.shape_cast %get3A_691 : vector<1x16xf32> to vector<16xf32>
          %max3A_693 = arith.maximumf %max3A_686, %get3A_692 : vector<16xf32>
          %add3A_694 = arith.constant 13 : i32
          %add3A_695 = arith.addi %mul3A_152, %add3A_694 : i32
          %get3A_696 = arith.index_cast %add3A_695 : i32 to index
          %get3A_697 = arith.constant 64 : index
          %get3A_698 = tpu.vector_load %arg7[%get3A_696, %get3A_697] {strides = array<i32>} : memref<128x128xf32, #tpu.memory_space<vmem>>, vector<1x16xf32>,
          %get3A_699 = vector.shape_cast %get3A_698 : vector<1x16xf32> to vector<16xf32>
          %max3A_700 = arith.maximumf %max3A_693, %get3A_699 : vector<16xf32>
          %add3A_701 = arith.constant 14 : i32
          %add3A_702 = arith.addi %mul3A_152, %add3A_701 : i32
          %get3A_703 = arith.index_cast %add3A_702 : i32 to index
          %get3A_704 = arith.constant 64 : index
          %get3A_705 = tpu.vector_load %arg7[%get3A_703, %get3A_704] {strides = array<i32>} : memref<128x128xf32, #tpu.memory_space<vmem>>, vector<1x16xf32>,
          %get3A_706 = vector.shape_cast %get3A_705 : vector<1x16xf32> to vector<16xf32>
          %max3A_707 = arith.maximumf %max3A_700, %get3A_706 : vector<16xf32>
          %add3A_708 = arith.constant 15 : i32
          %add3A_709 = arith.addi %mul3A_152, %add3A_708 : i32
          %get3A_710 = arith.index_cast %add3A_709 : i32 to index
          %get3A_711 = arith.constant 64 : index
          %get3A_712 = tpu.vector_load %arg7[%get3A_710, %get3A_711] {strides = array<i32>} : memref<128x128xf32, #tpu.memory_space<vmem>>, vector<1x16xf32>,
          %get3A_713 = vector.shape_cast %get3A_712 : vector<1x16xf32> to vector<16xf32>
          %max3A_714 = arith.maximumf %max3A_707, %get3A_713 : vector<16xf32>
          %swap3A_715 = arith.index_cast %scan3A_150 : i32 to index
          %swap3A_716 = arith.constant 64 : index
          %swap3A_717 = tpu.vector_load %arg11[%swap3A_715, %swap3A_716] {strides = array<i32>} : memref<8x128xf32, #tpu.memory_space<vmem>>, vector<1x16xf32>,
          %swap3A_718 = vector.shape_cast %swap3A_717 : vector<1x16xf32> to vector<16xf32>
          %swap3A_719 = vector.shape_cast %max3A_714 : vector<16xf32> to vector<1x16xf32>
          tpu.vector_store %arg11[%swap3A_715, %swap3A_716], %swap3A_719 {strides = array<i32>} : memref<8x128xf32, #tpu.memory_space<vmem>>, vector<1x16xf32>,
          %get3A_720 = arith.index_cast %mul3A_152 : i32 to index
          %get3A_721 = arith.constant 80 : index
          %get3A_722 = tpu.vector_load %arg7[%get3A_720, %get3A_721] {strides = array<i32>} : memref<128x128xf32, #tpu.memory_space<vmem>>, vector<1x16xf32>,
          %get3A_723 = vector.shape_cast %get3A_722 : vector<1x16xf32> to vector<16xf32>
          %add3A_724 = arith.constant 1 : i32
          %add3A_725 = arith.addi %mul3A_152, %add3A_724 : i32
          %get3A_726 = arith.index_cast %add3A_725 : i32 to index
          %get3A_727 = arith.constant 80 : index
          %get3A_728 = tpu.vector_load %arg7[%get3A_726, %get3A_727] {strides = array<i32>} : memref<128x128xf32, #tpu.memory_space<vmem>>, vector<1x16xf32>,
          %get3A_729 = vector.shape_cast %get3A_728 : vector<1x16xf32> to vector<16xf32>
          %max3A_730 = arith.maximumf %get3A_723, %get3A_729 : vector<16xf32>
          %add3A_731 = arith.constant 2 : i32
          %add3A_732 = arith.addi %mul3A_152, %add3A_731 : i32
          %get3A_733 = arith.index_cast %add3A_732 : i32 to index
          %get3A_734 = arith.constant 80 : index
          %get3A_735 = tpu.vector_load %arg7[%get3A_733, %get3A_734] {strides = array<i32>} : memref<128x128xf32, #tpu.memory_space<vmem>>, vector<1x16xf32>,
          %get3A_736 = vector.shape_cast %get3A_735 : vector<1x16xf32> to vector<16xf32>
          %max3A_737 = arith.maximumf %max3A_730, %get3A_736 : vector<16xf32>
          %add3A_738 = arith.constant 3 : i32
          %add3A_739 = arith.addi %mul3A_152, %add3A_738 : i32
          %get3A_740 = arith.index_cast %add3A_739 : i32 to index
          %get3A_741 = arith.constant 80 : index
          %get3A_742 = tpu.vector_load %arg7[%get3A_740, %get3A_741] {strides = array<i32>} : memref<128x128xf32, #tpu.memory_space<vmem>>, vector<1x16xf32>,
          %get3A_743 = vector.shape_cast %get3A_742 : vector<1x16xf32> to vector<16xf32>
          %max3A_744 = arith.maximumf %max3A_737, %get3A_743 : vector<16xf32>
          %add3A_745 = arith.constant 4 : i32
          %add3A_746 = arith.addi %mul3A_152, %add3A_745 : i32
          %get3A_747 = arith.index_cast %add3A_746 : i32 to index
          %get3A_748 = arith.constant 80 : index
          %get3A_749 = tpu.vector_load %arg7[%get3A_747, %get3A_748] {strides = array<i32>} : memref<128x128xf32, #tpu.memory_space<vmem>>, vector<1x16xf32>,
          %get3A_750 = vector.shape_cast %get3A_749 : vector<1x16xf32> to vector<16xf32>
          %max3A_751 = arith.maximumf %max3A_744, %get3A_750 : vector<16xf32>
          %add3A_752 = arith.constant 5 : i32
          %add3A_753 = arith.addi %mul3A_152, %add3A_752 : i32
          %get3A_754 = arith.index_cast %add3A_753 : i32 to index
          %get3A_755 = arith.constant 80 : index
          %get3A_756 = tpu.vector_load %arg7[%get3A_754, %get3A_755] {strides = array<i32>} : memref<128x128xf32, #tpu.memory_space<vmem>>, vector<1x16xf32>,
          %get3A_757 = vector.shape_cast %get3A_756 : vector<1x16xf32> to vector<16xf32>
          %max3A_758 = arith.maximumf %max3A_751, %get3A_757 : vector<16xf32>
          %add3A_759 = arith.constant 6 : i32
          %add3A_760 = arith.addi %mul3A_152, %add3A_759 : i32
          %get3A_761 = arith.index_cast %add3A_760 : i32 to index
          %get3A_762 = arith.constant 80 : index
          %get3A_763 = tpu.vector_load %arg7[%get3A_761, %get3A_762] {strides = array<i32>} : memref<128x128xf32, #tpu.memory_space<vmem>>, vector<1x16xf32>,
          %get3A_764 = vector.shape_cast %get3A_763 : vector<1x16xf32> to vector<16xf32>
          %max3A_765 = arith.maximumf %max3A_758, %get3A_764 : vector<16xf32>
          %add3A_766 = arith.constant 7 : i32
          %add3A_767 = arith.addi %mul3A_152, %add3A_766 : i32
          %get3A_768 = arith.index_cast %add3A_767 : i32 to index
          %get3A_769 = arith.constant 80 : index
          %get3A_770 = tpu.vector_load %arg7[%get3A_768, %get3A_769] {strides = array<i32>} : memref<128x128xf32, #tpu.memory_space<vmem>>, vector<1x16xf32>,
          %get3A_771 = vector.shape_cast %get3A_770 : vector<1x16xf32> to vector<16xf32>
          %max3A_772 = arith.maximumf %max3A_765, %get3A_771 : vector<16xf32>
          %add3A_773 = arith.constant 8 : i32
          %add3A_774 = arith.addi %mul3A_152, %add3A_773 : i32
          %get3A_775 = arith.index_cast %add3A_774 : i32 to index
          %get3A_776 = arith.constant 80 : index
          %get3A_777 = tpu.vector_load %arg7[%get3A_775, %get3A_776] {strides = array<i32>} : memref<128x128xf32, #tpu.memory_space<vmem>>, vector<1x16xf32>,
          %get3A_778 = vector.shape_cast %get3A_777 : vector<1x16xf32> to vector<16xf32>
          %max3A_779 = arith.maximumf %max3A_772, %get3A_778 : vector<16xf32>
          %add3A_780 = arith.constant 9 : i32
          %add3A_781 = arith.addi %mul3A_152, %add3A_780 : i32
          %get3A_782 = arith.index_cast %add3A_781 : i32 to index
          %get3A_783 = arith.constant 80 : index
          %get3A_784 = tpu.vector_load %arg7[%get3A_782, %get3A_783] {strides = array<i32>} : memref<128x128xf32, #tpu.memory_space<vmem>>, vector<1x16xf32>,
          %get3A_785 = vector.shape_cast %get3A_784 : vector<1x16xf32> to vector<16xf32>
          %max3A_786 = arith.maximumf %max3A_779, %get3A_785 : vector<16xf32>
          %add3A_787 = arith.constant 10 : i32
          %add3A_788 = arith.addi %mul3A_152, %add3A_787 : i32
          %get3A_789 = arith.index_cast %add3A_788 : i32 to index
          %get3A_790 = arith.constant 80 : index
          %get3A_791 = tpu.vector_load %arg7[%get3A_789, %get3A_790] {strides = array<i32>} : memref<128x128xf32, #tpu.memory_space<vmem>>, vector<1x16xf32>,
          %get3A_792 = vector.shape_cast %get3A_791 : vector<1x16xf32> to vector<16xf32>
          %max3A_793 = arith.maximumf %max3A_786, %get3A_792 : vector<16xf32>
          %add3A_794 = arith.constant 11 : i32
          %add3A_795 = arith.addi %mul3A_152, %add3A_794 : i32
          %get3A_796 = arith.index_cast %add3A_795 : i32 to index
          %get3A_797 = arith.constant 80 : index
          %get3A_798 = tpu.vector_load %arg7[%get3A_796, %get3A_797] {strides = array<i32>} : memref<128x128xf32, #tpu.memory_space<vmem>>, vector<1x16xf32>,
          %get3A_799 = vector.shape_cast %get3A_798 : vector<1x16xf32> to vector<16xf32>
          %max3A_800 = arith.maximumf %max3A_793, %get3A_799 : vector<16xf32>
          %add3A_801 = arith.constant 12 : i32
          %add3A_802 = arith.addi %mul3A_152, %add3A_801 : i32
          %get3A_803 = arith.index_cast %add3A_802 : i32 to index
          %get3A_804 = arith.constant 80 : index
          %get3A_805 = tpu.vector_load %arg7[%get3A_803, %get3A_804] {strides = array<i32>} : memref<128x128xf32, #tpu.memory_space<vmem>>, vector<1x16xf32>,
          %get3A_806 = vector.shape_cast %get3A_805 : vector<1x16xf32> to vector<16xf32>
          %max3A_807 = arith.maximumf %max3A_800, %get3A_806 : vector<16xf32>
          %add3A_808 = arith.constant 13 : i32
          %add3A_809 = arith.addi %mul3A_152, %add3A_808 : i32
          %get3A_810 = arith.index_cast %add3A_809 : i32 to index
          %get3A_811 = arith.constant 80 : index
          %get3A_812 = tpu.vector_load %arg7[%get3A_810, %get3A_811] {strides = array<i32>} : memref<128x128xf32, #tpu.memory_space<vmem>>, vector<1x16xf32>,
          %get3A_813 = vector.shape_cast %get3A_812 : vector<1x16xf32> to vector<16xf32>
          %max3A_814 = arith.maximumf %max3A_807, %get3A_813 : vector<16xf32>
          %add3A_815 = arith.constant 14 : i32
          %add3A_816 = arith.addi %mul3A_152, %add3A_815 : i32
          %get3A_817 = arith.index_cast %add3A_816 : i32 to index
          %get3A_818 = arith.constant 80 : index
          %get3A_819 = tpu.vector_load %arg7[%get3A_817, %get3A_818] {strides = array<i32>} : memref<128x128xf32, #tpu.memory_space<vmem>>, vector<1x16xf32>,
          %get3A_820 = vector.shape_cast %get3A_819 : vector<1x16xf32> to vector<16xf32>
          %max3A_821 = arith.maximumf %max3A_814, %get3A_820 : vector<16xf32>
          %add3A_822 = arith.constant 15 : i32
          %add3A_823 = arith.addi %mul3A_152, %add3A_822 : i32
          %get3A_824 = arith.index_cast %add3A_823 : i32 to index
          %get3A_825 = arith.constant 80 : index
          %get3A_826 = tpu.vector_load %arg7[%get3A_824, %get3A_825] {strides = array<i32>} : memref<128x128xf32, #tpu.memory_space<vmem>>, vector<1x16xf32>,
          %get3A_827 = vector.shape_cast %get3A_826 : vector<1x16xf32> to vector<16xf32>
          %max3A_828 = arith.maximumf %max3A_821, %get3A_827 : vector<16xf32>
          %swap3A_829 = arith.index_cast %scan3A_150 : i32 to index
          %swap3A_830 = arith.constant 80 : index
          %swap3A_831 = tpu.vector_load %arg11[%swap3A_829, %swap3A_830] {strides = array<i32>} : memref<8x128xf32, #tpu.memory_space<vmem>>, vector<1x16xf32>,
          %swap3A_832 = vector.shape_cast %swap3A_831 : vector<1x16xf32> to vector<16xf32>
          %swap3A_833 = vector.shape_cast %max3A_828 : vector<16xf32> to vector<1x16xf32>
          tpu.vector_store %arg11[%swap3A_829, %swap3A_830], %swap3A_833 {strides = array<i32>} : memref<8x128xf32, #tpu.memory_space<vmem>>, vector<1x16xf32>,
          %get3A_834 = arith.index_cast %mul3A_152 : i32 to index
          %get3A_835 = arith.constant 96 : index
          %get3A_836 = tpu.vector_load %arg7[%get3A_834, %get3A_835] {strides = array<i32>} : memref<128x128xf32, #tpu.memory_space<vmem>>, vector<1x16xf32>,
          %get3A_837 = vector.shape_cast %get3A_836 : vector<1x16xf32> to vector<16xf32>
          %add3A_838 = arith.constant 1 : i32
          %add3A_839 = arith.addi %mul3A_152, %add3A_838 : i32
          %get3A_840 = arith.index_cast %add3A_839 : i32 to index
          %get3A_841 = arith.constant 96 : index
          %get3A_842 = tpu.vector_load %arg7[%get3A_840, %get3A_841] {strides = array<i32>} : memref<128x128xf32, #tpu.memory_space<vmem>>, vector<1x16xf32>,
          %get3A_843 = vector.shape_cast %get3A_842 : vector<1x16xf32> to vector<16xf32>
          %max3A_844 = arith.maximumf %get3A_837, %get3A_843 : vector<16xf32>
          %add3A_845 = arith.constant 2 : i32
          %add3A_846 = arith.addi %mul3A_152, %add3A_845 : i32
          %get3A_847 = arith.index_cast %add3A_846 : i32 to index
          %get3A_848 = arith.constant 96 : index
          %get3A_849 = tpu.vector_load %arg7[%get3A_847, %get3A_848] {strides = array<i32>} : memref<128x128xf32, #tpu.memory_space<vmem>>, vector<1x16xf32>,
          %get3A_850 = vector.shape_cast %get3A_849 : vector<1x16xf32> to vector<16xf32>
          %max3A_851 = arith.maximumf %max3A_844, %get3A_850 : vector<16xf32>
          %add3A_852 = arith.constant 3 : i32
          %add3A_853 = arith.addi %mul3A_152, %add3A_852 : i32
          %get3A_854 = arith.index_cast %add3A_853 : i32 to index
          %get3A_855 = arith.constant 96 : index
          %get3A_856 = tpu.vector_load %arg7[%get3A_854, %get3A_855] {strides = array<i32>} : memref<128x128xf32, #tpu.memory_space<vmem>>, vector<1x16xf32>,
          %get3A_857 = vector.shape_cast %get3A_856 : vector<1x16xf32> to vector<16xf32>
          %max3A_858 = arith.maximumf %max3A_851, %get3A_857 : vector<16xf32>
          %add3A_859 = arith.constant 4 : i32
          %add3A_860 = arith.addi %mul3A_152, %add3A_859 : i32
          %get3A_861 = arith.index_cast %add3A_860 : i32 to index
          %get3A_862 = arith.constant 96 : index
          %get3A_863 = tpu.vector_load %arg7[%get3A_861, %get3A_862] {strides = array<i32>} : memref<128x128xf32, #tpu.memory_space<vmem>>, vector<1x16xf32>,
          %get3A_864 = vector.shape_cast %get3A_863 : vector<1x16xf32> to vector<16xf32>
          %max3A_865 = arith.maximumf %max3A_858, %get3A_864 : vector<16xf32>
          %add3A_866 = arith.constant 5 : i32
          %add3A_867 = arith.addi %mul3A_152, %add3A_866 : i32
          %get3A_868 = arith.index_cast %add3A_867 : i32 to index
          %get3A_869 = arith.constant 96 : index
          %get3A_870 = tpu.vector_load %arg7[%get3A_868, %get3A_869] {strides = array<i32>} : memref<128x128xf32, #tpu.memory_space<vmem>>, vector<1x16xf32>,
          %get3A_871 = vector.shape_cast %get3A_870 : vector<1x16xf32> to vector<16xf32>
          %max3A_872 = arith.maximumf %max3A_865, %get3A_871 : vector<16xf32>
          %add3A_873 = arith.constant 6 : i32
          %add3A_874 = arith.addi %mul3A_152, %add3A_873 : i32
          %get3A_875 = arith.index_cast %add3A_874 : i32 to index
          %get3A_876 = arith.constant 96 : index
          %get3A_877 = tpu.vector_load %arg7[%get3A_875, %get3A_876] {strides = array<i32>} : memref<128x128xf32, #tpu.memory_space<vmem>>, vector<1x16xf32>,
          %get3A_878 = vector.shape_cast %get3A_877 : vector<1x16xf32> to vector<16xf32>
          %max3A_879 = arith.maximumf %max3A_872, %get3A_878 : vector<16xf32>
          %add3A_880 = arith.constant 7 : i32
          %add3A_881 = arith.addi %mul3A_152, %add3A_880 : i32
          %get3A_882 = arith.index_cast %add3A_881 : i32 to index
          %get3A_883 = arith.constant 96 : index
          %get3A_884 = tpu.vector_load %arg7[%get3A_882, %get3A_883] {strides = array<i32>} : memref<128x128xf32, #tpu.memory_space<vmem>>, vector<1x16xf32>,
          %get3A_885 = vector.shape_cast %get3A_884 : vector<1x16xf32> to vector<16xf32>
          %max3A_886 = arith.maximumf %max3A_879, %get3A_885 : vector<16xf32>
          %add3A_887 = arith.constant 8 : i32
          %add3A_888 = arith.addi %mul3A_152, %add3A_887 : i32
          %get3A_889 = arith.index_cast %add3A_888 : i32 to index
          %get3A_890 = arith.constant 96 : index
          %get3A_891 = tpu.vector_load %arg7[%get3A_889, %get3A_890] {strides = array<i32>} : memref<128x128xf32, #tpu.memory_space<vmem>>, vector<1x16xf32>,
          %get3A_892 = vector.shape_cast %get3A_891 : vector<1x16xf32> to vector<16xf32>
          %max3A_893 = arith.maximumf %max3A_886, %get3A_892 : vector<16xf32>
          %add3A_894 = arith.constant 9 : i32
          %add3A_895 = arith.addi %mul3A_152, %add3A_894 : i32
          %get3A_896 = arith.index_cast %add3A_895 : i32 to index
          %get3A_897 = arith.constant 96 : index
          %get3A_898 = tpu.vector_load %arg7[%get3A_896, %get3A_897] {strides = array<i32>} : memref<128x128xf32, #tpu.memory_space<vmem>>, vector<1x16xf32>,
          %get3A_899 = vector.shape_cast %get3A_898 : vector<1x16xf32> to vector<16xf32>
          %max3A_900 = arith.maximumf %max3A_893, %get3A_899 : vector<16xf32>
          %add3A_901 = arith.constant 10 : i32
          %add3A_902 = arith.addi %mul3A_152, %add3A_901 : i32
          %get3A_903 = arith.index_cast %add3A_902 : i32 to index
          %get3A_904 = arith.constant 96 : index
          %get3A_905 = tpu.vector_load %arg7[%get3A_903, %get3A_904] {strides = array<i32>} : memref<128x128xf32, #tpu.memory_space<vmem>>, vector<1x16xf32>,
          %get3A_906 = vector.shape_cast %get3A_905 : vector<1x16xf32> to vector<16xf32>
          %max3A_907 = arith.maximumf %max3A_900, %get3A_906 : vector<16xf32>
          %add3A_908 = arith.constant 11 : i32
          %add3A_909 = arith.addi %mul3A_152, %add3A_908 : i32
          %get3A_910 = arith.index_cast %add3A_909 : i32 to index
          %get3A_911 = arith.constant 96 : index
          %get3A_912 = tpu.vector_load %arg7[%get3A_910, %get3A_911] {strides = array<i32>} : memref<128x128xf32, #tpu.memory_space<vmem>>, vector<1x16xf32>,
          %get3A_913 = vector.shape_cast %get3A_912 : vector<1x16xf32> to vector<16xf32>
          %max3A_914 = arith.maximumf %max3A_907, %get3A_913 : vector<16xf32>
          %add3A_915 = arith.constant 12 : i32
          %add3A_916 = arith.addi %mul3A_152, %add3A_915 : i32
          %get3A_917 = arith.index_cast %add3A_916 : i32 to index
          %get3A_918 = arith.constant 96 : index
          %get3A_919 = tpu.vector_load %arg7[%get3A_917, %get3A_918] {strides = array<i32>} : memref<128x128xf32, #tpu.memory_space<vmem>>, vector<1x16xf32>,
          %get3A_920 = vector.shape_cast %get3A_919 : vector<1x16xf32> to vector<16xf32>
          %max3A_921 = arith.maximumf %max3A_914, %get3A_920 : vector<16xf32>
          %add3A_922 = arith.constant 13 : i32
          %add3A_923 = arith.addi %mul3A_152, %add3A_922 : i32
          %get3A_924 = arith.index_cast %add3A_923 : i32 to index
          %get3A_925 = arith.constant 96 : index
          %get3A_926 = tpu.vector_load %arg7[%get3A_924, %get3A_925] {strides = array<i32>} : memref<128x128xf32, #tpu.memory_space<vmem>>, vector<1x16xf32>,
          %get3A_927 = vector.shape_cast %get3A_926 : vector<1x16xf32> to vector<16xf32>
          %max3A_928 = arith.maximumf %max3A_921, %get3A_927 : vector<16xf32>
          %add3A_929 = arith.constant 14 : i32
          %add3A_930 = arith.addi %mul3A_152, %add3A_929 : i32
          %get3A_931 = arith.index_cast %add3A_930 : i32 to index
          %get3A_932 = arith.constant 96 : index
          %get3A_933 = tpu.vector_load %arg7[%get3A_931, %get3A_932] {strides = array<i32>} : memref<128x128xf32, #tpu.memory_space<vmem>>, vector<1x16xf32>,
          %get3A_934 = vector.shape_cast %get3A_933 : vector<1x16xf32> to vector<16xf32>
          %max3A_935 = arith.maximumf %max3A_928, %get3A_934 : vector<16xf32>
          %add3A_936 = arith.constant 15 : i32
          %add3A_937 = arith.addi %mul3A_152, %add3A_936 : i32
          %get3A_938 = arith.index_cast %add3A_937 : i32 to index
          %get3A_939 = arith.constant 96 : index
          %get3A_940 = tpu.vector_load %arg7[%get3A_938, %get3A_939] {strides = array<i32>} : memref<128x128xf32, #tpu.memory_space<vmem>>, vector<1x16xf32>,
          %get3A_941 = vector.shape_cast %get3A_940 : vector<1x16xf32> to vector<16xf32>
          %max3A_942 = arith.maximumf %max3A_935, %get3A_941 : vector<16xf32>
          %swap3A_943 = arith.index_cast %scan3A_150 : i32 to index
          %swap3A_944 = arith.constant 96 : index
          %swap3A_945 = tpu.vector_load %arg11[%swap3A_943, %swap3A_944] {strides = array<i32>} : memref<8x128xf32, #tpu.memory_space<vmem>>, vector<1x16xf32>,
          %swap3A_946 = vector.shape_cast %swap3A_945 : vector<1x16xf32> to vector<16xf32>
          %swap3A_947 = vector.shape_cast %max3A_942 : vector<16xf32> to vector<1x16xf32>
          tpu.vector_store %arg11[%swap3A_943, %swap3A_944], %swap3A_947 {strides = array<i32>} : memref<8x128xf32, #tpu.memory_space<vmem>>, vector<1x16xf32>,
          %get3A_948 = arith.index_cast %mul3A_152 : i32 to index
          %get3A_949 = arith.constant 112 : index
          %get3A_950 = tpu.vector_load %arg7[%get3A_948, %get3A_949] {strides = array<i32>} : memref<128x128xf32, #tpu.memory_space<vmem>>, vector<1x16xf32>,
          %get3A_951 = vector.shape_cast %get3A_950 : vector<1x16xf32> to vector<16xf32>
          %add3A_952 = arith.constant 1 : i32
          %add3A_953 = arith.addi %mul3A_152, %add3A_952 : i32
          %get3A_954 = arith.index_cast %add3A_953 : i32 to index
          %get3A_955 = arith.constant 112 : index
          %get3A_956 = tpu.vector_load %arg7[%get3A_954, %get3A_955] {strides = array<i32>} : memref<128x128xf32, #tpu.memory_space<vmem>>, vector<1x16xf32>,
          %get3A_957 = vector.shape_cast %get3A_956 : vector<1x16xf32> to vector<16xf32>
          %max3A_958 = arith.maximumf %get3A_951, %get3A_957 : vector<16xf32>
          %add3A_959 = arith.constant 2 : i32
          %add3A_960 = arith.addi %mul3A_152, %add3A_959 : i32
          %get3A_961 = arith.index_cast %add3A_960 : i32 to index
          %get3A_962 = arith.constant 112 : index
          %get3A_963 = tpu.vector_load %arg7[%get3A_961, %get3A_962] {strides = array<i32>} : memref<128x128xf32, #tpu.memory_space<vmem>>, vector<1x16xf32>,
          %get3A_964 = vector.shape_cast %get3A_963 : vector<1x16xf32> to vector<16xf32>
          %max3A_965 = arith.maximumf %max3A_958, %get3A_964 : vector<16xf32>
          %add3A_966 = arith.constant 3 : i32
          %add3A_967 = arith.addi %mul3A_152, %add3A_966 : i32
          %get3A_968 = arith.index_cast %add3A_967 : i32 to index
          %get3A_969 = arith.constant 112 : index
          %get3A_970 = tpu.vector_load %arg7[%get3A_968, %get3A_969] {strides = array<i32>} : memref<128x128xf32, #tpu.memory_space<vmem>>, vector<1x16xf32>,
          %get3A_971 = vector.shape_cast %get3A_970 : vector<1x16xf32> to vector<16xf32>
          %max3A_972 = arith.maximumf %max3A_965, %get3A_971 : vector<16xf32>
          %add3A_973 = arith.constant 4 : i32
          %add3A_974 = arith.addi %mul3A_152, %add3A_973 : i32
          %get3A_975 = arith.index_cast %add3A_974 : i32 to index
          %get3A_976 = arith.constant 112 : index
          %get3A_977 = tpu.vector_load %arg7[%get3A_975, %get3A_976] {strides = array<i32>} : memref<128x128xf32, #tpu.memory_space<vmem>>, vector<1x16xf32>,
          %get3A_978 = vector.shape_cast %get3A_977 : vector<1x16xf32> to vector<16xf32>
          %max3A_979 = arith.maximumf %max3A_972, %get3A_978 : vector<16xf32>
          %add3A_980 = arith.constant 5 : i32
          %add3A_981 = arith.addi %mul3A_152, %add3A_980 : i32
          %get3A_982 = arith.index_cast %add3A_981 : i32 to index
          %get3A_983 = arith.constant 112 : index
          %get3A_984 = tpu.vector_load %arg7[%get3A_982, %get3A_983] {strides = array<i32>} : memref<128x128xf32, #tpu.memory_space<vmem>>, vector<1x16xf32>,
          %get3A_985 = vector.shape_cast %get3A_984 : vector<1x16xf32> to vector<16xf32>
          %max3A_986 = arith.maximumf %max3A_979, %get3A_985 : vector<16xf32>
          %add3A_987 = arith.constant 6 : i32
          %add3A_988 = arith.addi %mul3A_152, %add3A_987 : i32
          %get3A_989 = arith.index_cast %add3A_988 : i32 to index
          %get3A_990 = arith.constant 112 : index
          %get3A_991 = tpu.vector_load %arg7[%get3A_989, %get3A_990] {strides = array<i32>} : memref<128x128xf32, #tpu.memory_space<vmem>>, vector<1x16xf32>,
          %get3A_992 = vector.shape_cast %get3A_991 : vector<1x16xf32> to vector<16xf32>
          %max3A_993 = arith.maximumf %max3A_986, %get3A_992 : vector<16xf32>
          %add3A_994 = arith.constant 7 : i32
          %add3A_995 = arith.addi %mul3A_152, %add3A_994 : i32
          %get3A_996 = arith.index_cast %add3A_995 : i32 to index
          %get3A_997 = arith.constant 112 : index
          %get3A_998 = tpu.vector_load %arg7[%get3A_996, %get3A_997] {strides = array<i32>} : memref<128x128xf32, #tpu.memory_space<vmem>>, vector<1x16xf32>,
          %get3A_999 = vector.shape_cast %get3A_998 : vector<1x16xf32> to vector<16xf32>
          %max3A_1000 = arith.maximumf %max3A_993, %get3A_999 : vector<16xf32>
          %add3A_1001 = arith.constant 8 : i32
          %add3A_1002 = arith.addi %mul3A_152, %add3A_1001 : i32
          %get3A_1003 = arith.index_cast %add3A_1002 : i32 to index
          %get3A_1004 = arith.constant 112 : index
          %get3A_1005 = tpu.vector_load %arg7[%get3A_1003, %get3A_1004] {strides = array<i32>} : memref<128x128xf32, #tpu.memory_space<vmem>>, vector<1x16xf32>,
          %get3A_1006 = vector.shape_cast %get3A_1005 : vector<1x16xf32> to vector<16xf32>
          %max3A_1007 = arith.maximumf %max3A_1000, %get3A_1006 : vector<16xf32>
          %add3A_1008 = arith.constant 9 : i32
          %add3A_1009 = arith.addi %mul3A_152, %add3A_1008 : i32
          %get3A_1010 = arith.index_cast %add3A_1009 : i32 to index
          %get3A_1011 = arith.constant 112 : index
          %get3A_1012 = tpu.vector_load %arg7[%get3A_1010, %get3A_1011] {strides = array<i32>} : memref<128x128xf32, #tpu.memory_space<vmem>>, vector<1x16xf32>,
          %get3A_1013 = vector.shape_cast %get3A_1012 : vector<1x16xf32> to vector<16xf32>
          %max3A_1014 = arith.maximumf %max3A_1007, %get3A_1013 : vector<16xf32>
          %add3A_1015 = arith.constant 10 : i32
          %add3A_1016 = arith.addi %mul3A_152, %add3A_1015 : i32
          %get3A_1017 = arith.index_cast %add3A_1016 : i32 to index
          %get3A_1018 = arith.constant 112 : index
          %get3A_1019 = tpu.vector_load %arg7[%get3A_1017, %get3A_1018] {strides = array<i32>} : memref<128x128xf32, #tpu.memory_space<vmem>>, vector<1x16xf32>,
          %get3A_1020 = vector.shape_cast %get3A_1019 : vector<1x16xf32> to vector<16xf32>
          %max3A_1021 = arith.maximumf %max3A_1014, %get3A_1020 : vector<16xf32>
          %add3A_1022 = arith.constant 11 : i32
          %add3A_1023 = arith.addi %mul3A_152, %add3A_1022 : i32
          %get3A_1024 = arith.index_cast %add3A_1023 : i32 to index
          %get3A_1025 = arith.constant 112 : index
          %get3A_1026 = tpu.vector_load %arg7[%get3A_1024, %get3A_1025] {strides = array<i32>} : memref<128x128xf32, #tpu.memory_space<vmem>>, vector<1x16xf32>,
          %get3A_1027 = vector.shape_cast %get3A_1026 : vector<1x16xf32> to vector<16xf32>
          %max3A_1028 = arith.maximumf %max3A_1021, %get3A_1027 : vector<16xf32>
          %add3A_1029 = arith.constant 12 : i32
          %add3A_1030 = arith.addi %mul3A_152, %add3A_1029 : i32
          %get3A_1031 = arith.index_cast %add3A_1030 : i32 to index
          %get3A_1032 = arith.constant 112 : index
          %get3A_1033 = tpu.vector_load %arg7[%get3A_1031, %get3A_1032] {strides = array<i32>} : memref<128x128xf32, #tpu.memory_space<vmem>>, vector<1x16xf32>,
          %get3A_1034 = vector.shape_cast %get3A_1033 : vector<1x16xf32> to vector<16xf32>
          %max3A_1035 = arith.maximumf %max3A_1028, %get3A_1034 : vector<16xf32>
          %add3A_1036 = arith.constant 13 : i32
          %add3A_1037 = arith.addi %mul3A_152, %add3A_1036 : i32
          %get3A_1038 = arith.index_cast %add3A_1037 : i32 to index
          %get3A_1039 = arith.constant 112 : index
          %get3A_1040 = tpu.vector_load %arg7[%get3A_1038, %get3A_1039] {strides = array<i32>} : memref<128x128xf32, #tpu.memory_space<vmem>>, vector<1x16xf32>,
          %get3A_1041 = vector.shape_cast %get3A_1040 : vector<1x16xf32> to vector<16xf32>
          %max3A_1042 = arith.maximumf %max3A_1035, %get3A_1041 : vector<16xf32>
          %add3A_1043 = arith.constant 14 : i32
          %add3A_1044 = arith.addi %mul3A_152, %add3A_1043 : i32
          %get3A_1045 = arith.index_cast %add3A_1044 : i32 to index
          %get3A_1046 = arith.constant 112 : index
          %get3A_1047 = tpu.vector_load %arg7[%get3A_1045, %get3A_1046] {strides = array<i32>} : memref<128x128xf32, #tpu.memory_space<vmem>>, vector<1x16xf32>,
          %get3A_1048 = vector.shape_cast %get3A_1047 : vector<1x16xf32> to vector<16xf32>
          %max3A_1049 = arith.maximumf %max3A_1042, %get3A_1048 : vector<16xf32>
          %add3A_1050 = arith.constant 15 : i32
          %add3A_1051 = arith.addi %mul3A_152, %add3A_1050 : i32
          %get3A_1052 = arith.index_cast %add3A_1051 : i32 to index
          %get3A_1053 = arith.constant 112 : index
          %get3A_1054 = tpu.vector_load %arg7[%get3A_1052, %get3A_1053] {strides = array<i32>} : memref<128x128xf32, #tpu.memory_space<vmem>>, vector<1x16xf32>,
          %get3A_1055 = vector.shape_cast %get3A_1054 : vector<1x16xf32> to vector<16xf32>
          %max3A_1056 = arith.maximumf %max3A_1049, %get3A_1055 : vector<16xf32>
          %swap3A_1057 = arith.index_cast %scan3A_150 : i32 to index
          %swap3A_1058 = arith.constant 112 : index
          %swap3A_1059 = tpu.vector_load %arg11[%swap3A_1057, %swap3A_1058] {strides = array<i32>} : memref<8x128xf32, #tpu.memory_space<vmem>>, vector<1x16xf32>,
          %swap3A_1060 = vector.shape_cast %swap3A_1059 : vector<1x16xf32> to vector<16xf32>
          %swap3A_1061 = vector.shape_cast %max3A_1056 : vector<16xf32> to vector<1x16xf32>
          tpu.vector_store %arg11[%swap3A_1057, %swap3A_1058], %swap3A_1061 {strides = array<i32>} : memref<8x128xf32, #tpu.memory_space<vmem>>, vector<1x16xf32>,
        }
        %scan3A_137 = arith.constant 8 : i32
        %add3A_138 = arith.addi %select_n3A, %add3A_106 : i32
        %mul3A_139 = arith.constant 8 : i32
        %mul3A_140 = arith.muli %add3A_138, %mul3A_139 : i32
        %dma_start3A = arith.constant 0 : i32
        %dma_start3A_141 = tpu.memref_slice %arg4[%mul3A_140, %dma_start3A] : memref<20000x128xf32, #tpu.memory_space<hbm>> -> memref<8x128xf32, #tpu.memory_space<hbm>>
        %dma_start3A_142 = arith.constant 0 : i32
        %dma_start3A_143 = tpu.memref_slice %arg4[%mul3A_140, %dma_start3A_142] : memref<20000x128xf32, #tpu.memory_space<hbm>> -> memref<8x128xf32, #tpu.memory_space<hbm>>
        tpu.enqueue_dma source(%arg11 : memref<8x128xf32, #tpu.memory_space<vmem>>) target(%dma_start3A_143 : memref<8x128xf32, #tpu.memory_space<hbm>>) target_semaphore(%arg19 : memref<!tpu.dma_semaphore, #tpu.memory_space<semaphore_mem>>)
        %add3A_144 = arith.constant 4 : i32
        %add3A_145 = arith.addi %add3A_106, %add3A_144 : i32
        %lt3A_146 = arith.cmpi slt, %add3A_145, %sub3A_47 : i32
        %convert_element_type3A_147 = arith.extui %lt3A_146 : i1 to i32
        %cond3A_148 = arith.constant 0 : i32
        %cond3A_149 = arith.cmpi ne, %convert_element_type3A_147, %cond3A_148 : i32
        scf.if %cond3A_149 {
          %add3A_150 = arith.constant 4 : i32
          %add3A_151 = arith.addi %add3A_106, %add3A_150 : i32
          %add3A_152 = arith.addi %add3A_151, %sub3A_49 : i32
          %mul3A_153 = arith.constant 128 : i32
          %mul3A_154 = arith.muli %add3A_152, %mul3A_153 : i32
          %dma_start3A_155 = tpu.memref_slice %arg5[%mul3A_154] : memref<10240xi32, #tpu.memory_space<vmem>> -> memref<128xi32, #tpu.memory_space<vmem>>
          %dma_start3A_156 = arith.constant 0 : i32
          %dma_start3A_157 = arith.constant 0 : i32
          %dma_start3A_158 = tpu.memref_slice %arg2[%dma_start3A_156, %dma_start3A_157] : memref<20000x128xf32, #tpu.memory_space<hbm>> -> memref<20000x128xf32, #tpu.memory_space<hbm>>
          tpu.enqueue_indirect_dma source(%dma_start3A_158 : memref<20000x128xf32, #tpu.memory_space<hbm>>) target(%arg7 : memref<128x128xf32, #tpu.memory_space<vmem>>) offsets(%dma_start3A_155 : memref<128xi32, #tpu.memory_space<vmem>>) semaphore(%arg15 : memref<!tpu.dma_semaphore, #tpu.memory_space<semaphore_mem>>)
        } else {
        }
      } else {
      }
      %add3A_111 = arith.constant 2 : i32
      %add3A_112 = arith.addi %mul3A_99, %add3A_111 : i32
      %lt3A_113 = arith.cmpi slt, %add3A_112, %sub3A_47 : i32
      %convert_element_type3A_114 = arith.extui %lt3A_113 : i1 to i32
      %cond3A_115 = arith.constant 0 : i32
      %cond3A_116 = arith.cmpi ne, %convert_element_type3A_114, %cond3A_115 : i32
      scf.if %cond3A_116 {
        %dma_wait3A_123 = arith.constant 0 : i32
        %dma_wait3A_124 = tpu.memref_slice %arg5[%dma_wait3A_123] : memref<10240xi32, #tpu.memory_space<vmem>> -> memref<128xi32, #tpu.memory_space<vmem>>
        %dma_wait3A_125 = arith.constant 0 : i32
        %dma_wait3A_126 = arith.constant 0 : i32
        %dma_wait3A_127 = tpu.memref_slice %arg2[%dma_wait3A_125, %dma_wait3A_126] : memref<20000x128xf32, #tpu.memory_space<hbm>> -> memref<20000x128xf32, #tpu.memory_space<hbm>>
        tpu.wait_indirect_dma semaphore(%arg16 : memref<!tpu.dma_semaphore, #tpu.memory_space<semaphore_mem>>) src(%dma_wait3A_127 : memref<20000x128xf32, #tpu.memory_space<hbm>>) dst(%arg8 : memref<128x128xf32, #tpu.memory_space<vmem>>)
        %ge3A = arith.constant 4 : i32
        %ge3A_128 = arith.cmpi sge, %add3A_112, %ge3A : i32
        %convert_element_type3A_129 = arith.extui %ge3A_128 : i1 to i32
        %cond3A_130 = arith.constant 0 : i32
        %cond3A_131 = arith.cmpi ne, %convert_element_type3A_129, %cond3A_130 : i32
        scf.if %cond3A_131 {
          %dma_wait3A_150 = arith.constant 0 : i32
          %dma_wait3A_151 = arith.constant 0 : i32
          %dma_wait3A_152 = tpu.memref_slice %arg4[%dma_wait3A_150, %dma_wait3A_151] : memref<20000x128xf32, #tpu.memory_space<hbm>> -> memref<8x128xf32, #tpu.memory_space<hbm>>
          %dma_wait3A_153 = arith.constant 0 : i32
          %dma_wait3A_154 = arith.constant 0 : i32
          %dma_wait3A_155 = tpu.memref_slice %arg4[%dma_wait3A_153, %dma_wait3A_154] : memref<20000x128xf32, #tpu.memory_space<hbm>> -> memref<8x128xf32, #tpu.memory_space<hbm>>
          tpu.wait_dma2 semaphore(%arg20 : memref<!tpu.dma_semaphore, #tpu.memory_space<semaphore_mem>>) src(%arg12 : memref<8x128xf32, #tpu.memory_space<vmem>>) dst(%dma_wait3A_155 : memref<8x128xf32, #tpu.memory_space<hbm>>)
        } else {
        }
        %scan3A_132 = arith.constant 0 : i32
        %scan3A_133 = arith.constant 0 : i32
        %scan3A_134 = arith.constant 8 : i32
        %scan3A_135 = arith.addi %scan3A_133, %scan3A_134 : i32
        %scan3A_136 = arith.constant 1 : i32
        scf.for %scan3A_150 = %scan3A_133 to %scan3A_135 step %scan3A_136  : i32 {
          %mul3A_151 = arith.constant 16 : i32
          %mul3A_152 = arith.muli %scan3A_150, %mul3A_151 : i32
          %get3A = arith.index_cast %mul3A_152 : i32 to index
          %get3A_153 = arith.constant 0 : index
          %get3A_154 = tpu.vector_load %arg8[%get3A, %get3A_153] {strides = array<i32>} : memref<128x128xf32, #tpu.memory_space<vmem>>, vector<1x16xf32>,
          %get3A_155 = vector.shape_cast %get3A_154 : vector<1x16xf32> to vector<16xf32>
          %add3A_156 = arith.constant 1 : i32
          %add3A_157 = arith.addi %mul3A_152, %add3A_156 : i32
          %get3A_158 = arith.index_cast %add3A_157 : i32 to index
          %get3A_159 = arith.constant 0 : index
          %get3A_160 = tpu.vector_load %arg8[%get3A_158, %get3A_159] {strides = array<i32>} : memref<128x128xf32, #tpu.memory_space<vmem>>, vector<1x16xf32>,
          %get3A_161 = vector.shape_cast %get3A_160 : vector<1x16xf32> to vector<16xf32>
          %max3A = arith.maximumf %get3A_155, %get3A_161 : vector<16xf32>
          %add3A_162 = arith.constant 2 : i32
          %add3A_163 = arith.addi %mul3A_152, %add3A_162 : i32
          %get3A_164 = arith.index_cast %add3A_163 : i32 to index
          %get3A_165 = arith.constant 0 : index
          %get3A_166 = tpu.vector_load %arg8[%get3A_164, %get3A_165] {strides = array<i32>} : memref<128x128xf32, #tpu.memory_space<vmem>>, vector<1x16xf32>,
          %get3A_167 = vector.shape_cast %get3A_166 : vector<1x16xf32> to vector<16xf32>
          %max3A_168 = arith.maximumf %max3A, %get3A_167 : vector<16xf32>
          %add3A_169 = arith.constant 3 : i32
          %add3A_170 = arith.addi %mul3A_152, %add3A_169 : i32
          %get3A_171 = arith.index_cast %add3A_170 : i32 to index
          %get3A_172 = arith.constant 0 : index
          %get3A_173 = tpu.vector_load %arg8[%get3A_171, %get3A_172] {strides = array<i32>} : memref<128x128xf32, #tpu.memory_space<vmem>>, vector<1x16xf32>,
          %get3A_174 = vector.shape_cast %get3A_173 : vector<1x16xf32> to vector<16xf32>
          %max3A_175 = arith.maximumf %max3A_168, %get3A_174 : vector<16xf32>
          %add3A_176 = arith.constant 4 : i32
          %add3A_177 = arith.addi %mul3A_152, %add3A_176 : i32
          %get3A_178 = arith.index_cast %add3A_177 : i32 to index
          %get3A_179 = arith.constant 0 : index
          %get3A_180 = tpu.vector_load %arg8[%get3A_178, %get3A_179] {strides = array<i32>} : memref<128x128xf32, #tpu.memory_space<vmem>>, vector<1x16xf32>,
          %get3A_181 = vector.shape_cast %get3A_180 : vector<1x16xf32> to vector<16xf32>
          %max3A_182 = arith.maximumf %max3A_175, %get3A_181 : vector<16xf32>
          %add3A_183 = arith.constant 5 : i32
          %add3A_184 = arith.addi %mul3A_152, %add3A_183 : i32
          %get3A_185 = arith.index_cast %add3A_184 : i32 to index
          %get3A_186 = arith.constant 0 : index
          %get3A_187 = tpu.vector_load %arg8[%get3A_185, %get3A_186] {strides = array<i32>} : memref<128x128xf32, #tpu.memory_space<vmem>>, vector<1x16xf32>,
          %get3A_188 = vector.shape_cast %get3A_187 : vector<1x16xf32> to vector<16xf32>
          %max3A_189 = arith.maximumf %max3A_182, %get3A_188 : vector<16xf32>
          %add3A_190 = arith.constant 6 : i32
          %add3A_191 = arith.addi %mul3A_152, %add3A_190 : i32
          %get3A_192 = arith.index_cast %add3A_191 : i32 to index
          %get3A_193 = arith.constant 0 : index
          %get3A_194 = tpu.vector_load %arg8[%get3A_192, %get3A_193] {strides = array<i32>} : memref<128x128xf32, #tpu.memory_space<vmem>>, vector<1x16xf32>,
          %get3A_195 = vector.shape_cast %get3A_194 : vector<1x16xf32> to vector<16xf32>
          %max3A_196 = arith.maximumf %max3A_189, %get3A_195 : vector<16xf32>
          %add3A_197 = arith.constant 7 : i32
          %add3A_198 = arith.addi %mul3A_152, %add3A_197 : i32
          %get3A_199 = arith.index_cast %add3A_198 : i32 to index
          %get3A_200 = arith.constant 0 : index
          %get3A_201 = tpu.vector_load %arg8[%get3A_199, %get3A_200] {strides = array<i32>} : memref<128x128xf32, #tpu.memory_space<vmem>>, vector<1x16xf32>,
          %get3A_202 = vector.shape_cast %get3A_201 : vector<1x16xf32> to vector<16xf32>
          %max3A_203 = arith.maximumf %max3A_196, %get3A_202 : vector<16xf32>
          %add3A_204 = arith.constant 8 : i32
          %add3A_205 = arith.addi %mul3A_152, %add3A_204 : i32
          %get3A_206 = arith.index_cast %add3A_205 : i32 to index
          %get3A_207 = arith.constant 0 : index
          %get3A_208 = tpu.vector_load %arg8[%get3A_206, %get3A_207] {strides = array<i32>} : memref<128x128xf32, #tpu.memory_space<vmem>>, vector<1x16xf32>,
          %get3A_209 = vector.shape_cast %get3A_208 : vector<1x16xf32> to vector<16xf32>
          %max3A_210 = arith.maximumf %max3A_203, %get3A_209 : vector<16xf32>
          %add3A_211 = arith.constant 9 : i32
          %add3A_212 = arith.addi %mul3A_152, %add3A_211 : i32
          %get3A_213 = arith.index_cast %add3A_212 : i32 to index
          %get3A_214 = arith.constant 0 : index
          %get3A_215 = tpu.vector_load %arg8[%get3A_213, %get3A_214] {strides = array<i32>} : memref<128x128xf32, #tpu.memory_space<vmem>>, vector<1x16xf32>,
          %get3A_216 = vector.shape_cast %get3A_215 : vector<1x16xf32> to vector<16xf32>
          %max3A_217 = arith.maximumf %max3A_210, %get3A_216 : vector<16xf32>
          %add3A_218 = arith.constant 10 : i32
          %add3A_219 = arith.addi %mul3A_152, %add3A_218 : i32
          %get3A_220 = arith.index_cast %add3A_219 : i32 to index
          %get3A_221 = arith.constant 0 : index
          %get3A_222 = tpu.vector_load %arg8[%get3A_220, %get3A_221] {strides = array<i32>} : memref<128x128xf32, #tpu.memory_space<vmem>>, vector<1x16xf32>,
          %get3A_223 = vector.shape_cast %get3A_222 : vector<1x16xf32> to vector<16xf32>
          %max3A_224 = arith.maximumf %max3A_217, %get3A_223 : vector<16xf32>
          %add3A_225 = arith.constant 11 : i32
          %add3A_226 = arith.addi %mul3A_152, %add3A_225 : i32
          %get3A_227 = arith.index_cast %add3A_226 : i32 to index
          %get3A_228 = arith.constant 0 : index
          %get3A_229 = tpu.vector_load %arg8[%get3A_227, %get3A_228] {strides = array<i32>} : memref<128x128xf32, #tpu.memory_space<vmem>>, vector<1x16xf32>,
          %get3A_230 = vector.shape_cast %get3A_229 : vector<1x16xf32> to vector<16xf32>
          %max3A_231 = arith.maximumf %max3A_224, %get3A_230 : vector<16xf32>
          %add3A_232 = arith.constant 12 : i32
          %add3A_233 = arith.addi %mul3A_152, %add3A_232 : i32
          %get3A_234 = arith.index_cast %add3A_233 : i32 to index
          %get3A_235 = arith.constant 0 : index
          %get3A_236 = tpu.vector_load %arg8[%get3A_234, %get3A_235] {strides = array<i32>} : memref<128x128xf32, #tpu.memory_space<vmem>>, vector<1x16xf32>,
          %get3A_237 = vector.shape_cast %get3A_236 : vector<1x16xf32> to vector<16xf32>
          %max3A_238 = arith.maximumf %max3A_231, %get3A_237 : vector<16xf32>
          %add3A_239 = arith.constant 13 : i32
          %add3A_240 = arith.addi %mul3A_152, %add3A_239 : i32
          %get3A_241 = arith.index_cast %add3A_240 : i32 to index
          %get3A_242 = arith.constant 0 : index
          %get3A_243 = tpu.vector_load %arg8[%get3A_241, %get3A_242] {strides = array<i32>} : memref<128x128xf32, #tpu.memory_space<vmem>>, vector<1x16xf32>,
          %get3A_244 = vector.shape_cast %get3A_243 : vector<1x16xf32> to vector<16xf32>
          %max3A_245 = arith.maximumf %max3A_238, %get3A_244 : vector<16xf32>
          %add3A_246 = arith.constant 14 : i32
          %add3A_247 = arith.addi %mul3A_152, %add3A_246 : i32
          %get3A_248 = arith.index_cast %add3A_247 : i32 to index
          %get3A_249 = arith.constant 0 : index
          %get3A_250 = tpu.vector_load %arg8[%get3A_248, %get3A_249] {strides = array<i32>} : memref<128x128xf32, #tpu.memory_space<vmem>>, vector<1x16xf32>,
          %get3A_251 = vector.shape_cast %get3A_250 : vector<1x16xf32> to vector<16xf32>
          %max3A_252 = arith.maximumf %max3A_245, %get3A_251 : vector<16xf32>
          %add3A_253 = arith.constant 15 : i32
          %add3A_254 = arith.addi %mul3A_152, %add3A_253 : i32
          %get3A_255 = arith.index_cast %add3A_254 : i32 to index
          %get3A_256 = arith.constant 0 : index
          %get3A_257 = tpu.vector_load %arg8[%get3A_255, %get3A_256] {strides = array<i32>} : memref<128x128xf32, #tpu.memory_space<vmem>>, vector<1x16xf32>,
          %get3A_258 = vector.shape_cast %get3A_257 : vector<1x16xf32> to vector<16xf32>
          %max3A_259 = arith.maximumf %max3A_252, %get3A_258 : vector<16xf32>
          %swap3A = arith.index_cast %scan3A_150 : i32 to index
          %swap3A_260 = arith.constant 0 : index
          %swap3A_261 = tpu.vector_load %arg12[%swap3A, %swap3A_260] {strides = array<i32>} : memref<8x128xf32, #tpu.memory_space<vmem>>, vector<1x16xf32>,
          %swap3A_262 = vector.shape_cast %swap3A_261 : vector<1x16xf32> to vector<16xf32>
          %swap3A_263 = vector.shape_cast %max3A_259 : vector<16xf32> to vector<1x16xf32>
          tpu.vector_store %arg12[%swap3A, %swap3A_260], %swap3A_263 {strides = array<i32>} : memref<8x128xf32, #tpu.memory_space<vmem>>, vector<1x16xf32>,
          %get3A_264 = arith.index_cast %mul3A_152 : i32 to index
          %get3A_265 = arith.constant 16 : index
          %get3A_266 = tpu.vector_load %arg8[%get3A_264, %get3A_265] {strides = array<i32>} : memref<128x128xf32, #tpu.memory_space<vmem>>, vector<1x16xf32>,
          %get3A_267 = vector.shape_cast %get3A_266 : vector<1x16xf32> to vector<16xf32>
          %add3A_268 = arith.constant 1 : i32
          %add3A_269 = arith.addi %mul3A_152, %add3A_268 : i32
          %get3A_270 = arith.index_cast %add3A_269 : i32 to index
          %get3A_271 = arith.constant 16 : index
          %get3A_272 = tpu.vector_load %arg8[%get3A_270, %get3A_271] {strides = array<i32>} : memref<128x128xf32, #tpu.memory_space<vmem>>, vector<1x16xf32>,
          %get3A_273 = vector.shape_cast %get3A_272 : vector<1x16xf32> to vector<16xf32>
          %max3A_274 = arith.maximumf %get3A_267, %get3A_273 : vector<16xf32>
          %add3A_275 = arith.constant 2 : i32
          %add3A_276 = arith.addi %mul3A_152, %add3A_275 : i32
          %get3A_277 = arith.index_cast %add3A_276 : i32 to index
          %get3A_278 = arith.constant 16 : index
          %get3A_279 = tpu.vector_load %arg8[%get3A_277, %get3A_278] {strides = array<i32>} : memref<128x128xf32, #tpu.memory_space<vmem>>, vector<1x16xf32>,
          %get3A_280 = vector.shape_cast %get3A_279 : vector<1x16xf32> to vector<16xf32>
          %max3A_281 = arith.maximumf %max3A_274, %get3A_280 : vector<16xf32>
          %add3A_282 = arith.constant 3 : i32
          %add3A_283 = arith.addi %mul3A_152, %add3A_282 : i32
          %get3A_284 = arith.index_cast %add3A_283 : i32 to index
          %get3A_285 = arith.constant 16 : index
          %get3A_286 = tpu.vector_load %arg8[%get3A_284, %get3A_285] {strides = array<i32>} : memref<128x128xf32, #tpu.memory_space<vmem>>, vector<1x16xf32>,
          %get3A_287 = vector.shape_cast %get3A_286 : vector<1x16xf32> to vector<16xf32>
          %max3A_288 = arith.maximumf %max3A_281, %get3A_287 : vector<16xf32>
          %add3A_289 = arith.constant 4 : i32
          %add3A_290 = arith.addi %mul3A_152, %add3A_289 : i32
          %get3A_291 = arith.index_cast %add3A_290 : i32 to index
          %get3A_292 = arith.constant 16 : index
          %get3A_293 = tpu.vector_load %arg8[%get3A_291, %get3A_292] {strides = array<i32>} : memref<128x128xf32, #tpu.memory_space<vmem>>, vector<1x16xf32>,
          %get3A_294 = vector.shape_cast %get3A_293 : vector<1x16xf32> to vector<16xf32>
          %max3A_295 = arith.maximumf %max3A_288, %get3A_294 : vector<16xf32>
          %add3A_296 = arith.constant 5 : i32
          %add3A_297 = arith.addi %mul3A_152, %add3A_296 : i32
          %get3A_298 = arith.index_cast %add3A_297 : i32 to index
          %get3A_299 = arith.constant 16 : index
          %get3A_300 = tpu.vector_load %arg8[%get3A_298, %get3A_299] {strides = array<i32>} : memref<128x128xf32, #tpu.memory_space<vmem>>, vector<1x16xf32>,
          %get3A_301 = vector.shape_cast %get3A_300 : vector<1x16xf32> to vector<16xf32>
          %max3A_302 = arith.maximumf %max3A_295, %get3A_301 : vector<16xf32>
          %add3A_303 = arith.constant 6 : i32
          %add3A_304 = arith.addi %mul3A_152, %add3A_303 : i32
          %get3A_305 = arith.index_cast %add3A_304 : i32 to index
          %get3A_306 = arith.constant 16 : index
          %get3A_307 = tpu.vector_load %arg8[%get3A_305, %get3A_306] {strides = array<i32>} : memref<128x128xf32, #tpu.memory_space<vmem>>, vector<1x16xf32>,
          %get3A_308 = vector.shape_cast %get3A_307 : vector<1x16xf32> to vector<16xf32>
          %max3A_309 = arith.maximumf %max3A_302, %get3A_308 : vector<16xf32>
          %add3A_310 = arith.constant 7 : i32
          %add3A_311 = arith.addi %mul3A_152, %add3A_310 : i32
          %get3A_312 = arith.index_cast %add3A_311 : i32 to index
          %get3A_313 = arith.constant 16 : index
          %get3A_314 = tpu.vector_load %arg8[%get3A_312, %get3A_313] {strides = array<i32>} : memref<128x128xf32, #tpu.memory_space<vmem>>, vector<1x16xf32>,
          %get3A_315 = vector.shape_cast %get3A_314 : vector<1x16xf32> to vector<16xf32>
          %max3A_316 = arith.maximumf %max3A_309, %get3A_315 : vector<16xf32>
          %add3A_317 = arith.constant 8 : i32
          %add3A_318 = arith.addi %mul3A_152, %add3A_317 : i32
          %get3A_319 = arith.index_cast %add3A_318 : i32 to index
          %get3A_320 = arith.constant 16 : index
          %get3A_321 = tpu.vector_load %arg8[%get3A_319, %get3A_320] {strides = array<i32>} : memref<128x128xf32, #tpu.memory_space<vmem>>, vector<1x16xf32>,
          %get3A_322 = vector.shape_cast %get3A_321 : vector<1x16xf32> to vector<16xf32>
          %max3A_323 = arith.maximumf %max3A_316, %get3A_322 : vector<16xf32>
          %add3A_324 = arith.constant 9 : i32
          %add3A_325 = arith.addi %mul3A_152, %add3A_324 : i32
          %get3A_326 = arith.index_cast %add3A_325 : i32 to index
          %get3A_327 = arith.constant 16 : index
          %get3A_328 = tpu.vector_load %arg8[%get3A_326, %get3A_327] {strides = array<i32>} : memref<128x128xf32, #tpu.memory_space<vmem>>, vector<1x16xf32>,
          %get3A_329 = vector.shape_cast %get3A_328 : vector<1x16xf32> to vector<16xf32>
          %max3A_330 = arith.maximumf %max3A_323, %get3A_329 : vector<16xf32>
          %add3A_331 = arith.constant 10 : i32
          %add3A_332 = arith.addi %mul3A_152, %add3A_331 : i32
          %get3A_333 = arith.index_cast %add3A_332 : i32 to index
          %get3A_334 = arith.constant 16 : index
          %get3A_335 = tpu.vector_load %arg8[%get3A_333, %get3A_334] {strides = array<i32>} : memref<128x128xf32, #tpu.memory_space<vmem>>, vector<1x16xf32>,
          %get3A_336 = vector.shape_cast %get3A_335 : vector<1x16xf32> to vector<16xf32>
          %max3A_337 = arith.maximumf %max3A_330, %get3A_336 : vector<16xf32>
          %add3A_338 = arith.constant 11 : i32
          %add3A_339 = arith.addi %mul3A_152, %add3A_338 : i32
          %get3A_340 = arith.index_cast %add3A_339 : i32 to index
          %get3A_341 = arith.constant 16 : index
          %get3A_342 = tpu.vector_load %arg8[%get3A_340, %get3A_341] {strides = array<i32>} : memref<128x128xf32, #tpu.memory_space<vmem>>, vector<1x16xf32>,
          %get3A_343 = vector.shape_cast %get3A_342 : vector<1x16xf32> to vector<16xf32>
          %max3A_344 = arith.maximumf %max3A_337, %get3A_343 : vector<16xf32>
          %add3A_345 = arith.constant 12 : i32
          %add3A_346 = arith.addi %mul3A_152, %add3A_345 : i32
          %get3A_347 = arith.index_cast %add3A_346 : i32 to index
          %get3A_348 = arith.constant 16 : index
          %get3A_349 = tpu.vector_load %arg8[%get3A_347, %get3A_348] {strides = array<i32>} : memref<128x128xf32, #tpu.memory_space<vmem>>, vector<1x16xf32>,
          %get3A_350 = vector.shape_cast %get3A_349 : vector<1x16xf32> to vector<16xf32>
          %max3A_351 = arith.maximumf %max3A_344, %get3A_350 : vector<16xf32>
          %add3A_352 = arith.constant 13 : i32
          %add3A_353 = arith.addi %mul3A_152, %add3A_352 : i32
          %get3A_354 = arith.index_cast %add3A_353 : i32 to index
          %get3A_355 = arith.constant 16 : index
          %get3A_356 = tpu.vector_load %arg8[%get3A_354, %get3A_355] {strides = array<i32>} : memref<128x128xf32, #tpu.memory_space<vmem>>, vector<1x16xf32>,
          %get3A_357 = vector.shape_cast %get3A_356 : vector<1x16xf32> to vector<16xf32>
          %max3A_358 = arith.maximumf %max3A_351, %get3A_357 : vector<16xf32>
          %add3A_359 = arith.constant 14 : i32
          %add3A_360 = arith.addi %mul3A_152, %add3A_359 : i32
          %get3A_361 = arith.index_cast %add3A_360 : i32 to index
          %get3A_362 = arith.constant 16 : index
          %get3A_363 = tpu.vector_load %arg8[%get3A_361, %get3A_362] {strides = array<i32>} : memref<128x128xf32, #tpu.memory_space<vmem>>, vector<1x16xf32>,
          %get3A_364 = vector.shape_cast %get3A_363 : vector<1x16xf32> to vector<16xf32>
          %max3A_365 = arith.maximumf %max3A_358, %get3A_364 : vector<16xf32>
          %add3A_366 = arith.constant 15 : i32
          %add3A_367 = arith.addi %mul3A_152, %add3A_366 : i32
          %get3A_368 = arith.index_cast %add3A_367 : i32 to index
          %get3A_369 = arith.constant 16 : index
          %get3A_370 = tpu.vector_load %arg8[%get3A_368, %get3A_369] {strides = array<i32>} : memref<128x128xf32, #tpu.memory_space<vmem>>, vector<1x16xf32>,
          %get3A_371 = vector.shape_cast %get3A_370 : vector<1x16xf32> to vector<16xf32>
          %max3A_372 = arith.maximumf %max3A_365, %get3A_371 : vector<16xf32>
          %swap3A_373 = arith.index_cast %scan3A_150 : i32 to index
          %swap3A_374 = arith.constant 16 : index
          %swap3A_375 = tpu.vector_load %arg12[%swap3A_373, %swap3A_374] {strides = array<i32>} : memref<8x128xf32, #tpu.memory_space<vmem>>, vector<1x16xf32>,
          %swap3A_376 = vector.shape_cast %swap3A_375 : vector<1x16xf32> to vector<16xf32>
          %swap3A_377 = vector.shape_cast %max3A_372 : vector<16xf32> to vector<1x16xf32>
          tpu.vector_store %arg12[%swap3A_373, %swap3A_374], %swap3A_377 {strides = array<i32>} : memref<8x128xf32, #tpu.memory_space<vmem>>, vector<1x16xf32>,
          %get3A_378 = arith.index_cast %mul3A_152 : i32 to index
          %get3A_379 = arith.constant 32 : index
          %get3A_380 = tpu.vector_load %arg8[%get3A_378, %get3A_379] {strides = array<i32>} : memref<128x128xf32, #tpu.memory_space<vmem>>, vector<1x16xf32>,
          %get3A_381 = vector.shape_cast %get3A_380 : vector<1x16xf32> to vector<16xf32>
          %add3A_382 = arith.constant 1 : i32
          %add3A_383 = arith.addi %mul3A_152, %add3A_382 : i32
          %get3A_384 = arith.index_cast %add3A_383 : i32 to index
          %get3A_385 = arith.constant 32 : index
          %get3A_386 = tpu.vector_load %arg8[%get3A_384, %get3A_385] {strides = array<i32>} : memref<128x128xf32, #tpu.memory_space<vmem>>, vector<1x16xf32>,
          %get3A_387 = vector.shape_cast %get3A_386 : vector<1x16xf32> to vector<16xf32>
          %max3A_388 = arith.maximumf %get3A_381, %get3A_387 : vector<16xf32>
          %add3A_389 = arith.constant 2 : i32
          %add3A_390 = arith.addi %mul3A_152, %add3A_389 : i32
          %get3A_391 = arith.index_cast %add3A_390 : i32 to index
          %get3A_392 = arith.constant 32 : index
          %get3A_393 = tpu.vector_load %arg8[%get3A_391, %get3A_392] {strides = array<i32>} : memref<128x128xf32, #tpu.memory_space<vmem>>, vector<1x16xf32>,
          %get3A_394 = vector.shape_cast %get3A_393 : vector<1x16xf32> to vector<16xf32>
          %max3A_395 = arith.maximumf %max3A_388, %get3A_394 : vector<16xf32>
          %add3A_396 = arith.constant 3 : i32
          %add3A_397 = arith.addi %mul3A_152, %add3A_396 : i32
          %get3A_398 = arith.index_cast %add3A_397 : i32 to index
          %get3A_399 = arith.constant 32 : index
          %get3A_400 = tpu.vector_load %arg8[%get3A_398, %get3A_399] {strides = array<i32>} : memref<128x128xf32, #tpu.memory_space<vmem>>, vector<1x16xf32>,
          %get3A_401 = vector.shape_cast %get3A_400 : vector<1x16xf32> to vector<16xf32>
          %max3A_402 = arith.maximumf %max3A_395, %get3A_401 : vector<16xf32>
          %add3A_403 = arith.constant 4 : i32
          %add3A_404 = arith.addi %mul3A_152, %add3A_403 : i32
          %get3A_405 = arith.index_cast %add3A_404 : i32 to index
          %get3A_406 = arith.constant 32 : index
          %get3A_407 = tpu.vector_load %arg8[%get3A_405, %get3A_406] {strides = array<i32>} : memref<128x128xf32, #tpu.memory_space<vmem>>, vector<1x16xf32>,
          %get3A_408 = vector.shape_cast %get3A_407 : vector<1x16xf32> to vector<16xf32>
          %max3A_409 = arith.maximumf %max3A_402, %get3A_408 : vector<16xf32>
          %add3A_410 = arith.constant 5 : i32
          %add3A_411 = arith.addi %mul3A_152, %add3A_410 : i32
          %get3A_412 = arith.index_cast %add3A_411 : i32 to index
          %get3A_413 = arith.constant 32 : index
          %get3A_414 = tpu.vector_load %arg8[%get3A_412, %get3A_413] {strides = array<i32>} : memref<128x128xf32, #tpu.memory_space<vmem>>, vector<1x16xf32>,
          %get3A_415 = vector.shape_cast %get3A_414 : vector<1x16xf32> to vector<16xf32>
          %max3A_416 = arith.maximumf %max3A_409, %get3A_415 : vector<16xf32>
          %add3A_417 = arith.constant 6 : i32
          %add3A_418 = arith.addi %mul3A_152, %add3A_417 : i32
          %get3A_419 = arith.index_cast %add3A_418 : i32 to index
          %get3A_420 = arith.constant 32 : index
          %get3A_421 = tpu.vector_load %arg8[%get3A_419, %get3A_420] {strides = array<i32>} : memref<128x128xf32, #tpu.memory_space<vmem>>, vector<1x16xf32>,
          %get3A_422 = vector.shape_cast %get3A_421 : vector<1x16xf32> to vector<16xf32>
          %max3A_423 = arith.maximumf %max3A_416, %get3A_422 : vector<16xf32>
          %add3A_424 = arith.constant 7 : i32
          %add3A_425 = arith.addi %mul3A_152, %add3A_424 : i32
          %get3A_426 = arith.index_cast %add3A_425 : i32 to index
          %get3A_427 = arith.constant 32 : index
          %get3A_428 = tpu.vector_load %arg8[%get3A_426, %get3A_427] {strides = array<i32>} : memref<128x128xf32, #tpu.memory_space<vmem>>, vector<1x16xf32>,
          %get3A_429 = vector.shape_cast %get3A_428 : vector<1x16xf32> to vector<16xf32>
          %max3A_430 = arith.maximumf %max3A_423, %get3A_429 : vector<16xf32>
          %add3A_431 = arith.constant 8 : i32
          %add3A_432 = arith.addi %mul3A_152, %add3A_431 : i32
          %get3A_433 = arith.index_cast %add3A_432 : i32 to index
          %get3A_434 = arith.constant 32 : index
          %get3A_435 = tpu.vector_load %arg8[%get3A_433, %get3A_434] {strides = array<i32>} : memref<128x128xf32, #tpu.memory_space<vmem>>, vector<1x16xf32>,
          %get3A_436 = vector.shape_cast %get3A_435 : vector<1x16xf32> to vector<16xf32>
          %max3A_437 = arith.maximumf %max3A_430, %get3A_436 : vector<16xf32>
          %add3A_438 = arith.constant 9 : i32
          %add3A_439 = arith.addi %mul3A_152, %add3A_438 : i32
          %get3A_440 = arith.index_cast %add3A_439 : i32 to index
          %get3A_441 = arith.constant 32 : index
          %get3A_442 = tpu.vector_load %arg8[%get3A_440, %get3A_441] {strides = array<i32>} : memref<128x128xf32, #tpu.memory_space<vmem>>, vector<1x16xf32>,
          %get3A_443 = vector.shape_cast %get3A_442 : vector<1x16xf32> to vector<16xf32>
          %max3A_444 = arith.maximumf %max3A_437, %get3A_443 : vector<16xf32>
          %add3A_445 = arith.constant 10 : i32
          %add3A_446 = arith.addi %mul3A_152, %add3A_445 : i32
          %get3A_447 = arith.index_cast %add3A_446 : i32 to index
          %get3A_448 = arith.constant 32 : index
          %get3A_449 = tpu.vector_load %arg8[%get3A_447, %get3A_448] {strides = array<i32>} : memref<128x128xf32, #tpu.memory_space<vmem>>, vector<1x16xf32>,
          %get3A_450 = vector.shape_cast %get3A_449 : vector<1x16xf32> to vector<16xf32>
          %max3A_451 = arith.maximumf %max3A_444, %get3A_450 : vector<16xf32>
          %add3A_452 = arith.constant 11 : i32
          %add3A_453 = arith.addi %mul3A_152, %add3A_452 : i32
          %get3A_454 = arith.index_cast %add3A_453 : i32 to index
          %get3A_455 = arith.constant 32 : index
          %get3A_456 = tpu.vector_load %arg8[%get3A_454, %get3A_455] {strides = array<i32>} : memref<128x128xf32, #tpu.memory_space<vmem>>, vector<1x16xf32>,
          %get3A_457 = vector.shape_cast %get3A_456 : vector<1x16xf32> to vector<16xf32>
          %max3A_458 = arith.maximumf %max3A_451, %get3A_457 : vector<16xf32>
          %add3A_459 = arith.constant 12 : i32
          %add3A_460 = arith.addi %mul3A_152, %add3A_459 : i32
          %get3A_461 = arith.index_cast %add3A_460 : i32 to index
          %get3A_462 = arith.constant 32 : index
          %get3A_463 = tpu.vector_load %arg8[%get3A_461, %get3A_462] {strides = array<i32>} : memref<128x128xf32, #tpu.memory_space<vmem>>, vector<1x16xf32>,
          %get3A_464 = vector.shape_cast %get3A_463 : vector<1x16xf32> to vector<16xf32>
          %max3A_465 = arith.maximumf %max3A_458, %get3A_464 : vector<16xf32>
          %add3A_466 = arith.constant 13 : i32
          %add3A_467 = arith.addi %mul3A_152, %add3A_466 : i32
          %get3A_468 = arith.index_cast %add3A_467 : i32 to index
          %get3A_469 = arith.constant 32 : index
          %get3A_470 = tpu.vector_load %arg8[%get3A_468, %get3A_469] {strides = array<i32>} : memref<128x128xf32, #tpu.memory_space<vmem>>, vector<1x16xf32>,
          %get3A_471 = vector.shape_cast %get3A_470 : vector<1x16xf32> to vector<16xf32>
          %max3A_472 = arith.maximumf %max3A_465, %get3A_471 : vector<16xf32>
          %add3A_473 = arith.constant 14 : i32
          %add3A_474 = arith.addi %mul3A_152, %add3A_473 : i32
          %get3A_475 = arith.index_cast %add3A_474 : i32 to index
          %get3A_476 = arith.constant 32 : index
          %get3A_477 = tpu.vector_load %arg8[%get3A_475, %get3A_476] {strides = array<i32>} : memref<128x128xf32, #tpu.memory_space<vmem>>, vector<1x16xf32>,
          %get3A_478 = vector.shape_cast %get3A_477 : vector<1x16xf32> to vector<16xf32>
          %max3A_479 = arith.maximumf %max3A_472, %get3A_478 : vector<16xf32>
          %add3A_480 = arith.constant 15 : i32
          %add3A_481 = arith.addi %mul3A_152, %add3A_480 : i32
          %get3A_482 = arith.index_cast %add3A_481 : i32 to index
          %get3A_483 = arith.constant 32 : index
          %get3A_484 = tpu.vector_load %arg8[%get3A_482, %get3A_483] {strides = array<i32>} : memref<128x128xf32, #tpu.memory_space<vmem>>, vector<1x16xf32>,
          %get3A_485 = vector.shape_cast %get3A_484 : vector<1x16xf32> to vector<16xf32>
          %max3A_486 = arith.maximumf %max3A_479, %get3A_485 : vector<16xf32>
          %swap3A_487 = arith.index_cast %scan3A_150 : i32 to index
          %swap3A_488 = arith.constant 32 : index
          %swap3A_489 = tpu.vector_load %arg12[%swap3A_487, %swap3A_488] {strides = array<i32>} : memref<8x128xf32, #tpu.memory_space<vmem>>, vector<1x16xf32>,
          %swap3A_490 = vector.shape_cast %swap3A_489 : vector<1x16xf32> to vector<16xf32>
          %swap3A_491 = vector.shape_cast %max3A_486 : vector<16xf32> to vector<1x16xf32>
          tpu.vector_store %arg12[%swap3A_487, %swap3A_488], %swap3A_491 {strides = array<i32>} : memref<8x128xf32, #tpu.memory_space<vmem>>, vector<1x16xf32>,
          %get3A_492 = arith.index_cast %mul3A_152 : i32 to index
          %get3A_493 = arith.constant 48 : index
          %get3A_494 = tpu.vector_load %arg8[%get3A_492, %get3A_493] {strides = array<i32>} : memref<128x128xf32, #tpu.memory_space<vmem>>, vector<1x16xf32>,
          %get3A_495 = vector.shape_cast %get3A_494 : vector<1x16xf32> to vector<16xf32>
          %add3A_496 = arith.constant 1 : i32
          %add3A_497 = arith.addi %mul3A_152, %add3A_496 : i32
          %get3A_498 = arith.index_cast %add3A_497 : i32 to index
          %get3A_499 = arith.constant 48 : index
          %get3A_500 = tpu.vector_load %arg8[%get3A_498, %get3A_499] {strides = array<i32>} : memref<128x128xf32, #tpu.memory_space<vmem>>, vector<1x16xf32>,
          %get3A_501 = vector.shape_cast %get3A_500 : vector<1x16xf32> to vector<16xf32>
          %max3A_502 = arith.maximumf %get3A_495, %get3A_501 : vector<16xf32>
          %add3A_503 = arith.constant 2 : i32
          %add3A_504 = arith.addi %mul3A_152, %add3A_503 : i32
          %get3A_505 = arith.index_cast %add3A_504 : i32 to index
          %get3A_506 = arith.constant 48 : index
          %get3A_507 = tpu.vector_load %arg8[%get3A_505, %get3A_506] {strides = array<i32>} : memref<128x128xf32, #tpu.memory_space<vmem>>, vector<1x16xf32>,
          %get3A_508 = vector.shape_cast %get3A_507 : vector<1x16xf32> to vector<16xf32>
          %max3A_509 = arith.maximumf %max3A_502, %get3A_508 : vector<16xf32>
          %add3A_510 = arith.constant 3 : i32
          %add3A_511 = arith.addi %mul3A_152, %add3A_510 : i32
          %get3A_512 = arith.index_cast %add3A_511 : i32 to index
          %get3A_513 = arith.constant 48 : index
          %get3A_514 = tpu.vector_load %arg8[%get3A_512, %get3A_513] {strides = array<i32>} : memref<128x128xf32, #tpu.memory_space<vmem>>, vector<1x16xf32>,
          %get3A_515 = vector.shape_cast %get3A_514 : vector<1x16xf32> to vector<16xf32>
          %max3A_516 = arith.maximumf %max3A_509, %get3A_515 : vector<16xf32>
          %add3A_517 = arith.constant 4 : i32
          %add3A_518 = arith.addi %mul3A_152, %add3A_517 : i32
          %get3A_519 = arith.index_cast %add3A_518 : i32 to index
          %get3A_520 = arith.constant 48 : index
          %get3A_521 = tpu.vector_load %arg8[%get3A_519, %get3A_520] {strides = array<i32>} : memref<128x128xf32, #tpu.memory_space<vmem>>, vector<1x16xf32>,
          %get3A_522 = vector.shape_cast %get3A_521 : vector<1x16xf32> to vector<16xf32>
          %max3A_523 = arith.maximumf %max3A_516, %get3A_522 : vector<16xf32>
          %add3A_524 = arith.constant 5 : i32
          %add3A_525 = arith.addi %mul3A_152, %add3A_524 : i32
          %get3A_526 = arith.index_cast %add3A_525 : i32 to index
          %get3A_527 = arith.constant 48 : index
          %get3A_528 = tpu.vector_load %arg8[%get3A_526, %get3A_527] {strides = array<i32>} : memref<128x128xf32, #tpu.memory_space<vmem>>, vector<1x16xf32>,
          %get3A_529 = vector.shape_cast %get3A_528 : vector<1x16xf32> to vector<16xf32>
          %max3A_530 = arith.maximumf %max3A_523, %get3A_529 : vector<16xf32>
          %add3A_531 = arith.constant 6 : i32
          %add3A_532 = arith.addi %mul3A_152, %add3A_531 : i32
          %get3A_533 = arith.index_cast %add3A_532 : i32 to index
          %get3A_534 = arith.constant 48 : index
          %get3A_535 = tpu.vector_load %arg8[%get3A_533, %get3A_534] {strides = array<i32>} : memref<128x128xf32, #tpu.memory_space<vmem>>, vector<1x16xf32>,
          %get3A_536 = vector.shape_cast %get3A_535 : vector<1x16xf32> to vector<16xf32>
          %max3A_537 = arith.maximumf %max3A_530, %get3A_536 : vector<16xf32>
          %add3A_538 = arith.constant 7 : i32
          %add3A_539 = arith.addi %mul3A_152, %add3A_538 : i32
          %get3A_540 = arith.index_cast %add3A_539 : i32 to index
          %get3A_541 = arith.constant 48 : index
          %get3A_542 = tpu.vector_load %arg8[%get3A_540, %get3A_541] {strides = array<i32>} : memref<128x128xf32, #tpu.memory_space<vmem>>, vector<1x16xf32>,
          %get3A_543 = vector.shape_cast %get3A_542 : vector<1x16xf32> to vector<16xf32>
          %max3A_544 = arith.maximumf %max3A_537, %get3A_543 : vector<16xf32>
          %add3A_545 = arith.constant 8 : i32
          %add3A_546 = arith.addi %mul3A_152, %add3A_545 : i32
          %get3A_547 = arith.index_cast %add3A_546 : i32 to index
          %get3A_548 = arith.constant 48 : index
          %get3A_549 = tpu.vector_load %arg8[%get3A_547, %get3A_548] {strides = array<i32>} : memref<128x128xf32, #tpu.memory_space<vmem>>, vector<1x16xf32>,
          %get3A_550 = vector.shape_cast %get3A_549 : vector<1x16xf32> to vector<16xf32>
          %max3A_551 = arith.maximumf %max3A_544, %get3A_550 : vector<16xf32>
          %add3A_552 = arith.constant 9 : i32
          %add3A_553 = arith.addi %mul3A_152, %add3A_552 : i32
          %get3A_554 = arith.index_cast %add3A_553 : i32 to index
          %get3A_555 = arith.constant 48 : index
          %get3A_556 = tpu.vector_load %arg8[%get3A_554, %get3A_555] {strides = array<i32>} : memref<128x128xf32, #tpu.memory_space<vmem>>, vector<1x16xf32>,
          %get3A_557 = vector.shape_cast %get3A_556 : vector<1x16xf32> to vector<16xf32>
          %max3A_558 = arith.maximumf %max3A_551, %get3A_557 : vector<16xf32>
          %add3A_559 = arith.constant 10 : i32
          %add3A_560 = arith.addi %mul3A_152, %add3A_559 : i32
          %get3A_561 = arith.index_cast %add3A_560 : i32 to index
          %get3A_562 = arith.constant 48 : index
          %get3A_563 = tpu.vector_load %arg8[%get3A_561, %get3A_562] {strides = array<i32>} : memref<128x128xf32, #tpu.memory_space<vmem>>, vector<1x16xf32>,
          %get3A_564 = vector.shape_cast %get3A_563 : vector<1x16xf32> to vector<16xf32>
          %max3A_565 = arith.maximumf %max3A_558, %get3A_564 : vector<16xf32>
          %add3A_566 = arith.constant 11 : i32
          %add3A_567 = arith.addi %mul3A_152, %add3A_566 : i32
          %get3A_568 = arith.index_cast %add3A_567 : i32 to index
          %get3A_569 = arith.constant 48 : index
          %get3A_570 = tpu.vector_load %arg8[%get3A_568, %get3A_569] {strides = array<i32>} : memref<128x128xf32, #tpu.memory_space<vmem>>, vector<1x16xf32>,
          %get3A_571 = vector.shape_cast %get3A_570 : vector<1x16xf32> to vector<16xf32>
          %max3A_572 = arith.maximumf %max3A_565, %get3A_571 : vector<16xf32>
          %add3A_573 = arith.constant 12 : i32
          %add3A_574 = arith.addi %mul3A_152, %add3A_573 : i32
          %get3A_575 = arith.index_cast %add3A_574 : i32 to index
          %get3A_576 = arith.constant 48 : index
          %get3A_577 = tpu.vector_load %arg8[%get3A_575, %get3A_576] {strides = array<i32>} : memref<128x128xf32, #tpu.memory_space<vmem>>, vector<1x16xf32>,
          %get3A_578 = vector.shape_cast %get3A_577 : vector<1x16xf32> to vector<16xf32>
          %max3A_579 = arith.maximumf %max3A_572, %get3A_578 : vector<16xf32>
          %add3A_580 = arith.constant 13 : i32
          %add3A_581 = arith.addi %mul3A_152, %add3A_580 : i32
          %get3A_582 = arith.index_cast %add3A_581 : i32 to index
          %get3A_583 = arith.constant 48 : index
          %get3A_584 = tpu.vector_load %arg8[%get3A_582, %get3A_583] {strides = array<i32>} : memref<128x128xf32, #tpu.memory_space<vmem>>, vector<1x16xf32>,
          %get3A_585 = vector.shape_cast %get3A_584 : vector<1x16xf32> to vector<16xf32>
          %max3A_586 = arith.maximumf %max3A_579, %get3A_585 : vector<16xf32>
          %add3A_587 = arith.constant 14 : i32
          %add3A_588 = arith.addi %mul3A_152, %add3A_587 : i32
          %get3A_589 = arith.index_cast %add3A_588 : i32 to index
          %get3A_590 = arith.constant 48 : index
          %get3A_591 = tpu.vector_load %arg8[%get3A_589, %get3A_590] {strides = array<i32>} : memref<128x128xf32, #tpu.memory_space<vmem>>, vector<1x16xf32>,
          %get3A_592 = vector.shape_cast %get3A_591 : vector<1x16xf32> to vector<16xf32>
          %max3A_593 = arith.maximumf %max3A_586, %get3A_592 : vector<16xf32>
          %add3A_594 = arith.constant 15 : i32
          %add3A_595 = arith.addi %mul3A_152, %add3A_594 : i32
          %get3A_596 = arith.index_cast %add3A_595 : i32 to index
          %get3A_597 = arith.constant 48 : index
          %get3A_598 = tpu.vector_load %arg8[%get3A_596, %get3A_597] {strides = array<i32>} : memref<128x128xf32, #tpu.memory_space<vmem>>, vector<1x16xf32>,
          %get3A_599 = vector.shape_cast %get3A_598 : vector<1x16xf32> to vector<16xf32>
          %max3A_600 = arith.maximumf %max3A_593, %get3A_599 : vector<16xf32>
          %swap3A_601 = arith.index_cast %scan3A_150 : i32 to index
          %swap3A_602 = arith.constant 48 : index
          %swap3A_603 = tpu.vector_load %arg12[%swap3A_601, %swap3A_602] {strides = array<i32>} : memref<8x128xf32, #tpu.memory_space<vmem>>, vector<1x16xf32>,
          %swap3A_604 = vector.shape_cast %swap3A_603 : vector<1x16xf32> to vector<16xf32>
          %swap3A_605 = vector.shape_cast %max3A_600 : vector<16xf32> to vector<1x16xf32>
          tpu.vector_store %arg12[%swap3A_601, %swap3A_602], %swap3A_605 {strides = array<i32>} : memref<8x128xf32, #tpu.memory_space<vmem>>, vector<1x16xf32>,
          %get3A_606 = arith.index_cast %mul3A_152 : i32 to index
          %get3A_607 = arith.constant 64 : index
          %get3A_608 = tpu.vector_load %arg8[%get3A_606, %get3A_607] {strides = array<i32>} : memref<128x128xf32, #tpu.memory_space<vmem>>, vector<1x16xf32>,
          %get3A_609 = vector.shape_cast %get3A_608 : vector<1x16xf32> to vector<16xf32>
          %add3A_610 = arith.constant 1 : i32
          %add3A_611 = arith.addi %mul3A_152, %add3A_610 : i32
          %get3A_612 = arith.index_cast %add3A_611 : i32 to index
          %get3A_613 = arith.constant 64 : index
          %get3A_614 = tpu.vector_load %arg8[%get3A_612, %get3A_613] {strides = array<i32>} : memref<128x128xf32, #tpu.memory_space<vmem>>, vector<1x16xf32>,
          %get3A_615 = vector.shape_cast %get3A_614 : vector<1x16xf32> to vector<16xf32>
          %max3A_616 = arith.maximumf %get3A_609, %get3A_615 : vector<16xf32>
          %add3A_617 = arith.constant 2 : i32
          %add3A_618 = arith.addi %mul3A_152, %add3A_617 : i32
          %get3A_619 = arith.index_cast %add3A_618 : i32 to index
          %get3A_620 = arith.constant 64 : index
          %get3A_621 = tpu.vector_load %arg8[%get3A_619, %get3A_620] {strides = array<i32>} : memref<128x128xf32, #tpu.memory_space<vmem>>, vector<1x16xf32>,
          %get3A_622 = vector.shape_cast %get3A_621 : vector<1x16xf32> to vector<16xf32>
          %max3A_623 = arith.maximumf %max3A_616, %get3A_622 : vector<16xf32>
          %add3A_624 = arith.constant 3 : i32
          %add3A_625 = arith.addi %mul3A_152, %add3A_624 : i32
          %get3A_626 = arith.index_cast %add3A_625 : i32 to index
          %get3A_627 = arith.constant 64 : index
          %get3A_628 = tpu.vector_load %arg8[%get3A_626, %get3A_627] {strides = array<i32>} : memref<128x128xf32, #tpu.memory_space<vmem>>, vector<1x16xf32>,
          %get3A_629 = vector.shape_cast %get3A_628 : vector<1x16xf32> to vector<16xf32>
          %max3A_630 = arith.maximumf %max3A_623, %get3A_629 : vector<16xf32>
          %add3A_631 = arith.constant 4 : i32
          %add3A_632 = arith.addi %mul3A_152, %add3A_631 : i32
          %get3A_633 = arith.index_cast %add3A_632 : i32 to index
          %get3A_634 = arith.constant 64 : index
          %get3A_635 = tpu.vector_load %arg8[%get3A_633, %get3A_634] {strides = array<i32>} : memref<128x128xf32, #tpu.memory_space<vmem>>, vector<1x16xf32>,
          %get3A_636 = vector.shape_cast %get3A_635 : vector<1x16xf32> to vector<16xf32>
          %max3A_637 = arith.maximumf %max3A_630, %get3A_636 : vector<16xf32>
          %add3A_638 = arith.constant 5 : i32
          %add3A_639 = arith.addi %mul3A_152, %add3A_638 : i32
          %get3A_640 = arith.index_cast %add3A_639 : i32 to index
          %get3A_641 = arith.constant 64 : index
          %get3A_642 = tpu.vector_load %arg8[%get3A_640, %get3A_641] {strides = array<i32>} : memref<128x128xf32, #tpu.memory_space<vmem>>, vector<1x16xf32>,
          %get3A_643 = vector.shape_cast %get3A_642 : vector<1x16xf32> to vector<16xf32>
          %max3A_644 = arith.maximumf %max3A_637, %get3A_643 : vector<16xf32>
          %add3A_645 = arith.constant 6 : i32
          %add3A_646 = arith.addi %mul3A_152, %add3A_645 : i32
          %get3A_647 = arith.index_cast %add3A_646 : i32 to index
          %get3A_648 = arith.constant 64 : index
          %get3A_649 = tpu.vector_load %arg8[%get3A_647, %get3A_648] {strides = array<i32>} : memref<128x128xf32, #tpu.memory_space<vmem>>, vector<1x16xf32>,
          %get3A_650 = vector.shape_cast %get3A_649 : vector<1x16xf32> to vector<16xf32>
          %max3A_651 = arith.maximumf %max3A_644, %get3A_650 : vector<16xf32>
          %add3A_652 = arith.constant 7 : i32
          %add3A_653 = arith.addi %mul3A_152, %add3A_652 : i32
          %get3A_654 = arith.index_cast %add3A_653 : i32 to index
          %get3A_655 = arith.constant 64 : index
          %get3A_656 = tpu.vector_load %arg8[%get3A_654, %get3A_655] {strides = array<i32>} : memref<128x128xf32, #tpu.memory_space<vmem>>, vector<1x16xf32>,
          %get3A_657 = vector.shape_cast %get3A_656 : vector<1x16xf32> to vector<16xf32>
          %max3A_658 = arith.maximumf %max3A_651, %get3A_657 : vector<16xf32>
          %add3A_659 = arith.constant 8 : i32
          %add3A_660 = arith.addi %mul3A_152, %add3A_659 : i32
          %get3A_661 = arith.index_cast %add3A_660 : i32 to index
          %get3A_662 = arith.constant 64 : index
          %get3A_663 = tpu.vector_load %arg8[%get3A_661, %get3A_662] {strides = array<i32>} : memref<128x128xf32, #tpu.memory_space<vmem>>, vector<1x16xf32>,
          %get3A_664 = vector.shape_cast %get3A_663 : vector<1x16xf32> to vector<16xf32>
          %max3A_665 = arith.maximumf %max3A_658, %get3A_664 : vector<16xf32>
          %add3A_666 = arith.constant 9 : i32
          %add3A_667 = arith.addi %mul3A_152, %add3A_666 : i32
          %get3A_668 = arith.index_cast %add3A_667 : i32 to index
          %get3A_669 = arith.constant 64 : index
          %get3A_670 = tpu.vector_load %arg8[%get3A_668, %get3A_669] {strides = array<i32>} : memref<128x128xf32, #tpu.memory_space<vmem>>, vector<1x16xf32>,
          %get3A_671 = vector.shape_cast %get3A_670 : vector<1x16xf32> to vector<16xf32>
          %max3A_672 = arith.maximumf %max3A_665, %get3A_671 : vector<16xf32>
          %add3A_673 = arith.constant 10 : i32
          %add3A_674 = arith.addi %mul3A_152, %add3A_673 : i32
          %get3A_675 = arith.index_cast %add3A_674 : i32 to index
          %get3A_676 = arith.constant 64 : index
          %get3A_677 = tpu.vector_load %arg8[%get3A_675, %get3A_676] {strides = array<i32>} : memref<128x128xf32, #tpu.memory_space<vmem>>, vector<1x16xf32>,
          %get3A_678 = vector.shape_cast %get3A_677 : vector<1x16xf32> to vector<16xf32>
          %max3A_679 = arith.maximumf %max3A_672, %get3A_678 : vector<16xf32>
          %add3A_680 = arith.constant 11 : i32
          %add3A_681 = arith.addi %mul3A_152, %add3A_680 : i32
          %get3A_682 = arith.index_cast %add3A_681 : i32 to index
          %get3A_683 = arith.constant 64 : index
          %get3A_684 = tpu.vector_load %arg8[%get3A_682, %get3A_683] {strides = array<i32>} : memref<128x128xf32, #tpu.memory_space<vmem>>, vector<1x16xf32>,
          %get3A_685 = vector.shape_cast %get3A_684 : vector<1x16xf32> to vector<16xf32>
          %max3A_686 = arith.maximumf %max3A_679, %get3A_685 : vector<16xf32>
          %add3A_687 = arith.constant 12 : i32
          %add3A_688 = arith.addi %mul3A_152, %add3A_687 : i32
          %get3A_689 = arith.index_cast %add3A_688 : i32 to index
          %get3A_690 = arith.constant 64 : index
          %get3A_691 = tpu.vector_load %arg8[%get3A_689, %get3A_690] {strides = array<i32>} : memref<128x128xf32, #tpu.memory_space<vmem>>, vector<1x16xf32>,
          %get3A_692 = vector.shape_cast %get3A_691 : vector<1x16xf32> to vector<16xf32>
          %max3A_693 = arith.maximumf %max3A_686, %get3A_692 : vector<16xf32>
          %add3A_694 = arith.constant 13 : i32
          %add3A_695 = arith.addi %mul3A_152, %add3A_694 : i32
          %get3A_696 = arith.index_cast %add3A_695 : i32 to index
          %get3A_697 = arith.constant 64 : index
          %get3A_698 = tpu.vector_load %arg8[%get3A_696, %get3A_697] {strides = array<i32>} : memref<128x128xf32, #tpu.memory_space<vmem>>, vector<1x16xf32>,
          %get3A_699 = vector.shape_cast %get3A_698 : vector<1x16xf32> to vector<16xf32>
          %max3A_700 = arith.maximumf %max3A_693, %get3A_699 : vector<16xf32>
          %add3A_701 = arith.constant 14 : i32
          %add3A_702 = arith.addi %mul3A_152, %add3A_701 : i32
          %get3A_703 = arith.index_cast %add3A_702 : i32 to index
          %get3A_704 = arith.constant 64 : index
          %get3A_705 = tpu.vector_load %arg8[%get3A_703, %get3A_704] {strides = array<i32>} : memref<128x128xf32, #tpu.memory_space<vmem>>, vector<1x16xf32>,
          %get3A_706 = vector.shape_cast %get3A_705 : vector<1x16xf32> to vector<16xf32>
          %max3A_707 = arith.maximumf %max3A_700, %get3A_706 : vector<16xf32>
          %add3A_708 = arith.constant 15 : i32
          %add3A_709 = arith.addi %mul3A_152, %add3A_708 : i32
          %get3A_710 = arith.index_cast %add3A_709 : i32 to index
          %get3A_711 = arith.constant 64 : index
          %get3A_712 = tpu.vector_load %arg8[%get3A_710, %get3A_711] {strides = array<i32>} : memref<128x128xf32, #tpu.memory_space<vmem>>, vector<1x16xf32>,
          %get3A_713 = vector.shape_cast %get3A_712 : vector<1x16xf32> to vector<16xf32>
          %max3A_714 = arith.maximumf %max3A_707, %get3A_713 : vector<16xf32>
          %swap3A_715 = arith.index_cast %scan3A_150 : i32 to index
          %swap3A_716 = arith.constant 64 : index
          %swap3A_717 = tpu.vector_load %arg12[%swap3A_715, %swap3A_716] {strides = array<i32>} : memref<8x128xf32, #tpu.memory_space<vmem>>, vector<1x16xf32>,
          %swap3A_718 = vector.shape_cast %swap3A_717 : vector<1x16xf32> to vector<16xf32>
          %swap3A_719 = vector.shape_cast %max3A_714 : vector<16xf32> to vector<1x16xf32>
          tpu.vector_store %arg12[%swap3A_715, %swap3A_716], %swap3A_719 {strides = array<i32>} : memref<8x128xf32, #tpu.memory_space<vmem>>, vector<1x16xf32>,
          %get3A_720 = arith.index_cast %mul3A_152 : i32 to index
          %get3A_721 = arith.constant 80 : index
          %get3A_722 = tpu.vector_load %arg8[%get3A_720, %get3A_721] {strides = array<i32>} : memref<128x128xf32, #tpu.memory_space<vmem>>, vector<1x16xf32>,
          %get3A_723 = vector.shape_cast %get3A_722 : vector<1x16xf32> to vector<16xf32>
          %add3A_724 = arith.constant 1 : i32
          %add3A_725 = arith.addi %mul3A_152, %add3A_724 : i32
          %get3A_726 = arith.index_cast %add3A_725 : i32 to index
          %get3A_727 = arith.constant 80 : index
          %get3A_728 = tpu.vector_load %arg8[%get3A_726, %get3A_727] {strides = array<i32>} : memref<128x128xf32, #tpu.memory_space<vmem>>, vector<1x16xf32>,
          %get3A_729 = vector.shape_cast %get3A_728 : vector<1x16xf32> to vector<16xf32>
          %max3A_730 = arith.maximumf %get3A_723, %get3A_729 : vector<16xf32>
          %add3A_731 = arith.constant 2 : i32
          %add3A_732 = arith.addi %mul3A_152, %add3A_731 : i32
          %get3A_733 = arith.index_cast %add3A_732 : i32 to index
          %get3A_734 = arith.constant 80 : index
          %get3A_735 = tpu.vector_load %arg8[%get3A_733, %get3A_734] {strides = array<i32>} : memref<128x128xf32, #tpu.memory_space<vmem>>, vector<1x16xf32>,
          %get3A_736 = vector.shape_cast %get3A_735 : vector<1x16xf32> to vector<16xf32>
          %max3A_737 = arith.maximumf %max3A_730, %get3A_736 : vector<16xf32>
          %add3A_738 = arith.constant 3 : i32
          %add3A_739 = arith.addi %mul3A_152, %add3A_738 : i32
          %get3A_740 = arith.index_cast %add3A_739 : i32 to index
          %get3A_741 = arith.constant 80 : index
          %get3A_742 = tpu.vector_load %arg8[%get3A_740, %get3A_741] {strides = array<i32>} : memref<128x128xf32, #tpu.memory_space<vmem>>, vector<1x16xf32>,
          %get3A_743 = vector.shape_cast %get3A_742 : vector<1x16xf32> to vector<16xf32>
          %max3A_744 = arith.maximumf %max3A_737, %get3A_743 : vector<16xf32>
          %add3A_745 = arith.constant 4 : i32
          %add3A_746 = arith.addi %mul3A_152, %add3A_745 : i32
          %get3A_747 = arith.index_cast %add3A_746 : i32 to index
          %get3A_748 = arith.constant 80 : index
          %get3A_749 = tpu.vector_load %arg8[%get3A_747, %get3A_748] {strides = array<i32>} : memref<128x128xf32, #tpu.memory_space<vmem>>, vector<1x16xf32>,
          %get3A_750 = vector.shape_cast %get3A_749 : vector<1x16xf32> to vector<16xf32>
          %max3A_751 = arith.maximumf %max3A_744, %get3A_750 : vector<16xf32>
          %add3A_752 = arith.constant 5 : i32
          %add3A_753 = arith.addi %mul3A_152, %add3A_752 : i32
          %get3A_754 = arith.index_cast %add3A_753 : i32 to index
          %get3A_755 = arith.constant 80 : index
          %get3A_756 = tpu.vector_load %arg8[%get3A_754, %get3A_755] {strides = array<i32>} : memref<128x128xf32, #tpu.memory_space<vmem>>, vector<1x16xf32>,
          %get3A_757 = vector.shape_cast %get3A_756 : vector<1x16xf32> to vector<16xf32>
          %max3A_758 = arith.maximumf %max3A_751, %get3A_757 : vector<16xf32>
          %add3A_759 = arith.constant 6 : i32
          %add3A_760 = arith.addi %mul3A_152, %add3A_759 : i32
          %get3A_761 = arith.index_cast %add3A_760 : i32 to index
          %get3A_762 = arith.constant 80 : index
          %get3A_763 = tpu.vector_load %arg8[%get3A_761, %get3A_762] {strides = array<i32>} : memref<128x128xf32, #tpu.memory_space<vmem>>, vector<1x16xf32>,
          %get3A_764 = vector.shape_cast %get3A_763 : vector<1x16xf32> to vector<16xf32>
          %max3A_765 = arith.maximumf %max3A_758, %get3A_764 : vector<16xf32>
          %add3A_766 = arith.constant 7 : i32
          %add3A_767 = arith.addi %mul3A_152, %add3A_766 : i32
          %get3A_768 = arith.index_cast %add3A_767 : i32 to index
          %get3A_769 = arith.constant 80 : index
          %get3A_770 = tpu.vector_load %arg8[%get3A_768, %get3A_769] {strides = array<i32>} : memref<128x128xf32, #tpu.memory_space<vmem>>, vector<1x16xf32>,
          %get3A_771 = vector.shape_cast %get3A_770 : vector<1x16xf32> to vector<16xf32>
          %max3A_772 = arith.maximumf %max3A_765, %get3A_771 : vector<16xf32>
          %add3A_773 = arith.constant 8 : i32
          %add3A_774 = arith.addi %mul3A_152, %add3A_773 : i32
          %get3A_775 = arith.index_cast %add3A_774 : i32 to index
          %get3A_776 = arith.constant 80 : index
          %get3A_777 = tpu.vector_load %arg8[%get3A_775, %get3A_776] {strides = array<i32>} : memref<128x128xf32, #tpu.memory_space<vmem>>, vector<1x16xf32>,
          %get3A_778 = vector.shape_cast %get3A_777 : vector<1x16xf32> to vector<16xf32>
          %max3A_779 = arith.maximumf %max3A_772, %get3A_778 : vector<16xf32>
          %add3A_780 = arith.constant 9 : i32
          %add3A_781 = arith.addi %mul3A_152, %add3A_780 : i32
          %get3A_782 = arith.index_cast %add3A_781 : i32 to index
          %get3A_783 = arith.constant 80 : index
          %get3A_784 = tpu.vector_load %arg8[%get3A_782, %get3A_783] {strides = array<i32>} : memref<128x128xf32, #tpu.memory_space<vmem>>, vector<1x16xf32>,
          %get3A_785 = vector.shape_cast %get3A_784 : vector<1x16xf32> to vector<16xf32>
          %max3A_786 = arith.maximumf %max3A_779, %get3A_785 : vector<16xf32>
          %add3A_787 = arith.constant 10 : i32
          %add3A_788 = arith.addi %mul3A_152, %add3A_787 : i32
          %get3A_789 = arith.index_cast %add3A_788 : i32 to index
          %get3A_790 = arith.constant 80 : index
          %get3A_791 = tpu.vector_load %arg8[%get3A_789, %get3A_790] {strides = array<i32>} : memref<128x128xf32, #tpu.memory_space<vmem>>, vector<1x16xf32>,
          %get3A_792 = vector.shape_cast %get3A_791 : vector<1x16xf32> to vector<16xf32>
          %max3A_793 = arith.maximumf %max3A_786, %get3A_792 : vector<16xf32>
          %add3A_794 = arith.constant 11 : i32
          %add3A_795 = arith.addi %mul3A_152, %add3A_794 : i32
          %get3A_796 = arith.index_cast %add3A_795 : i32 to index
          %get3A_797 = arith.constant 80 : index
          %get3A_798 = tpu.vector_load %arg8[%get3A_796, %get3A_797] {strides = array<i32>} : memref<128x128xf32, #tpu.memory_space<vmem>>, vector<1x16xf32>,
          %get3A_799 = vector.shape_cast %get3A_798 : vector<1x16xf32> to vector<16xf32>
          %max3A_800 = arith.maximumf %max3A_793, %get3A_799 : vector<16xf32>
          %add3A_801 = arith.constant 12 : i32
          %add3A_802 = arith.addi %mul3A_152, %add3A_801 : i32
          %get3A_803 = arith.index_cast %add3A_802 : i32 to index
          %get3A_804 = arith.constant 80 : index
          %get3A_805 = tpu.vector_load %arg8[%get3A_803, %get3A_804] {strides = array<i32>} : memref<128x128xf32, #tpu.memory_space<vmem>>, vector<1x16xf32>,
          %get3A_806 = vector.shape_cast %get3A_805 : vector<1x16xf32> to vector<16xf32>
          %max3A_807 = arith.maximumf %max3A_800, %get3A_806 : vector<16xf32>
          %add3A_808 = arith.constant 13 : i32
          %add3A_809 = arith.addi %mul3A_152, %add3A_808 : i32
          %get3A_810 = arith.index_cast %add3A_809 : i32 to index
          %get3A_811 = arith.constant 80 : index
          %get3A_812 = tpu.vector_load %arg8[%get3A_810, %get3A_811] {strides = array<i32>} : memref<128x128xf32, #tpu.memory_space<vmem>>, vector<1x16xf32>,
          %get3A_813 = vector.shape_cast %get3A_812 : vector<1x16xf32> to vector<16xf32>
          %max3A_814 = arith.maximumf %max3A_807, %get3A_813 : vector<16xf32>
          %add3A_815 = arith.constant 14 : i32
          %add3A_816 = arith.addi %mul3A_152, %add3A_815 : i32
          %get3A_817 = arith.index_cast %add3A_816 : i32 to index
          %get3A_818 = arith.constant 80 : index
          %get3A_819 = tpu.vector_load %arg8[%get3A_817, %get3A_818] {strides = array<i32>} : memref<128x128xf32, #tpu.memory_space<vmem>>, vector<1x16xf32>,
          %get3A_820 = vector.shape_cast %get3A_819 : vector<1x16xf32> to vector<16xf32>
          %max3A_821 = arith.maximumf %max3A_814, %get3A_820 : vector<16xf32>
          %add3A_822 = arith.constant 15 : i32
          %add3A_823 = arith.addi %mul3A_152, %add3A_822 : i32
          %get3A_824 = arith.index_cast %add3A_823 : i32 to index
          %get3A_825 = arith.constant 80 : index
          %get3A_826 = tpu.vector_load %arg8[%get3A_824, %get3A_825] {strides = array<i32>} : memref<128x128xf32, #tpu.memory_space<vmem>>, vector<1x16xf32>,
          %get3A_827 = vector.shape_cast %get3A_826 : vector<1x16xf32> to vector<16xf32>
          %max3A_828 = arith.maximumf %max3A_821, %get3A_827 : vector<16xf32>
          %swap3A_829 = arith.index_cast %scan3A_150 : i32 to index
          %swap3A_830 = arith.constant 80 : index
          %swap3A_831 = tpu.vector_load %arg12[%swap3A_829, %swap3A_830] {strides = array<i32>} : memref<8x128xf32, #tpu.memory_space<vmem>>, vector<1x16xf32>,
          %swap3A_832 = vector.shape_cast %swap3A_831 : vector<1x16xf32> to vector<16xf32>
          %swap3A_833 = vector.shape_cast %max3A_828 : vector<16xf32> to vector<1x16xf32>
          tpu.vector_store %arg12[%swap3A_829, %swap3A_830], %swap3A_833 {strides = array<i32>} : memref<8x128xf32, #tpu.memory_space<vmem>>, vector<1x16xf32>,
          %get3A_834 = arith.index_cast %mul3A_152 : i32 to index
          %get3A_835 = arith.constant 96 : index
          %get3A_836 = tpu.vector_load %arg8[%get3A_834, %get3A_835] {strides = array<i32>} : memref<128x128xf32, #tpu.memory_space<vmem>>, vector<1x16xf32>,
          %get3A_837 = vector.shape_cast %get3A_836 : vector<1x16xf32> to vector<16xf32>
          %add3A_838 = arith.constant 1 : i32
          %add3A_839 = arith.addi %mul3A_152, %add3A_838 : i32
          %get3A_840 = arith.index_cast %add3A_839 : i32 to index
          %get3A_841 = arith.constant 96 : index
          %get3A_842 = tpu.vector_load %arg8[%get3A_840, %get3A_841] {strides = array<i32>} : memref<128x128xf32, #tpu.memory_space<vmem>>, vector<1x16xf32>,
          %get3A_843 = vector.shape_cast %get3A_842 : vector<1x16xf32> to vector<16xf32>
          %max3A_844 = arith.maximumf %get3A_837, %get3A_843 : vector<16xf32>
          %add3A_845 = arith.constant 2 : i32
          %add3A_846 = arith.addi %mul3A_152, %add3A_845 : i32
          %get3A_847 = arith.index_cast %add3A_846 : i32 to index
          %get3A_848 = arith.constant 96 : index
          %get3A_849 = tpu.vector_load %arg8[%get3A_847, %get3A_848] {strides = array<i32>} : memref<128x128xf32, #tpu.memory_space<vmem>>, vector<1x16xf32>,
          %get3A_850 = vector.shape_cast %get3A_849 : vector<1x16xf32> to vector<16xf32>
          %max3A_851 = arith.maximumf %max3A_844, %get3A_850 : vector<16xf32>
          %add3A_852 = arith.constant 3 : i32
          %add3A_853 = arith.addi %mul3A_152, %add3A_852 : i32
          %get3A_854 = arith.index_cast %add3A_853 : i32 to index
          %get3A_855 = arith.constant 96 : index
          %get3A_856 = tpu.vector_load %arg8[%get3A_854, %get3A_855] {strides = array<i32>} : memref<128x128xf32, #tpu.memory_space<vmem>>, vector<1x16xf32>,
          %get3A_857 = vector.shape_cast %get3A_856 : vector<1x16xf32> to vector<16xf32>
          %max3A_858 = arith.maximumf %max3A_851, %get3A_857 : vector<16xf32>
          %add3A_859 = arith.constant 4 : i32
          %add3A_860 = arith.addi %mul3A_152, %add3A_859 : i32
          %get3A_861 = arith.index_cast %add3A_860 : i32 to index
          %get3A_862 = arith.constant 96 : index
          %get3A_863 = tpu.vector_load %arg8[%get3A_861, %get3A_862] {strides = array<i32>} : memref<128x128xf32, #tpu.memory_space<vmem>>, vector<1x16xf32>,
          %get3A_864 = vector.shape_cast %get3A_863 : vector<1x16xf32> to vector<16xf32>
          %max3A_865 = arith.maximumf %max3A_858, %get3A_864 : vector<16xf32>
          %add3A_866 = arith.constant 5 : i32
          %add3A_867 = arith.addi %mul3A_152, %add3A_866 : i32
          %get3A_868 = arith.index_cast %add3A_867 : i32 to index
          %get3A_869 = arith.constant 96 : index
          %get3A_870 = tpu.vector_load %arg8[%get3A_868, %get3A_869] {strides = array<i32>} : memref<128x128xf32, #tpu.memory_space<vmem>>, vector<1x16xf32>,
          %get3A_871 = vector.shape_cast %get3A_870 : vector<1x16xf32> to vector<16xf32>
          %max3A_872 = arith.maximumf %max3A_865, %get3A_871 : vector<16xf32>
          %add3A_873 = arith.constant 6 : i32
          %add3A_874 = arith.addi %mul3A_152, %add3A_873 : i32
          %get3A_875 = arith.index_cast %add3A_874 : i32 to index
          %get3A_876 = arith.constant 96 : index
          %get3A_877 = tpu.vector_load %arg8[%get3A_875, %get3A_876] {strides = array<i32>} : memref<128x128xf32, #tpu.memory_space<vmem>>, vector<1x16xf32>,
          %get3A_878 = vector.shape_cast %get3A_877 : vector<1x16xf32> to vector<16xf32>
          %max3A_879 = arith.maximumf %max3A_872, %get3A_878 : vector<16xf32>
          %add3A_880 = arith.constant 7 : i32
          %add3A_881 = arith.addi %mul3A_152, %add3A_880 : i32
          %get3A_882 = arith.index_cast %add3A_881 : i32 to index
          %get3A_883 = arith.constant 96 : index
          %get3A_884 = tpu.vector_load %arg8[%get3A_882, %get3A_883] {strides = array<i32>} : memref<128x128xf32, #tpu.memory_space<vmem>>, vector<1x16xf32>,
          %get3A_885 = vector.shape_cast %get3A_884 : vector<1x16xf32> to vector<16xf32>
          %max3A_886 = arith.maximumf %max3A_879, %get3A_885 : vector<16xf32>
          %add3A_887 = arith.constant 8 : i32
          %add3A_888 = arith.addi %mul3A_152, %add3A_887 : i32
          %get3A_889 = arith.index_cast %add3A_888 : i32 to index
          %get3A_890 = arith.constant 96 : index
          %get3A_891 = tpu.vector_load %arg8[%get3A_889, %get3A_890] {strides = array<i32>} : memref<128x128xf32, #tpu.memory_space<vmem>>, vector<1x16xf32>,
          %get3A_892 = vector.shape_cast %get3A_891 : vector<1x16xf32> to vector<16xf32>
          %max3A_893 = arith.maximumf %max3A_886, %get3A_892 : vector<16xf32>
          %add3A_894 = arith.constant 9 : i32
          %add3A_895 = arith.addi %mul3A_152, %add3A_894 : i32
          %get3A_896 = arith.index_cast %add3A_895 : i32 to index
          %get3A_897 = arith.constant 96 : index
          %get3A_898 = tpu.vector_load %arg8[%get3A_896, %get3A_897] {strides = array<i32>} : memref<128x128xf32, #tpu.memory_space<vmem>>, vector<1x16xf32>,
          %get3A_899 = vector.shape_cast %get3A_898 : vector<1x16xf32> to vector<16xf32>
          %max3A_900 = arith.maximumf %max3A_893, %get3A_899 : vector<16xf32>
          %add3A_901 = arith.constant 10 : i32
          %add3A_902 = arith.addi %mul3A_152, %add3A_901 : i32
          %get3A_903 = arith.index_cast %add3A_902 : i32 to index
          %get3A_904 = arith.constant 96 : index
          %get3A_905 = tpu.vector_load %arg8[%get3A_903, %get3A_904] {strides = array<i32>} : memref<128x128xf32, #tpu.memory_space<vmem>>, vector<1x16xf32>,
          %get3A_906 = vector.shape_cast %get3A_905 : vector<1x16xf32> to vector<16xf32>
          %max3A_907 = arith.maximumf %max3A_900, %get3A_906 : vector<16xf32>
          %add3A_908 = arith.constant 11 : i32
          %add3A_909 = arith.addi %mul3A_152, %add3A_908 : i32
          %get3A_910 = arith.index_cast %add3A_909 : i32 to index
          %get3A_911 = arith.constant 96 : index
          %get3A_912 = tpu.vector_load %arg8[%get3A_910, %get3A_911] {strides = array<i32>} : memref<128x128xf32, #tpu.memory_space<vmem>>, vector<1x16xf32>,
          %get3A_913 = vector.shape_cast %get3A_912 : vector<1x16xf32> to vector<16xf32>
          %max3A_914 = arith.maximumf %max3A_907, %get3A_913 : vector<16xf32>
          %add3A_915 = arith.constant 12 : i32
          %add3A_916 = arith.addi %mul3A_152, %add3A_915 : i32
          %get3A_917 = arith.index_cast %add3A_916 : i32 to index
          %get3A_918 = arith.constant 96 : index
          %get3A_919 = tpu.vector_load %arg8[%get3A_917, %get3A_918] {strides = array<i32>} : memref<128x128xf32, #tpu.memory_space<vmem>>, vector<1x16xf32>,
          %get3A_920 = vector.shape_cast %get3A_919 : vector<1x16xf32> to vector<16xf32>
          %max3A_921 = arith.maximumf %max3A_914, %get3A_920 : vector<16xf32>
          %add3A_922 = arith.constant 13 : i32
          %add3A_923 = arith.addi %mul3A_152, %add3A_922 : i32
          %get3A_924 = arith.index_cast %add3A_923 : i32 to index
          %get3A_925 = arith.constant 96 : index
          %get3A_926 = tpu.vector_load %arg8[%get3A_924, %get3A_925] {strides = array<i32>} : memref<128x128xf32, #tpu.memory_space<vmem>>, vector<1x16xf32>,
          %get3A_927 = vector.shape_cast %get3A_926 : vector<1x16xf32> to vector<16xf32>
          %max3A_928 = arith.maximumf %max3A_921, %get3A_927 : vector<16xf32>
          %add3A_929 = arith.constant 14 : i32
          %add3A_930 = arith.addi %mul3A_152, %add3A_929 : i32
          %get3A_931 = arith.index_cast %add3A_930 : i32 to index
          %get3A_932 = arith.constant 96 : index
          %get3A_933 = tpu.vector_load %arg8[%get3A_931, %get3A_932] {strides = array<i32>} : memref<128x128xf32, #tpu.memory_space<vmem>>, vector<1x16xf32>,
          %get3A_934 = vector.shape_cast %get3A_933 : vector<1x16xf32> to vector<16xf32>
          %max3A_935 = arith.maximumf %max3A_928, %get3A_934 : vector<16xf32>
          %add3A_936 = arith.constant 15 : i32
          %add3A_937 = arith.addi %mul3A_152, %add3A_936 : i32
          %get3A_938 = arith.index_cast %add3A_937 : i32 to index
          %get3A_939 = arith.constant 96 : index
          %get3A_940 = tpu.vector_load %arg8[%get3A_938, %get3A_939] {strides = array<i32>} : memref<128x128xf32, #tpu.memory_space<vmem>>, vector<1x16xf32>,
          %get3A_941 = vector.shape_cast %get3A_940 : vector<1x16xf32> to vector<16xf32>
          %max3A_942 = arith.maximumf %max3A_935, %get3A_941 : vector<16xf32>
          %swap3A_943 = arith.index_cast %scan3A_150 : i32 to index
          %swap3A_944 = arith.constant 96 : index
          %swap3A_945 = tpu.vector_load %arg12[%swap3A_943, %swap3A_944] {strides = array<i32>} : memref<8x128xf32, #tpu.memory_space<vmem>>, vector<1x16xf32>,
          %swap3A_946 = vector.shape_cast %swap3A_945 : vector<1x16xf32> to vector<16xf32>
          %swap3A_947 = vector.shape_cast %max3A_942 : vector<16xf32> to vector<1x16xf32>
          tpu.vector_store %arg12[%swap3A_943, %swap3A_944], %swap3A_947 {strides = array<i32>} : memref<8x128xf32, #tpu.memory_space<vmem>>, vector<1x16xf32>,
          %get3A_948 = arith.index_cast %mul3A_152 : i32 to index
          %get3A_949 = arith.constant 112 : index
          %get3A_950 = tpu.vector_load %arg8[%get3A_948, %get3A_949] {strides = array<i32>} : memref<128x128xf32, #tpu.memory_space<vmem>>, vector<1x16xf32>,
          %get3A_951 = vector.shape_cast %get3A_950 : vector<1x16xf32> to vector<16xf32>
          %add3A_952 = arith.constant 1 : i32
          %add3A_953 = arith.addi %mul3A_152, %add3A_952 : i32
          %get3A_954 = arith.index_cast %add3A_953 : i32 to index
          %get3A_955 = arith.constant 112 : index
          %get3A_956 = tpu.vector_load %arg8[%get3A_954, %get3A_955] {strides = array<i32>} : memref<128x128xf32, #tpu.memory_space<vmem>>, vector<1x16xf32>,
          %get3A_957 = vector.shape_cast %get3A_956 : vector<1x16xf32> to vector<16xf32>
          %max3A_958 = arith.maximumf %get3A_951, %get3A_957 : vector<16xf32>
          %add3A_959 = arith.constant 2 : i32
          %add3A_960 = arith.addi %mul3A_152, %add3A_959 : i32
          %get3A_961 = arith.index_cast %add3A_960 : i32 to index
          %get3A_962 = arith.constant 112 : index
          %get3A_963 = tpu.vector_load %arg8[%get3A_961, %get3A_962] {strides = array<i32>} : memref<128x128xf32, #tpu.memory_space<vmem>>, vector<1x16xf32>,
          %get3A_964 = vector.shape_cast %get3A_963 : vector<1x16xf32> to vector<16xf32>
          %max3A_965 = arith.maximumf %max3A_958, %get3A_964 : vector<16xf32>
          %add3A_966 = arith.constant 3 : i32
          %add3A_967 = arith.addi %mul3A_152, %add3A_966 : i32
          %get3A_968 = arith.index_cast %add3A_967 : i32 to index
          %get3A_969 = arith.constant 112 : index
          %get3A_970 = tpu.vector_load %arg8[%get3A_968, %get3A_969] {strides = array<i32>} : memref<128x128xf32, #tpu.memory_space<vmem>>, vector<1x16xf32>,
          %get3A_971 = vector.shape_cast %get3A_970 : vector<1x16xf32> to vector<16xf32>
          %max3A_972 = arith.maximumf %max3A_965, %get3A_971 : vector<16xf32>
          %add3A_973 = arith.constant 4 : i32
          %add3A_974 = arith.addi %mul3A_152, %add3A_973 : i32
          %get3A_975 = arith.index_cast %add3A_974 : i32 to index
          %get3A_976 = arith.constant 112 : index
          %get3A_977 = tpu.vector_load %arg8[%get3A_975, %get3A_976] {strides = array<i32>} : memref<128x128xf32, #tpu.memory_space<vmem>>, vector<1x16xf32>,
          %get3A_978 = vector.shape_cast %get3A_977 : vector<1x16xf32> to vector<16xf32>
          %max3A_979 = arith.maximumf %max3A_972, %get3A_978 : vector<16xf32>
          %add3A_980 = arith.constant 5 : i32
          %add3A_981 = arith.addi %mul3A_152, %add3A_980 : i32
          %get3A_982 = arith.index_cast %add3A_981 : i32 to index
          %get3A_983 = arith.constant 112 : index
          %get3A_984 = tpu.vector_load %arg8[%get3A_982, %get3A_983] {strides = array<i32>} : memref<128x128xf32, #tpu.memory_space<vmem>>, vector<1x16xf32>,
          %get3A_985 = vector.shape_cast %get3A_984 : vector<1x16xf32> to vector<16xf32>
          %max3A_986 = arith.maximumf %max3A_979, %get3A_985 : vector<16xf32>
          %add3A_987 = arith.constant 6 : i32
          %add3A_988 = arith.addi %mul3A_152, %add3A_987 : i32
          %get3A_989 = arith.index_cast %add3A_988 : i32 to index
          %get3A_990 = arith.constant 112 : index
          %get3A_991 = tpu.vector_load %arg8[%get3A_989, %get3A_990] {strides = array<i32>} : memref<128x128xf32, #tpu.memory_space<vmem>>, vector<1x16xf32>,
          %get3A_992 = vector.shape_cast %get3A_991 : vector<1x16xf32> to vector<16xf32>
          %max3A_993 = arith.maximumf %max3A_986, %get3A_992 : vector<16xf32>
          %add3A_994 = arith.constant 7 : i32
          %add3A_995 = arith.addi %mul3A_152, %add3A_994 : i32
          %get3A_996 = arith.index_cast %add3A_995 : i32 to index
          %get3A_997 = arith.constant 112 : index
          %get3A_998 = tpu.vector_load %arg8[%get3A_996, %get3A_997] {strides = array<i32>} : memref<128x128xf32, #tpu.memory_space<vmem>>, vector<1x16xf32>,
          %get3A_999 = vector.shape_cast %get3A_998 : vector<1x16xf32> to vector<16xf32>
          %max3A_1000 = arith.maximumf %max3A_993, %get3A_999 : vector<16xf32>
          %add3A_1001 = arith.constant 8 : i32
          %add3A_1002 = arith.addi %mul3A_152, %add3A_1001 : i32
          %get3A_1003 = arith.index_cast %add3A_1002 : i32 to index
          %get3A_1004 = arith.constant 112 : index
          %get3A_1005 = tpu.vector_load %arg8[%get3A_1003, %get3A_1004] {strides = array<i32>} : memref<128x128xf32, #tpu.memory_space<vmem>>, vector<1x16xf32>,
          %get3A_1006 = vector.shape_cast %get3A_1005 : vector<1x16xf32> to vector<16xf32>
          %max3A_1007 = arith.maximumf %max3A_1000, %get3A_1006 : vector<16xf32>
          %add3A_1008 = arith.constant 9 : i32
          %add3A_1009 = arith.addi %mul3A_152, %add3A_1008 : i32
          %get3A_1010 = arith.index_cast %add3A_1009 : i32 to index
          %get3A_1011 = arith.constant 112 : index
          %get3A_1012 = tpu.vector_load %arg8[%get3A_1010, %get3A_1011] {strides = array<i32>} : memref<128x128xf32, #tpu.memory_space<vmem>>, vector<1x16xf32>,
          %get3A_1013 = vector.shape_cast %get3A_1012 : vector<1x16xf32> to vector<16xf32>
          %max3A_1014 = arith.maximumf %max3A_1007, %get3A_1013 : vector<16xf32>
          %add3A_1015 = arith.constant 10 : i32
          %add3A_1016 = arith.addi %mul3A_152, %add3A_1015 : i32
          %get3A_1017 = arith.index_cast %add3A_1016 : i32 to index
          %get3A_1018 = arith.constant 112 : index
          %get3A_1019 = tpu.vector_load %arg8[%get3A_1017, %get3A_1018] {strides = array<i32>} : memref<128x128xf32, #tpu.memory_space<vmem>>, vector<1x16xf32>,
          %get3A_1020 = vector.shape_cast %get3A_1019 : vector<1x16xf32> to vector<16xf32>
          %max3A_1021 = arith.maximumf %max3A_1014, %get3A_1020 : vector<16xf32>
          %add3A_1022 = arith.constant 11 : i32
          %add3A_1023 = arith.addi %mul3A_152, %add3A_1022 : i32
          %get3A_1024 = arith.index_cast %add3A_1023 : i32 to index
          %get3A_1025 = arith.constant 112 : index
          %get3A_1026 = tpu.vector_load %arg8[%get3A_1024, %get3A_1025] {strides = array<i32>} : memref<128x128xf32, #tpu.memory_space<vmem>>, vector<1x16xf32>,
          %get3A_1027 = vector.shape_cast %get3A_1026 : vector<1x16xf32> to vector<16xf32>
          %max3A_1028 = arith.maximumf %max3A_1021, %get3A_1027 : vector<16xf32>
          %add3A_1029 = arith.constant 12 : i32
          %add3A_1030 = arith.addi %mul3A_152, %add3A_1029 : i32
          %get3A_1031 = arith.index_cast %add3A_1030 : i32 to index
          %get3A_1032 = arith.constant 112 : index
          %get3A_1033 = tpu.vector_load %arg8[%get3A_1031, %get3A_1032] {strides = array<i32>} : memref<128x128xf32, #tpu.memory_space<vmem>>, vector<1x16xf32>,
          %get3A_1034 = vector.shape_cast %get3A_1033 : vector<1x16xf32> to vector<16xf32>
          %max3A_1035 = arith.maximumf %max3A_1028, %get3A_1034 : vector<16xf32>
          %add3A_1036 = arith.constant 13 : i32
          %add3A_1037 = arith.addi %mul3A_152, %add3A_1036 : i32
          %get3A_1038 = arith.index_cast %add3A_1037 : i32 to index
          %get3A_1039 = arith.constant 112 : index
          %get3A_1040 = tpu.vector_load %arg8[%get3A_1038, %get3A_1039] {strides = array<i32>} : memref<128x128xf32, #tpu.memory_space<vmem>>, vector<1x16xf32>,
          %get3A_1041 = vector.shape_cast %get3A_1040 : vector<1x16xf32> to vector<16xf32>
          %max3A_1042 = arith.maximumf %max3A_1035, %get3A_1041 : vector<16xf32>
          %add3A_1043 = arith.constant 14 : i32
          %add3A_1044 = arith.addi %mul3A_152, %add3A_1043 : i32
          %get3A_1045 = arith.index_cast %add3A_1044 : i32 to index
          %get3A_1046 = arith.constant 112 : index
          %get3A_1047 = tpu.vector_load %arg8[%get3A_1045, %get3A_1046] {strides = array<i32>} : memref<128x128xf32, #tpu.memory_space<vmem>>, vector<1x16xf32>,
          %get3A_1048 = vector.shape_cast %get3A_1047 : vector<1x16xf32> to vector<16xf32>
          %max3A_1049 = arith.maximumf %max3A_1042, %get3A_1048 : vector<16xf32>
          %add3A_1050 = arith.constant 15 : i32
          %add3A_1051 = arith.addi %mul3A_152, %add3A_1050 : i32
          %get3A_1052 = arith.index_cast %add3A_1051 : i32 to index
          %get3A_1053 = arith.constant 112 : index
          %get3A_1054 = tpu.vector_load %arg8[%get3A_1052, %get3A_1053] {strides = array<i32>} : memref<128x128xf32, #tpu.memory_space<vmem>>, vector<1x16xf32>,
          %get3A_1055 = vector.shape_cast %get3A_1054 : vector<1x16xf32> to vector<16xf32>
          %max3A_1056 = arith.maximumf %max3A_1049, %get3A_1055 : vector<16xf32>
          %swap3A_1057 = arith.index_cast %scan3A_150 : i32 to index
          %swap3A_1058 = arith.constant 112 : index
          %swap3A_1059 = tpu.vector_load %arg12[%swap3A_1057, %swap3A_1058] {strides = array<i32>} : memref<8x128xf32, #tpu.memory_space<vmem>>, vector<1x16xf32>,
          %swap3A_1060 = vector.shape_cast %swap3A_1059 : vector<1x16xf32> to vector<16xf32>
          %swap3A_1061 = vector.shape_cast %max3A_1056 : vector<16xf32> to vector<1x16xf32>
          tpu.vector_store %arg12[%swap3A_1057, %swap3A_1058], %swap3A_1061 {strides = array<i32>} : memref<8x128xf32, #tpu.memory_space<vmem>>, vector<1x16xf32>,
        }
        %scan3A_137 = arith.constant 8 : i32
        %add3A_138 = arith.addi %select_n3A, %add3A_112 : i32
        %mul3A_139 = arith.constant 8 : i32
        %mul3A_140 = arith.muli %add3A_138, %mul3A_139 : i32
        %dma_start3A = arith.constant 0 : i32
        %dma_start3A_141 = tpu.memref_slice %arg4[%mul3A_140, %dma_start3A] : memref<20000x128xf32, #tpu.memory_space<hbm>> -> memref<8x128xf32, #tpu.memory_space<hbm>>
        %dma_start3A_142 = arith.constant 0 : i32
        %dma_start3A_143 = tpu.memref_slice %arg4[%mul3A_140, %dma_start3A_142] : memref<20000x128xf32, #tpu.memory_space<hbm>> -> memref<8x128xf32, #tpu.memory_space<hbm>>
        tpu.enqueue_dma source(%arg12 : memref<8x128xf32, #tpu.memory_space<vmem>>) target(%dma_start3A_143 : memref<8x128xf32, #tpu.memory_space<hbm>>) target_semaphore(%arg20 : memref<!tpu.dma_semaphore, #tpu.memory_space<semaphore_mem>>)
        %add3A_144 = arith.constant 4 : i32
        %add3A_145 = arith.addi %add3A_112, %add3A_144 : i32
        %lt3A_146 = arith.cmpi slt, %add3A_145, %sub3A_47 : i32
        %convert_element_type3A_147 = arith.extui %lt3A_146 : i1 to i32
        %cond3A_148 = arith.constant 0 : i32
        %cond3A_149 = arith.cmpi ne, %convert_element_type3A_147, %cond3A_148 : i32
        scf.if %cond3A_149 {
          %add3A_150 = arith.constant 4 : i32
          %add3A_151 = arith.addi %add3A_112, %add3A_150 : i32
          %add3A_152 = arith.addi %add3A_151, %sub3A_49 : i32
          %mul3A_153 = arith.constant 128 : i32
          %mul3A_154 = arith.muli %add3A_152, %mul3A_153 : i32
          %dma_start3A_155 = tpu.memref_slice %arg5[%mul3A_154] : memref<10240xi32, #tpu.memory_space<vmem>> -> memref<128xi32, #tpu.memory_space<vmem>>
          %dma_start3A_156 = arith.constant 0 : i32
          %dma_start3A_157 = arith.constant 0 : i32
          %dma_start3A_158 = tpu.memref_slice %arg2[%dma_start3A_156, %dma_start3A_157] : memref<20000x128xf32, #tpu.memory_space<hbm>> -> memref<20000x128xf32, #tpu.memory_space<hbm>>
          tpu.enqueue_indirect_dma source(%dma_start3A_158 : memref<20000x128xf32, #tpu.memory_space<hbm>>) target(%arg8 : memref<128x128xf32, #tpu.memory_space<vmem>>) offsets(%dma_start3A_155 : memref<128xi32, #tpu.memory_space<vmem>>) semaphore(%arg16 : memref<!tpu.dma_semaphore, #tpu.memory_space<semaphore_mem>>)
        } else {
        }
      } else {
      }
      %add3A_117 = arith.constant 3 : i32
      %add3A_118 = arith.addi %mul3A_99, %add3A_117 : i32
      %lt3A_119 = arith.cmpi slt, %add3A_118, %sub3A_47 : i32
      %convert_element_type3A_120 = arith.extui %lt3A_119 : i1 to i32
      %cond3A_121 = arith.constant 0 : i32
      %cond3A_122 = arith.cmpi ne, %convert_element_type3A_120, %cond3A_121 : i32
      scf.if %cond3A_122 {
        %dma_wait3A_123 = arith.constant 0 : i32
        %dma_wait3A_124 = tpu.memref_slice %arg5[%dma_wait3A_123] : memref<10240xi32, #tpu.memory_space<vmem>> -> memref<128xi32, #tpu.memory_space<vmem>>
        %dma_wait3A_125 = arith.constant 0 : i32
        %dma_wait3A_126 = arith.constant 0 : i32
        %dma_wait3A_127 = tpu.memref_slice %arg2[%dma_wait3A_125, %dma_wait3A_126] : memref<20000x128xf32, #tpu.memory_space<hbm>> -> memref<20000x128xf32, #tpu.memory_space<hbm>>
        tpu.wait_indirect_dma semaphore(%arg17 : memref<!tpu.dma_semaphore, #tpu.memory_space<semaphore_mem>>) src(%dma_wait3A_127 : memref<20000x128xf32, #tpu.memory_space<hbm>>) dst(%arg9 : memref<128x128xf32, #tpu.memory_space<vmem>>)
        %ge3A = arith.constant 4 : i32
        %ge3A_128 = arith.cmpi sge, %add3A_118, %ge3A : i32
        %convert_element_type3A_129 = arith.extui %ge3A_128 : i1 to i32
        %cond3A_130 = arith.constant 0 : i32
        %cond3A_131 = arith.cmpi ne, %convert_element_type3A_129, %cond3A_130 : i32
        scf.if %cond3A_131 {
          %dma_wait3A_150 = arith.constant 0 : i32
          %dma_wait3A_151 = arith.constant 0 : i32
          %dma_wait3A_152 = tpu.memref_slice %arg4[%dma_wait3A_150, %dma_wait3A_151] : memref<20000x128xf32, #tpu.memory_space<hbm>> -> memref<8x128xf32, #tpu.memory_space<hbm>>
          %dma_wait3A_153 = arith.constant 0 : i32
          %dma_wait3A_154 = arith.constant 0 : i32
          %dma_wait3A_155 = tpu.memref_slice %arg4[%dma_wait3A_153, %dma_wait3A_154] : memref<20000x128xf32, #tpu.memory_space<hbm>> -> memref<8x128xf32, #tpu.memory_space<hbm>>
          tpu.wait_dma2 semaphore(%arg21 : memref<!tpu.dma_semaphore, #tpu.memory_space<semaphore_mem>>) src(%arg13 : memref<8x128xf32, #tpu.memory_space<vmem>>) dst(%dma_wait3A_155 : memref<8x128xf32, #tpu.memory_space<hbm>>)
        } else {
        }
        %scan3A_132 = arith.constant 0 : i32
        %scan3A_133 = arith.constant 0 : i32
        %scan3A_134 = arith.constant 8 : i32
        %scan3A_135 = arith.addi %scan3A_133, %scan3A_134 : i32
        %scan3A_136 = arith.constant 1 : i32
        scf.for %scan3A_150 = %scan3A_133 to %scan3A_135 step %scan3A_136  : i32 {
          %mul3A_151 = arith.constant 16 : i32
          %mul3A_152 = arith.muli %scan3A_150, %mul3A_151 : i32
          %get3A = arith.index_cast %mul3A_152 : i32 to index
          %get3A_153 = arith.constant 0 : index
          %get3A_154 = tpu.vector_load %arg9[%get3A, %get3A_153] {strides = array<i32>} : memref<128x128xf32, #tpu.memory_space<vmem>>, vector<1x16xf32>,
          %get3A_155 = vector.shape_cast %get3A_154 : vector<1x16xf32> to vector<16xf32>
          %add3A_156 = arith.constant 1 : i32
          %add3A_157 = arith.addi %mul3A_152, %add3A_156 : i32
          %get3A_158 = arith.index_cast %add3A_157 : i32 to index
          %get3A_159 = arith.constant 0 : index
          %get3A_160 = tpu.vector_load %arg9[%get3A_158, %get3A_159] {strides = array<i32>} : memref<128x128xf32, #tpu.memory_space<vmem>>, vector<1x16xf32>,
          %get3A_161 = vector.shape_cast %get3A_160 : vector<1x16xf32> to vector<16xf32>
          %max3A = arith.maximumf %get3A_155, %get3A_161 : vector<16xf32>
          %add3A_162 = arith.constant 2 : i32
          %add3A_163 = arith.addi %mul3A_152, %add3A_162 : i32
          %get3A_164 = arith.index_cast %add3A_163 : i32 to index
          %get3A_165 = arith.constant 0 : index
          %get3A_166 = tpu.vector_load %arg9[%get3A_164, %get3A_165] {strides = array<i32>} : memref<128x128xf32, #tpu.memory_space<vmem>>, vector<1x16xf32>,
          %get3A_167 = vector.shape_cast %get3A_166 : vector<1x16xf32> to vector<16xf32>
          %max3A_168 = arith.maximumf %max3A, %get3A_167 : vector<16xf32>
          %add3A_169 = arith.constant 3 : i32
          %add3A_170 = arith.addi %mul3A_152, %add3A_169 : i32
          %get3A_171 = arith.index_cast %add3A_170 : i32 to index
          %get3A_172 = arith.constant 0 : index
          %get3A_173 = tpu.vector_load %arg9[%get3A_171, %get3A_172] {strides = array<i32>} : memref<128x128xf32, #tpu.memory_space<vmem>>, vector<1x16xf32>,
          %get3A_174 = vector.shape_cast %get3A_173 : vector<1x16xf32> to vector<16xf32>
          %max3A_175 = arith.maximumf %max3A_168, %get3A_174 : vector<16xf32>
          %add3A_176 = arith.constant 4 : i32
          %add3A_177 = arith.addi %mul3A_152, %add3A_176 : i32
          %get3A_178 = arith.index_cast %add3A_177 : i32 to index
          %get3A_179 = arith.constant 0 : index
          %get3A_180 = tpu.vector_load %arg9[%get3A_178, %get3A_179] {strides = array<i32>} : memref<128x128xf32, #tpu.memory_space<vmem>>, vector<1x16xf32>,
          %get3A_181 = vector.shape_cast %get3A_180 : vector<1x16xf32> to vector<16xf32>
          %max3A_182 = arith.maximumf %max3A_175, %get3A_181 : vector<16xf32>
          %add3A_183 = arith.constant 5 : i32
          %add3A_184 = arith.addi %mul3A_152, %add3A_183 : i32
          %get3A_185 = arith.index_cast %add3A_184 : i32 to index
          %get3A_186 = arith.constant 0 : index
          %get3A_187 = tpu.vector_load %arg9[%get3A_185, %get3A_186] {strides = array<i32>} : memref<128x128xf32, #tpu.memory_space<vmem>>, vector<1x16xf32>,
          %get3A_188 = vector.shape_cast %get3A_187 : vector<1x16xf32> to vector<16xf32>
          %max3A_189 = arith.maximumf %max3A_182, %get3A_188 : vector<16xf32>
          %add3A_190 = arith.constant 6 : i32
          %add3A_191 = arith.addi %mul3A_152, %add3A_190 : i32
          %get3A_192 = arith.index_cast %add3A_191 : i32 to index
          %get3A_193 = arith.constant 0 : index
          %get3A_194 = tpu.vector_load %arg9[%get3A_192, %get3A_193] {strides = array<i32>} : memref<128x128xf32, #tpu.memory_space<vmem>>, vector<1x16xf32>,
          %get3A_195 = vector.shape_cast %get3A_194 : vector<1x16xf32> to vector<16xf32>
          %max3A_196 = arith.maximumf %max3A_189, %get3A_195 : vector<16xf32>
          %add3A_197 = arith.constant 7 : i32
          %add3A_198 = arith.addi %mul3A_152, %add3A_197 : i32
          %get3A_199 = arith.index_cast %add3A_198 : i32 to index
          %get3A_200 = arith.constant 0 : index
          %get3A_201 = tpu.vector_load %arg9[%get3A_199, %get3A_200] {strides = array<i32>} : memref<128x128xf32, #tpu.memory_space<vmem>>, vector<1x16xf32>,
          %get3A_202 = vector.shape_cast %get3A_201 : vector<1x16xf32> to vector<16xf32>
          %max3A_203 = arith.maximumf %max3A_196, %get3A_202 : vector<16xf32>
          %add3A_204 = arith.constant 8 : i32
          %add3A_205 = arith.addi %mul3A_152, %add3A_204 : i32
          %get3A_206 = arith.index_cast %add3A_205 : i32 to index
          %get3A_207 = arith.constant 0 : index
          %get3A_208 = tpu.vector_load %arg9[%get3A_206, %get3A_207] {strides = array<i32>} : memref<128x128xf32, #tpu.memory_space<vmem>>, vector<1x16xf32>,
          %get3A_209 = vector.shape_cast %get3A_208 : vector<1x16xf32> to vector<16xf32>
          %max3A_210 = arith.maximumf %max3A_203, %get3A_209 : vector<16xf32>
          %add3A_211 = arith.constant 9 : i32
          %add3A_212 = arith.addi %mul3A_152, %add3A_211 : i32
          %get3A_213 = arith.index_cast %add3A_212 : i32 to index
          %get3A_214 = arith.constant 0 : index
          %get3A_215 = tpu.vector_load %arg9[%get3A_213, %get3A_214] {strides = array<i32>} : memref<128x128xf32, #tpu.memory_space<vmem>>, vector<1x16xf32>,
          %get3A_216 = vector.shape_cast %get3A_215 : vector<1x16xf32> to vector<16xf32>
          %max3A_217 = arith.maximumf %max3A_210, %get3A_216 : vector<16xf32>
          %add3A_218 = arith.constant 10 : i32
          %add3A_219 = arith.addi %mul3A_152, %add3A_218 : i32
          %get3A_220 = arith.index_cast %add3A_219 : i32 to index
          %get3A_221 = arith.constant 0 : index
          %get3A_222 = tpu.vector_load %arg9[%get3A_220, %get3A_221] {strides = array<i32>} : memref<128x128xf32, #tpu.memory_space<vmem>>, vector<1x16xf32>,
          %get3A_223 = vector.shape_cast %get3A_222 : vector<1x16xf32> to vector<16xf32>
          %max3A_224 = arith.maximumf %max3A_217, %get3A_223 : vector<16xf32>
          %add3A_225 = arith.constant 11 : i32
          %add3A_226 = arith.addi %mul3A_152, %add3A_225 : i32
          %get3A_227 = arith.index_cast %add3A_226 : i32 to index
          %get3A_228 = arith.constant 0 : index
          %get3A_229 = tpu.vector_load %arg9[%get3A_227, %get3A_228] {strides = array<i32>} : memref<128x128xf32, #tpu.memory_space<vmem>>, vector<1x16xf32>,
          %get3A_230 = vector.shape_cast %get3A_229 : vector<1x16xf32> to vector<16xf32>
          %max3A_231 = arith.maximumf %max3A_224, %get3A_230 : vector<16xf32>
          %add3A_232 = arith.constant 12 : i32
          %add3A_233 = arith.addi %mul3A_152, %add3A_232 : i32
          %get3A_234 = arith.index_cast %add3A_233 : i32 to index
          %get3A_235 = arith.constant 0 : index
          %get3A_236 = tpu.vector_load %arg9[%get3A_234, %get3A_235] {strides = array<i32>} : memref<128x128xf32, #tpu.memory_space<vmem>>, vector<1x16xf32>,
          %get3A_237 = vector.shape_cast %get3A_236 : vector<1x16xf32> to vector<16xf32>
          %max3A_238 = arith.maximumf %max3A_231, %get3A_237 : vector<16xf32>
          %add3A_239 = arith.constant 13 : i32
          %add3A_240 = arith.addi %mul3A_152, %add3A_239 : i32
          %get3A_241 = arith.index_cast %add3A_240 : i32 to index
          %get3A_242 = arith.constant 0 : index
          %get3A_243 = tpu.vector_load %arg9[%get3A_241, %get3A_242] {strides = array<i32>} : memref<128x128xf32, #tpu.memory_space<vmem>>, vector<1x16xf32>,
          %get3A_244 = vector.shape_cast %get3A_243 : vector<1x16xf32> to vector<16xf32>
          %max3A_245 = arith.maximumf %max3A_238, %get3A_244 : vector<16xf32>
          %add3A_246 = arith.constant 14 : i32
          %add3A_247 = arith.addi %mul3A_152, %add3A_246 : i32
          %get3A_248 = arith.index_cast %add3A_247 : i32 to index
          %get3A_249 = arith.constant 0 : index
          %get3A_250 = tpu.vector_load %arg9[%get3A_248, %get3A_249] {strides = array<i32>} : memref<128x128xf32, #tpu.memory_space<vmem>>, vector<1x16xf32>,
          %get3A_251 = vector.shape_cast %get3A_250 : vector<1x16xf32> to vector<16xf32>
          %max3A_252 = arith.maximumf %max3A_245, %get3A_251 : vector<16xf32>
          %add3A_253 = arith.constant 15 : i32
          %add3A_254 = arith.addi %mul3A_152, %add3A_253 : i32
          %get3A_255 = arith.index_cast %add3A_254 : i32 to index
          %get3A_256 = arith.constant 0 : index
          %get3A_257 = tpu.vector_load %arg9[%get3A_255, %get3A_256] {strides = array<i32>} : memref<128x128xf32, #tpu.memory_space<vmem>>, vector<1x16xf32>,
          %get3A_258 = vector.shape_cast %get3A_257 : vector<1x16xf32> to vector<16xf32>
          %max3A_259 = arith.maximumf %max3A_252, %get3A_258 : vector<16xf32>
          %swap3A = arith.index_cast %scan3A_150 : i32 to index
          %swap3A_260 = arith.constant 0 : index
          %swap3A_261 = tpu.vector_load %arg13[%swap3A, %swap3A_260] {strides = array<i32>} : memref<8x128xf32, #tpu.memory_space<vmem>>, vector<1x16xf32>,
          %swap3A_262 = vector.shape_cast %swap3A_261 : vector<1x16xf32> to vector<16xf32>
          %swap3A_263 = vector.shape_cast %max3A_259 : vector<16xf32> to vector<1x16xf32>
          tpu.vector_store %arg13[%swap3A, %swap3A_260], %swap3A_263 {strides = array<i32>} : memref<8x128xf32, #tpu.memory_space<vmem>>, vector<1x16xf32>,
          %get3A_264 = arith.index_cast %mul3A_152 : i32 to index
          %get3A_265 = arith.constant 16 : index
          %get3A_266 = tpu.vector_load %arg9[%get3A_264, %get3A_265] {strides = array<i32>} : memref<128x128xf32, #tpu.memory_space<vmem>>, vector<1x16xf32>,
          %get3A_267 = vector.shape_cast %get3A_266 : vector<1x16xf32> to vector<16xf32>
          %add3A_268 = arith.constant 1 : i32
          %add3A_269 = arith.addi %mul3A_152, %add3A_268 : i32
          %get3A_270 = arith.index_cast %add3A_269 : i32 to index
          %get3A_271 = arith.constant 16 : index
          %get3A_272 = tpu.vector_load %arg9[%get3A_270, %get3A_271] {strides = array<i32>} : memref<128x128xf32, #tpu.memory_space<vmem>>, vector<1x16xf32>,
          %get3A_273 = vector.shape_cast %get3A_272 : vector<1x16xf32> to vector<16xf32>
          %max3A_274 = arith.maximumf %get3A_267, %get3A_273 : vector<16xf32>
          %add3A_275 = arith.constant 2 : i32
          %add3A_276 = arith.addi %mul3A_152, %add3A_275 : i32
          %get3A_277 = arith.index_cast %add3A_276 : i32 to index
          %get3A_278 = arith.constant 16 : index
          %get3A_279 = tpu.vector_load %arg9[%get3A_277, %get3A_278] {strides = array<i32>} : memref<128x128xf32, #tpu.memory_space<vmem>>, vector<1x16xf32>,
          %get3A_280 = vector.shape_cast %get3A_279 : vector<1x16xf32> to vector<16xf32>
          %max3A_281 = arith.maximumf %max3A_274, %get3A_280 : vector<16xf32>
          %add3A_282 = arith.constant 3 : i32
          %add3A_283 = arith.addi %mul3A_152, %add3A_282 : i32
          %get3A_284 = arith.index_cast %add3A_283 : i32 to index
          %get3A_285 = arith.constant 16 : index
          %get3A_286 = tpu.vector_load %arg9[%get3A_284, %get3A_285] {strides = array<i32>} : memref<128x128xf32, #tpu.memory_space<vmem>>, vector<1x16xf32>,
          %get3A_287 = vector.shape_cast %get3A_286 : vector<1x16xf32> to vector<16xf32>
          %max3A_288 = arith.maximumf %max3A_281, %get3A_287 : vector<16xf32>
          %add3A_289 = arith.constant 4 : i32
          %add3A_290 = arith.addi %mul3A_152, %add3A_289 : i32
          %get3A_291 = arith.index_cast %add3A_290 : i32 to index
          %get3A_292 = arith.constant 16 : index
          %get3A_293 = tpu.vector_load %arg9[%get3A_291, %get3A_292] {strides = array<i32>} : memref<128x128xf32, #tpu.memory_space<vmem>>, vector<1x16xf32>,
          %get3A_294 = vector.shape_cast %get3A_293 : vector<1x16xf32> to vector<16xf32>
          %max3A_295 = arith.maximumf %max3A_288, %get3A_294 : vector<16xf32>
          %add3A_296 = arith.constant 5 : i32
          %add3A_297 = arith.addi %mul3A_152, %add3A_296 : i32
          %get3A_298 = arith.index_cast %add3A_297 : i32 to index
          %get3A_299 = arith.constant 16 : index
          %get3A_300 = tpu.vector_load %arg9[%get3A_298, %get3A_299] {strides = array<i32>} : memref<128x128xf32, #tpu.memory_space<vmem>>, vector<1x16xf32>,
          %get3A_301 = vector.shape_cast %get3A_300 : vector<1x16xf32> to vector<16xf32>
          %max3A_302 = arith.maximumf %max3A_295, %get3A_301 : vector<16xf32>
          %add3A_303 = arith.constant 6 : i32
          %add3A_304 = arith.addi %mul3A_152, %add3A_303 : i32
          %get3A_305 = arith.index_cast %add3A_304 : i32 to index
          %get3A_306 = arith.constant 16 : index
          %get3A_307 = tpu.vector_load %arg9[%get3A_305, %get3A_306] {strides = array<i32>} : memref<128x128xf32, #tpu.memory_space<vmem>>, vector<1x16xf32>,
          %get3A_308 = vector.shape_cast %get3A_307 : vector<1x16xf32> to vector<16xf32>
          %max3A_309 = arith.maximumf %max3A_302, %get3A_308 : vector<16xf32>
          %add3A_310 = arith.constant 7 : i32
          %add3A_311 = arith.addi %mul3A_152, %add3A_310 : i32
          %get3A_312 = arith.index_cast %add3A_311 : i32 to index
          %get3A_313 = arith.constant 16 : index
          %get3A_314 = tpu.vector_load %arg9[%get3A_312, %get3A_313] {strides = array<i32>} : memref<128x128xf32, #tpu.memory_space<vmem>>, vector<1x16xf32>,
          %get3A_315 = vector.shape_cast %get3A_314 : vector<1x16xf32> to vector<16xf32>
          %max3A_316 = arith.maximumf %max3A_309, %get3A_315 : vector<16xf32>
          %add3A_317 = arith.constant 8 : i32
          %add3A_318 = arith.addi %mul3A_152, %add3A_317 : i32
          %get3A_319 = arith.index_cast %add3A_318 : i32 to index
          %get3A_320 = arith.constant 16 : index
          %get3A_321 = tpu.vector_load %arg9[%get3A_319, %get3A_320] {strides = array<i32>} : memref<128x128xf32, #tpu.memory_space<vmem>>, vector<1x16xf32>,
          %get3A_322 = vector.shape_cast %get3A_321 : vector<1x16xf32> to vector<16xf32>
          %max3A_323 = arith.maximumf %max3A_316, %get3A_322 : vector<16xf32>
          %add3A_324 = arith.constant 9 : i32
          %add3A_325 = arith.addi %mul3A_152, %add3A_324 : i32
          %get3A_326 = arith.index_cast %add3A_325 : i32 to index
          %get3A_327 = arith.constant 16 : index
          %get3A_328 = tpu.vector_load %arg9[%get3A_326, %get3A_327] {strides = array<i32>} : memref<128x128xf32, #tpu.memory_space<vmem>>, vector<1x16xf32>,
          %get3A_329 = vector.shape_cast %get3A_328 : vector<1x16xf32> to vector<16xf32>
          %max3A_330 = arith.maximumf %max3A_323, %get3A_329 : vector<16xf32>
          %add3A_331 = arith.constant 10 : i32
          %add3A_332 = arith.addi %mul3A_152, %add3A_331 : i32
          %get3A_333 = arith.index_cast %add3A_332 : i32 to index
          %get3A_334 = arith.constant 16 : index
          %get3A_335 = tpu.vector_load %arg9[%get3A_333, %get3A_334] {strides = array<i32>} : memref<128x128xf32, #tpu.memory_space<vmem>>, vector<1x16xf32>,
          %get3A_336 = vector.shape_cast %get3A_335 : vector<1x16xf32> to vector<16xf32>
          %max3A_337 = arith.maximumf %max3A_330, %get3A_336 : vector<16xf32>
          %add3A_338 = arith.constant 11 : i32
          %add3A_339 = arith.addi %mul3A_152, %add3A_338 : i32
          %get3A_340 = arith.index_cast %add3A_339 : i32 to index
          %get3A_341 = arith.constant 16 : index
          %get3A_342 = tpu.vector_load %arg9[%get3A_340, %get3A_341] {strides = array<i32>} : memref<128x128xf32, #tpu.memory_space<vmem>>, vector<1x16xf32>,
          %get3A_343 = vector.shape_cast %get3A_342 : vector<1x16xf32> to vector<16xf32>
          %max3A_344 = arith.maximumf %max3A_337, %get3A_343 : vector<16xf32>
          %add3A_345 = arith.constant 12 : i32
          %add3A_346 = arith.addi %mul3A_152, %add3A_345 : i32
          %get3A_347 = arith.index_cast %add3A_346 : i32 to index
          %get3A_348 = arith.constant 16 : index
          %get3A_349 = tpu.vector_load %arg9[%get3A_347, %get3A_348] {strides = array<i32>} : memref<128x128xf32, #tpu.memory_space<vmem>>, vector<1x16xf32>,
          %get3A_350 = vector.shape_cast %get3A_349 : vector<1x16xf32> to vector<16xf32>
          %max3A_351 = arith.maximumf %max3A_344, %get3A_350 : vector<16xf32>
          %add3A_352 = arith.constant 13 : i32
          %add3A_353 = arith.addi %mul3A_152, %add3A_352 : i32
          %get3A_354 = arith.index_cast %add3A_353 : i32 to index
          %get3A_355 = arith.constant 16 : index
          %get3A_356 = tpu.vector_load %arg9[%get3A_354, %get3A_355] {strides = array<i32>} : memref<128x128xf32, #tpu.memory_space<vmem>>, vector<1x16xf32>,
          %get3A_357 = vector.shape_cast %get3A_356 : vector<1x16xf32> to vector<16xf32>
          %max3A_358 = arith.maximumf %max3A_351, %get3A_357 : vector<16xf32>
          %add3A_359 = arith.constant 14 : i32
          %add3A_360 = arith.addi %mul3A_152, %add3A_359 : i32
          %get3A_361 = arith.index_cast %add3A_360 : i32 to index
          %get3A_362 = arith.constant 16 : index
          %get3A_363 = tpu.vector_load %arg9[%get3A_361, %get3A_362] {strides = array<i32>} : memref<128x128xf32, #tpu.memory_space<vmem>>, vector<1x16xf32>,
          %get3A_364 = vector.shape_cast %get3A_363 : vector<1x16xf32> to vector<16xf32>
          %max3A_365 = arith.maximumf %max3A_358, %get3A_364 : vector<16xf32>
          %add3A_366 = arith.constant 15 : i32
          %add3A_367 = arith.addi %mul3A_152, %add3A_366 : i32
          %get3A_368 = arith.index_cast %add3A_367 : i32 to index
          %get3A_369 = arith.constant 16 : index
          %get3A_370 = tpu.vector_load %arg9[%get3A_368, %get3A_369] {strides = array<i32>} : memref<128x128xf32, #tpu.memory_space<vmem>>, vector<1x16xf32>,
          %get3A_371 = vector.shape_cast %get3A_370 : vector<1x16xf32> to vector<16xf32>
          %max3A_372 = arith.maximumf %max3A_365, %get3A_371 : vector<16xf32>
          %swap3A_373 = arith.index_cast %scan3A_150 : i32 to index
          %swap3A_374 = arith.constant 16 : index
          %swap3A_375 = tpu.vector_load %arg13[%swap3A_373, %swap3A_374] {strides = array<i32>} : memref<8x128xf32, #tpu.memory_space<vmem>>, vector<1x16xf32>,
          %swap3A_376 = vector.shape_cast %swap3A_375 : vector<1x16xf32> to vector<16xf32>
          %swap3A_377 = vector.shape_cast %max3A_372 : vector<16xf32> to vector<1x16xf32>
          tpu.vector_store %arg13[%swap3A_373, %swap3A_374], %swap3A_377 {strides = array<i32>} : memref<8x128xf32, #tpu.memory_space<vmem>>, vector<1x16xf32>,
          %get3A_378 = arith.index_cast %mul3A_152 : i32 to index
          %get3A_379 = arith.constant 32 : index
          %get3A_380 = tpu.vector_load %arg9[%get3A_378, %get3A_379] {strides = array<i32>} : memref<128x128xf32, #tpu.memory_space<vmem>>, vector<1x16xf32>,
          %get3A_381 = vector.shape_cast %get3A_380 : vector<1x16xf32> to vector<16xf32>
          %add3A_382 = arith.constant 1 : i32
          %add3A_383 = arith.addi %mul3A_152, %add3A_382 : i32
          %get3A_384 = arith.index_cast %add3A_383 : i32 to index
          %get3A_385 = arith.constant 32 : index
          %get3A_386 = tpu.vector_load %arg9[%get3A_384, %get3A_385] {strides = array<i32>} : memref<128x128xf32, #tpu.memory_space<vmem>>, vector<1x16xf32>,
          %get3A_387 = vector.shape_cast %get3A_386 : vector<1x16xf32> to vector<16xf32>
          %max3A_388 = arith.maximumf %get3A_381, %get3A_387 : vector<16xf32>
          %add3A_389 = arith.constant 2 : i32
          %add3A_390 = arith.addi %mul3A_152, %add3A_389 : i32
          %get3A_391 = arith.index_cast %add3A_390 : i32 to index
          %get3A_392 = arith.constant 32 : index
          %get3A_393 = tpu.vector_load %arg9[%get3A_391, %get3A_392] {strides = array<i32>} : memref<128x128xf32, #tpu.memory_space<vmem>>, vector<1x16xf32>,
          %get3A_394 = vector.shape_cast %get3A_393 : vector<1x16xf32> to vector<16xf32>
          %max3A_395 = arith.maximumf %max3A_388, %get3A_394 : vector<16xf32>
          %add3A_396 = arith.constant 3 : i32
          %add3A_397 = arith.addi %mul3A_152, %add3A_396 : i32
          %get3A_398 = arith.index_cast %add3A_397 : i32 to index
          %get3A_399 = arith.constant 32 : index
          %get3A_400 = tpu.vector_load %arg9[%get3A_398, %get3A_399] {strides = array<i32>} : memref<128x128xf32, #tpu.memory_space<vmem>>, vector<1x16xf32>,
          %get3A_401 = vector.shape_cast %get3A_400 : vector<1x16xf32> to vector<16xf32>
          %max3A_402 = arith.maximumf %max3A_395, %get3A_401 : vector<16xf32>
          %add3A_403 = arith.constant 4 : i32
          %add3A_404 = arith.addi %mul3A_152, %add3A_403 : i32
          %get3A_405 = arith.index_cast %add3A_404 : i32 to index
          %get3A_406 = arith.constant 32 : index
          %get3A_407 = tpu.vector_load %arg9[%get3A_405, %get3A_406] {strides = array<i32>} : memref<128x128xf32, #tpu.memory_space<vmem>>, vector<1x16xf32>,
          %get3A_408 = vector.shape_cast %get3A_407 : vector<1x16xf32> to vector<16xf32>
          %max3A_409 = arith.maximumf %max3A_402, %get3A_408 : vector<16xf32>
          %add3A_410 = arith.constant 5 : i32
          %add3A_411 = arith.addi %mul3A_152, %add3A_410 : i32
          %get3A_412 = arith.index_cast %add3A_411 : i32 to index
          %get3A_413 = arith.constant 32 : index
          %get3A_414 = tpu.vector_load %arg9[%get3A_412, %get3A_413] {strides = array<i32>} : memref<128x128xf32, #tpu.memory_space<vmem>>, vector<1x16xf32>,
          %get3A_415 = vector.shape_cast %get3A_414 : vector<1x16xf32> to vector<16xf32>
          %max3A_416 = arith.maximumf %max3A_409, %get3A_415 : vector<16xf32>
          %add3A_417 = arith.constant 6 : i32
          %add3A_418 = arith.addi %mul3A_152, %add3A_417 : i32
          %get3A_419 = arith.index_cast %add3A_418 : i32 to index
          %get3A_420 = arith.constant 32 : index
          %get3A_421 = tpu.vector_load %arg9[%get3A_419, %get3A_420] {strides = array<i32>} : memref<128x128xf32, #tpu.memory_space<vmem>>, vector<1x16xf32>,
          %get3A_422 = vector.shape_cast %get3A_421 : vector<1x16xf32> to vector<16xf32>
          %max3A_423 = arith.maximumf %max3A_416, %get3A_422 : vector<16xf32>
          %add3A_424 = arith.constant 7 : i32
          %add3A_425 = arith.addi %mul3A_152, %add3A_424 : i32
          %get3A_426 = arith.index_cast %add3A_425 : i32 to index
          %get3A_427 = arith.constant 32 : index
          %get3A_428 = tpu.vector_load %arg9[%get3A_426, %get3A_427] {strides = array<i32>} : memref<128x128xf32, #tpu.memory_space<vmem>>, vector<1x16xf32>,
          %get3A_429 = vector.shape_cast %get3A_428 : vector<1x16xf32> to vector<16xf32>
          %max3A_430 = arith.maximumf %max3A_423, %get3A_429 : vector<16xf32>
          %add3A_431 = arith.constant 8 : i32
          %add3A_432 = arith.addi %mul3A_152, %add3A_431 : i32
          %get3A_433 = arith.index_cast %add3A_432 : i32 to index
          %get3A_434 = arith.constant 32 : index
          %get3A_435 = tpu.vector_load %arg9[%get3A_433, %get3A_434] {strides = array<i32>} : memref<128x128xf32, #tpu.memory_space<vmem>>, vector<1x16xf32>,
          %get3A_436 = vector.shape_cast %get3A_435 : vector<1x16xf32> to vector<16xf32>
          %max3A_437 = arith.maximumf %max3A_430, %get3A_436 : vector<16xf32>
          %add3A_438 = arith.constant 9 : i32
          %add3A_439 = arith.addi %mul3A_152, %add3A_438 : i32
          %get3A_440 = arith.index_cast %add3A_439 : i32 to index
          %get3A_441 = arith.constant 32 : index
          %get3A_442 = tpu.vector_load %arg9[%get3A_440, %get3A_441] {strides = array<i32>} : memref<128x128xf32, #tpu.memory_space<vmem>>, vector<1x16xf32>,
          %get3A_443 = vector.shape_cast %get3A_442 : vector<1x16xf32> to vector<16xf32>
          %max3A_444 = arith.maximumf %max3A_437, %get3A_443 : vector<16xf32>
          %add3A_445 = arith.constant 10 : i32
          %add3A_446 = arith.addi %mul3A_152, %add3A_445 : i32
          %get3A_447 = arith.index_cast %add3A_446 : i32 to index
          %get3A_448 = arith.constant 32 : index
          %get3A_449 = tpu.vector_load %arg9[%get3A_447, %get3A_448] {strides = array<i32>} : memref<128x128xf32, #tpu.memory_space<vmem>>, vector<1x16xf32>,
          %get3A_450 = vector.shape_cast %get3A_449 : vector<1x16xf32> to vector<16xf32>
          %max3A_451 = arith.maximumf %max3A_444, %get3A_450 : vector<16xf32>
          %add3A_452 = arith.constant 11 : i32
          %add3A_453 = arith.addi %mul3A_152, %add3A_452 : i32
          %get3A_454 = arith.index_cast %add3A_453 : i32 to index
          %get3A_455 = arith.constant 32 : index
          %get3A_456 = tpu.vector_load %arg9[%get3A_454, %get3A_455] {strides = array<i32>} : memref<128x128xf32, #tpu.memory_space<vmem>>, vector<1x16xf32>,
          %get3A_457 = vector.shape_cast %get3A_456 : vector<1x16xf32> to vector<16xf32>
          %max3A_458 = arith.maximumf %max3A_451, %get3A_457 : vector<16xf32>
          %add3A_459 = arith.constant 12 : i32
          %add3A_460 = arith.addi %mul3A_152, %add3A_459 : i32
          %get3A_461 = arith.index_cast %add3A_460 : i32 to index
          %get3A_462 = arith.constant 32 : index
          %get3A_463 = tpu.vector_load %arg9[%get3A_461, %get3A_462] {strides = array<i32>} : memref<128x128xf32, #tpu.memory_space<vmem>>, vector<1x16xf32>,
          %get3A_464 = vector.shape_cast %get3A_463 : vector<1x16xf32> to vector<16xf32>
          %max3A_465 = arith.maximumf %max3A_458, %get3A_464 : vector<16xf32>
          %add3A_466 = arith.constant 13 : i32
          %add3A_467 = arith.addi %mul3A_152, %add3A_466 : i32
          %get3A_468 = arith.index_cast %add3A_467 : i32 to index
          %get3A_469 = arith.constant 32 : index
          %get3A_470 = tpu.vector_load %arg9[%get3A_468, %get3A_469] {strides = array<i32>} : memref<128x128xf32, #tpu.memory_space<vmem>>, vector<1x16xf32>,
          %get3A_471 = vector.shape_cast %get3A_470 : vector<1x16xf32> to vector<16xf32>
          %max3A_472 = arith.maximumf %max3A_465, %get3A_471 : vector<16xf32>
          %add3A_473 = arith.constant 14 : i32
          %add3A_474 = arith.addi %mul3A_152, %add3A_473 : i32
          %get3A_475 = arith.index_cast %add3A_474 : i32 to index
          %get3A_476 = arith.constant 32 : index
          %get3A_477 = tpu.vector_load %arg9[%get3A_475, %get3A_476] {strides = array<i32>} : memref<128x128xf32, #tpu.memory_space<vmem>>, vector<1x16xf32>,
          %get3A_478 = vector.shape_cast %get3A_477 : vector<1x16xf32> to vector<16xf32>
          %max3A_479 = arith.maximumf %max3A_472, %get3A_478 : vector<16xf32>
          %add3A_480 = arith.constant 15 : i32
          %add3A_481 = arith.addi %mul3A_152, %add3A_480 : i32
          %get3A_482 = arith.index_cast %add3A_481 : i32 to index
          %get3A_483 = arith.constant 32 : index
          %get3A_484 = tpu.vector_load %arg9[%get3A_482, %get3A_483] {strides = array<i32>} : memref<128x128xf32, #tpu.memory_space<vmem>>, vector<1x16xf32>,
          %get3A_485 = vector.shape_cast %get3A_484 : vector<1x16xf32> to vector<16xf32>
          %max3A_486 = arith.maximumf %max3A_479, %get3A_485 : vector<16xf32>
          %swap3A_487 = arith.index_cast %scan3A_150 : i32 to index
          %swap3A_488 = arith.constant 32 : index
          %swap3A_489 = tpu.vector_load %arg13[%swap3A_487, %swap3A_488] {strides = array<i32>} : memref<8x128xf32, #tpu.memory_space<vmem>>, vector<1x16xf32>,
          %swap3A_490 = vector.shape_cast %swap3A_489 : vector<1x16xf32> to vector<16xf32>
          %swap3A_491 = vector.shape_cast %max3A_486 : vector<16xf32> to vector<1x16xf32>
          tpu.vector_store %arg13[%swap3A_487, %swap3A_488], %swap3A_491 {strides = array<i32>} : memref<8x128xf32, #tpu.memory_space<vmem>>, vector<1x16xf32>,
          %get3A_492 = arith.index_cast %mul3A_152 : i32 to index
          %get3A_493 = arith.constant 48 : index
          %get3A_494 = tpu.vector_load %arg9[%get3A_492, %get3A_493] {strides = array<i32>} : memref<128x128xf32, #tpu.memory_space<vmem>>, vector<1x16xf32>,
          %get3A_495 = vector.shape_cast %get3A_494 : vector<1x16xf32> to vector<16xf32>
          %add3A_496 = arith.constant 1 : i32
          %add3A_497 = arith.addi %mul3A_152, %add3A_496 : i32
          %get3A_498 = arith.index_cast %add3A_497 : i32 to index
          %get3A_499 = arith.constant 48 : index
          %get3A_500 = tpu.vector_load %arg9[%get3A_498, %get3A_499] {strides = array<i32>} : memref<128x128xf32, #tpu.memory_space<vmem>>, vector<1x16xf32>,
          %get3A_501 = vector.shape_cast %get3A_500 : vector<1x16xf32> to vector<16xf32>
          %max3A_502 = arith.maximumf %get3A_495, %get3A_501 : vector<16xf32>
          %add3A_503 = arith.constant 2 : i32
          %add3A_504 = arith.addi %mul3A_152, %add3A_503 : i32
          %get3A_505 = arith.index_cast %add3A_504 : i32 to index
          %get3A_506 = arith.constant 48 : index
          %get3A_507 = tpu.vector_load %arg9[%get3A_505, %get3A_506] {strides = array<i32>} : memref<128x128xf32, #tpu.memory_space<vmem>>, vector<1x16xf32>,
          %get3A_508 = vector.shape_cast %get3A_507 : vector<1x16xf32> to vector<16xf32>
          %max3A_509 = arith.maximumf %max3A_502, %get3A_508 : vector<16xf32>
          %add3A_510 = arith.constant 3 : i32
          %add3A_511 = arith.addi %mul3A_152, %add3A_510 : i32
          %get3A_512 = arith.index_cast %add3A_511 : i32 to index
          %get3A_513 = arith.constant 48 : index
          %get3A_514 = tpu.vector_load %arg9[%get3A_512, %get3A_513] {strides = array<i32>} : memref<128x128xf32, #tpu.memory_space<vmem>>, vector<1x16xf32>,
          %get3A_515 = vector.shape_cast %get3A_514 : vector<1x16xf32> to vector<16xf32>
          %max3A_516 = arith.maximumf %max3A_509, %get3A_515 : vector<16xf32>
          %add3A_517 = arith.constant 4 : i32
          %add3A_518 = arith.addi %mul3A_152, %add3A_517 : i32
          %get3A_519 = arith.index_cast %add3A_518 : i32 to index
          %get3A_520 = arith.constant 48 : index
          %get3A_521 = tpu.vector_load %arg9[%get3A_519, %get3A_520] {strides = array<i32>} : memref<128x128xf32, #tpu.memory_space<vmem>>, vector<1x16xf32>,
          %get3A_522 = vector.shape_cast %get3A_521 : vector<1x16xf32> to vector<16xf32>
          %max3A_523 = arith.maximumf %max3A_516, %get3A_522 : vector<16xf32>
          %add3A_524 = arith.constant 5 : i32
          %add3A_525 = arith.addi %mul3A_152, %add3A_524 : i32
          %get3A_526 = arith.index_cast %add3A_525 : i32 to index
          %get3A_527 = arith.constant 48 : index
          %get3A_528 = tpu.vector_load %arg9[%get3A_526, %get3A_527] {strides = array<i32>} : memref<128x128xf32, #tpu.memory_space<vmem>>, vector<1x16xf32>,
          %get3A_529 = vector.shape_cast %get3A_528 : vector<1x16xf32> to vector<16xf32>
          %max3A_530 = arith.maximumf %max3A_523, %get3A_529 : vector<16xf32>
          %add3A_531 = arith.constant 6 : i32
          %add3A_532 = arith.addi %mul3A_152, %add3A_531 : i32
          %get3A_533 = arith.index_cast %add3A_532 : i32 to index
          %get3A_534 = arith.constant 48 : index
          %get3A_535 = tpu.vector_load %arg9[%get3A_533, %get3A_534] {strides = array<i32>} : memref<128x128xf32, #tpu.memory_space<vmem>>, vector<1x16xf32>,
          %get3A_536 = vector.shape_cast %get3A_535 : vector<1x16xf32> to vector<16xf32>
          %max3A_537 = arith.maximumf %max3A_530, %get3A_536 : vector<16xf32>
          %add3A_538 = arith.constant 7 : i32
          %add3A_539 = arith.addi %mul3A_152, %add3A_538 : i32
          %get3A_540 = arith.index_cast %add3A_539 : i32 to index
          %get3A_541 = arith.constant 48 : index
          %get3A_542 = tpu.vector_load %arg9[%get3A_540, %get3A_541] {strides = array<i32>} : memref<128x128xf32, #tpu.memory_space<vmem>>, vector<1x16xf32>,
          %get3A_543 = vector.shape_cast %get3A_542 : vector<1x16xf32> to vector<16xf32>
          %max3A_544 = arith.maximumf %max3A_537, %get3A_543 : vector<16xf32>
          %add3A_545 = arith.constant 8 : i32
          %add3A_546 = arith.addi %mul3A_152, %add3A_545 : i32
          %get3A_547 = arith.index_cast %add3A_546 : i32 to index
          %get3A_548 = arith.constant 48 : index
          %get3A_549 = tpu.vector_load %arg9[%get3A_547, %get3A_548] {strides = array<i32>} : memref<128x128xf32, #tpu.memory_space<vmem>>, vector<1x16xf32>,
          %get3A_550 = vector.shape_cast %get3A_549 : vector<1x16xf32> to vector<16xf32>
          %max3A_551 = arith.maximumf %max3A_544, %get3A_550 : vector<16xf32>
          %add3A_552 = arith.constant 9 : i32
          %add3A_553 = arith.addi %mul3A_152, %add3A_552 : i32
          %get3A_554 = arith.index_cast %add3A_553 : i32 to index
          %get3A_555 = arith.constant 48 : index
          %get3A_556 = tpu.vector_load %arg9[%get3A_554, %get3A_555] {strides = array<i32>} : memref<128x128xf32, #tpu.memory_space<vmem>>, vector<1x16xf32>,
          %get3A_557 = vector.shape_cast %get3A_556 : vector<1x16xf32> to vector<16xf32>
          %max3A_558 = arith.maximumf %max3A_551, %get3A_557 : vector<16xf32>
          %add3A_559 = arith.constant 10 : i32
          %add3A_560 = arith.addi %mul3A_152, %add3A_559 : i32
          %get3A_561 = arith.index_cast %add3A_560 : i32 to index
          %get3A_562 = arith.constant 48 : index
          %get3A_563 = tpu.vector_load %arg9[%get3A_561, %get3A_562] {strides = array<i32>} : memref<128x128xf32, #tpu.memory_space<vmem>>, vector<1x16xf32>,
          %get3A_564 = vector.shape_cast %get3A_563 : vector<1x16xf32> to vector<16xf32>
          %max3A_565 = arith.maximumf %max3A_558, %get3A_564 : vector<16xf32>
          %add3A_566 = arith.constant 11 : i32
          %add3A_567 = arith.addi %mul3A_152, %add3A_566 : i32
          %get3A_568 = arith.index_cast %add3A_567 : i32 to index
          %get3A_569 = arith.constant 48 : index
          %get3A_570 = tpu.vector_load %arg9[%get3A_568, %get3A_569] {strides = array<i32>} : memref<128x128xf32, #tpu.memory_space<vmem>>, vector<1x16xf32>,
          %get3A_571 = vector.shape_cast %get3A_570 : vector<1x16xf32> to vector<16xf32>
          %max3A_572 = arith.maximumf %max3A_565, %get3A_571 : vector<16xf32>
          %add3A_573 = arith.constant 12 : i32
          %add3A_574 = arith.addi %mul3A_152, %add3A_573 : i32
          %get3A_575 = arith.index_cast %add3A_574 : i32 to index
          %get3A_576 = arith.constant 48 : index
          %get3A_577 = tpu.vector_load %arg9[%get3A_575, %get3A_576] {strides = array<i32>} : memref<128x128xf32, #tpu.memory_space<vmem>>, vector<1x16xf32>,
          %get3A_578 = vector.shape_cast %get3A_577 : vector<1x16xf32> to vector<16xf32>
          %max3A_579 = arith.maximumf %max3A_572, %get3A_578 : vector<16xf32>
          %add3A_580 = arith.constant 13 : i32
          %add3A_581 = arith.addi %mul3A_152, %add3A_580 : i32
          %get3A_582 = arith.index_cast %add3A_581 : i32 to index
          %get3A_583 = arith.constant 48 : index
          %get3A_584 = tpu.vector_load %arg9[%get3A_582, %get3A_583] {strides = array<i32>} : memref<128x128xf32, #tpu.memory_space<vmem>>, vector<1x16xf32>,
          %get3A_585 = vector.shape_cast %get3A_584 : vector<1x16xf32> to vector<16xf32>
          %max3A_586 = arith.maximumf %max3A_579, %get3A_585 : vector<16xf32>
          %add3A_587 = arith.constant 14 : i32
          %add3A_588 = arith.addi %mul3A_152, %add3A_587 : i32
          %get3A_589 = arith.index_cast %add3A_588 : i32 to index
          %get3A_590 = arith.constant 48 : index
          %get3A_591 = tpu.vector_load %arg9[%get3A_589, %get3A_590] {strides = array<i32>} : memref<128x128xf32, #tpu.memory_space<vmem>>, vector<1x16xf32>,
          %get3A_592 = vector.shape_cast %get3A_591 : vector<1x16xf32> to vector<16xf32>
          %max3A_593 = arith.maximumf %max3A_586, %get3A_592 : vector<16xf32>
          %add3A_594 = arith.constant 15 : i32
          %add3A_595 = arith.addi %mul3A_152, %add3A_594 : i32
          %get3A_596 = arith.index_cast %add3A_595 : i32 to index
          %get3A_597 = arith.constant 48 : index
          %get3A_598 = tpu.vector_load %arg9[%get3A_596, %get3A_597] {strides = array<i32>} : memref<128x128xf32, #tpu.memory_space<vmem>>, vector<1x16xf32>,
          %get3A_599 = vector.shape_cast %get3A_598 : vector<1x16xf32> to vector<16xf32>
          %max3A_600 = arith.maximumf %max3A_593, %get3A_599 : vector<16xf32>
          %swap3A_601 = arith.index_cast %scan3A_150 : i32 to index
          %swap3A_602 = arith.constant 48 : index
          %swap3A_603 = tpu.vector_load %arg13[%swap3A_601, %swap3A_602] {strides = array<i32>} : memref<8x128xf32, #tpu.memory_space<vmem>>, vector<1x16xf32>,
          %swap3A_604 = vector.shape_cast %swap3A_603 : vector<1x16xf32> to vector<16xf32>
          %swap3A_605 = vector.shape_cast %max3A_600 : vector<16xf32> to vector<1x16xf32>
          tpu.vector_store %arg13[%swap3A_601, %swap3A_602], %swap3A_605 {strides = array<i32>} : memref<8x128xf32, #tpu.memory_space<vmem>>, vector<1x16xf32>,
          %get3A_606 = arith.index_cast %mul3A_152 : i32 to index
          %get3A_607 = arith.constant 64 : index
          %get3A_608 = tpu.vector_load %arg9[%get3A_606, %get3A_607] {strides = array<i32>} : memref<128x128xf32, #tpu.memory_space<vmem>>, vector<1x16xf32>,
          %get3A_609 = vector.shape_cast %get3A_608 : vector<1x16xf32> to vector<16xf32>
          %add3A_610 = arith.constant 1 : i32
          %add3A_611 = arith.addi %mul3A_152, %add3A_610 : i32
          %get3A_612 = arith.index_cast %add3A_611 : i32 to index
          %get3A_613 = arith.constant 64 : index
          %get3A_614 = tpu.vector_load %arg9[%get3A_612, %get3A_613] {strides = array<i32>} : memref<128x128xf32, #tpu.memory_space<vmem>>, vector<1x16xf32>,
          %get3A_615 = vector.shape_cast %get3A_614 : vector<1x16xf32> to vector<16xf32>
          %max3A_616 = arith.maximumf %get3A_609, %get3A_615 : vector<16xf32>
          %add3A_617 = arith.constant 2 : i32
          %add3A_618 = arith.addi %mul3A_152, %add3A_617 : i32
          %get3A_619 = arith.index_cast %add3A_618 : i32 to index
          %get3A_620 = arith.constant 64 : index
          %get3A_621 = tpu.vector_load %arg9[%get3A_619, %get3A_620] {strides = array<i32>} : memref<128x128xf32, #tpu.memory_space<vmem>>, vector<1x16xf32>,
          %get3A_622 = vector.shape_cast %get3A_621 : vector<1x16xf32> to vector<16xf32>
          %max3A_623 = arith.maximumf %max3A_616, %get3A_622 : vector<16xf32>
          %add3A_624 = arith.constant 3 : i32
          %add3A_625 = arith.addi %mul3A_152, %add3A_624 : i32
          %get3A_626 = arith.index_cast %add3A_625 : i32 to index
          %get3A_627 = arith.constant 64 : index
          %get3A_628 = tpu.vector_load %arg9[%get3A_626, %get3A_627] {strides = array<i32>} : memref<128x128xf32, #tpu.memory_space<vmem>>, vector<1x16xf32>,
          %get3A_629 = vector.shape_cast %get3A_628 : vector<1x16xf32> to vector<16xf32>
          %max3A_630 = arith.maximumf %max3A_623, %get3A_629 : vector<16xf32>
          %add3A_631 = arith.constant 4 : i32
          %add3A_632 = arith.addi %mul3A_152, %add3A_631 : i32
          %get3A_633 = arith.index_cast %add3A_632 : i32 to index
          %get3A_634 = arith.constant 64 : index
          %get3A_635 = tpu.vector_load %arg9[%get3A_633, %get3A_634] {strides = array<i32>} : memref<128x128xf32, #tpu.memory_space<vmem>>, vector<1x16xf32>,
          %get3A_636 = vector.shape_cast %get3A_635 : vector<1x16xf32> to vector<16xf32>
          %max3A_637 = arith.maximumf %max3A_630, %get3A_636 : vector<16xf32>
          %add3A_638 = arith.constant 5 : i32
          %add3A_639 = arith.addi %mul3A_152, %add3A_638 : i32
          %get3A_640 = arith.index_cast %add3A_639 : i32 to index
          %get3A_641 = arith.constant 64 : index
          %get3A_642 = tpu.vector_load %arg9[%get3A_640, %get3A_641] {strides = array<i32>} : memref<128x128xf32, #tpu.memory_space<vmem>>, vector<1x16xf32>,
          %get3A_643 = vector.shape_cast %get3A_642 : vector<1x16xf32> to vector<16xf32>
          %max3A_644 = arith.maximumf %max3A_637, %get3A_643 : vector<16xf32>
          %add3A_645 = arith.constant 6 : i32
          %add3A_646 = arith.addi %mul3A_152, %add3A_645 : i32
          %get3A_647 = arith.index_cast %add3A_646 : i32 to index
          %get3A_648 = arith.constant 64 : index
          %get3A_649 = tpu.vector_load %arg9[%get3A_647, %get3A_648] {strides = array<i32>} : memref<128x128xf32, #tpu.memory_space<vmem>>, vector<1x16xf32>,
          %get3A_650 = vector.shape_cast %get3A_649 : vector<1x16xf32> to vector<16xf32>
          %max3A_651 = arith.maximumf %max3A_644, %get3A_650 : vector<16xf32>
          %add3A_652 = arith.constant 7 : i32
          %add3A_653 = arith.addi %mul3A_152, %add3A_652 : i32
          %get3A_654 = arith.index_cast %add3A_653 : i32 to index
          %get3A_655 = arith.constant 64 : index
          %get3A_656 = tpu.vector_load %arg9[%get3A_654, %get3A_655] {strides = array<i32>} : memref<128x128xf32, #tpu.memory_space<vmem>>, vector<1x16xf32>,
          %get3A_657 = vector.shape_cast %get3A_656 : vector<1x16xf32> to vector<16xf32>
          %max3A_658 = arith.maximumf %max3A_651, %get3A_657 : vector<16xf32>
          %add3A_659 = arith.constant 8 : i32
          %add3A_660 = arith.addi %mul3A_152, %add3A_659 : i32
          %get3A_661 = arith.index_cast %add3A_660 : i32 to index
          %get3A_662 = arith.constant 64 : index
          %get3A_663 = tpu.vector_load %arg9[%get3A_661, %get3A_662] {strides = array<i32>} : memref<128x128xf32, #tpu.memory_space<vmem>>, vector<1x16xf32>,
          %get3A_664 = vector.shape_cast %get3A_663 : vector<1x16xf32> to vector<16xf32>
          %max3A_665 = arith.maximumf %max3A_658, %get3A_664 : vector<16xf32>
          %add3A_666 = arith.constant 9 : i32
          %add3A_667 = arith.addi %mul3A_152, %add3A_666 : i32
          %get3A_668 = arith.index_cast %add3A_667 : i32 to index
          %get3A_669 = arith.constant 64 : index
          %get3A_670 = tpu.vector_load %arg9[%get3A_668, %get3A_669] {strides = array<i32>} : memref<128x128xf32, #tpu.memory_space<vmem>>, vector<1x16xf32>,
          %get3A_671 = vector.shape_cast %get3A_670 : vector<1x16xf32> to vector<16xf32>
          %max3A_672 = arith.maximumf %max3A_665, %get3A_671 : vector<16xf32>
          %add3A_673 = arith.constant 10 : i32
          %add3A_674 = arith.addi %mul3A_152, %add3A_673 : i32
          %get3A_675 = arith.index_cast %add3A_674 : i32 to index
          %get3A_676 = arith.constant 64 : index
          %get3A_677 = tpu.vector_load %arg9[%get3A_675, %get3A_676] {strides = array<i32>} : memref<128x128xf32, #tpu.memory_space<vmem>>, vector<1x16xf32>,
          %get3A_678 = vector.shape_cast %get3A_677 : vector<1x16xf32> to vector<16xf32>
          %max3A_679 = arith.maximumf %max3A_672, %get3A_678 : vector<16xf32>
          %add3A_680 = arith.constant 11 : i32
          %add3A_681 = arith.addi %mul3A_152, %add3A_680 : i32
          %get3A_682 = arith.index_cast %add3A_681 : i32 to index
          %get3A_683 = arith.constant 64 : index
          %get3A_684 = tpu.vector_load %arg9[%get3A_682, %get3A_683] {strides = array<i32>} : memref<128x128xf32, #tpu.memory_space<vmem>>, vector<1x16xf32>,
          %get3A_685 = vector.shape_cast %get3A_684 : vector<1x16xf32> to vector<16xf32>
          %max3A_686 = arith.maximumf %max3A_679, %get3A_685 : vector<16xf32>
          %add3A_687 = arith.constant 12 : i32
          %add3A_688 = arith.addi %mul3A_152, %add3A_687 : i32
          %get3A_689 = arith.index_cast %add3A_688 : i32 to index
          %get3A_690 = arith.constant 64 : index
          %get3A_691 = tpu.vector_load %arg9[%get3A_689, %get3A_690] {strides = array<i32>} : memref<128x128xf32, #tpu.memory_space<vmem>>, vector<1x16xf32>,
          %get3A_692 = vector.shape_cast %get3A_691 : vector<1x16xf32> to vector<16xf32>
          %max3A_693 = arith.maximumf %max3A_686, %get3A_692 : vector<16xf32>
          %add3A_694 = arith.constant 13 : i32
          %add3A_695 = arith.addi %mul3A_152, %add3A_694 : i32
          %get3A_696 = arith.index_cast %add3A_695 : i32 to index
          %get3A_697 = arith.constant 64 : index
          %get3A_698 = tpu.vector_load %arg9[%get3A_696, %get3A_697] {strides = array<i32>} : memref<128x128xf32, #tpu.memory_space<vmem>>, vector<1x16xf32>,
          %get3A_699 = vector.shape_cast %get3A_698 : vector<1x16xf32> to vector<16xf32>
          %max3A_700 = arith.maximumf %max3A_693, %get3A_699 : vector<16xf32>
          %add3A_701 = arith.constant 14 : i32
          %add3A_702 = arith.addi %mul3A_152, %add3A_701 : i32
          %get3A_703 = arith.index_cast %add3A_702 : i32 to index
          %get3A_704 = arith.constant 64 : index
          %get3A_705 = tpu.vector_load %arg9[%get3A_703, %get3A_704] {strides = array<i32>} : memref<128x128xf32, #tpu.memory_space<vmem>>, vector<1x16xf32>,
          %get3A_706 = vector.shape_cast %get3A_705 : vector<1x16xf32> to vector<16xf32>
          %max3A_707 = arith.maximumf %max3A_700, %get3A_706 : vector<16xf32>
          %add3A_708 = arith.constant 15 : i32
          %add3A_709 = arith.addi %mul3A_152, %add3A_708 : i32
          %get3A_710 = arith.index_cast %add3A_709 : i32 to index
          %get3A_711 = arith.constant 64 : index
          %get3A_712 = tpu.vector_load %arg9[%get3A_710, %get3A_711] {strides = array<i32>} : memref<128x128xf32, #tpu.memory_space<vmem>>, vector<1x16xf32>,
          %get3A_713 = vector.shape_cast %get3A_712 : vector<1x16xf32> to vector<16xf32>
          %max3A_714 = arith.maximumf %max3A_707, %get3A_713 : vector<16xf32>
          %swap3A_715 = arith.index_cast %scan3A_150 : i32 to index
          %swap3A_716 = arith.constant 64 : index
          %swap3A_717 = tpu.vector_load %arg13[%swap3A_715, %swap3A_716] {strides = array<i32>} : memref<8x128xf32, #tpu.memory_space<vmem>>, vector<1x16xf32>,
          %swap3A_718 = vector.shape_cast %swap3A_717 : vector<1x16xf32> to vector<16xf32>
          %swap3A_719 = vector.shape_cast %max3A_714 : vector<16xf32> to vector<1x16xf32>
          tpu.vector_store %arg13[%swap3A_715, %swap3A_716], %swap3A_719 {strides = array<i32>} : memref<8x128xf32, #tpu.memory_space<vmem>>, vector<1x16xf32>,
          %get3A_720 = arith.index_cast %mul3A_152 : i32 to index
          %get3A_721 = arith.constant 80 : index
          %get3A_722 = tpu.vector_load %arg9[%get3A_720, %get3A_721] {strides = array<i32>} : memref<128x128xf32, #tpu.memory_space<vmem>>, vector<1x16xf32>,
          %get3A_723 = vector.shape_cast %get3A_722 : vector<1x16xf32> to vector<16xf32>
          %add3A_724 = arith.constant 1 : i32
          %add3A_725 = arith.addi %mul3A_152, %add3A_724 : i32
          %get3A_726 = arith.index_cast %add3A_725 : i32 to index
          %get3A_727 = arith.constant 80 : index
          %get3A_728 = tpu.vector_load %arg9[%get3A_726, %get3A_727] {strides = array<i32>} : memref<128x128xf32, #tpu.memory_space<vmem>>, vector<1x16xf32>,
          %get3A_729 = vector.shape_cast %get3A_728 : vector<1x16xf32> to vector<16xf32>
          %max3A_730 = arith.maximumf %get3A_723, %get3A_729 : vector<16xf32>
          %add3A_731 = arith.constant 2 : i32
          %add3A_732 = arith.addi %mul3A_152, %add3A_731 : i32
          %get3A_733 = arith.index_cast %add3A_732 : i32 to index
          %get3A_734 = arith.constant 80 : index
          %get3A_735 = tpu.vector_load %arg9[%get3A_733, %get3A_734] {strides = array<i32>} : memref<128x128xf32, #tpu.memory_space<vmem>>, vector<1x16xf32>,
          %get3A_736 = vector.shape_cast %get3A_735 : vector<1x16xf32> to vector<16xf32>
          %max3A_737 = arith.maximumf %max3A_730, %get3A_736 : vector<16xf32>
          %add3A_738 = arith.constant 3 : i32
          %add3A_739 = arith.addi %mul3A_152, %add3A_738 : i32
          %get3A_740 = arith.index_cast %add3A_739 : i32 to index
          %get3A_741 = arith.constant 80 : index
          %get3A_742 = tpu.vector_load %arg9[%get3A_740, %get3A_741] {strides = array<i32>} : memref<128x128xf32, #tpu.memory_space<vmem>>, vector<1x16xf32>,
          %get3A_743 = vector.shape_cast %get3A_742 : vector<1x16xf32> to vector<16xf32>
          %max3A_744 = arith.maximumf %max3A_737, %get3A_743 : vector<16xf32>
          %add3A_745 = arith.constant 4 : i32
          %add3A_746 = arith.addi %mul3A_152, %add3A_745 : i32
          %get3A_747 = arith.index_cast %add3A_746 : i32 to index
          %get3A_748 = arith.constant 80 : index
          %get3A_749 = tpu.vector_load %arg9[%get3A_747, %get3A_748] {strides = array<i32>} : memref<128x128xf32, #tpu.memory_space<vmem>>, vector<1x16xf32>,
          %get3A_750 = vector.shape_cast %get3A_749 : vector<1x16xf32> to vector<16xf32>
          %max3A_751 = arith.maximumf %max3A_744, %get3A_750 : vector<16xf32>
          %add3A_752 = arith.constant 5 : i32
          %add3A_753 = arith.addi %mul3A_152, %add3A_752 : i32
          %get3A_754 = arith.index_cast %add3A_753 : i32 to index
          %get3A_755 = arith.constant 80 : index
          %get3A_756 = tpu.vector_load %arg9[%get3A_754, %get3A_755] {strides = array<i32>} : memref<128x128xf32, #tpu.memory_space<vmem>>, vector<1x16xf32>,
          %get3A_757 = vector.shape_cast %get3A_756 : vector<1x16xf32> to vector<16xf32>
          %max3A_758 = arith.maximumf %max3A_751, %get3A_757 : vector<16xf32>
          %add3A_759 = arith.constant 6 : i32
          %add3A_760 = arith.addi %mul3A_152, %add3A_759 : i32
          %get3A_761 = arith.index_cast %add3A_760 : i32 to index
          %get3A_762 = arith.constant 80 : index
          %get3A_763 = tpu.vector_load %arg9[%get3A_761, %get3A_762] {strides = array<i32>} : memref<128x128xf32, #tpu.memory_space<vmem>>, vector<1x16xf32>,
          %get3A_764 = vector.shape_cast %get3A_763 : vector<1x16xf32> to vector<16xf32>
          %max3A_765 = arith.maximumf %max3A_758, %get3A_764 : vector<16xf32>
          %add3A_766 = arith.constant 7 : i32
          %add3A_767 = arith.addi %mul3A_152, %add3A_766 : i32
          %get3A_768 = arith.index_cast %add3A_767 : i32 to index
          %get3A_769 = arith.constant 80 : index
          %get3A_770 = tpu.vector_load %arg9[%get3A_768, %get3A_769] {strides = array<i32>} : memref<128x128xf32, #tpu.memory_space<vmem>>, vector<1x16xf32>,
          %get3A_771 = vector.shape_cast %get3A_770 : vector<1x16xf32> to vector<16xf32>
          %max3A_772 = arith.maximumf %max3A_765, %get3A_771 : vector<16xf32>
          %add3A_773 = arith.constant 8 : i32
          %add3A_774 = arith.addi %mul3A_152, %add3A_773 : i32
          %get3A_775 = arith.index_cast %add3A_774 : i32 to index
          %get3A_776 = arith.constant 80 : index
          %get3A_777 = tpu.vector_load %arg9[%get3A_775, %get3A_776] {strides = array<i32>} : memref<128x128xf32, #tpu.memory_space<vmem>>, vector<1x16xf32>,
          %get3A_778 = vector.shape_cast %get3A_777 : vector<1x16xf32> to vector<16xf32>
          %max3A_779 = arith.maximumf %max3A_772, %get3A_778 : vector<16xf32>
          %add3A_780 = arith.constant 9 : i32
          %add3A_781 = arith.addi %mul3A_152, %add3A_780 : i32
          %get3A_782 = arith.index_cast %add3A_781 : i32 to index
          %get3A_783 = arith.constant 80 : index
          %get3A_784 = tpu.vector_load %arg9[%get3A_782, %get3A_783] {strides = array<i32>} : memref<128x128xf32, #tpu.memory_space<vmem>>, vector<1x16xf32>,
          %get3A_785 = vector.shape_cast %get3A_784 : vector<1x16xf32> to vector<16xf32>
          %max3A_786 = arith.maximumf %max3A_779, %get3A_785 : vector<16xf32>
          %add3A_787 = arith.constant 10 : i32
          %add3A_788 = arith.addi %mul3A_152, %add3A_787 : i32
          %get3A_789 = arith.index_cast %add3A_788 : i32 to index
          %get3A_790 = arith.constant 80 : index
          %get3A_791 = tpu.vector_load %arg9[%get3A_789, %get3A_790] {strides = array<i32>} : memref<128x128xf32, #tpu.memory_space<vmem>>, vector<1x16xf32>,
          %get3A_792 = vector.shape_cast %get3A_791 : vector<1x16xf32> to vector<16xf32>
          %max3A_793 = arith.maximumf %max3A_786, %get3A_792 : vector<16xf32>
          %add3A_794 = arith.constant 11 : i32
          %add3A_795 = arith.addi %mul3A_152, %add3A_794 : i32
          %get3A_796 = arith.index_cast %add3A_795 : i32 to index
          %get3A_797 = arith.constant 80 : index
          %get3A_798 = tpu.vector_load %arg9[%get3A_796, %get3A_797] {strides = array<i32>} : memref<128x128xf32, #tpu.memory_space<vmem>>, vector<1x16xf32>,
          %get3A_799 = vector.shape_cast %get3A_798 : vector<1x16xf32> to vector<16xf32>
          %max3A_800 = arith.maximumf %max3A_793, %get3A_799 : vector<16xf32>
          %add3A_801 = arith.constant 12 : i32
          %add3A_802 = arith.addi %mul3A_152, %add3A_801 : i32
          %get3A_803 = arith.index_cast %add3A_802 : i32 to index
          %get3A_804 = arith.constant 80 : index
          %get3A_805 = tpu.vector_load %arg9[%get3A_803, %get3A_804] {strides = array<i32>} : memref<128x128xf32, #tpu.memory_space<vmem>>, vector<1x16xf32>,
          %get3A_806 = vector.shape_cast %get3A_805 : vector<1x16xf32> to vector<16xf32>
          %max3A_807 = arith.maximumf %max3A_800, %get3A_806 : vector<16xf32>
          %add3A_808 = arith.constant 13 : i32
          %add3A_809 = arith.addi %mul3A_152, %add3A_808 : i32
          %get3A_810 = arith.index_cast %add3A_809 : i32 to index
          %get3A_811 = arith.constant 80 : index
          %get3A_812 = tpu.vector_load %arg9[%get3A_810, %get3A_811] {strides = array<i32>} : memref<128x128xf32, #tpu.memory_space<vmem>>, vector<1x16xf32>,
          %get3A_813 = vector.shape_cast %get3A_812 : vector<1x16xf32> to vector<16xf32>
          %max3A_814 = arith.maximumf %max3A_807, %get3A_813 : vector<16xf32>
          %add3A_815 = arith.constant 14 : i32
          %add3A_816 = arith.addi %mul3A_152, %add3A_815 : i32
          %get3A_817 = arith.index_cast %add3A_816 : i32 to index
          %get3A_818 = arith.constant 80 : index
          %get3A_819 = tpu.vector_load %arg9[%get3A_817, %get3A_818] {strides = array<i32>} : memref<128x128xf32, #tpu.memory_space<vmem>>, vector<1x16xf32>,
          %get3A_820 = vector.shape_cast %get3A_819 : vector<1x16xf32> to vector<16xf32>
          %max3A_821 = arith.maximumf %max3A_814, %get3A_820 : vector<16xf32>
          %add3A_822 = arith.constant 15 : i32
          %add3A_823 = arith.addi %mul3A_152, %add3A_822 : i32
          %get3A_824 = arith.index_cast %add3A_823 : i32 to index
          %get3A_825 = arith.constant 80 : index
          %get3A_826 = tpu.vector_load %arg9[%get3A_824, %get3A_825] {strides = array<i32>} : memref<128x128xf32, #tpu.memory_space<vmem>>, vector<1x16xf32>,
          %get3A_827 = vector.shape_cast %get3A_826 : vector<1x16xf32> to vector<16xf32>
          %max3A_828 = arith.maximumf %max3A_821, %get3A_827 : vector<16xf32>
          %swap3A_829 = arith.index_cast %scan3A_150 : i32 to index
          %swap3A_830 = arith.constant 80 : index
          %swap3A_831 = tpu.vector_load %arg13[%swap3A_829, %swap3A_830] {strides = array<i32>} : memref<8x128xf32, #tpu.memory_space<vmem>>, vector<1x16xf32>,
          %swap3A_832 = vector.shape_cast %swap3A_831 : vector<1x16xf32> to vector<16xf32>
          %swap3A_833 = vector.shape_cast %max3A_828 : vector<16xf32> to vector<1x16xf32>
          tpu.vector_store %arg13[%swap3A_829, %swap3A_830], %swap3A_833 {strides = array<i32>} : memref<8x128xf32, #tpu.memory_space<vmem>>, vector<1x16xf32>,
          %get3A_834 = arith.index_cast %mul3A_152 : i32 to index
          %get3A_835 = arith.constant 96 : index
          %get3A_836 = tpu.vector_load %arg9[%get3A_834, %get3A_835] {strides = array<i32>} : memref<128x128xf32, #tpu.memory_space<vmem>>, vector<1x16xf32>,
          %get3A_837 = vector.shape_cast %get3A_836 : vector<1x16xf32> to vector<16xf32>
          %add3A_838 = arith.constant 1 : i32
          %add3A_839 = arith.addi %mul3A_152, %add3A_838 : i32
          %get3A_840 = arith.index_cast %add3A_839 : i32 to index
          %get3A_841 = arith.constant 96 : index
          %get3A_842 = tpu.vector_load %arg9[%get3A_840, %get3A_841] {strides = array<i32>} : memref<128x128xf32, #tpu.memory_space<vmem>>, vector<1x16xf32>,
          %get3A_843 = vector.shape_cast %get3A_842 : vector<1x16xf32> to vector<16xf32>
          %max3A_844 = arith.maximumf %get3A_837, %get3A_843 : vector<16xf32>
          %add3A_845 = arith.constant 2 : i32
          %add3A_846 = arith.addi %mul3A_152, %add3A_845 : i32
          %get3A_847 = arith.index_cast %add3A_846 : i32 to index
          %get3A_848 = arith.constant 96 : index
          %get3A_849 = tpu.vector_load %arg9[%get3A_847, %get3A_848] {strides = array<i32>} : memref<128x128xf32, #tpu.memory_space<vmem>>, vector<1x16xf32>,
          %get3A_850 = vector.shape_cast %get3A_849 : vector<1x16xf32> to vector<16xf32>
          %max3A_851 = arith.maximumf %max3A_844, %get3A_850 : vector<16xf32>
          %add3A_852 = arith.constant 3 : i32
          %add3A_853 = arith.addi %mul3A_152, %add3A_852 : i32
          %get3A_854 = arith.index_cast %add3A_853 : i32 to index
          %get3A_855 = arith.constant 96 : index
          %get3A_856 = tpu.vector_load %arg9[%get3A_854, %get3A_855] {strides = array<i32>} : memref<128x128xf32, #tpu.memory_space<vmem>>, vector<1x16xf32>,
          %get3A_857 = vector.shape_cast %get3A_856 : vector<1x16xf32> to vector<16xf32>
          %max3A_858 = arith.maximumf %max3A_851, %get3A_857 : vector<16xf32>
          %add3A_859 = arith.constant 4 : i32
          %add3A_860 = arith.addi %mul3A_152, %add3A_859 : i32
          %get3A_861 = arith.index_cast %add3A_860 : i32 to index
          %get3A_862 = arith.constant 96 : index
          %get3A_863 = tpu.vector_load %arg9[%get3A_861, %get3A_862] {strides = array<i32>} : memref<128x128xf32, #tpu.memory_space<vmem>>, vector<1x16xf32>,
          %get3A_864 = vector.shape_cast %get3A_863 : vector<1x16xf32> to vector<16xf32>
          %max3A_865 = arith.maximumf %max3A_858, %get3A_864 : vector<16xf32>
          %add3A_866 = arith.constant 5 : i32
          %add3A_867 = arith.addi %mul3A_152, %add3A_866 : i32
          %get3A_868 = arith.index_cast %add3A_867 : i32 to index
          %get3A_869 = arith.constant 96 : index
          %get3A_870 = tpu.vector_load %arg9[%get3A_868, %get3A_869] {strides = array<i32>} : memref<128x128xf32, #tpu.memory_space<vmem>>, vector<1x16xf32>,
          %get3A_871 = vector.shape_cast %get3A_870 : vector<1x16xf32> to vector<16xf32>
          %max3A_872 = arith.maximumf %max3A_865, %get3A_871 : vector<16xf32>
          %add3A_873 = arith.constant 6 : i32
          %add3A_874 = arith.addi %mul3A_152, %add3A_873 : i32
          %get3A_875 = arith.index_cast %add3A_874 : i32 to index
          %get3A_876 = arith.constant 96 : index
          %get3A_877 = tpu.vector_load %arg9[%get3A_875, %get3A_876] {strides = array<i32>} : memref<128x128xf32, #tpu.memory_space<vmem>>, vector<1x16xf32>,
          %get3A_878 = vector.shape_cast %get3A_877 : vector<1x16xf32> to vector<16xf32>
          %max3A_879 = arith.maximumf %max3A_872, %get3A_878 : vector<16xf32>
          %add3A_880 = arith.constant 7 : i32
          %add3A_881 = arith.addi %mul3A_152, %add3A_880 : i32
          %get3A_882 = arith.index_cast %add3A_881 : i32 to index
          %get3A_883 = arith.constant 96 : index
          %get3A_884 = tpu.vector_load %arg9[%get3A_882, %get3A_883] {strides = array<i32>} : memref<128x128xf32, #tpu.memory_space<vmem>>, vector<1x16xf32>,
          %get3A_885 = vector.shape_cast %get3A_884 : vector<1x16xf32> to vector<16xf32>
          %max3A_886 = arith.maximumf %max3A_879, %get3A_885 : vector<16xf32>
          %add3A_887 = arith.constant 8 : i32
          %add3A_888 = arith.addi %mul3A_152, %add3A_887 : i32
          %get3A_889 = arith.index_cast %add3A_888 : i32 to index
          %get3A_890 = arith.constant 96 : index
          %get3A_891 = tpu.vector_load %arg9[%get3A_889, %get3A_890] {strides = array<i32>} : memref<128x128xf32, #tpu.memory_space<vmem>>, vector<1x16xf32>,
          %get3A_892 = vector.shape_cast %get3A_891 : vector<1x16xf32> to vector<16xf32>
          %max3A_893 = arith.maximumf %max3A_886, %get3A_892 : vector<16xf32>
          %add3A_894 = arith.constant 9 : i32
          %add3A_895 = arith.addi %mul3A_152, %add3A_894 : i32
          %get3A_896 = arith.index_cast %add3A_895 : i32 to index
          %get3A_897 = arith.constant 96 : index
          %get3A_898 = tpu.vector_load %arg9[%get3A_896, %get3A_897] {strides = array<i32>} : memref<128x128xf32, #tpu.memory_space<vmem>>, vector<1x16xf32>,
          %get3A_899 = vector.shape_cast %get3A_898 : vector<1x16xf32> to vector<16xf32>
          %max3A_900 = arith.maximumf %max3A_893, %get3A_899 : vector<16xf32>
          %add3A_901 = arith.constant 10 : i32
          %add3A_902 = arith.addi %mul3A_152, %add3A_901 : i32
          %get3A_903 = arith.index_cast %add3A_902 : i32 to index
          %get3A_904 = arith.constant 96 : index
          %get3A_905 = tpu.vector_load %arg9[%get3A_903, %get3A_904] {strides = array<i32>} : memref<128x128xf32, #tpu.memory_space<vmem>>, vector<1x16xf32>,
          %get3A_906 = vector.shape_cast %get3A_905 : vector<1x16xf32> to vector<16xf32>
          %max3A_907 = arith.maximumf %max3A_900, %get3A_906 : vector<16xf32>
          %add3A_908 = arith.constant 11 : i32
          %add3A_909 = arith.addi %mul3A_152, %add3A_908 : i32
          %get3A_910 = arith.index_cast %add3A_909 : i32 to index
          %get3A_911 = arith.constant 96 : index
          %get3A_912 = tpu.vector_load %arg9[%get3A_910, %get3A_911] {strides = array<i32>} : memref<128x128xf32, #tpu.memory_space<vmem>>, vector<1x16xf32>,
          %get3A_913 = vector.shape_cast %get3A_912 : vector<1x16xf32> to vector<16xf32>
          %max3A_914 = arith.maximumf %max3A_907, %get3A_913 : vector<16xf32>
          %add3A_915 = arith.constant 12 : i32
          %add3A_916 = arith.addi %mul3A_152, %add3A_915 : i32
          %get3A_917 = arith.index_cast %add3A_916 : i32 to index
          %get3A_918 = arith.constant 96 : index
          %get3A_919 = tpu.vector_load %arg9[%get3A_917, %get3A_918] {strides = array<i32>} : memref<128x128xf32, #tpu.memory_space<vmem>>, vector<1x16xf32>,
          %get3A_920 = vector.shape_cast %get3A_919 : vector<1x16xf32> to vector<16xf32>
          %max3A_921 = arith.maximumf %max3A_914, %get3A_920 : vector<16xf32>
          %add3A_922 = arith.constant 13 : i32
          %add3A_923 = arith.addi %mul3A_152, %add3A_922 : i32
          %get3A_924 = arith.index_cast %add3A_923 : i32 to index
          %get3A_925 = arith.constant 96 : index
          %get3A_926 = tpu.vector_load %arg9[%get3A_924, %get3A_925] {strides = array<i32>} : memref<128x128xf32, #tpu.memory_space<vmem>>, vector<1x16xf32>,
          %get3A_927 = vector.shape_cast %get3A_926 : vector<1x16xf32> to vector<16xf32>
          %max3A_928 = arith.maximumf %max3A_921, %get3A_927 : vector<16xf32>
          %add3A_929 = arith.constant 14 : i32
          %add3A_930 = arith.addi %mul3A_152, %add3A_929 : i32
          %get3A_931 = arith.index_cast %add3A_930 : i32 to index
          %get3A_932 = arith.constant 96 : index
          %get3A_933 = tpu.vector_load %arg9[%get3A_931, %get3A_932] {strides = array<i32>} : memref<128x128xf32, #tpu.memory_space<vmem>>, vector<1x16xf32>,
          %get3A_934 = vector.shape_cast %get3A_933 : vector<1x16xf32> to vector<16xf32>
          %max3A_935 = arith.maximumf %max3A_928, %get3A_934 : vector<16xf32>
          %add3A_936 = arith.constant 15 : i32
          %add3A_937 = arith.addi %mul3A_152, %add3A_936 : i32
          %get3A_938 = arith.index_cast %add3A_937 : i32 to index
          %get3A_939 = arith.constant 96 : index
          %get3A_940 = tpu.vector_load %arg9[%get3A_938, %get3A_939] {strides = array<i32>} : memref<128x128xf32, #tpu.memory_space<vmem>>, vector<1x16xf32>,
          %get3A_941 = vector.shape_cast %get3A_940 : vector<1x16xf32> to vector<16xf32>
          %max3A_942 = arith.maximumf %max3A_935, %get3A_941 : vector<16xf32>
          %swap3A_943 = arith.index_cast %scan3A_150 : i32 to index
          %swap3A_944 = arith.constant 96 : index
          %swap3A_945 = tpu.vector_load %arg13[%swap3A_943, %swap3A_944] {strides = array<i32>} : memref<8x128xf32, #tpu.memory_space<vmem>>, vector<1x16xf32>,
          %swap3A_946 = vector.shape_cast %swap3A_945 : vector<1x16xf32> to vector<16xf32>
          %swap3A_947 = vector.shape_cast %max3A_942 : vector<16xf32> to vector<1x16xf32>
          tpu.vector_store %arg13[%swap3A_943, %swap3A_944], %swap3A_947 {strides = array<i32>} : memref<8x128xf32, #tpu.memory_space<vmem>>, vector<1x16xf32>,
          %get3A_948 = arith.index_cast %mul3A_152 : i32 to index
          %get3A_949 = arith.constant 112 : index
          %get3A_950 = tpu.vector_load %arg9[%get3A_948, %get3A_949] {strides = array<i32>} : memref<128x128xf32, #tpu.memory_space<vmem>>, vector<1x16xf32>,
          %get3A_951 = vector.shape_cast %get3A_950 : vector<1x16xf32> to vector<16xf32>
          %add3A_952 = arith.constant 1 : i32
          %add3A_953 = arith.addi %mul3A_152, %add3A_952 : i32
          %get3A_954 = arith.index_cast %add3A_953 : i32 to index
          %get3A_955 = arith.constant 112 : index
          %get3A_956 = tpu.vector_load %arg9[%get3A_954, %get3A_955] {strides = array<i32>} : memref<128x128xf32, #tpu.memory_space<vmem>>, vector<1x16xf32>,
          %get3A_957 = vector.shape_cast %get3A_956 : vector<1x16xf32> to vector<16xf32>
          %max3A_958 = arith.maximumf %get3A_951, %get3A_957 : vector<16xf32>
          %add3A_959 = arith.constant 2 : i32
          %add3A_960 = arith.addi %mul3A_152, %add3A_959 : i32
          %get3A_961 = arith.index_cast %add3A_960 : i32 to index
          %get3A_962 = arith.constant 112 : index
          %get3A_963 = tpu.vector_load %arg9[%get3A_961, %get3A_962] {strides = array<i32>} : memref<128x128xf32, #tpu.memory_space<vmem>>, vector<1x16xf32>,
          %get3A_964 = vector.shape_cast %get3A_963 : vector<1x16xf32> to vector<16xf32>
          %max3A_965 = arith.maximumf %max3A_958, %get3A_964 : vector<16xf32>
          %add3A_966 = arith.constant 3 : i32
          %add3A_967 = arith.addi %mul3A_152, %add3A_966 : i32
          %get3A_968 = arith.index_cast %add3A_967 : i32 to index
          %get3A_969 = arith.constant 112 : index
          %get3A_970 = tpu.vector_load %arg9[%get3A_968, %get3A_969] {strides = array<i32>} : memref<128x128xf32, #tpu.memory_space<vmem>>, vector<1x16xf32>,
          %get3A_971 = vector.shape_cast %get3A_970 : vector<1x16xf32> to vector<16xf32>
          %max3A_972 = arith.maximumf %max3A_965, %get3A_971 : vector<16xf32>
          %add3A_973 = arith.constant 4 : i32
          %add3A_974 = arith.addi %mul3A_152, %add3A_973 : i32
          %get3A_975 = arith.index_cast %add3A_974 : i32 to index
          %get3A_976 = arith.constant 112 : index
          %get3A_977 = tpu.vector_load %arg9[%get3A_975, %get3A_976] {strides = array<i32>} : memref<128x128xf32, #tpu.memory_space<vmem>>, vector<1x16xf32>,
          %get3A_978 = vector.shape_cast %get3A_977 : vector<1x16xf32> to vector<16xf32>
          %max3A_979 = arith.maximumf %max3A_972, %get3A_978 : vector<16xf32>
          %add3A_980 = arith.constant 5 : i32
          %add3A_981 = arith.addi %mul3A_152, %add3A_980 : i32
          %get3A_982 = arith.index_cast %add3A_981 : i32 to index
          %get3A_983 = arith.constant 112 : index
          %get3A_984 = tpu.vector_load %arg9[%get3A_982, %get3A_983] {strides = array<i32>} : memref<128x128xf32, #tpu.memory_space<vmem>>, vector<1x16xf32>,
          %get3A_985 = vector.shape_cast %get3A_984 : vector<1x16xf32> to vector<16xf32>
          %max3A_986 = arith.maximumf %max3A_979, %get3A_985 : vector<16xf32>
          %add3A_987 = arith.constant 6 : i32
          %add3A_988 = arith.addi %mul3A_152, %add3A_987 : i32
          %get3A_989 = arith.index_cast %add3A_988 : i32 to index
          %get3A_990 = arith.constant 112 : index
          %get3A_991 = tpu.vector_load %arg9[%get3A_989, %get3A_990] {strides = array<i32>} : memref<128x128xf32, #tpu.memory_space<vmem>>, vector<1x16xf32>,
          %get3A_992 = vector.shape_cast %get3A_991 : vector<1x16xf32> to vector<16xf32>
          %max3A_993 = arith.maximumf %max3A_986, %get3A_992 : vector<16xf32>
          %add3A_994 = arith.constant 7 : i32
          %add3A_995 = arith.addi %mul3A_152, %add3A_994 : i32
          %get3A_996 = arith.index_cast %add3A_995 : i32 to index
          %get3A_997 = arith.constant 112 : index
          %get3A_998 = tpu.vector_load %arg9[%get3A_996, %get3A_997] {strides = array<i32>} : memref<128x128xf32, #tpu.memory_space<vmem>>, vector<1x16xf32>,
          %get3A_999 = vector.shape_cast %get3A_998 : vector<1x16xf32> to vector<16xf32>
          %max3A_1000 = arith.maximumf %max3A_993, %get3A_999 : vector<16xf32>
          %add3A_1001 = arith.constant 8 : i32
          %add3A_1002 = arith.addi %mul3A_152, %add3A_1001 : i32
          %get3A_1003 = arith.index_cast %add3A_1002 : i32 to index
          %get3A_1004 = arith.constant 112 : index
          %get3A_1005 = tpu.vector_load %arg9[%get3A_1003, %get3A_1004] {strides = array<i32>} : memref<128x128xf32, #tpu.memory_space<vmem>>, vector<1x16xf32>,
          %get3A_1006 = vector.shape_cast %get3A_1005 : vector<1x16xf32> to vector<16xf32>
          %max3A_1007 = arith.maximumf %max3A_1000, %get3A_1006 : vector<16xf32>
          %add3A_1008 = arith.constant 9 : i32
          %add3A_1009 = arith.addi %mul3A_152, %add3A_1008 : i32
          %get3A_1010 = arith.index_cast %add3A_1009 : i32 to index
          %get3A_1011 = arith.constant 112 : index
          %get3A_1012 = tpu.vector_load %arg9[%get3A_1010, %get3A_1011] {strides = array<i32>} : memref<128x128xf32, #tpu.memory_space<vmem>>, vector<1x16xf32>,
          %get3A_1013 = vector.shape_cast %get3A_1012 : vector<1x16xf32> to vector<16xf32>
          %max3A_1014 = arith.maximumf %max3A_1007, %get3A_1013 : vector<16xf32>
          %add3A_1015 = arith.constant 10 : i32
          %add3A_1016 = arith.addi %mul3A_152, %add3A_1015 : i32
          %get3A_1017 = arith.index_cast %add3A_1016 : i32 to index
          %get3A_1018 = arith.constant 112 : index
          %get3A_1019 = tpu.vector_load %arg9[%get3A_1017, %get3A_1018] {strides = array<i32>} : memref<128x128xf32, #tpu.memory_space<vmem>>, vector<1x16xf32>,
          %get3A_1020 = vector.shape_cast %get3A_1019 : vector<1x16xf32> to vector<16xf32>
          %max3A_1021 = arith.maximumf %max3A_1014, %get3A_1020 : vector<16xf32>
          %add3A_1022 = arith.constant 11 : i32
          %add3A_1023 = arith.addi %mul3A_152, %add3A_1022 : i32
          %get3A_1024 = arith.index_cast %add3A_1023 : i32 to index
          %get3A_1025 = arith.constant 112 : index
          %get3A_1026 = tpu.vector_load %arg9[%get3A_1024, %get3A_1025] {strides = array<i32>} : memref<128x128xf32, #tpu.memory_space<vmem>>, vector<1x16xf32>,
          %get3A_1027 = vector.shape_cast %get3A_1026 : vector<1x16xf32> to vector<16xf32>
          %max3A_1028 = arith.maximumf %max3A_1021, %get3A_1027 : vector<16xf32>
          %add3A_1029 = arith.constant 12 : i32
          %add3A_1030 = arith.addi %mul3A_152, %add3A_1029 : i32
          %get3A_1031 = arith.index_cast %add3A_1030 : i32 to index
          %get3A_1032 = arith.constant 112 : index
          %get3A_1033 = tpu.vector_load %arg9[%get3A_1031, %get3A_1032] {strides = array<i32>} : memref<128x128xf32, #tpu.memory_space<vmem>>, vector<1x16xf32>,
          %get3A_1034 = vector.shape_cast %get3A_1033 : vector<1x16xf32> to vector<16xf32>
          %max3A_1035 = arith.maximumf %max3A_1028, %get3A_1034 : vector<16xf32>
          %add3A_1036 = arith.constant 13 : i32
          %add3A_1037 = arith.addi %mul3A_152, %add3A_1036 : i32
          %get3A_1038 = arith.index_cast %add3A_1037 : i32 to index
          %get3A_1039 = arith.constant 112 : index
          %get3A_1040 = tpu.vector_load %arg9[%get3A_1038, %get3A_1039] {strides = array<i32>} : memref<128x128xf32, #tpu.memory_space<vmem>>, vector<1x16xf32>,
          %get3A_1041 = vector.shape_cast %get3A_1040 : vector<1x16xf32> to vector<16xf32>
          %max3A_1042 = arith.maximumf %max3A_1035, %get3A_1041 : vector<16xf32>
          %add3A_1043 = arith.constant 14 : i32
          %add3A_1044 = arith.addi %mul3A_152, %add3A_1043 : i32
          %get3A_1045 = arith.index_cast %add3A_1044 : i32 to index
          %get3A_1046 = arith.constant 112 : index
          %get3A_1047 = tpu.vector_load %arg9[%get3A_1045, %get3A_1046] {strides = array<i32>} : memref<128x128xf32, #tpu.memory_space<vmem>>, vector<1x16xf32>,
          %get3A_1048 = vector.shape_cast %get3A_1047 : vector<1x16xf32> to vector<16xf32>
          %max3A_1049 = arith.maximumf %max3A_1042, %get3A_1048 : vector<16xf32>
          %add3A_1050 = arith.constant 15 : i32
          %add3A_1051 = arith.addi %mul3A_152, %add3A_1050 : i32
          %get3A_1052 = arith.index_cast %add3A_1051 : i32 to index
          %get3A_1053 = arith.constant 112 : index
          %get3A_1054 = tpu.vector_load %arg9[%get3A_1052, %get3A_1053] {strides = array<i32>} : memref<128x128xf32, #tpu.memory_space<vmem>>, vector<1x16xf32>,
          %get3A_1055 = vector.shape_cast %get3A_1054 : vector<1x16xf32> to vector<16xf32>
          %max3A_1056 = arith.maximumf %max3A_1049, %get3A_1055 : vector<16xf32>
          %swap3A_1057 = arith.index_cast %scan3A_150 : i32 to index
          %swap3A_1058 = arith.constant 112 : index
          %swap3A_1059 = tpu.vector_load %arg13[%swap3A_1057, %swap3A_1058] {strides = array<i32>} : memref<8x128xf32, #tpu.memory_space<vmem>>, vector<1x16xf32>,
          %swap3A_1060 = vector.shape_cast %swap3A_1059 : vector<1x16xf32> to vector<16xf32>
          %swap3A_1061 = vector.shape_cast %max3A_1056 : vector<16xf32> to vector<1x16xf32>
          tpu.vector_store %arg13[%swap3A_1057, %swap3A_1058], %swap3A_1061 {strides = array<i32>} : memref<8x128xf32, #tpu.memory_space<vmem>>, vector<1x16xf32>,
        }
        %scan3A_137 = arith.constant 8 : i32
        %add3A_138 = arith.addi %select_n3A, %add3A_118 : i32
        %mul3A_139 = arith.constant 8 : i32
        %mul3A_140 = arith.muli %add3A_138, %mul3A_139 : i32
        %dma_start3A = arith.constant 0 : i32
        %dma_start3A_141 = tpu.memref_slice %arg4[%mul3A_140, %dma_start3A] : memref<20000x128xf32, #tpu.memory_space<hbm>> -> memref<8x128xf32, #tpu.memory_space<hbm>>
        %dma_start3A_142 = arith.constant 0 : i32
        %dma_start3A_143 = tpu.memref_slice %arg4[%mul3A_140, %dma_start3A_142] : memref<20000x128xf32, #tpu.memory_space<hbm>> -> memref<8x128xf32, #tpu.memory_space<hbm>>
        tpu.enqueue_dma source(%arg13 : memref<8x128xf32, #tpu.memory_space<vmem>>) target(%dma_start3A_143 : memref<8x128xf32, #tpu.memory_space<hbm>>) target_semaphore(%arg21 : memref<!tpu.dma_semaphore, #tpu.memory_space<semaphore_mem>>)
        %add3A_144 = arith.constant 4 : i32
        %add3A_145 = arith.addi %add3A_118, %add3A_144 : i32
        %lt3A_146 = arith.cmpi slt, %add3A_145, %sub3A_47 : i32
        %convert_element_type3A_147 = arith.extui %lt3A_146 : i1 to i32
        %cond3A_148 = arith.constant 0 : i32
        %cond3A_149 = arith.cmpi ne, %convert_element_type3A_147, %cond3A_148 : i32
        scf.if %cond3A_149 {
          %add3A_150 = arith.constant 4 : i32
          %add3A_151 = arith.addi %add3A_118, %add3A_150 : i32
          %add3A_152 = arith.addi %add3A_151, %sub3A_49 : i32
          %mul3A_153 = arith.constant 128 : i32
          %mul3A_154 = arith.muli %add3A_152, %mul3A_153 : i32
          %dma_start3A_155 = tpu.memref_slice %arg5[%mul3A_154] : memref<10240xi32, #tpu.memory_space<vmem>> -> memref<128xi32, #tpu.memory_space<vmem>>
          %dma_start3A_156 = arith.constant 0 : i32
          %dma_start3A_157 = arith.constant 0 : i32
          %dma_start3A_158 = tpu.memref_slice %arg2[%dma_start3A_156, %dma_start3A_157] : memref<20000x128xf32, #tpu.memory_space<hbm>> -> memref<20000x128xf32, #tpu.memory_space<hbm>>
          tpu.enqueue_indirect_dma source(%dma_start3A_158 : memref<20000x128xf32, #tpu.memory_space<hbm>>) target(%arg9 : memref<128x128xf32, #tpu.memory_space<vmem>>) offsets(%dma_start3A_155 : memref<128xi32, #tpu.memory_space<vmem>>) semaphore(%arg17 : memref<!tpu.dma_semaphore, #tpu.memory_space<semaphore_mem>>)
        } else {
        }
      } else {
      }
    }
    %scan3A_73 = arith.constant 20 : i32
    %dma_wait3A = arith.constant 0 : i32
    %dma_wait3A_74 = arith.constant 0 : i32
    %dma_wait3A_75 = tpu.memref_slice %arg4[%dma_wait3A, %dma_wait3A_74] : memref<20000x128xf32, #tpu.memory_space<hbm>> -> memref<8x128xf32, #tpu.memory_space<hbm>>
    %dma_wait3A_76 = arith.constant 0 : i32
    %dma_wait3A_77 = arith.constant 0 : i32
    %dma_wait3A_78 = tpu.memref_slice %arg4[%dma_wait3A_76, %dma_wait3A_77] : memref<20000x128xf32, #tpu.memory_space<hbm>> -> memref<8x128xf32, #tpu.memory_space<hbm>>
    tpu.wait_dma2 semaphore(%arg18 : memref<!tpu.dma_semaphore, #tpu.memory_space<semaphore_mem>>) src(%arg10 : memref<8x128xf32, #tpu.memory_space<vmem>>) dst(%dma_wait3A_78 : memref<8x128xf32, #tpu.memory_space<hbm>>)
    %dma_wait3A_79 = arith.constant 0 : i32
    %dma_wait3A_80 = arith.constant 0 : i32
    %dma_wait3A_81 = tpu.memref_slice %arg4[%dma_wait3A_79, %dma_wait3A_80] : memref<20000x128xf32, #tpu.memory_space<hbm>> -> memref<8x128xf32, #tpu.memory_space<hbm>>
    %dma_wait3A_82 = arith.constant 0 : i32
    %dma_wait3A_83 = arith.constant 0 : i32
    %dma_wait3A_84 = tpu.memref_slice %arg4[%dma_wait3A_82, %dma_wait3A_83] : memref<20000x128xf32, #tpu.memory_space<hbm>> -> memref<8x128xf32, #tpu.memory_space<hbm>>
    tpu.wait_dma2 semaphore(%arg19 : memref<!tpu.dma_semaphore, #tpu.memory_space<semaphore_mem>>) src(%arg11 : memref<8x128xf32, #tpu.memory_space<vmem>>) dst(%dma_wait3A_84 : memref<8x128xf32, #tpu.memory_space<hbm>>)
    %dma_wait3A_85 = arith.constant 0 : i32
    %dma_wait3A_86 = arith.constant 0 : i32
    %dma_wait3A_87 = tpu.memref_slice %arg4[%dma_wait3A_85, %dma_wait3A_86] : memref<20000x128xf32, #tpu.memory_space<hbm>> -> memref<8x128xf32, #tpu.memory_space<hbm>>
    %dma_wait3A_88 = arith.constant 0 : i32
    %dma_wait3A_89 = arith.constant 0 : i32
    %dma_wait3A_90 = tpu.memref_slice %arg4[%dma_wait3A_88, %dma_wait3A_89] : memref<20000x128xf32, #tpu.memory_space<hbm>> -> memref<8x128xf32, #tpu.memory_space<hbm>>
    tpu.wait_dma2 semaphore(%arg20 : memref<!tpu.dma_semaphore, #tpu.memory_space<semaphore_mem>>) src(%arg12 : memref<8x128xf32, #tpu.memory_space<vmem>>) dst(%dma_wait3A_90 : memref<8x128xf32, #tpu.memory_space<hbm>>)
    %dma_wait3A_91 = arith.constant 0 : i32
    %dma_wait3A_92 = arith.constant 0 : i32
    %dma_wait3A_93 = tpu.memref_slice %arg4[%dma_wait3A_91, %dma_wait3A_92] : memref<20000x128xf32, #tpu.memory_space<hbm>> -> memref<8x128xf32, #tpu.memory_space<hbm>>
    %dma_wait3A_94 = arith.constant 0 : i32
    %dma_wait3A_95 = arith.constant 0 : i32
    %dma_wait3A_96 = tpu.memref_slice %arg4[%dma_wait3A_94, %dma_wait3A_95] : memref<20000x128xf32, #tpu.memory_space<hbm>> -> memref<8x128xf32, #tpu.memory_space<hbm>>
    tpu.wait_dma2 semaphore(%arg21 : memref<!tpu.dma_semaphore, #tpu.memory_space<semaphore_mem>>) src(%arg13 : memref<8x128xf32, #tpu.memory_space<vmem>>) dst(%dma_wait3A_96 : memref<8x128xf32, #tpu.memory_space<hbm>>)
    return
  }
}

module attributes {stable_mosaic.version = 14 : i64} {
  func.func @body(%arg0: i32, %arg1: memref<2000x128xf32, #tpu.memory_space<vmem>>, %arg2: memref<128x256xf32, #tpu.memory_space<vmem>>, %arg3: memref<2000x128xf32, #tpu.memory_space<vmem>>) attributes {dimension_semantics = [#tpu.dimension_semantics<arbitrary>], iteration_bounds = array<i64: 10>, scalar_prefetch = 0 : i64, scratch_operands = 0 : i64, tpu.core_type = #tpu.core_type<tc>, window_params = [{transform_indices = @transform_0, window_bounds = array<i64: 2000, 128>}, {pipeline_mode = #tpu.pipeline_mode<synchronous>, transform_indices = @transform_1, window_bounds = array<i64: 128, 256>}, {transform_indices = @transform_2, window_bounds = array<i64: 2000, 128>}]} {
    %get3A = arith.constant 0 : index
    %get3A_0 = arith.constant 0 : index
    %get3A_1 = vector.load %arg2[%get3A, %get3A_0] : memref<128x256xf32, #tpu.memory_space<vmem>>, vector<128x256xf32>
    %slice3A = vector.extract_strided_slice %get3A_1 {offsets = [0, 128], sizes = [128, 128], strides = [1, 1]} : vector<128x256xf32> to vector<128x128xf32>
    %get3A_2 = arith.constant 0 : index
    %get3A_3 = arith.constant 0 : index
    %get3A_4 = vector.load %arg1[%get3A_2, %get3A_3] : memref<2000x128xf32, #tpu.memory_space<vmem>>, vector<2000x128xf32>
    %dot_general3A = arith.constant dense<0.000000e+00> : vector<2000x128xf32>
    %dot_general3A_5 = tpu.matmul %get3A_4, %slice3A, %dot_general3A {dimension_numbers = #tpu.dot_dimension_numbers<[1], [1], [0], [0], [0, 0, 1, 0], [], []>, transpose_lhs_hint = false} : vector<2000x128xf32>, vector<128x128xf32>, vector<2000x128xf32> -> vector<2000x128xf32>
    %swap3A = arith.constant 0 : index
    %swap3A_6 = arith.constant 0 : index
    %swap3A_7 = vector.load %arg3[%swap3A, %swap3A_6] : memref<2000x128xf32, #tpu.memory_space<vmem>>, vector<2000x128xf32>
    tpu.vector_store %arg3[%swap3A, %swap3A_6], %dot_general3A_5 {strides = array<i32>} : memref<2000x128xf32, #tpu.memory_space<vmem>>, vector<2000x128xf32>,
    return
  }
  func.func @transform_0(%arg0: i32) -> (i32, i32) {
    %c0_i32 = arith.constant 0 : i32
    %c0_i32_0 = arith.constant 0 : i32
    return %arg0, %c0_i32 : i32, i32
  }
  func.func @transform_1(%arg0: i32) -> (i32, i32) {
    %c0_i32 = arith.constant 0 : i32
    %c0_i32_0 = arith.constant 0 : i32
    %c0_i32_1 = arith.constant 0 : i32
    return %c0_i32, %c0_i32_0 : i32, i32
  }
  func.func @transform_2(%arg0: i32) -> (i32, i32) {
    %c0_i32 = arith.constant 0 : i32
    %c0_i32_0 = arith.constant 0 : i32
    return %arg0, %c0_i32 : i32, i32
  }
}

module attributes {stable_mosaic.version = 14 : i64} {
  func.func @body(%arg0: i32, %arg1: memref<2000x128xf32, #tpu.memory_space<vmem>>, %arg2: memref<2000x128xf32, #tpu.memory_space<vmem>>, %arg3: memref<128x256xf32, #tpu.memory_space<vmem>>, %arg4: memref<1x128xf32, #tpu.memory_space<vmem>>, %arg5: memref<2000x128xf32, #tpu.memory_space<vmem>>) attributes {dimension_semantics = [#tpu.dimension_semantics<arbitrary>], iteration_bounds = array<i64: 10>, scalar_prefetch = 0 : i64, scratch_operands = 0 : i64, tpu.core_type = #tpu.core_type<tc>, window_params = [{transform_indices = @transform_0, window_bounds = array<i64: 2000, 128>}, {transform_indices = @transform_1, window_bounds = array<i64: 2000, 128>}, {pipeline_mode = #tpu.pipeline_mode<synchronous>, transform_indices = @transform_2, window_bounds = array<i64: 128, 256>}, {pipeline_mode = #tpu.pipeline_mode<synchronous>, transform_indices = @transform_3, window_bounds = array<i64: 1, 128>}, {transform_indices = @transform_4, window_bounds = array<i64: 2000, 128>}]} {
    %get3A = arith.constant 0 : index
    %get3A_0 = arith.constant 0 : index
    %get3A_1 = vector.load %arg3[%get3A, %get3A_0] : memref<128x256xf32, #tpu.memory_space<vmem>>, vector<128x256xf32>
    %slice3A = vector.extract_strided_slice %get3A_1 {offsets = [0, 0], sizes = [128, 128], strides = [1, 1]} : vector<128x256xf32> to vector<128x128xf32>
    %slice3A_2 = vector.extract_strided_slice %get3A_1 {offsets = [0, 128], sizes = [128, 128], strides = [1, 1]} : vector<128x256xf32> to vector<128x128xf32>
    %sub3A = arith.subf %slice3A, %slice3A_2 : vector<128x128xf32>
    %get3A_3 = arith.constant 0 : index
    %get3A_4 = arith.constant 0 : index
    %get3A_5 = vector.load %arg2[%get3A_3, %get3A_4] : memref<2000x128xf32, #tpu.memory_space<vmem>>, vector<2000x128xf32>
    %dot_general3A = arith.constant dense<0.000000e+00> : vector<2000x128xf32>
    %dot_general3A_6 = tpu.matmul %get3A_5, %sub3A, %dot_general3A {dimension_numbers = #tpu.dot_dimension_numbers<[1], [1], [0], [0], [0, 0, 1, 0], [], []>, transpose_lhs_hint = false} : vector<2000x128xf32>, vector<128x128xf32>, vector<2000x128xf32> -> vector<2000x128xf32>
    %get3A_7 = arith.constant 0 : index
    %get3A_8 = arith.constant 0 : index
    %get3A_9 = vector.load %arg4[%get3A_7, %get3A_8] : memref<1x128xf32, #tpu.memory_space<vmem>>, vector<1x128xf32>
    %add3A = vector.broadcast %get3A_9 : vector<1x128xf32> to vector<2000x128xf32>
    %add3A_10 = arith.addf %dot_general3A_6, %add3A : vector<2000x128xf32>
    %get3A_11 = arith.constant 0 : index
    %get3A_12 = arith.constant 0 : index
    %get3A_13 = vector.load %arg1[%get3A_11, %get3A_12] : memref<2000x128xf32, #tpu.memory_space<vmem>>, vector<2000x128xf32>
    %add3A_14 = arith.addf %add3A_10, %get3A_13 : vector<2000x128xf32>
    %max3A = arith.constant 0.000000e+00 : f32
    %max3A_15 = vector.broadcast %max3A : f32 to vector<2000x128xf32>
    %max3A_16 = arith.maximumf %add3A_14, %max3A_15 : vector<2000x128xf32>
    %swap3A = arith.constant 0 : index
    %swap3A_17 = arith.constant 0 : index
    %swap3A_18 = vector.load %arg5[%swap3A, %swap3A_17] : memref<2000x128xf32, #tpu.memory_space<vmem>>, vector<2000x128xf32>
    tpu.vector_store %arg5[%swap3A, %swap3A_17], %max3A_16 {strides = array<i32>} : memref<2000x128xf32, #tpu.memory_space<vmem>>, vector<2000x128xf32>,
    return
  }
  func.func @transform_0(%arg0: i32) -> (i32, i32) {
    %c0_i32 = arith.constant 0 : i32
    %c0_i32_0 = arith.constant 0 : i32
    return %arg0, %c0_i32 : i32, i32
  }
  func.func @transform_1(%arg0: i32) -> (i32, i32) {
    %c0_i32 = arith.constant 0 : i32
    %c0_i32_0 = arith.constant 0 : i32
    return %arg0, %c0_i32 : i32, i32
  }
  func.func @transform_2(%arg0: i32) -> (i32, i32) {
    %c0_i32 = arith.constant 0 : i32
    %c0_i32_0 = arith.constant 0 : i32
    %c0_i32_1 = arith.constant 0 : i32
    return %c0_i32, %c0_i32_0 : i32, i32
  }
  func.func @transform_3(%arg0: i32) -> (i32, i32) {
    %c0_i32 = arith.constant 0 : i32
    %c0_i32_0 = arith.constant 0 : i32
    %c0_i32_1 = arith.constant 0 : i32
    return %c0_i32, %c0_i32_0 : i32, i32
  }
  func.func @transform_4(%arg0: i32) -> (i32, i32) {
    %c0_i32 = arith.constant 0 : i32
    %c0_i32_0 = arith.constant 0 : i32
    return %arg0, %c0_i32 : i32, i32
  }
}

</mosaic_0001>

<sc_bundles>
// kernel: kernel.5.cloned.1.call-start
scs
__scs_entry_jumppad:
0x0: {  	(pc) =	sbr.rel $0x88, $3  }
0x1: {  	(tag) =	ssettag $0x0;
	lr =	simm.s32 $0x1  }
0x2: {  	[smem:$0x3F9D] =	sst lr;
	_ =	strace $0xD0000000  }
0x3: {  	_ = 	snop  }
0x4: {  	_ = 	snop  }
0x5: {  	_ = 	snop  }
0x6: {  	_ = 	snop  }
0x7: {  	_ = 	snop  }
__scs_overlays_trampoline_lowered:
0x8: {  	[smem:$0x3FAC] =	sst s0  }
0x9: {  	[smem:$0x3FAD] =	sst s1  }
0xa: {  	[smem:$0x3FAE] =	sst s2  }
0xb: {  	[smem:$0x3FAF] =	sst s3  }
0xc: {  	[smem:$0x3FB0] =	sst s4  }
0xd: {  	[smem:$0x3FB1] =	sst s5  }
0xe: {  	[smem:$0x3FB2] =	sst s6  }
0xf: {  	[smem:$0x3FB3] =	sst s7  }
0x10: {  	[smem:$0x3FB4] =	sst s8  }
0x11: {  	[smem:$0x3FB5] =	sst s9;
	s0 =	simm.s32 @!p0 $0x0  }
0x12: {  	s1 =	sld [smem:$0x3F9B];
	s0 =	simm.s32 @p0 $0x1  }
0x13: {  	[smem:$0x3FB6] =	sst s0;
	s0 =	simm.s32 @!p1 $0x0  }
0x14: {  	s2 =	sld [smem:$0x3F9A];
	s0 =	simm.s32 @p1 $0x1  }
0x15: {  	[smem:$0x3FB7] =	sst s0;
	s0 =	simm.s32 @!p2 $0x0  }
0x16: {  	s3 =	sld [smem:$0x3FDB];
	s0 =	simm.s32 @p2 $0x1  }
0x17: {  	s4 =	simm.s32 $0x1BF5;
	[smem:$0x3FB9] =	sst s0  }
0x18: {  	s0 =	sld [smem:$0x3F9C];
	_ =	swait.ge [sflag:s4], $0x0  }
0x19: {  	s7 =	sld [smem:$0x3F9D]  }
0x1a: {  	s8 =	sadd.s32 $0xFFFFE003, lr  }
0x1b: {  	s9 =	sadd.s32 $0xFFFFFEF7, lr;
	s5 =	simm.s32 $0xFFFFFFFF;
	p2 =	slt.u32 s8, $0xFFFFF086  }
0x1c: {  	p1 =	slt.u32 s9, $0xF7A;
	s5 =	simm.s32 @!p2 $0x0  }
0x1d: {  	s5 =	simm.s32 @p1 $0x1;
	p0 =	seq.s32 s7, s2  }
0x1e: {  	s7 =	smul.u32 @!p0 $0xF7A, s2;
	p2 =	seq.s32 @!p0 s5, $0x0  }
0x1f: {  	s9 =	smul.u32 $0xF7A, s1;
	s8 =	simm.s32 @!p0 $0x1BF5;
	p2 =	por !p2, p0  }
0x20: {  	[sflag:s8] =	ssyncset.s32 @!p0 $0xFFFFF086;
	s6 =	sadd.s32 @!p0 s3, s7;
	s7 =	simm.s32 @!p0 $0x108  }
0x21: {  	s3 =	sadd.s32 s3, s9;
	s6 =	sadd.s32 @!p0 $0x88, s6;
	s7 =	simm.s32 @p2 $0x1082  }
0x22: {  	[simem:s7], [sflag:s8] =	dma.local @!p0 [hbm:s6], $0xF7A  }
0x23: {  	s9 =	sor.u32 $0xD0000000, s2;
	s6 =	simm.s32 $0x108;
	_ =	swait.ge @!p0 [sflag:s8], $0x0  }
0x24: {  	s3 =	sadd.s32 $0x88, s3;
	s6 =	simm.s32 @!p1 $0x1082;
	[sflag:s4] =	ssyncset.s32 $0xFFFFF086  }
0x25: {  	[simem:s6], [sflag:s4] =	dma.local [hbm:s3], $0xF7A  }
0x26: {  	[smem:$0x3F9D] =	sst s1;
	(tag) =	ssettag s2;
	_ =	strace s9  }
0x27: {  	s1 =	sld [smem:$0x3FAD]  }
0x28: {  	s2 =	sld [smem:$0x3FAE]  }
0x29: {  	s4 =	sld [smem:$0x3FB0]  }
0x2a: {  	p0 =	seq.s32 s5, $0x0;
	s5 =	sld [smem:$0x3FB1]  }
0x2b: {  	s6 =	sld [smem:$0x3FB2]  }
0x2c: {  	s7 =	sld [smem:$0x3FB3]  }
0x2d: {  	s3 =	simm.s32 $0x108;
	s8 =	sld [smem:$0x3FB4]  }
0x2e: {  	s3 =	simm.s32 @!p0 $0x1082;
	s9 =	sld [smem:$0x3FB5]  }
0x2f: {  	lr =	sadd.s32 s0, s3;
	s0 =	sld [smem:$0x3FAC]  }
0x30: {  	s3 =	sld [smem:$0x3FAF]  }
0x31: {  	[smem:$0x3FB8] =	sst s10  }
0x32: {  	s10 =	sld [smem:$0x3FB6];
	_ =	sdelay $0x3  }
0x33: {  	p0 =	seq.s32 s10, $0x1;
	s10 =	sld [smem:$0x3FB8];
	_ =	sdelay $0x3  }
0x34: {  	[smem:$0x3FB8] =	sst s10  }
0x35: {  	s10 =	sld [smem:$0x3FB7];
	_ =	sdelay $0x3  }
0x36: {  	p1 =	seq.s32 s10, $0x1;
	s10 =	sld [smem:$0x3FB8];
	_ =	sdelay $0x3  }
0x37: {  	[smem:$0x3FB8] =	sst s10  }
0x38: {  	s10 =	sld [smem:$0x3FB9]  }
0x39: {  	_ = 	snop;
	(pc) =	sbr.ind lr, $3  }
0x3a: {  	_ = 	snop  }
0x3b: {  	_ = 	snop  }
0x3c: {  	p2 =	seq.s32 s10, $0x1;
	s10 =	sld [smem:$0x3FB8]  }
0x3d: {  	_ =	shalt  }
0x3e: {  	_ =	shalt  }
0x3f: {  	_ =	shalt  }
0x40: {  	_ =	shalt  }
0x41: {  	_ =	shalt  }
0x42: {  	_ =	shalt  }
0x43: {  	_ =	shalt  }
0x44: {  	_ =	shalt  }
0x45: {  	_ =	shalt  }
0x46: {  	_ =	shalt  }
0x47: {  	_ =	shalt  }
0x48: {  	_ =	shalt  }
0x49: {  	_ =	shalt  }
0x4a: {  	_ =	shalt  }
0x4b: {  	_ =	shalt  }
0x4c: {  	_ =	shalt  }
0x4d: {  	_ =	shalt  }
0x4e: {  	_ =	shalt  }
0x4f: {  	_ =	shalt  }
0x50: {  	_ =	shalt  }
0x51: {  	_ =	shalt  }
0x52: {  	_ =	shalt  }
0x53: {  	_ =	shalt  }
0x54: {  	_ =	shalt  }
0x55: {  	_ =	shalt  }
0x56: {  	_ =	shalt  }
0x57: {  	_ =	shalt  }
0x58: {  	_ =	shalt  }
0x59: {  	_ =	shalt  }
0x5a: {  	_ =	shalt  }
0x5b: {  	_ =	shalt  }
0x5c: {  	_ =	shalt  }
0x5d: {  	_ =	shalt  }
0x5e: {  	_ =	shalt  }
0x5f: {  	_ =	shalt  }
0x60: {  	_ =	shalt  }
0x61: {  	_ =	shalt  }
0x62: {  	_ =	shalt  }
0x63: {  	_ =	shalt  }
0x64: {  	_ =	shalt  }
0x65: {  	_ =	shalt  }
0x66: {  	_ =	shalt  }
0x67: {  	_ =	shalt  }
0x68: {  	_ =	shalt  }
0x69: {  	_ =	shalt  }
0x6a: {  	_ =	shalt  }
0x6b: {  	_ =	shalt  }
0x6c: {  	_ =	shalt  }
0x6d: {  	_ =	shalt  }
0x6e: {  	_ =	shalt  }
0x6f: {  	_ =	shalt  }
0x70: {  	_ =	shalt  }
0x71: {  	_ =	shalt  }
0x72: {  	_ =	shalt  }
0x73: {  	_ =	shalt  }
0x74: {  	_ =	shalt  }
0x75: {  	_ =	shalt  }
0x76: {  	_ =	shalt  }
0x77: {  	_ =	shalt  }
0x78: {  	_ =	shalt  }
0x79: {  	_ =	shalt  }
0x7a: {  	_ =	shalt  }
0x7b: {  	_ =	shalt  }
0x7c: {  	_ =	shalt  }
0x7d: {  	_ =	shalt  }
0x7e: {  	_ =	shalt  }
0x7f: {  	_ =	shalt  }
0x80: {  	_ =	shalt  }
0x81: {  	_ =	shalt  }
0x82: {  	_ =	shalt  }
0x83: {  	_ =	shalt  }
0x84: {  	_ =	shalt  }
0x85: {  	_ =	shalt  }
0x86: {  	_ =	shalt  }
0x87: {  	_ =	shalt  }
.Lfunc_end0:
.L_simem_size_0:
called_computation_lowered:
.L_overlay_start_0:
0x88: {  	s2 =	sld [smem:$0x3FD9]  }
0x89: {  	s3 =	sld [smem:$0x3FFE];
	_ =	sdelay $0x1  }
0x8a: {  	s1 =	srdreg.scid  }
0x8b: {  	s0 =	sand.u32 $0x1, s1  }
0x8c: {  	s17 =	sshll.u32 s0, $0xA;
	s2 =	sadd.s32 s3, s2  }
0x8d: {  	s2 =	sadd.s32 s2, s17  }
0x8e: {  	[smem:$0x3FC4] =	sst s2  }
0x8f: {  	_ = 	snop  }
0x90: {  	s2 =	sld [smem:$0x3FD0];
	(tm) =	ssettm $0x1  }
0x91: {  	s18 =	sld [smem:$0x3FFB];
	_ =	sdelay $0x3  }
0x92: {  	_ =	strace s18  }
0x93: {  	s3 =	sld [smem:$0x3FFC];
	_ =	sdelay $0x3  }
0x94: {  	_ =	strace s3  }
0x95: {  	s3 =	sld [smem:$0x3FFD];
	_ =	sdelay $0x3  }
0x96: {  	_ =	strace s3  }
0x97: {  	_ =	strace $0x8FFFFFFF  }
0x98: {  	s19 =	sld [smem:$0x3FDB];
	_ =	sdelay $0x1  }
0x99: {  	s4 =	simm.s32 $_scs_section_size  }
0x9a: {  	s5 =	simm.s32 $_size__tile_overlayer_lowered;
	s6 =	simm.s32 $_tile_overlayer_lowered  }
0x9b: {  	s22 =	simm.s32 $0x1BFF;
	s21 =	sshll.u32 s6, $0x1;
	s3 =	sadd.s32 s4, s19  }
0x9c: {  	s7 =	simm.s32 $0x0;
	s20 =	sshll.u32 s5, $0x1;
	s5 =	sadd.s32 s21, s3  }
0x9d: {  	[timem:s7], [sflag:s22] =	dma.local [hbm:s5], s20  }
0x9e: {  	_ =	swait.ge [sflag:s22], s20  }
0x9f: {  	s4 =	ssub.s32 $0x0, s20;
	[sflag:s22] =	ssyncset.done $0x0  }
0xa0: {  	[sflag:s22] =	ssyncadd.s32 s4;
	_ =	sdelay $0x1  }
0xa1: {  	s23 =	simm.s32 $0x1B8B  }
0xa2: {  	_ =	swait.ge [sflag:s23], $0x1  }
0xa3: {  	[sflag:s23] =	ssyncset.done $0x0  }
0xa4: {  	s25 =	simm.s32 $0x1B8E;
	s24 =	sld [smem:$0x3FFE];
	[sflag:s23] =	ssyncadd.s32 $0xFFFFFFFF  }
0xa5: {  	s26 =	simm.s32 $execute0_lowered;
	[smem:$0x3FD2] =	sst s25  }
0xa6: {  	s5 =	sshll.u32 s26, $0x1;
	_ =	strace $0x80000046;
	[dreg:$0x1] =	wrdreg $0xFFFFFFFF  }
0xa7: {  	s28 =	simm.s32 $_size_execute0_lowered;
	s3 =	sadd.s32 s3, s5;
	[dreg:$0x0] =	wrdreg $0x0  }
0xa8: {  	s5 =	sshll.u32 s28, $0x1;
	[dreg:$0x2] =	wrdreg s3  }
0xa9: {  	[dreg:$0x3] =	wrdreg s5  }
0xaa: {  	[dreg:$0x4] =	wrdreg $0xC0  }
0xab: {  	_ =	task [dreg:s7], $0x5FFFF  }
0xac: {  	[dreg:$0x1] =	wrdreg $0xFFFFFFFF  }
0xad: {  	[dreg:$0x0] =	wrdreg $0x60  }
0xae: {  	[dreg:$0x2] =	wrdreg s2  }
0xaf: {  	[dreg:$0x3] =	wrdreg s24  }
0xb0: {  	[dreg:$0x4] =	wrdreg $0x9  }
0xb1: {  	_ =	task.clear_ibuf [dreg:s7], $0x5FFFF;
	_ =	strace $0x90000046  }
0xb2: {  	s29 =	simm.s32 $0x9;
	_ =	strace $0x80000048  }
0xb3: {  	_ =	swait.ge [sflag:s29], $0x1  }
0xb4: {  	[sflag:s29] =	ssyncadd.s32 $0xFFFFFFFF  }
0xb5: {  	_ =	strace $0x90000048  }
0xb6: {  	_ =	sfence  }
0xb7: {  	s30 =	sld [smem:$0x0];
	_ =	sdelay $0x2  }
0xb8: {  	s31 =	sshll.u32 s1, $0xD;
	s1 =	sshrl.u32 s1, $0x2  }
0xb9: {  	s3 =	sand.u32 $0x4000, s31;
	s1 =	sadd.s32 s1, s30  }
0xba: {  	s0 =	sor.u32 s3, s0;
	s1 =	sshll.u32 s1, $0x11  }
0xbb: {  	s0 =	sor.u32 s1, s0  }
0xbc: {  	s0 =	sadd.s32 $0x8F2B, s0  }
0xbd: {  	[sflag:s0] =	ssyncadd.remote.s32 $0x1  }
0xbe: {  	_ =	sfence.sel $0xFFFF  }
0xbf: {  	[dreg:$0x0] =	wrdreg $0xFFFFFFFF;
	(pc) =	sbr.abs _section_cstart, $3  }
0xc0: {  	[dreg:$0x1] =	wrdreg $0xFFFFFFFF  }
0xc1: {  	_ =	task.clear_ibuf [dreg:s7], $0x2FFFF;
	_ =	strace $0x9FFFFFFF  }
0xc2: {  	(tm) =	ssettm $0x7FFFFFFF  }
0xc3: {  	_ =	shalt  }
tec
execute0_lowered:
.L_overlay_start_1:
0x0: {  	(tag) =	ssettag $0x1  }
0x1: {  	s0 =	srdreg.scid;
	s2 =	rddreg [dreg:$0x0]  }
0x2: {  	s1 =	stileid.u32;
	s6 =	rddreg [dreg:$0x1]  }
0x3: {  	s5 =	simm.s32 $0x0;
	s14 =	simm.s32 $0x9;
	s15 =	simm.s32 $0x1  }
0x4: {  	s16 =	simm.s32 $0x12800;
	s0 =	sand.u32 $0x1, s0;
	s1 =	sshll.u32 s1, $0x1  }
0x5: {  	s17 =	simm.s32 $0x2;
	s18 =	simm.s32 $0x12C00;
	s1 =	sor.u32 s0, s1  }
0x6: {  	s19 =	simm.s32 $0x3;
	s20 =	simm.s32 $0x13000;
	s1 =	smul.u32 $0x9C4, s1  }
0x7: {  	s21 =	simm.s32 $0x4;
	s22 =	simm.s32 $0x13400;
	s23 =	simm.s32 $0x5  }
0x8: {  	s24 =	simm.s32 $0x6;
	s25 =	simm.s32 $0x7;
	s4 =	sadd.s32 $0x9C4, s1  }
0x9: {  	s26 =	simm.s32 $0x8;
	s3 =	sshrl.u32 s1, $0x5;
	s29 =	sshrl.u32 s4, $0x5  }
0xa: {  	s28 =	simm.s32 $0x0;
	[smem:$0x7FF] =	sst s5;
	s4 =	ssub.s32 s29, s3  }
0xb: {  	_ =	strace $0x80000047;
	s0 =	ssub.s32 $0x2, s0;
	p0 =	slt.s32 s4, $0x1  }
0xc: {  	s9 =	sshrl.u32 s0, $0x1;
	s30 =	smin.u32 s3, $0x974;
	p3 =	seq.s32 @!p0 s4, $0x1  }
0xd: {  	s0 =	ssub.s32 s0, s9;
	s7 =	sshll.u32 s30, $0x4;
	p1 =	por p3, p0  }
0xe: {  	s13 =	smax.u32 s0, $0x1;
	s8 =	sadd.s32 s7, s6;
	p4 =	slt.u32 @!p1 s4, $0x3  }
0xf: {  	s6 =	sadd.s32 $0xB600, s6;
	s7 =	ssub.s32 s3, s30;
	p2 =	por @!p0 p4, p3  }
.Ltmp0:
0x10: {  	s1 =	sshll.u32 s7, $0x9;
	p2 =	por p2, p0;
	(pc) =	sbr.rel .LBB2_1-.Ltmp0, $4  }
0x11: {  	s8 =	sadd.s32 $0x1800, s8;
	s9 =	sshra.s32 s1, $0x2;
	p5 =	seq.s32 @!p2 s4, $0x3  }
0x12: {  	[dreg:$0x3] =	wrdreg s8;
	s1 =	sadd.s32 $0x80, s9;
	p4 =	por @!p1 p5, p4  }
0x13: {  	s31 =	sadd.s32 $0x100, s9;
	[dreg:$0x4] =	wrdreg s1;
	p3 =	por @!p0 p4, p3  }
0x14: {  	s12 =	sadd.s32 $0x180, s9;
	[dreg:$0x5] =	wrdreg s31;
	p3 =	por p3, p0  }
.LBB2_19:
0x15: {  	_ =	swait.ge [sflag:s23], $0x400  }
0x16: {  	[sflag:s23] =	ssyncset.done $0x0  }
0x17: {  	[sflag:s23] =	ssyncadd.s32 $0xFFFFFC00  }
0x18: {  	_ =	swait.ge [sflag:s24], $0x400  }
0x19: {  	[sflag:s24] =	ssyncset.done $0x0  }
0x1a: {  	s28 =	sadd.s32 $0x1, s28;
	[sflag:s24] =	ssyncadd.s32 $0xFFFFFC00  }
0x1b: {  	p4 =	sne.s32 s28, s13;
	_ =	swait.ge [sflag:s25], $0x400  }
.Ltmp1:
0x1c: {  	[sflag:s25] =	ssyncset.done $0x0;
	(pc) =	sbr.rel @!p4 .LBB2_20-.Ltmp1, $4  }
0x1d: {  	[sflag:s25] =	ssyncadd.s32 $0xFFFFFC00  }
0x1e: {  	_ =	swait.ge [sflag:s26], $0x400  }
0x1f: {  	[sflag:s26] =	ssyncset.done $0x0  }
0x20: {  	[sflag:s26] =	ssyncadd.s32 $0xFFFFFC00  }
.LBB2_1:
0x21: {  	s0 =	rddreg [dreg:$0x3]  }
0x22: {  	[tilespmem:s5], [sflag:$0x9] =	stream.linear.gather [hbm4b:s0+s5], $0x2800, $0x38;
	[tilespmem:$0x13800] =	vst v63  }
0x23: {  	_ =	swait.ge [sflag:s14], $0x2800  }
0x24: {  	[sflag:s14] =	ssyncset.done $0x0  }
0x25: {  	s1 =	simm.s32 @!p0 $0x2800;
	s0 =	simm.s32 @!p0 $0x80;
	[sflag:s14] =	ssyncadd.s32 $0xFFFFD800  }
0x26: {  	[tilespmem:s1], [sflag:$0x1] =	stream.indirect.gather @!p0 [hbm4b:s2+s0], $0x80, s9, s0, $0xb8;
	[tilespmem:$0x13800] =	vst v63  }
0x27: {  	s8 =	rddreg [dreg:$0x4];
	s0 =	simm.s32 @!p1 $0x80;
	s1 =	simm.s32 @!p1 $0x6800  }
0x28: {  	[tilespmem:s1], [sflag:$0x2] =	stream.indirect.gather @!p1 [hbm4b:s2+s0], $0x80, s8, s0, $0xb8;
	[tilespmem:$0x13800] =	vst v63  }
.Ltmp2:
0x29: {  	_ = 	snop;
	(pc) =	sbr.rel .LBB2_2-.Ltmp2, $4  }
0x2a: {  	s0 =	simm.s32 @!p2 $0x80;
	s1 =	simm.s32 @!p2 $0xA800;
	s8 =	rddreg [dreg:$0x5]  }
0x2b: {  	[tilespmem:s1], [sflag:$0x3] =	stream.indirect.gather @!p2 [hbm4b:s2+s0], $0x80, s8, s0, $0xb8;
	[tilespmem:$0x13800] =	vst v63  }
0x2c: {  	s29 =	simm.s32 $0x0;
	s0 =	simm.s32 @!p3 $0x80;
	s1 =	simm.s32 @!p3 $0xE800  }
0x2d: {  	[tilespmem:s1], [sflag:$0x4] =	stream.indirect.gather @!p3 [hbm4b:s2+s0], $0x80, s12, s0, $0xb8;
	[tilespmem:$0x13800] =	vst v63  }
.LBB2_18:
0x2e: {  	s29 =	sadd.s32 $0x1, s29  }
0x2f: {  	p4 =	sne.s32 s29, $0x14  }
.Ltmp3:
0x30: {  	_ = 	snop;
	(pc) =	sbr.rel @!p4 .LBB2_19-.Ltmp3, $1  }
0x31: {  	_ =	sdelay $0x3  }
.LBB2_2:
0x32: {  	s30 =	sshll.u32 s29, $0x2  }
0x33: {  	p5 =	sge.s32 s30, s4  }
.Ltmp4:
0x34: {  	_ = 	snop;
	(pc) =	sbr.rel @p5 .LBB2_6-.Ltmp4, $2  }
0x35: {  	_ =	sdelay $0x2  }
0x36: {  	p4 =	seq.s32 s29, $0x0  }
0x37: {  	_ =	swait.ge [sflag:s15], $0x4000  }
0x38: {  	[sflag:s15] =	ssyncset.done $0x0  }
0x39: {  	s0 =	simm.s32 @!p4 $0x5;
	[sflag:s15] =	ssyncadd.s32 $0xFFFFC000  }
0x3a: {  	_ =	swait.ge @!p4 [sflag:s0], $0x400  }
0x3b: {  	[sflag:s0] =	ssyncset.done @!p4 $0x0  }
0x3c: {  	s31 =	simm.s32 $0x2C00;
	[sflag:s0] =	ssyncadd.s32 @!p4 $0xFFFFFC00  }
0x3d: {  	v0 =	vld [tilespmem:s31+$0xFFFFFC80]  }
0x3e: {  	v1 =	vld [tilespmem:s31+$0xFFFFFC00]  }
0x3f: {  	v2 =	vld [tilespmem:s31+$0xFFFFFD00]  }
0x40: {  	v3 =	vld [tilespmem:s31+$0xFFFFFD80]  }
0x41: {  	v4 =	vld [tilespmem:s31+$0xFFFFFE00]  }
0x42: {  	v5 =	vld [tilespmem:s31+$0xFFFFFE80]  }
0x43: {  	v0 =	vmax.f32 v1, v0;
	v1 =	vld [tilespmem:s31+$0xFFFFFF00]  }
0x44: {  	v0 =	vmax.f32 v0, v2;
	v2 =	vld [tilespmem:s31+$0xFFFFFF80]  }
0x45: {  	v0 =	vmax.f32 v0, v3;
	v3 =	vld [tilespmem:s31+$0x0]  }
0x46: {  	v0 =	vmax.f32 v0, v4;
	v4 =	vld [tilespmem:s31+$0x80]  }
0x47: {  	v0 =	vmax.f32 v0, v5;
	v5 =	vld [tilespmem:s31+$0x100]  }
0x48: {  	v0 =	vmax.f32 v0, v1;
	v1 =	vld [tilespmem:s31+$0x180]  }
0x49: {  	v0 =	vmax.f32 v0, v2;
	v2 =	vld [tilespmem:s31+$0x200]  }
0x4a: {  	v0 =	vmax.f32 v0, v3;
	v3 =	vld [tilespmem:s31+$0x280]  }
0x4b: {  	v0 =	vmax.f32 v0, v4;
	v4 =	vld [tilespmem:s31+$0x300]  }
0x4c: {  	v0 =	vmax.f32 v0, v5;
	v5 =	vld [tilespmem:s31+$0x380]  }
0x4d: {  	v0 =	vmax.f32 v0, v1  }
0x4e: {  	v0 =	vmax.f32 v0, v2  }
0x4f: {  	v0 =	vmax.f32 v0, v3  }
0x50: {  	v0 =	vmax.f32 v0, v4  }
0x51: {  	s1 =	simm.s32 $0x0;
	v0 =	vmax.f32 v0, v5  }
0x52: {  	[tilespmem:s1+$0x12800] =	vst v0  }
0x53: {  	v0 =	vld [tilespmem:s31+$0xFFFFFC10]  }
0x54: {  	v1 =	vld [tilespmem:s31+$0xFFFFFC90]  }
0x55: {  	v2 =	vld [tilespmem:s31+$0xFFFFFD10]  }
0x56: {  	v3 =	vld [tilespmem:s31+$0xFFFFFD90]  }
0x57: {  	v4 =	vld [tilespmem:s31+$0xFFFFFE10]  }
0x58: {  	v5 =	vld [tilespmem:s31+$0xFFFFFE90]  }
0x59: {  	v0 =	vmax.f32 v0, v1;
	v1 =	vld [tilespmem:s31+$0xFFFFFF10]  }
0x5a: {  	v0 =	vmax.f32 v0, v2;
	v2 =	vld [tilespmem:s31+$0xFFFFFF90]  }
0x5b: {  	v0 =	vmax.f32 v0, v3;
	v3 =	vld [tilespmem:s31+$0x10]  }
0x5c: {  	v0 =	vmax.f32 v0, v4;
	v4 =	vld [tilespmem:s31+$0x90]  }
0x5d: {  	v0 =	vmax.f32 v0, v5;
	v5 =	vld [tilespmem:s31+$0x110]  }
0x5e: {  	v0 =	vmax.f32 v0, v1;
	v1 =	vld [tilespmem:s31+$0x190]  }
0x5f: {  	v0 =	vmax.f32 v0, v2;
	v2 =	vld [tilespmem:s31+$0x210]  }
0x60: {  	v0 =	vmax.f32 v0, v3;
	v3 =	vld [tilespmem:s31+$0x290]  }
0x61: {  	v0 =	vmax.f32 v0, v4;
	v4 =	vld [tilespmem:s31+$0x310]  }
0x62: {  	v0 =	vmax.f32 v0, v5;
	v5 =	vld [tilespmem:s31+$0x390]  }
0x63: {  	v0 =	vmax.f32 v0, v1  }
0x64: {  	v0 =	vmax.f32 v0, v2  }
0x65: {  	v0 =	vmax.f32 v0, v3  }
0x66: {  	v0 =	vmax.f32 v0, v4  }
0x67: {  	v0 =	vmax.f32 v0, v5  }
0x68: {  	[tilespmem:s1+$0x12810] =	vst v0  }
0x69: {  	v0 =	vld [tilespmem:s31+$0xFFFFFC20]  }
0x6a: {  	v1 =	vld [tilespmem:s31+$0xFFFFFCA0]  }
0x6b: {  	v2 =	vld [tilespmem:s31+$0xFFFFFD20]  }
0x6c: {  	v3 =	vld [tilespmem:s31+$0xFFFFFDA0]  }
0x6d: {  	v4 =	vld [tilespmem:s31+$0xFFFFFE20]  }
0x6e: {  	v5 =	vld [tilespmem:s31+$0xFFFFFEA0]  }
0x6f: {  	v0 =	vmax.f32 v0, v1;
	v1 =	vld [tilespmem:s31+$0xFFFFFF20]  }
0x70: {  	v0 =	vmax.f32 v0, v2;
	v2 =	vld [tilespmem:s31+$0xFFFFFFA0]  }
0x71: {  	v0 =	vmax.f32 v0, v3;
	v3 =	vld [tilespmem:s31+$0x20]  }
0x72: {  	v0 =	vmax.f32 v0, v4;
	v4 =	vld [tilespmem:s31+$0xA0]  }
0x73: {  	v0 =	vmax.f32 v0, v5;
	v5 =	vld [tilespmem:s31+$0x120]  }
0x74: {  	v0 =	vmax.f32 v0, v1;
	v1 =	vld [tilespmem:s31+$0x1A0]  }
0x75: {  	v0 =	vmax.f32 v0, v2;
	v2 =	vld [tilespmem:s31+$0x220]  }
0x76: {  	v0 =	vmax.f32 v0, v3;
	v3 =	vld [tilespmem:s31+$0x2A0]  }
0x77: {  	v0 =	vmax.f32 v0, v4;
	v4 =	vld [tilespmem:s31+$0x320]  }
0x78: {  	v0 =	vmax.f32 v0, v5;
	v5 =	vld [tilespmem:s31+$0x3A0]  }
0x79: {  	v0 =	vmax.f32 v0, v1  }
0x7a: {  	v0 =	vmax.f32 v0, v2  }
0x7b: {  	v0 =	vmax.f32 v0, v3  }
0x7c: {  	v0 =	vmax.f32 v0, v4  }
0x7d: {  	v0 =	vmax.f32 v0, v5  }
0x7e: {  	[tilespmem:s1+$0x12820] =	vst v0  }
0x7f: {  	v0 =	vld [tilespmem:s31+$0xFFFFFC30]  }
0x80: {  	v1 =	vld [tilespmem:s31+$0xFFFFFCB0]  }
0x81: {  	v2 =	vld [tilespmem:s31+$0xFFFFFD30]  }
0x82: {  	v3 =	vld [tilespmem:s31+$0xFFFFFDB0]  }
0x83: {  	v4 =	vld [tilespmem:s31+$0xFFFFFE30]  }
0x84: {  	v5 =	vld [tilespmem:s31+$0xFFFFFEB0]  }
0x85: {  	v0 =	vmax.f32 v0, v1;
	v1 =	vld [tilespmem:s31+$0xFFFFFF30]  }
0x86: {  	v0 =	vmax.f32 v0, v2;
	v2 =	vld [tilespmem:s31+$0xFFFFFFB0]  }
0x87: {  	v0 =	vmax.f32 v0, v3;
	v3 =	vld [tilespmem:s31+$0x30]  }
0x88: {  	v0 =	vmax.f32 v0, v4;
	v4 =	vld [tilespmem:s31+$0xB0]  }
0x89: {  	v0 =	vmax.f32 v0, v5;
	v5 =	vld [tilespmem:s31+$0x130]  }
0x8a: {  	v0 =	vmax.f32 v0, v1;
	v1 =	vld [tilespmem:s31+$0x1B0]  }
0x8b: {  	v0 =	vmax.f32 v0, v2;
	v2 =	vld [tilespmem:s31+$0x230]  }
0x8c: {  	v0 =	vmax.f32 v0, v3;
	v3 =	vld [tilespmem:s31+$0x2B0]  }
0x8d: {  	v0 =	vmax.f32 v0, v4;
	v4 =	vld [tilespmem:s31+$0x330]  }
0x8e: {  	v0 =	vmax.f32 v0, v5;
	v5 =	vld [tilespmem:s31+$0x3B0]  }
0x8f: {  	v0 =	vmax.f32 v0, v1  }
0x90: {  	v0 =	vmax.f32 v0, v2  }
0x91: {  	v0 =	vmax.f32 v0, v3  }
0x92: {  	v0 =	vmax.f32 v0, v4  }
0x93: {  	v0 =	vmax.f32 v0, v5  }
0x94: {  	[tilespmem:s1+$0x12830] =	vst v0  }
0x95: {  	v0 =	vld [tilespmem:s31+$0xFFFFFC40]  }
0x96: {  	v1 =	vld [tilespmem:s31+$0xFFFFFCC0]  }
0x97: {  	v2 =	vld [tilespmem:s31+$0xFFFFFD40]  }
0x98: {  	v3 =	vld [tilespmem:s31+$0xFFFFFDC0]  }
0x99: {  	v4 =	vld [tilespmem:s31+$0xFFFFFE40]  }
0x9a: {  	v5 =	vld [tilespmem:s31+$0xFFFFFEC0]  }
0x9b: {  	v0 =	vmax.f32 v0, v1;
	v1 =	vld [tilespmem:s31+$0xFFFFFF40]  }
0x9c: {  	v0 =	vmax.f32 v0, v2;
	v2 =	vld [tilespmem:s31+$0xFFFFFFC0]  }
0x9d: {  	v0 =	vmax.f32 v0, v3;
	v3 =	vld [tilespmem:s31+$0x40]  }
0x9e: {  	v0 =	vmax.f32 v0, v4;
	v4 =	vld [tilespmem:s31+$0xC0]  }
0x9f: {  	v0 =	vmax.f32 v0, v5;
	v5 =	vld [tilespmem:s31+$0x140]  }
0xa0: {  	v0 =	vmax.f32 v0, v1;
	v1 =	vld [tilespmem:s31+$0x1C0]  }
0xa1: {  	v0 =	vmax.f32 v0, v2;
	v2 =	vld [tilespmem:s31+$0x240]  }
0xa2: {  	v0 =	vmax.f32 v0, v3;
	v3 =	vld [tilespmem:s31+$0x2C0]  }
0xa3: {  	v0 =	vmax.f32 v0, v4;
	v4 =	vld [tilespmem:s31+$0x340]  }
0xa4: {  	v0 =	vmax.f32 v0, v5;
	v5 =	vld [tilespmem:s31+$0x3C0]  }
0xa5: {  	v0 =	vmax.f32 v0, v1  }
0xa6: {  	v0 =	vmax.f32 v0, v2  }
0xa7: {  	v0 =	vmax.f32 v0, v3  }
0xa8: {  	v0 =	vmax.f32 v0, v4  }
0xa9: {  	v0 =	vmax.f32 v0, v5  }
0xaa: {  	[tilespmem:s1+$0x12840] =	vst v0  }
0xab: {  	v0 =	vld [tilespmem:s31+$0xFFFFFC50]  }
0xac: {  	v1 =	vld [tilespmem:s31+$0xFFFFFCD0]  }
0xad: {  	v2 =	vld [tilespmem:s31+$0xFFFFFD50]  }
0xae: {  	v3 =	vld [tilespmem:s31+$0xFFFFFDD0]  }
0xaf: {  	v4 =	vld [tilespmem:s31+$0xFFFFFE50]  }
0xb0: {  	v5 =	vld [tilespmem:s31+$0xFFFFFED0]  }
0xb1: {  	v0 =	vmax.f32 v0, v1;
	v1 =	vld [tilespmem:s31+$0xFFFFFF50]  }
0xb2: {  	v0 =	vmax.f32 v0, v2;
	v2 =	vld [tilespmem:s31+$0xFFFFFFD0]  }
0xb3: {  	v0 =	vmax.f32 v0, v3;
	v3 =	vld [tilespmem:s31+$0x50]  }
0xb4: {  	v0 =	vmax.f32 v0, v4;
	v4 =	vld [tilespmem:s31+$0xD0]  }
0xb5: {  	v0 =	vmax.f32 v0, v5;
	v5 =	vld [tilespmem:s31+$0x150]  }
0xb6: {  	v0 =	vmax.f32 v0, v1;
	v1 =	vld [tilespmem:s31+$0x1D0]  }
0xb7: {  	v0 =	vmax.f32 v0, v2;
	v2 =	vld [tilespmem:s31+$0x250]  }
0xb8: {  	v0 =	vmax.f32 v0, v3;
	v3 =	vld [tilespmem:s31+$0x2D0]  }
0xb9: {  	v0 =	vmax.f32 v0, v4;
	v4 =	vld [tilespmem:s31+$0x350]  }
0xba: {  	v0 =	vmax.f32 v0, v5;
	v5 =	vld [tilespmem:s31+$0x3D0]  }
0xbb: {  	v0 =	vmax.f32 v0, v1  }
0xbc: {  	v0 =	vmax.f32 v0, v2  }
0xbd: {  	v0 =	vmax.f32 v0, v3  }
0xbe: {  	v0 =	vmax.f32 v0, v4  }
0xbf: {  	v0 =	vmax.f32 v0, v5  }
0xc0: {  	[tilespmem:s1+$0x12850] =	vst v0  }
0xc1: {  	v0 =	vld [tilespmem:s31+$0xFFFFFC60]  }
0xc2: {  	v1 =	vld [tilespmem:s31+$0xFFFFFCE0]  }
0xc3: {  	v2 =	vld [tilespmem:s31+$0xFFFFFD60]  }
0xc4: {  	v3 =	vld [tilespmem:s31+$0xFFFFFDE0]  }
0xc5: {  	v4 =	vld [tilespmem:s31+$0xFFFFFE60]  }
0xc6: {  	v5 =	vld [tilespmem:s31+$0xFFFFFEE0]  }
0xc7: {  	v0 =	vmax.f32 v0, v1;
	v1 =	vld [tilespmem:s31+$0xFFFFFF60]  }
0xc8: {  	v0 =	vmax.f32 v0, v2;
	v2 =	vld [tilespmem:s31+$0xFFFFFFE0]  }
0xc9: {  	v0 =	vmax.f32 v0, v3;
	v3 =	vld [tilespmem:s31+$0x60]  }
0xca: {  	v0 =	vmax.f32 v0, v4;
	v4 =	vld [tilespmem:s31+$0xE0]  }
0xcb: {  	v0 =	vmax.f32 v0, v5;
	v5 =	vld [tilespmem:s31+$0x160]  }
0xcc: {  	v0 =	vmax.f32 v0, v1;
	v1 =	vld [tilespmem:s31+$0x1E0]  }
0xcd: {  	v0 =	vmax.f32 v0, v2;
	v2 =	vld [tilespmem:s31+$0x260]  }
0xce: {  	v0 =	vmax.f32 v0, v3;
	v3 =	vld [tilespmem:s31+$0x2E0]  }
0xcf: {  	v0 =	vmax.f32 v0, v4;
	v4 =	vld [tilespmem:s31+$0x360]  }
0xd0: {  	v0 =	vmax.f32 v0, v5;
	v5 =	vld [tilespmem:s31+$0x3E0]  }
0xd1: {  	v0 =	vmax.f32 v0, v1  }
0xd2: {  	v0 =	vmax.f32 v0, v2  }
0xd3: {  	v0 =	vmax.f32 v0, v3  }
0xd4: {  	v0 =	vmax.f32 v0, v4  }
0xd5: {  	v0 =	vmax.f32 v0, v5  }
0xd6: {  	[tilespmem:s1+$0x12860] =	vst v0  }
0xd7: {  	v0 =	vld [tilespmem:s31+$0xFFFFFC70]  }
0xd8: {  	v1 =	vld [tilespmem:s31+$0xFFFFFCF0]  }
0xd9: {  	v2 =	vld [tilespmem:s31+$0xFFFFFD70]  }
0xda: {  	v3 =	vld [tilespmem:s31+$0xFFFFFDF0]  }
0xdb: {  	v5 =	vld [tilespmem:s31+$0xFFFFFE70]  }
0xdc: {  	v6 =	vld [tilespmem:s31+$0xFFFFFEF0]  }
0xdd: {  	v7 =	vld [tilespmem:s31+$0xFFFFFF70];
	v0 =	vmax.f32 v0, v1  }
0xde: {  	v8 =	vld [tilespmem:s31+$0xFFFFFFF0];
	v0 =	vmax.f32 v0, v2  }
0xdf: {  	v4 =	vld [tilespmem:s31+$0x70];
	v0 =	vmax.f32 v0, v3  }
0xe0: {  	v1 =	vld [tilespmem:s31+$0xF0];
	v0 =	vmax.f32 v0, v5  }
0xe1: {  	v2 =	vld [tilespmem:s31+$0x170];
	v0 =	vmax.f32 v0, v6  }
0xe2: {  	v3 =	vmax.f32 v0, v7;
	v0 =	vld [tilespmem:s31+$0x1F0]  }
0xe3: {  	s8 =	simm.s32 $0x2C00;
	s0 =	simm.s32 $0x200;
	v5 =	vmax.f32 v3, v8;
	v3 =	vld [tilespmem:s31+$0x270]  }
.LBB2_4:
0xe4: {  	p5 =	sne.s32 s0, $0xE00  }
0xe5: {  	v4 =	vmax.f32 v5, v4;
	v5 =	vld [tilespmem:s31+$0x2F0];
	s8 =	sadd.s32 $0x800, s8;
	s10 =	smov.u32 s0;
	s0 =	sadd.s32 $0x200, s0  }
0xe6: {  	v1 =	vmax.f32 v4, v1;
	v4 =	vld [tilespmem:s31+$0x370]  }
0xe7: {  	v1 =	vmax.f32 v1, v2;
	v2 =	vld [tilespmem:s31+$0x3F0];
	s31 =	smov.u32 s8  }
0xe8: {  	v0 =	vmax.f32 v1, v0  }
0xe9: {  	v0 =	vmax.f32 v0, v3  }
0xea: {  	v0 =	vmax.f32 v0, v5  }
0xeb: {  	v0 =	vmax.f32 v0, v4  }
0xec: {  	v0 =	vmax.f32 v0, v2  }
0xed: {  	[tilespmem:s1+$0x12870] =	vst v0  }
0xee: {  	v0 =	vld [tilespmem:s8+$0xFFFFFD00]  }
0xef: {  	v1 =	vld [tilespmem:s8+$0xFFFFFC80]  }
0xf0: {  	v2 =	vld [tilespmem:s8+$0xFFFFFC00]  }
0xf1: {  	v3 =	vld [tilespmem:s8+$0xFFFFFD80]  }
0xf2: {  	v4 =	vld [tilespmem:s8+$0xFFFFFE00];
	_ =	sdelay $0x1  }
0xf3: {  	v5 =	vld [tilespmem:s8+$0xFFFFFE80]  }
0xf4: {  	v1 =	vmax.f32 v2, v1;
	v2 =	vld [tilespmem:s8+$0xFFFFFF00]  }
0xf5: {  	v0 =	vmax.f32 v1, v0;
	v1 =	vld [tilespmem:s8+$0xFFFFFF80]  }
0xf6: {  	v0 =	vmax.f32 v0, v3;
	v3 =	vld [tilespmem:s8+$0x0]  }
0xf7: {  	v0 =	vmax.f32 v0, v4;
	v4 =	vld [tilespmem:s8+$0x80]  }
0xf8: {  	v0 =	vmax.f32 v0, v5;
	v5 =	vld [tilespmem:s8+$0x100]  }
0xf9: {  	v0 =	vmax.f32 v0, v2;
	v2 =	vld [tilespmem:s8+$0x180]  }
0xfa: {  	v0 =	vmax.f32 v0, v1;
	v1 =	vld [tilespmem:s8+$0x200]  }
0xfb: {  	v0 =	vmax.f32 v0, v3;
	v3 =	vld [tilespmem:s8+$0x280]  }
0xfc: {  	v0 =	vmax.f32 v0, v4;
	v4 =	vld [tilespmem:s8+$0x300]  }
0xfd: {  	v0 =	vmax.f32 v0, v5;
	v5 =	vld [tilespmem:s8+$0x380]  }
0xfe: {  	v0 =	vmax.f32 v0, v2  }
0xff: {  	v0 =	vmax.f32 v0, v1  }
0x100: {  	v0 =	vmax.f32 v0, v3  }
0x101: {  	v0 =	vmax.f32 v0, v4  }
0x102: {  	s1 =	sshra.s32 s10, $0x2;
	v0 =	vmax.f32 v0, v5  }
0x103: {  	[tilespmem:s1+$0x12800] =	vst v0  }
0x104: {  	v0 =	vld [tilespmem:s8+$0xFFFFFC10]  }
0x105: {  	v1 =	vld [tilespmem:s8+$0xFFFFFC90]  }
0x106: {  	v2 =	vld [tilespmem:s8+$0xFFFFFD10]  }
0x107: {  	v3 =	vld [tilespmem:s8+$0xFFFFFD90]  }
0x108: {  	v4 =	vld [tilespmem:s8+$0xFFFFFE10]  }
0x109: {  	v5 =	vld [tilespmem:s8+$0xFFFFFE90]  }
0x10a: {  	v0 =	vmax.f32 v0, v1;
	v1 =	vld [tilespmem:s8+$0xFFFFFF10]  }
0x10b: {  	v0 =	vmax.f32 v0, v2;
	v2 =	vld [tilespmem:s8+$0xFFFFFF90]  }
0x10c: {  	v0 =	vmax.f32 v0, v3;
	v3 =	vld [tilespmem:s8+$0x10]  }
0x10d: {  	v0 =	vmax.f32 v0, v4;
	v4 =	vld [tilespmem:s8+$0x90]  }
0x10e: {  	v0 =	vmax.f32 v0, v5;
	v5 =	vld [tilespmem:s8+$0x110]  }
0x10f: {  	v0 =	vmax.f32 v0, v1;
	v1 =	vld [tilespmem:s8+$0x190]  }
0x110: {  	v0 =	vmax.f32 v0, v2;
	v2 =	vld [tilespmem:s8+$0x210]  }
0x111: {  	v0 =	vmax.f32 v0, v3;
	v3 =	vld [tilespmem:s8+$0x290]  }
0x112: {  	v0 =	vmax.f32 v0, v4;
	v4 =	vld [tilespmem:s8+$0x310]  }
0x113: {  	v0 =	vmax.f32 v0, v5;
	v5 =	vld [tilespmem:s8+$0x390]  }
0x114: {  	v0 =	vmax.f32 v0, v1  }
0x115: {  	v0 =	vmax.f32 v0, v2  }
0x116: {  	v0 =	vmax.f32 v0, v3  }
0x117: {  	v0 =	vmax.f32 v0, v4  }
0x118: {  	v0 =	vmax.f32 v0, v5  }
0x119: {  	[tilespmem:s1+$0x12810] =	vst v0  }
0x11a: {  	v0 =	vld [tilespmem:s8+$0xFFFFFC20]  }
0x11b: {  	v1 =	vld [tilespmem:s8+$0xFFFFFCA0]  }
0x11c: {  	v2 =	vld [tilespmem:s8+$0xFFFFFD20]  }
0x11d: {  	v3 =	vld [tilespmem:s8+$0xFFFFFDA0]  }
0x11e: {  	v4 =	vld [tilespmem:s8+$0xFFFFFE20]  }
0x11f: {  	v5 =	vld [tilespmem:s8+$0xFFFFFEA0]  }
0x120: {  	v0 =	vmax.f32 v0, v1;
	v1 =	vld [tilespmem:s8+$0xFFFFFF20]  }
0x121: {  	v0 =	vmax.f32 v0, v2;
	v2 =	vld [tilespmem:s8+$0xFFFFFFA0]  }
0x122: {  	v0 =	vmax.f32 v0, v3;
	v3 =	vld [tilespmem:s8+$0x20]  }
0x123: {  	v0 =	vmax.f32 v0, v4;
	v4 =	vld [tilespmem:s8+$0xA0]  }
0x124: {  	v0 =	vmax.f32 v0, v5;
	v5 =	vld [tilespmem:s8+$0x120]  }
0x125: {  	v0 =	vmax.f32 v0, v1;
	v1 =	vld [tilespmem:s8+$0x1A0]  }
0x126: {  	v0 =	vmax.f32 v0, v2;
	v2 =	vld [tilespmem:s8+$0x220]  }
0x127: {  	v0 =	vmax.f32 v0, v3;
	v3 =	vld [tilespmem:s8+$0x2A0]  }
0x128: {  	v0 =	vmax.f32 v0, v4;
	v4 =	vld [tilespmem:s8+$0x320]  }
0x129: {  	v0 =	vmax.f32 v0, v5;
	v5 =	vld [tilespmem:s8+$0x3A0]  }
0x12a: {  	v0 =	vmax.f32 v0, v1  }
0x12b: {  	v0 =	vmax.f32 v0, v2  }
0x12c: {  	v0 =	vmax.f32 v0, v3  }
0x12d: {  	v0 =	vmax.f32 v0, v4  }
0x12e: {  	v0 =	vmax.f32 v0, v5  }
0x12f: {  	[tilespmem:s1+$0x12820] =	vst v0  }
0x130: {  	v0 =	vld [tilespmem:s8+$0xFFFFFC30]  }
0x131: {  	v1 =	vld [tilespmem:s8+$0xFFFFFCB0]  }
0x132: {  	v2 =	vld [tilespmem:s8+$0xFFFFFD30]  }
0x133: {  	v3 =	vld [tilespmem:s8+$0xFFFFFDB0]  }
0x134: {  	v4 =	vld [tilespmem:s8+$0xFFFFFE30]  }
0x135: {  	v5 =	vld [tilespmem:s8+$0xFFFFFEB0]  }
0x136: {  	v0 =	vmax.f32 v0, v1;
	v1 =	vld [tilespmem:s8+$0xFFFFFF30]  }
0x137: {  	v0 =	vmax.f32 v0, v2;
	v2 =	vld [tilespmem:s8+$0xFFFFFFB0]  }
0x138: {  	v0 =	vmax.f32 v0, v3;
	v3 =	vld [tilespmem:s8+$0x30]  }
0x139: {  	v0 =	vmax.f32 v0, v4;
	v4 =	vld [tilespmem:s8+$0xB0]  }
0x13a: {  	v0 =	vmax.f32 v0, v5;
	v5 =	vld [tilespmem:s8+$0x130]  }
0x13b: {  	v0 =	vmax.f32 v0, v1;
	v1 =	vld [tilespmem:s8+$0x1B0]  }
0x13c: {  	v0 =	vmax.f32 v0, v2;
	v2 =	vld [tilespmem:s8+$0x230]  }
0x13d: {  	v0 =	vmax.f32 v0, v3;
	v3 =	vld [tilespmem:s8+$0x2B0]  }
0x13e: {  	v0 =	vmax.f32 v0, v4;
	v4 =	vld [tilespmem:s8+$0x330]  }
0x13f: {  	v0 =	vmax.f32 v0, v5;
	v5 =	vld [tilespmem:s8+$0x3B0]  }
0x140: {  	v0 =	vmax.f32 v0, v1  }
0x141: {  	v0 =	vmax.f32 v0, v2  }
0x142: {  	v0 =	vmax.f32 v0, v3  }
0x143: {  	v0 =	vmax.f32 v0, v4  }
0x144: {  	v0 =	vmax.f32 v0, v5  }
0x145: {  	[tilespmem:s1+$0x12830] =	vst v0  }
0x146: {  	v0 =	vld [tilespmem:s8+$0xFFFFFC40]  }
0x147: {  	v1 =	vld [tilespmem:s8+$0xFFFFFCC0]  }
0x148: {  	v2 =	vld [tilespmem:s8+$0xFFFFFD40]  }
0x149: {  	v3 =	vld [tilespmem:s8+$0xFFFFFDC0]  }
0x14a: {  	v4 =	vld [tilespmem:s8+$0xFFFFFE40]  }
0x14b: {  	v5 =	vld [tilespmem:s8+$0xFFFFFEC0]  }
0x14c: {  	v0 =	vmax.f32 v0, v1;
	v1 =	vld [tilespmem:s8+$0xFFFFFF40]  }
0x14d: {  	v0 =	vmax.f32 v0, v2;
	v2 =	vld [tilespmem:s8+$0xFFFFFFC0]  }
0x14e: {  	v0 =	vmax.f32 v0, v3;
	v3 =	vld [tilespmem:s8+$0x40]  }
0x14f: {  	v0 =	vmax.f32 v0, v4;
	v4 =	vld [tilespmem:s8+$0xC0]  }
0x150: {  	v0 =	vmax.f32 v0, v5;
	v5 =	vld [tilespmem:s8+$0x140]  }
0x151: {  	v0 =	vmax.f32 v0, v1;
	v1 =	vld [tilespmem:s8+$0x1C0]  }
0x152: {  	v0 =	vmax.f32 v0, v2;
	v2 =	vld [tilespmem:s8+$0x240]  }
0x153: {  	v0 =	vmax.f32 v0, v3;
	v3 =	vld [tilespmem:s8+$0x2C0]  }
0x154: {  	v0 =	vmax.f32 v0, v4;
	v4 =	vld [tilespmem:s8+$0x340]  }
0x155: {  	v0 =	vmax.f32 v0, v5;
	v5 =	vld [tilespmem:s8+$0x3C0]  }
0x156: {  	v0 =	vmax.f32 v0, v1  }
0x157: {  	v0 =	vmax.f32 v0, v2  }
0x158: {  	v0 =	vmax.f32 v0, v3  }
0x159: {  	v0 =	vmax.f32 v0, v4  }
0x15a: {  	v0 =	vmax.f32 v0, v5  }
0x15b: {  	[tilespmem:s1+$0x12840] =	vst v0  }
0x15c: {  	v0 =	vld [tilespmem:s8+$0xFFFFFC50]  }
0x15d: {  	v1 =	vld [tilespmem:s8+$0xFFFFFCD0]  }
0x15e: {  	v2 =	vld [tilespmem:s8+$0xFFFFFD50]  }
0x15f: {  	v3 =	vld [tilespmem:s8+$0xFFFFFDD0]  }
0x160: {  	v4 =	vld [tilespmem:s8+$0xFFFFFE50]  }
0x161: {  	v5 =	vld [tilespmem:s8+$0xFFFFFED0]  }
0x162: {  	v0 =	vmax.f32 v0, v1;
	v1 =	vld [tilespmem:s8+$0xFFFFFF50]  }
0x163: {  	v0 =	vmax.f32 v0, v2;
	v2 =	vld [tilespmem:s8+$0xFFFFFFD0]  }
0x164: {  	v0 =	vmax.f32 v0, v3;
	v3 =	vld [tilespmem:s8+$0x50]  }
0x165: {  	v0 =	vmax.f32 v0, v4;
	v4 =	vld [tilespmem:s8+$0xD0]  }
0x166: {  	v0 =	vmax.f32 v0, v5;
	v5 =	vld [tilespmem:s8+$0x150]  }
0x167: {  	v0 =	vmax.f32 v0, v1;
	v1 =	vld [tilespmem:s8+$0x1D0]  }
0x168: {  	v0 =	vmax.f32 v0, v2;
	v2 =	vld [tilespmem:s8+$0x250]  }
0x169: {  	v0 =	vmax.f32 v0, v3;
	v3 =	vld [tilespmem:s8+$0x2D0]  }
0x16a: {  	v0 =	vmax.f32 v0, v4;
	v4 =	vld [tilespmem:s8+$0x350]  }
0x16b: {  	v0 =	vmax.f32 v0, v5;
	v5 =	vld [tilespmem:s8+$0x3D0]  }
0x16c: {  	v0 =	vmax.f32 v0, v1  }
0x16d: {  	v0 =	vmax.f32 v0, v2  }
0x16e: {  	v0 =	vmax.f32 v0, v3  }
0x16f: {  	v0 =	vmax.f32 v0, v4  }
0x170: {  	v0 =	vmax.f32 v0, v5  }
0x171: {  	[tilespmem:s1+$0x12850] =	vst v0  }
0x172: {  	v0 =	vld [tilespmem:s8+$0xFFFFFC60]  }
0x173: {  	v1 =	vld [tilespmem:s8+$0xFFFFFCE0]  }
0x174: {  	v2 =	vld [tilespmem:s8+$0xFFFFFD60]  }
0x175: {  	v3 =	vld [tilespmem:s8+$0xFFFFFDE0]  }
0x176: {  	v4 =	vld [tilespmem:s8+$0xFFFFFE60]  }
0x177: {  	v5 =	vld [tilespmem:s8+$0xFFFFFEE0]  }
0x178: {  	v0 =	vmax.f32 v0, v1;
	v1 =	vld [tilespmem:s8+$0xFFFFFF60]  }
0x179: {  	v0 =	vmax.f32 v0, v2;
	v2 =	vld [tilespmem:s8+$0xFFFFFFE0]  }
0x17a: {  	v0 =	vmax.f32 v0, v3;
	v3 =	vld [tilespmem:s8+$0x60]  }
0x17b: {  	v0 =	vmax.f32 v0, v4;
	v4 =	vld [tilespmem:s8+$0xE0]  }
0x17c: {  	v0 =	vmax.f32 v0, v5;
	v5 =	vld [tilespmem:s8+$0x160]  }
0x17d: {  	v0 =	vmax.f32 v0, v1;
	v1 =	vld [tilespmem:s8+$0x1E0]  }
0x17e: {  	v0 =	vmax.f32 v0, v2;
	v2 =	vld [tilespmem:s8+$0x260]  }
0x17f: {  	v0 =	vmax.f32 v0, v3;
	v3 =	vld [tilespmem:s8+$0x2E0]  }
0x180: {  	v0 =	vmax.f32 v0, v4;
	v4 =	vld [tilespmem:s8+$0x360]  }
0x181: {  	v0 =	vmax.f32 v0, v5;
	v5 =	vld [tilespmem:s8+$0x3E0]  }
0x182: {  	v0 =	vmax.f32 v0, v1  }
0x183: {  	v0 =	vmax.f32 v0, v2  }
0x184: {  	v0 =	vmax.f32 v0, v3  }
0x185: {  	v0 =	vmax.f32 v0, v4  }
0x186: {  	v0 =	vmax.f32 v0, v5  }
0x187: {  	[tilespmem:s1+$0x12860] =	vst v0  }
0x188: {  	v0 =	vld [tilespmem:s8+$0xFFFFFC70]  }
0x189: {  	v1 =	vld [tilespmem:s8+$0xFFFFFCF0]  }
0x18a: {  	v2 =	vld [tilespmem:s8+$0xFFFFFD70]  }
0x18b: {  	v3 =	vld [tilespmem:s8+$0xFFFFFDF0]  }
0x18c: {  	v5 =	vld [tilespmem:s8+$0xFFFFFE70]  }
0x18d: {  	v6 =	vld [tilespmem:s8+$0xFFFFFEF0]  }
0x18e: {  	v0 =	vmax.f32 v0, v1;
	v7 =	vld [tilespmem:s8+$0xFFFFFF70]  }
0x18f: {  	v0 =	vmax.f32 v0, v2;
	v8 =	vld [tilespmem:s8+$0xFFFFFFF0]  }
.Ltmp5:
0x190: {  	v0 =	vmax.f32 v0, v3;
	v4 =	vld [tilespmem:s8+$0x70];
	(pc) =	sbr.rel @p5 .LBB2_4-.Ltmp5, $4  }
0x191: {  	v0 =	vmax.f32 v0, v5;
	v1 =	vld [tilespmem:s8+$0xF0]  }
0x192: {  	v0 =	vmax.f32 v0, v6;
	v2 =	vld [tilespmem:s8+$0x170]  }
0x193: {  	v3 =	vmax.f32 v0, v7;
	v0 =	vld [tilespmem:s8+$0x1F0]  }
0x194: {  	v5 =	vmax.f32 v3, v8;
	v3 =	vld [tilespmem:s8+$0x270]  }
0x195: {  	v4 =	vmax.f32 v5, v4;
	v61 =	vld [tilespmem:s31+$0x2F0]  }
0x196: {  	v62 =	vld [tilespmem:s31+$0x370];
	v1 =	vmax.f32 v4, v1  }
0x197: {  	v63 =	vld [tilespmem:s31+$0x3F0];
	v1 =	vmax.f32 v1, v2  }
0x198: {  	v0 =	vmax.f32 v1, v0  }
0x199: {  	v0 =	vmax.f32 v0, v3  }
0x19a: {  	v0 =	vmax.f32 v0, v61  }
0x19b: {  	s0 =	sadd.s32 s3, s30;
	v0 =	vmax.f32 v0, v62  }
0x19c: {  	s0 =	sshll.u32 s0, $0x7;
	v0 =	vmax.f32 v0, v63  }
0x19d: {  	s0 =	sadd.s32 s6, s0;
	[tilespmem:s1+$0x12870] =	vst v0  }
0x19e: {  	[hbm4b:s0+s5] =	stream.linear.scatter [tilespmem:s16], [sflag:$0x5], $0x400, $0x38;
	[tilespmem:$0x13800] =	vst v63  }
0x19f: {  	s0 =	sadd.s32 $0x4, s30  }
0x1a0: {  	p5 =	sge.s32 s0, s4  }
0x1a1: {  	s0 =	sadd.s32 @!p5 s7, s0  }
0x1a2: {  	s0 =	sshll.u32 @!p5 s0, $0x9  }
0x1a3: {  	s1 =	simm.s32 @!p5 $0x80;
	s8 =	simm.s32 @!p5 $0x2800;
	s0 =	sshra.s32 @!p5 s0, $0x2  }
0x1a4: {  	[tilespmem:s8], [sflag:$0x1] =	stream.indirect.gather @!p5 [hbm4b:s2+s1], $0x80, s0, s1, $0xb8;
	[tilespmem:$0x13800] =	vst v63  }
.LBB2_6:
0x1a5: {  	s31 =	sor.u32 $0x1, s30  }
0x1a6: {  	p5 =	sge.s32 s31, s4  }
.Ltmp6:
0x1a7: {  	_ = 	snop;
	(pc) =	sbr.rel @p5 .LBB2_10-.Ltmp6, $1  }
0x1a8: {  	_ =	sdelay $0x3  }
0x1a9: {  	_ =	swait.ge [sflag:s17], $0x4000  }
0x1aa: {  	[sflag:s17] =	ssyncset.done $0x0  }
0x1ab: {  	s0 =	simm.s32 @!p4 $0x6;
	[sflag:s17] =	ssyncadd.s32 $0xFFFFC000  }
0x1ac: {  	_ =	swait.ge @!p4 [sflag:s0], $0x400  }
0x1ad: {  	[sflag:s0] =	ssyncset.done @!p4 $0x0  }
0x1ae: {  	s1 =	simm.s32 $0x6C00;
	[sflag:s0] =	ssyncadd.s32 @!p4 $0xFFFFFC00  }
0x1af: {  	v0 =	vld [tilespmem:s1+$0xFFFFFC80]  }
0x1b0: {  	v1 =	vld [tilespmem:s1+$0xFFFFFC00]  }
0x1b1: {  	v2 =	vld [tilespmem:s1+$0xFFFFFD00]  }
0x1b2: {  	v3 =	vld [tilespmem:s1+$0xFFFFFD80]  }
0x1b3: {  	v4 =	vld [tilespmem:s1+$0xFFFFFE00]  }
0x1b4: {  	v5 =	vld [tilespmem:s1+$0xFFFFFE80]  }
0x1b5: {  	v0 =	vmax.f32 v1, v0;
	v1 =	vld [tilespmem:s1+$0xFFFFFF00]  }
0x1b6: {  	v0 =	vmax.f32 v0, v2;
	v2 =	vld [tilespmem:s1+$0xFFFFFF80]  }
0x1b7: {  	v0 =	vmax.f32 v0, v3;
	v3 =	vld [tilespmem:s1+$0x0]  }
0x1b8: {  	v0 =	vmax.f32 v0, v4;
	v4 =	vld [tilespmem:s1+$0x80]  }
0x1b9: {  	v0 =	vmax.f32 v0, v5;
	v5 =	vld [tilespmem:s1+$0x100]  }
0x1ba: {  	v0 =	vmax.f32 v0, v1;
	v1 =	vld [tilespmem:s1+$0x180]  }
0x1bb: {  	v0 =	vmax.f32 v0, v2;
	v2 =	vld [tilespmem:s1+$0x200]  }
0x1bc: {  	v0 =	vmax.f32 v0, v3;
	v3 =	vld [tilespmem:s1+$0x280]  }
0x1bd: {  	v0 =	vmax.f32 v0, v4;
	v4 =	vld [tilespmem:s1+$0x300]  }
0x1be: {  	v0 =	vmax.f32 v0, v5;
	v5 =	vld [tilespmem:s1+$0x380]  }
0x1bf: {  	v0 =	vmax.f32 v0, v1  }
0x1c0: {  	v0 =	vmax.f32 v0, v2  }
0x1c1: {  	v0 =	vmax.f32 v0, v3  }
0x1c2: {  	v0 =	vmax.f32 v0, v4  }
0x1c3: {  	s0 =	simm.s32 $0x0;
	v0 =	vmax.f32 v0, v5  }
0x1c4: {  	[tilespmem:s0+$0x12C00] =	vst v0  }
0x1c5: {  	v0 =	vld [tilespmem:s1+$0xFFFFFC10]  }
0x1c6: {  	v1 =	vld [tilespmem:s1+$0xFFFFFC90]  }
0x1c7: {  	v2 =	vld [tilespmem:s1+$0xFFFFFD10]  }
0x1c8: {  	v3 =	vld [tilespmem:s1+$0xFFFFFD90]  }
0x1c9: {  	v4 =	vld [tilespmem:s1+$0xFFFFFE10]  }
0x1ca: {  	v5 =	vld [tilespmem:s1+$0xFFFFFE90]  }
0x1cb: {  	v0 =	vmax.f32 v0, v1;
	v1 =	vld [tilespmem:s1+$0xFFFFFF10]  }
0x1cc: {  	v0 =	vmax.f32 v0, v2;
	v2 =	vld [tilespmem:s1+$0xFFFFFF90]  }
0x1cd: {  	v0 =	vmax.f32 v0, v3;
	v3 =	vld [tilespmem:s1+$0x10]  }
0x1ce: {  	v0 =	vmax.f32 v0, v4;
	v4 =	vld [tilespmem:s1+$0x90]  }
0x1cf: {  	v0 =	vmax.f32 v0, v5;
	v5 =	vld [tilespmem:s1+$0x110]  }
0x1d0: {  	v0 =	vmax.f32 v0, v1;
	v1 =	vld [tilespmem:s1+$0x190]  }
0x1d1: {  	v0 =	vmax.f32 v0, v2;
	v2 =	vld [tilespmem:s1+$0x210]  }
0x1d2: {  	v0 =	vmax.f32 v0, v3;
	v3 =	vld [tilespmem:s1+$0x290]  }
0x1d3: {  	v0 =	vmax.f32 v0, v4;
	v4 =	vld [tilespmem:s1+$0x310]  }
0x1d4: {  	v0 =	vmax.f32 v0, v5;
	v5 =	vld [tilespmem:s1+$0x390]  }
0x1d5: {  	v0 =	vmax.f32 v0, v1  }
0x1d6: {  	v0 =	vmax.f32 v0, v2  }
0x1d7: {  	v0 =	vmax.f32 v0, v3  }
0x1d8: {  	v0 =	vmax.f32 v0, v4  }
0x1d9: {  	v0 =	vmax.f32 v0, v5  }
0x1da: {  	[tilespmem:s0+$0x12C10] =	vst v0  }
0x1db: {  	v0 =	vld [tilespmem:s1+$0xFFFFFC20]  }
0x1dc: {  	v1 =	vld [tilespmem:s1+$0xFFFFFCA0]  }
0x1dd: {  	v2 =	vld [tilespmem:s1+$0xFFFFFD20]  }
0x1de: {  	v3 =	vld [tilespmem:s1+$0xFFFFFDA0]  }
0x1df: {  	v4 =	vld [tilespmem:s1+$0xFFFFFE20]  }
0x1e0: {  	v5 =	vld [tilespmem:s1+$0xFFFFFEA0]  }
0x1e1: {  	v0 =	vmax.f32 v0, v1;
	v1 =	vld [tilespmem:s1+$0xFFFFFF20]  }
0x1e2: {  	v0 =	vmax.f32 v0, v2;
	v2 =	vld [tilespmem:s1+$0xFFFFFFA0]  }
0x1e3: {  	v0 =	vmax.f32 v0, v3;
	v3 =	vld [tilespmem:s1+$0x20]  }
0x1e4: {  	v0 =	vmax.f32 v0, v4;
	v4 =	vld [tilespmem:s1+$0xA0]  }
0x1e5: {  	v0 =	vmax.f32 v0, v5;
	v5 =	vld [tilespmem:s1+$0x120]  }
0x1e6: {  	v0 =	vmax.f32 v0, v1;
	v1 =	vld [tilespmem:s1+$0x1A0]  }
0x1e7: {  	v0 =	vmax.f32 v0, v2;
	v2 =	vld [tilespmem:s1+$0x220]  }
0x1e8: {  	v0 =	vmax.f32 v0, v3;
	v3 =	vld [tilespmem:s1+$0x2A0]  }
0x1e9: {  	v0 =	vmax.f32 v0, v4;
	v4 =	vld [tilespmem:s1+$0x320]  }
0x1ea: {  	v0 =	vmax.f32 v0, v5;
	v5 =	vld [tilespmem:s1+$0x3A0]  }
0x1eb: {  	v0 =	vmax.f32 v0, v1  }
0x1ec: {  	v0 =	vmax.f32 v0, v2  }
0x1ed: {  	v0 =	vmax.f32 v0, v3  }
0x1ee: {  	v0 =	vmax.f32 v0, v4  }
0x1ef: {  	v0 =	vmax.f32 v0, v5  }
0x1f0: {  	[tilespmem:s0+$0x12C20] =	vst v0  }
0x1f1: {  	v0 =	vld [tilespmem:s1+$0xFFFFFC30]  }
0x1f2: {  	v1 =	vld [tilespmem:s1+$0xFFFFFCB0]  }
0x1f3: {  	v2 =	vld [tilespmem:s1+$0xFFFFFD30]  }
0x1f4: {  	v3 =	vld [tilespmem:s1+$0xFFFFFDB0]  }
0x1f5: {  	v4 =	vld [tilespmem:s1+$0xFFFFFE30]  }
0x1f6: {  	v5 =	vld [tilespmem:s1+$0xFFFFFEB0]  }
0x1f7: {  	v0 =	vmax.f32 v0, v1;
	v1 =	vld [tilespmem:s1+$0xFFFFFF30]  }
0x1f8: {  	v0 =	vmax.f32 v0, v2;
	v2 =	vld [tilespmem:s1+$0xFFFFFFB0]  }
0x1f9: {  	v0 =	vmax.f32 v0, v3;
	v3 =	vld [tilespmem:s1+$0x30]  }
0x1fa: {  	v0 =	vmax.f32 v0, v4;
	v4 =	vld [tilespmem:s1+$0xB0]  }
0x1fb: {  	v0 =	vmax.f32 v0, v5;
	v5 =	vld [tilespmem:s1+$0x130]  }
0x1fc: {  	v0 =	vmax.f32 v0, v1;
	v1 =	vld [tilespmem:s1+$0x1B0]  }
0x1fd: {  	v0 =	vmax.f32 v0, v2;
	v2 =	vld [tilespmem:s1+$0x230]  }
0x1fe: {  	v0 =	vmax.f32 v0, v3;
	v3 =	vld [tilespmem:s1+$0x2B0]  }
0x1ff: {  	v0 =	vmax.f32 v0, v4;
	v4 =	vld [tilespmem:s1+$0x330]  }
0x200: {  	v0 =	vmax.f32 v0, v5;
	v5 =	vld [tilespmem:s1+$0x3B0]  }
0x201: {  	v0 =	vmax.f32 v0, v1  }
0x202: {  	v0 =	vmax.f32 v0, v2  }
0x203: {  	v0 =	vmax.f32 v0, v3  }
0x204: {  	v0 =	vmax.f32 v0, v4  }
0x205: {  	v0 =	vmax.f32 v0, v5  }
0x206: {  	[tilespmem:s0+$0x12C30] =	vst v0  }
0x207: {  	v0 =	vld [tilespmem:s1+$0xFFFFFC40]  }
0x208: {  	v1 =	vld [tilespmem:s1+$0xFFFFFCC0]  }
0x209: {  	v2 =	vld [tilespmem:s1+$0xFFFFFD40]  }
0x20a: {  	v3 =	vld [tilespmem:s1+$0xFFFFFDC0]  }
0x20b: {  	v4 =	vld [tilespmem:s1+$0xFFFFFE40]  }
0x20c: {  	v5 =	vld [tilespmem:s1+$0xFFFFFEC0]  }
0x20d: {  	v0 =	vmax.f32 v0, v1;
	v1 =	vld [tilespmem:s1+$0xFFFFFF40]  }
0x20e: {  	v0 =	vmax.f32 v0, v2;
	v2 =	vld [tilespmem:s1+$0xFFFFFFC0]  }
0x20f: {  	v0 =	vmax.f32 v0, v3;
	v3 =	vld [tilespmem:s1+$0x40]  }
0x210: {  	v0 =	vmax.f32 v0, v4;
	v4 =	vld [tilespmem:s1+$0xC0]  }
0x211: {  	v0 =	vmax.f32 v0, v5;
	v5 =	vld [tilespmem:s1+$0x140]  }
0x212: {  	v0 =	vmax.f32 v0, v1;
	v1 =	vld [tilespmem:s1+$0x1C0]  }
0x213: {  	v0 =	vmax.f32 v0, v2;
	v2 =	vld [tilespmem:s1+$0x240]  }
0x214: {  	v0 =	vmax.f32 v0, v3;
	v3 =	vld [tilespmem:s1+$0x2C0]  }
0x215: {  	v0 =	vmax.f32 v0, v4;
	v4 =	vld [tilespmem:s1+$0x340]  }
0x216: {  	v0 =	vmax.f32 v0, v5;
	v5 =	vld [tilespmem:s1+$0x3C0]  }
0x217: {  	v0 =	vmax.f32 v0, v1  }
0x218: {  	v0 =	vmax.f32 v0, v2  }
0x219: {  	v0 =	vmax.f32 v0, v3  }
0x21a: {  	v0 =	vmax.f32 v0, v4  }
0x21b: {  	v0 =	vmax.f32 v0, v5  }
0x21c: {  	[tilespmem:s0+$0x12C40] =	vst v0  }
0x21d: {  	v0 =	vld [tilespmem:s1+$0xFFFFFC50]  }
0x21e: {  	v1 =	vld [tilespmem:s1+$0xFFFFFCD0]  }
0x21f: {  	v2 =	vld [tilespmem:s1+$0xFFFFFD50]  }
0x220: {  	v3 =	vld [tilespmem:s1+$0xFFFFFDD0]  }
0x221: {  	v4 =	vld [tilespmem:s1+$0xFFFFFE50]  }
0x222: {  	v5 =	vld [tilespmem:s1+$0xFFFFFED0]  }
0x223: {  	v0 =	vmax.f32 v0, v1;
	v1 =	vld [tilespmem:s1+$0xFFFFFF50]  }
0x224: {  	v0 =	vmax.f32 v0, v2;
	v2 =	vld [tilespmem:s1+$0xFFFFFFD0]  }
0x225: {  	v0 =	vmax.f32 v0, v3;
	v3 =	vld [tilespmem:s1+$0x50]  }
0x226: {  	v0 =	vmax.f32 v0, v4;
	v4 =	vld [tilespmem:s1+$0xD0]  }
0x227: {  	v0 =	vmax.f32 v0, v5;
	v5 =	vld [tilespmem:s1+$0x150]  }
0x228: {  	v0 =	vmax.f32 v0, v1;
	v1 =	vld [tilespmem:s1+$0x1D0]  }
0x229: {  	v0 =	vmax.f32 v0, v2;
	v2 =	vld [tilespmem:s1+$0x250]  }
0x22a: {  	v0 =	vmax.f32 v0, v3;
	v3 =	vld [tilespmem:s1+$0x2D0]  }
0x22b: {  	v0 =	vmax.f32 v0, v4;
	v4 =	vld [tilespmem:s1+$0x350]  }
0x22c: {  	v0 =	vmax.f32 v0, v5;
	v5 =	vld [tilespmem:s1+$0x3D0]  }
0x22d: {  	v0 =	vmax.f32 v0, v1  }
0x22e: {  	v0 =	vmax.f32 v0, v2  }
0x22f: {  	v0 =	vmax.f32 v0, v3  }
0x230: {  	v0 =	vmax.f32 v0, v4  }
0x231: {  	v0 =	vmax.f32 v0, v5  }
0x232: {  	[tilespmem:s0+$0x12C50] =	vst v0  }
0x233: {  	v0 =	vld [tilespmem:s1+$0xFFFFFC60]  }
0x234: {  	v1 =	vld [tilespmem:s1+$0xFFFFFCE0]  }
0x235: {  	v2 =	vld [tilespmem:s1+$0xFFFFFD60]  }
0x236: {  	v3 =	vld [tilespmem:s1+$0xFFFFFDE0]  }
0x237: {  	v4 =	vld [tilespmem:s1+$0xFFFFFE60]  }
0x238: {  	v5 =	vld [tilespmem:s1+$0xFFFFFEE0]  }
0x239: {  	v0 =	vmax.f32 v0, v1;
	v1 =	vld [tilespmem:s1+$0xFFFFFF60]  }
0x23a: {  	v0 =	vmax.f32 v0, v2;
	v2 =	vld [tilespmem:s1+$0xFFFFFFE0]  }
0x23b: {  	v0 =	vmax.f32 v0, v3;
	v3 =	vld [tilespmem:s1+$0x60]  }
0x23c: {  	v0 =	vmax.f32 v0, v4;
	v4 =	vld [tilespmem:s1+$0xE0]  }
0x23d: {  	v0 =	vmax.f32 v0, v5;
	v5 =	vld [tilespmem:s1+$0x160]  }
0x23e: {  	v0 =	vmax.f32 v0, v1;
	v1 =	vld [tilespmem:s1+$0x1E0]  }
0x23f: {  	v0 =	vmax.f32 v0, v2;
	v2 =	vld [tilespmem:s1+$0x260]  }
0x240: {  	v0 =	vmax.f32 v0, v3;
	v3 =	vld [tilespmem:s1+$0x2E0]  }
0x241: {  	v0 =	vmax.f32 v0, v4;
	v4 =	vld [tilespmem:s1+$0x360]  }
0x242: {  	v0 =	vmax.f32 v0, v5;
	v5 =	vld [tilespmem:s1+$0x3E0]  }
0x243: {  	v0 =	vmax.f32 v0, v1  }
0x244: {  	v0 =	vmax.f32 v0, v2  }
0x245: {  	v0 =	vmax.f32 v0, v3  }
0x246: {  	v0 =	vmax.f32 v0, v4  }
0x247: {  	v0 =	vmax.f32 v0, v5  }
0x248: {  	[tilespmem:s0+$0x12C60] =	vst v0  }
0x249: {  	v0 =	vld [tilespmem:s1+$0xFFFFFC70]  }
0x24a: {  	v1 =	vld [tilespmem:s1+$0xFFFFFCF0]  }
0x24b: {  	v2 =	vld [tilespmem:s1+$0xFFFFFD70]  }
0x24c: {  	v3 =	vld [tilespmem:s1+$0xFFFFFDF0]  }
0x24d: {  	v5 =	vld [tilespmem:s1+$0xFFFFFE70]  }
0x24e: {  	v6 =	vld [tilespmem:s1+$0xFFFFFEF0]  }
0x24f: {  	v7 =	vld [tilespmem:s1+$0xFFFFFF70];
	v0 =	vmax.f32 v0, v1  }
0x250: {  	v8 =	vld [tilespmem:s1+$0xFFFFFFF0];
	v0 =	vmax.f32 v0, v2  }
0x251: {  	v4 =	vld [tilespmem:s1+$0x70];
	v0 =	vmax.f32 v0, v3  }
0x252: {  	v1 =	vld [tilespmem:s1+$0xF0];
	v0 =	vmax.f32 v0, v5  }
0x253: {  	v2 =	vld [tilespmem:s1+$0x170];
	v0 =	vmax.f32 v0, v6  }
0x254: {  	v3 =	vmax.f32 v0, v7;
	v0 =	vld [tilespmem:s1+$0x1F0]  }
0x255: {  	s8 =	simm.s32 $0x200;
	s10 =	simm.s32 $0x6C00;
	v5 =	vmax.f32 v3, v8;
	v3 =	vld [tilespmem:s1+$0x270]  }
.LBB2_8:
0x256: {  	p5 =	sne.s32 s8, $0xE00  }
0x257: {  	v4 =	vmax.f32 v5, v4;
	v5 =	vld [tilespmem:s1+$0x2F0];
	s10 =	sadd.s32 $0x800, s10;
	s11 =	smov.u32 s8;
	s8 =	sadd.s32 $0x200, s8  }
0x258: {  	v1 =	vmax.f32 v4, v1;
	v4 =	vld [tilespmem:s1+$0x370]  }
0x259: {  	v1 =	vmax.f32 v1, v2;
	v2 =	vld [tilespmem:s1+$0x3F0];
	s1 =	smov.u32 s10  }
0x25a: {  	v0 =	vmax.f32 v1, v0  }
0x25b: {  	v0 =	vmax.f32 v0, v3  }
0x25c: {  	v0 =	vmax.f32 v0, v5  }
0x25d: {  	v0 =	vmax.f32 v0, v4  }
0x25e: {  	v0 =	vmax.f32 v0, v2  }
0x25f: {  	[tilespmem:s0+$0x12C70] =	vst v0  }
0x260: {  	v0 =	vld [tilespmem:s10+$0xFFFFFD00]  }
0x261: {  	v1 =	vld [tilespmem:s10+$0xFFFFFC80]  }
0x262: {  	v2 =	vld [tilespmem:s10+$0xFFFFFC00]  }
0x263: {  	v3 =	vld [tilespmem:s10+$0xFFFFFD80]  }
0x264: {  	v4 =	vld [tilespmem:s10+$0xFFFFFE00];
	_ =	sdelay $0x1  }
0x265: {  	v5 =	vld [tilespmem:s10+$0xFFFFFE80]  }
0x266: {  	v1 =	vmax.f32 v2, v1;
	v2 =	vld [tilespmem:s10+$0xFFFFFF00]  }
0x267: {  	v0 =	vmax.f32 v1, v0;
	v1 =	vld [tilespmem:s10+$0xFFFFFF80]  }
0x268: {  	v0 =	vmax.f32 v0, v3;
	v3 =	vld [tilespmem:s10+$0x0]  }
0x269: {  	v0 =	vmax.f32 v0, v4;
	v4 =	vld [tilespmem:s10+$0x80]  }
0x26a: {  	v0 =	vmax.f32 v0, v5;
	v5 =	vld [tilespmem:s10+$0x100]  }
0x26b: {  	v0 =	vmax.f32 v0, v2;
	v2 =	vld [tilespmem:s10+$0x180]  }
0x26c: {  	v0 =	vmax.f32 v0, v1;
	v1 =	vld [tilespmem:s10+$0x200]  }
0x26d: {  	v0 =	vmax.f32 v0, v3;
	v3 =	vld [tilespmem:s10+$0x280]  }
0x26e: {  	v0 =	vmax.f32 v0, v4;
	v4 =	vld [tilespmem:s10+$0x300]  }
0x26f: {  	v0 =	vmax.f32 v0, v5;
	v5 =	vld [tilespmem:s10+$0x380]  }
0x270: {  	v0 =	vmax.f32 v0, v2  }
0x271: {  	v0 =	vmax.f32 v0, v1  }
0x272: {  	v0 =	vmax.f32 v0, v3  }
0x273: {  	v0 =	vmax.f32 v0, v4  }
0x274: {  	s0 =	sshra.s32 s11, $0x2;
	v0 =	vmax.f32 v0, v5  }
0x275: {  	[tilespmem:s0+$0x12C00] =	vst v0  }
0x276: {  	v0 =	vld [tilespmem:s10+$0xFFFFFC10]  }
0x277: {  	v1 =	vld [tilespmem:s10+$0xFFFFFC90]  }
0x278: {  	v2 =	vld [tilespmem:s10+$0xFFFFFD10]  }
0x279: {  	v3 =	vld [tilespmem:s10+$0xFFFFFD90]  }
0x27a: {  	v4 =	vld [tilespmem:s10+$0xFFFFFE10]  }
0x27b: {  	v5 =	vld [tilespmem:s10+$0xFFFFFE90]  }
0x27c: {  	v0 =	vmax.f32 v0, v1;
	v1 =	vld [tilespmem:s10+$0xFFFFFF10]  }
0x27d: {  	v0 =	vmax.f32 v0, v2;
	v2 =	vld [tilespmem:s10+$0xFFFFFF90]  }
0x27e: {  	v0 =	vmax.f32 v0, v3;
	v3 =	vld [tilespmem:s10+$0x10]  }
0x27f: {  	v0 =	vmax.f32 v0, v4;
	v4 =	vld [tilespmem:s10+$0x90]  }
0x280: {  	v0 =	vmax.f32 v0, v5;
	v5 =	vld [tilespmem:s10+$0x110]  }
0x281: {  	v0 =	vmax.f32 v0, v1;
	v1 =	vld [tilespmem:s10+$0x190]  }
0x282: {  	v0 =	vmax.f32 v0, v2;
	v2 =	vld [tilespmem:s10+$0x210]  }
0x283: {  	v0 =	vmax.f32 v0, v3;
	v3 =	vld [tilespmem:s10+$0x290]  }
0x284: {  	v0 =	vmax.f32 v0, v4;
	v4 =	vld [tilespmem:s10+$0x310]  }
0x285: {  	v0 =	vmax.f32 v0, v5;
	v5 =	vld [tilespmem:s10+$0x390]  }
0x286: {  	v0 =	vmax.f32 v0, v1  }
0x287: {  	v0 =	vmax.f32 v0, v2  }
0x288: {  	v0 =	vmax.f32 v0, v3  }
0x289: {  	v0 =	vmax.f32 v0, v4  }
0x28a: {  	v0 =	vmax.f32 v0, v5  }
0x28b: {  	[tilespmem:s0+$0x12C10] =	vst v0  }
0x28c: {  	v0 =	vld [tilespmem:s10+$0xFFFFFC20]  }
0x28d: {  	v1 =	vld [tilespmem:s10+$0xFFFFFCA0]  }
0x28e: {  	v2 =	vld [tilespmem:s10+$0xFFFFFD20]  }
0x28f: {  	v3 =	vld [tilespmem:s10+$0xFFFFFDA0]  }
0x290: {  	v4 =	vld [tilespmem:s10+$0xFFFFFE20]  }
0x291: {  	v5 =	vld [tilespmem:s10+$0xFFFFFEA0]  }
0x292: {  	v0 =	vmax.f32 v0, v1;
	v1 =	vld [tilespmem:s10+$0xFFFFFF20]  }
0x293: {  	v0 =	vmax.f32 v0, v2;
	v2 =	vld [tilespmem:s10+$0xFFFFFFA0]  }
0x294: {  	v0 =	vmax.f32 v0, v3;
	v3 =	vld [tilespmem:s10+$0x20]  }
0x295: {  	v0 =	vmax.f32 v0, v4;
	v4 =	vld [tilespmem:s10+$0xA0]  }
0x296: {  	v0 =	vmax.f32 v0, v5;
	v5 =	vld [tilespmem:s10+$0x120]  }
0x297: {  	v0 =	vmax.f32 v0, v1;
	v1 =	vld [tilespmem:s10+$0x1A0]  }
0x298: {  	v0 =	vmax.f32 v0, v2;
	v2 =	vld [tilespmem:s10+$0x220]  }
0x299: {  	v0 =	vmax.f32 v0, v3;
	v3 =	vld [tilespmem:s10+$0x2A0]  }
0x29a: {  	v0 =	vmax.f32 v0, v4;
	v4 =	vld [tilespmem:s10+$0x320]  }
0x29b: {  	v0 =	vmax.f32 v0, v5;
	v5 =	vld [tilespmem:s10+$0x3A0]  }
0x29c: {  	v0 =	vmax.f32 v0, v1  }
0x29d: {  	v0 =	vmax.f32 v0, v2  }
0x29e: {  	v0 =	vmax.f32 v0, v3  }
0x29f: {  	v0 =	vmax.f32 v0, v4  }
0x2a0: {  	v0 =	vmax.f32 v0, v5  }
0x2a1: {  	[tilespmem:s0+$0x12C20] =	vst v0  }
0x2a2: {  	v0 =	vld [tilespmem:s10+$0xFFFFFC30]  }
0x2a3: {  	v1 =	vld [tilespmem:s10+$0xFFFFFCB0]  }
0x2a4: {  	v2 =	vld [tilespmem:s10+$0xFFFFFD30]  }
0x2a5: {  	v3 =	vld [tilespmem:s10+$0xFFFFFDB0]  }
0x2a6: {  	v4 =	vld [tilespmem:s10+$0xFFFFFE30]  }
0x2a7: {  	v5 =	vld [tilespmem:s10+$0xFFFFFEB0]  }
0x2a8: {  	v0 =	vmax.f32 v0, v1;
	v1 =	vld [tilespmem:s10+$0xFFFFFF30]  }
0x2a9: {  	v0 =	vmax.f32 v0, v2;
	v2 =	vld [tilespmem:s10+$0xFFFFFFB0]  }
0x2aa: {  	v0 =	vmax.f32 v0, v3;
	v3 =	vld [tilespmem:s10+$0x30]  }
0x2ab: {  	v0 =	vmax.f32 v0, v4;
	v4 =	vld [tilespmem:s10+$0xB0]  }
0x2ac: {  	v0 =	vmax.f32 v0, v5;
	v5 =	vld [tilespmem:s10+$0x130]  }
0x2ad: {  	v0 =	vmax.f32 v0, v1;
	v1 =	vld [tilespmem:s10+$0x1B0]  }
0x2ae: {  	v0 =	vmax.f32 v0, v2;
	v2 =	vld [tilespmem:s10+$0x230]  }
0x2af: {  	v0 =	vmax.f32 v0, v3;
	v3 =	vld [tilespmem:s10+$0x2B0]  }
0x2b0: {  	v0 =	vmax.f32 v0, v4;
	v4 =	vld [tilespmem:s10+$0x330]  }
0x2b1: {  	v0 =	vmax.f32 v0, v5;
	v5 =	vld [tilespmem:s10+$0x3B0]  }
0x2b2: {  	v0 =	vmax.f32 v0, v1  }
0x2b3: {  	v0 =	vmax.f32 v0, v2  }
0x2b4: {  	v0 =	vmax.f32 v0, v3  }
0x2b5: {  	v0 =	vmax.f32 v0, v4  }
0x2b6: {  	v0 =	vmax.f32 v0, v5  }
0x2b7: {  	[tilespmem:s0+$0x12C30] =	vst v0  }
0x2b8: {  	v0 =	vld [tilespmem:s10+$0xFFFFFC40]  }
0x2b9: {  	v1 =	vld [tilespmem:s10+$0xFFFFFCC0]  }
0x2ba: {  	v2 =	vld [tilespmem:s10+$0xFFFFFD40]  }
0x2bb: {  	v3 =	vld [tilespmem:s10+$0xFFFFFDC0]  }
0x2bc: {  	v4 =	vld [tilespmem:s10+$0xFFFFFE40]  }
0x2bd: {  	v5 =	vld [tilespmem:s10+$0xFFFFFEC0]  }
0x2be: {  	v0 =	vmax.f32 v0, v1;
	v1 =	vld [tilespmem:s10+$0xFFFFFF40]  }
0x2bf: {  	v0 =	vmax.f32 v0, v2;
	v2 =	vld [tilespmem:s10+$0xFFFFFFC0]  }
0x2c0: {  	v0 =	vmax.f32 v0, v3;
	v3 =	vld [tilespmem:s10+$0x40]  }
0x2c1: {  	v0 =	vmax.f32 v0, v4;
	v4 =	vld [tilespmem:s10+$0xC0]  }
0x2c2: {  	v0 =	vmax.f32 v0, v5;
	v5 =	vld [tilespmem:s10+$0x140]  }
0x2c3: {  	v0 =	vmax.f32 v0, v1;
	v1 =	vld [tilespmem:s10+$0x1C0]  }
0x2c4: {  	v0 =	vmax.f32 v0, v2;
	v2 =	vld [tilespmem:s10+$0x240]  }
0x2c5: {  	v0 =	vmax.f32 v0, v3;
	v3 =	vld [tilespmem:s10+$0x2C0]  }
0x2c6: {  	v0 =	vmax.f32 v0, v4;
	v4 =	vld [tilespmem:s10+$0x340]  }
0x2c7: {  	v0 =	vmax.f32 v0, v5;
	v5 =	vld [tilespmem:s10+$0x3C0]  }
0x2c8: {  	v0 =	vmax.f32 v0, v1  }
0x2c9: {  	v0 =	vmax.f32 v0, v2  }
0x2ca: {  	v0 =	vmax.f32 v0, v3  }
0x2cb: {  	v0 =	vmax.f32 v0, v4  }
0x2cc: {  	v0 =	vmax.f32 v0, v5  }
0x2cd: {  	[tilespmem:s0+$0x12C40] =	vst v0  }
0x2ce: {  	v0 =	vld [tilespmem:s10+$0xFFFFFC50]  }
0x2cf: {  	v1 =	vld [tilespmem:s10+$0xFFFFFCD0]  }
0x2d0: {  	v2 =	vld [tilespmem:s10+$0xFFFFFD50]  }
0x2d1: {  	v3 =	vld [tilespmem:s10+$0xFFFFFDD0]  }
0x2d2: {  	v4 =	vld [tilespmem:s10+$0xFFFFFE50]  }
0x2d3: {  	v5 =	vld [tilespmem:s10+$0xFFFFFED0]  }
0x2d4: {  	v0 =	vmax.f32 v0, v1;
	v1 =	vld [tilespmem:s10+$0xFFFFFF50]  }
0x2d5: {  	v0 =	vmax.f32 v0, v2;
	v2 =	vld [tilespmem:s10+$0xFFFFFFD0]  }
0x2d6: {  	v0 =	vmax.f32 v0, v3;
	v3 =	vld [tilespmem:s10+$0x50]  }
0x2d7: {  	v0 =	vmax.f32 v0, v4;
	v4 =	vld [tilespmem:s10+$0xD0]  }
0x2d8: {  	v0 =	vmax.f32 v0, v5;
	v5 =	vld [tilespmem:s10+$0x150]  }
0x2d9: {  	v0 =	vmax.f32 v0, v1;
	v1 =	vld [tilespmem:s10+$0x1D0]  }
0x2da: {  	v0 =	vmax.f32 v0, v2;
	v2 =	vld [tilespmem:s10+$0x250]  }
0x2db: {  	v0 =	vmax.f32 v0, v3;
	v3 =	vld [tilespmem:s10+$0x2D0]  }
0x2dc: {  	v0 =	vmax.f32 v0, v4;
	v4 =	vld [tilespmem:s10+$0x350]  }
0x2dd: {  	v0 =	vmax.f32 v0, v5;
	v5 =	vld [tilespmem:s10+$0x3D0]  }
0x2de: {  	v0 =	vmax.f32 v0, v1  }
0x2df: {  	v0 =	vmax.f32 v0, v2  }
0x2e0: {  	v0 =	vmax.f32 v0, v3  }
0x2e1: {  	v0 =	vmax.f32 v0, v4  }
0x2e2: {  	v0 =	vmax.f32 v0, v5  }
0x2e3: {  	[tilespmem:s0+$0x12C50] =	vst v0  }
0x2e4: {  	v0 =	vld [tilespmem:s10+$0xFFFFFC60]  }
0x2e5: {  	v1 =	vld [tilespmem:s10+$0xFFFFFCE0]  }
0x2e6: {  	v2 =	vld [tilespmem:s10+$0xFFFFFD60]  }
0x2e7: {  	v3 =	vld [tilespmem:s10+$0xFFFFFDE0]  }
0x2e8: {  	v4 =	vld [tilespmem:s10+$0xFFFFFE60]  }
0x2e9: {  	v5 =	vld [tilespmem:s10+$0xFFFFFEE0]  }
0x2ea: {  	v0 =	vmax.f32 v0, v1;
	v1 =	vld [tilespmem:s10+$0xFFFFFF60]  }
0x2eb: {  	v0 =	vmax.f32 v0, v2;
	v2 =	vld [tilespmem:s10+$0xFFFFFFE0]  }
0x2ec: {  	v0 =	vmax.f32 v0, v3;
	v3 =	vld [tilespmem:s10+$0x60]  }
0x2ed: {  	v0 =	vmax.f32 v0, v4;
	v4 =	vld [tilespmem:s10+$0xE0]  }
0x2ee: {  	v0 =	vmax.f32 v0, v5;
	v5 =	vld [tilespmem:s10+$0x160]  }
0x2ef: {  	v0 =	vmax.f32 v0, v1;
	v1 =	vld [tilespmem:s10+$0x1E0]  }
0x2f0: {  	v0 =	vmax.f32 v0, v2;
	v2 =	vld [tilespmem:s10+$0x260]  }
0x2f1: {  	v0 =	vmax.f32 v0, v3;
	v3 =	vld [tilespmem:s10+$0x2E0]  }
0x2f2: {  	v0 =	vmax.f32 v0, v4;
	v4 =	vld [tilespmem:s10+$0x360]  }
0x2f3: {  	v0 =	vmax.f32 v0, v5;
	v5 =	vld [tilespmem:s10+$0x3E0]  }
0x2f4: {  	v0 =	vmax.f32 v0, v1  }
0x2f5: {  	v0 =	vmax.f32 v0, v2  }
0x2f6: {  	v0 =	vmax.f32 v0, v3  }
0x2f7: {  	v0 =	vmax.f32 v0, v4  }
0x2f8: {  	v0 =	vmax.f32 v0, v5  }
0x2f9: {  	[tilespmem:s0+$0x12C60] =	vst v0  }
0x2fa: {  	v0 =	vld [tilespmem:s10+$0xFFFFFC70]  }
0x2fb: {  	v1 =	vld [tilespmem:s10+$0xFFFFFCF0]  }
0x2fc: {  	v2 =	vld [tilespmem:s10+$0xFFFFFD70]  }
0x2fd: {  	v3 =	vld [tilespmem:s10+$0xFFFFFDF0]  }
0x2fe: {  	v5 =	vld [tilespmem:s10+$0xFFFFFE70]  }
0x2ff: {  	v6 =	vld [tilespmem:s10+$0xFFFFFEF0]  }
0x300: {  	v0 =	vmax.f32 v0, v1;
	v7 =	vld [tilespmem:s10+$0xFFFFFF70]  }
0x301: {  	v0 =	vmax.f32 v0, v2;
	v8 =	vld [tilespmem:s10+$0xFFFFFFF0]  }
.Ltmp7:
0x302: {  	v0 =	vmax.f32 v0, v3;
	v4 =	vld [tilespmem:s10+$0x70];
	(pc) =	sbr.rel @p5 .LBB2_8-.Ltmp7, $4  }
0x303: {  	v0 =	vmax.f32 v0, v5;
	v1 =	vld [tilespmem:s10+$0xF0]  }
0x304: {  	v0 =	vmax.f32 v0, v6;
	v2 =	vld [tilespmem:s10+$0x170]  }
0x305: {  	v3 =	vmax.f32 v0, v7;
	v0 =	vld [tilespmem:s10+$0x1F0]  }
0x306: {  	v5 =	vmax.f32 v3, v8;
	v3 =	vld [tilespmem:s10+$0x270]  }
0x307: {  	v4 =	vmax.f32 v5, v4;
	v61 =	vld [tilespmem:s1+$0x2F0]  }
0x308: {  	v62 =	vld [tilespmem:s1+$0x370];
	v1 =	vmax.f32 v4, v1  }
0x309: {  	v63 =	vld [tilespmem:s1+$0x3F0];
	v1 =	vmax.f32 v1, v2  }
0x30a: {  	v0 =	vmax.f32 v1, v0  }
0x30b: {  	v0 =	vmax.f32 v0, v3  }
0x30c: {  	v0 =	vmax.f32 v0, v61  }
0x30d: {  	s11 =	sadd.s32 s3, s31;
	v0 =	vmax.f32 v0, v62  }
0x30e: {  	s1 =	sshll.u32 s11, $0x7;
	v0 =	vmax.f32 v0, v63  }
0x30f: {  	s31 =	sadd.s32 s6, s1;
	[tilespmem:s0+$0x12C70] =	vst v0;
	s0 =	sadd.s32 $0x5, s30  }
0x310: {  	[hbm4b:s31+s5] =	stream.linear.scatter [tilespmem:s18], [sflag:$0x6], $0x400, $0x38;
	[tilespmem:$0x13800] =	vst v63  }
0x311: {  	p5 =	sge.s32 s0, s4  }
0x312: {  	s0 =	sadd.s32 @!p5 s7, s0  }
0x313: {  	s0 =	sshll.u32 @!p5 s0, $0x9  }
0x314: {  	s1 =	simm.s32 @!p5 $0x80;
	s8 =	simm.s32 @!p5 $0x6800;
	s0 =	sshra.s32 @!p5 s0, $0x2  }
0x315: {  	[tilespmem:s8], [sflag:$0x2] =	stream.indirect.gather @!p5 [hbm4b:s2+s1], $0x80, s0, s1, $0xb8;
	[tilespmem:$0x13800] =	vst v63  }
.LBB2_10:
0x316: {  	s31 =	sor.u32 $0x2, s30  }
0x317: {  	p5 =	sge.s32 s31, s4  }
.Ltmp8:
0x318: {  	_ = 	snop;
	(pc) =	sbr.rel @p5 .LBB2_14-.Ltmp8, $1  }
0x319: {  	_ =	sdelay $0x3  }
0x31a: {  	_ =	swait.ge [sflag:s19], $0x4000  }
0x31b: {  	[sflag:s19] =	ssyncset.done $0x0  }
0x31c: {  	s0 =	simm.s32 @!p4 $0x7;
	[sflag:s19] =	ssyncadd.s32 $0xFFFFC000  }
0x31d: {  	_ =	swait.ge @!p4 [sflag:s0], $0x400  }
0x31e: {  	[sflag:s0] =	ssyncset.done @!p4 $0x0  }
0x31f: {  	s1 =	simm.s32 $0xAC00;
	[sflag:s0] =	ssyncadd.s32 @!p4 $0xFFFFFC00  }
0x320: {  	v0 =	vld [tilespmem:s1+$0xFFFFFC80]  }
0x321: {  	v1 =	vld [tilespmem:s1+$0xFFFFFC00]  }
0x322: {  	v2 =	vld [tilespmem:s1+$0xFFFFFD00]  }
0x323: {  	v3 =	vld [tilespmem:s1+$0xFFFFFD80]  }
0x324: {  	v4 =	vld [tilespmem:s1+$0xFFFFFE00]  }
0x325: {  	v5 =	vld [tilespmem:s1+$0xFFFFFE80]  }
0x326: {  	v0 =	vmax.f32 v1, v0;
	v1 =	vld [tilespmem:s1+$0xFFFFFF00]  }
0x327: {  	v0 =	vmax.f32 v0, v2;
	v2 =	vld [tilespmem:s1+$0xFFFFFF80]  }
0x328: {  	v0 =	vmax.f32 v0, v3;
	v3 =	vld [tilespmem:s1+$0x0]  }
0x329: {  	v0 =	vmax.f32 v0, v4;
	v4 =	vld [tilespmem:s1+$0x80]  }
0x32a: {  	v0 =	vmax.f32 v0, v5;
	v5 =	vld [tilespmem:s1+$0x100]  }
0x32b: {  	v0 =	vmax.f32 v0, v1;
	v1 =	vld [tilespmem:s1+$0x180]  }
0x32c: {  	v0 =	vmax.f32 v0, v2;
	v2 =	vld [tilespmem:s1+$0x200]  }
0x32d: {  	v0 =	vmax.f32 v0, v3;
	v3 =	vld [tilespmem:s1+$0x280]  }
0x32e: {  	v0 =	vmax.f32 v0, v4;
	v4 =	vld [tilespmem:s1+$0x300]  }
0x32f: {  	v0 =	vmax.f32 v0, v5;
	v5 =	vld [tilespmem:s1+$0x380]  }
0x330: {  	v0 =	vmax.f32 v0, v1  }
0x331: {  	v0 =	vmax.f32 v0, v2  }
0x332: {  	v0 =	vmax.f32 v0, v3  }
0x333: {  	v0 =	vmax.f32 v0, v4  }
0x334: {  	s0 =	simm.s32 $0x0;
	v0 =	vmax.f32 v0, v5  }
0x335: {  	[tilespmem:s0+$0x13000] =	vst v0  }
0x336: {  	v0 =	vld [tilespmem:s1+$0xFFFFFC10]  }
0x337: {  	v1 =	vld [tilespmem:s1+$0xFFFFFC90]  }
0x338: {  	v2 =	vld [tilespmem:s1+$0xFFFFFD10]  }
0x339: {  	v3 =	vld [tilespmem:s1+$0xFFFFFD90]  }
0x33a: {  	v4 =	vld [tilespmem:s1+$0xFFFFFE10]  }
0x33b: {  	v5 =	vld [tilespmem:s1+$0xFFFFFE90]  }
0x33c: {  	v0 =	vmax.f32 v0, v1;
	v1 =	vld [tilespmem:s1+$0xFFFFFF10]  }
0x33d: {  	v0 =	vmax.f32 v0, v2;
	v2 =	vld [tilespmem:s1+$0xFFFFFF90]  }
0x33e: {  	v0 =	vmax.f32 v0, v3;
	v3 =	vld [tilespmem:s1+$0x10]  }
0x33f: {  	v0 =	vmax.f32 v0, v4;
	v4 =	vld [tilespmem:s1+$0x90]  }
0x340: {  	v0 =	vmax.f32 v0, v5;
	v5 =	vld [tilespmem:s1+$0x110]  }
0x341: {  	v0 =	vmax.f32 v0, v1;
	v1 =	vld [tilespmem:s1+$0x190]  }
0x342: {  	v0 =	vmax.f32 v0, v2;
	v2 =	vld [tilespmem:s1+$0x210]  }
0x343: {  	v0 =	vmax.f32 v0, v3;
	v3 =	vld [tilespmem:s1+$0x290]  }
0x344: {  	v0 =	vmax.f32 v0, v4;
	v4 =	vld [tilespmem:s1+$0x310]  }
0x345: {  	v0 =	vmax.f32 v0, v5;
	v5 =	vld [tilespmem:s1+$0x390]  }
0x346: {  	v0 =	vmax.f32 v0, v1  }
0x347: {  	v0 =	vmax.f32 v0, v2  }
0x348: {  	v0 =	vmax.f32 v0, v3  }
0x349: {  	v0 =	vmax.f32 v0, v4  }
0x34a: {  	v0 =	vmax.f32 v0, v5  }
0x34b: {  	[tilespmem:s0+$0x13010] =	vst v0  }
0x34c: {  	v0 =	vld [tilespmem:s1+$0xFFFFFC20]  }
0x34d: {  	v1 =	vld [tilespmem:s1+$0xFFFFFCA0]  }
0x34e: {  	v2 =	vld [tilespmem:s1+$0xFFFFFD20]  }
0x34f: {  	v3 =	vld [tilespmem:s1+$0xFFFFFDA0]  }
0x350: {  	v4 =	vld [tilespmem:s1+$0xFFFFFE20]  }
0x351: {  	v5 =	vld [tilespmem:s1+$0xFFFFFEA0]  }
0x352: {  	v0 =	vmax.f32 v0, v1;
	v1 =	vld [tilespmem:s1+$0xFFFFFF20]  }
0x353: {  	v0 =	vmax.f32 v0, v2;
	v2 =	vld [tilespmem:s1+$0xFFFFFFA0]  }
0x354: {  	v0 =	vmax.f32 v0, v3;
	v3 =	vld [tilespmem:s1+$0x20]  }
0x355: {  	v0 =	vmax.f32 v0, v4;
	v4 =	vld [tilespmem:s1+$0xA0]  }
0x356: {  	v0 =	vmax.f32 v0, v5;
	v5 =	vld [tilespmem:s1+$0x120]  }
0x357: {  	v0 =	vmax.f32 v0, v1;
	v1 =	vld [tilespmem:s1+$0x1A0]  }
0x358: {  	v0 =	vmax.f32 v0, v2;
	v2 =	vld [tilespmem:s1+$0x220]  }
0x359: {  	v0 =	vmax.f32 v0, v3;
	v3 =	vld [tilespmem:s1+$0x2A0]  }
0x35a: {  	v0 =	vmax.f32 v0, v4;
	v4 =	vld [tilespmem:s1+$0x320]  }
0x35b: {  	v0 =	vmax.f32 v0, v5;
	v5 =	vld [tilespmem:s1+$0x3A0]  }
0x35c: {  	v0 =	vmax.f32 v0, v1  }
0x35d: {  	v0 =	vmax.f32 v0, v2  }
0x35e: {  	v0 =	vmax.f32 v0, v3  }
0x35f: {  	v0 =	vmax.f32 v0, v4  }
0x360: {  	v0 =	vmax.f32 v0, v5  }
0x361: {  	[tilespmem:s0+$0x13020] =	vst v0  }
0x362: {  	v0 =	vld [tilespmem:s1+$0xFFFFFC30]  }
0x363: {  	v1 =	vld [tilespmem:s1+$0xFFFFFCB0]  }
0x364: {  	v2 =	vld [tilespmem:s1+$0xFFFFFD30]  }
0x365: {  	v3 =	vld [tilespmem:s1+$0xFFFFFDB0]  }
0x366: {  	v4 =	vld [tilespmem:s1+$0xFFFFFE30]  }
0x367: {  	v5 =	vld [tilespmem:s1+$0xFFFFFEB0]  }
0x368: {  	v0 =	vmax.f32 v0, v1;
	v1 =	vld [tilespmem:s1+$0xFFFFFF30]  }
0x369: {  	v0 =	vmax.f32 v0, v2;
	v2 =	vld [tilespmem:s1+$0xFFFFFFB0]  }
0x36a: {  	v0 =	vmax.f32 v0, v3;
	v3 =	vld [tilespmem:s1+$0x30]  }
0x36b: {  	v0 =	vmax.f32 v0, v4;
	v4 =	vld [tilespmem:s1+$0xB0]  }
0x36c: {  	v0 =	vmax.f32 v0, v5;
	v5 =	vld [tilespmem:s1+$0x130]  }
0x36d: {  	v0 =	vmax.f32 v0, v1;
	v1 =	vld [tilespmem:s1+$0x1B0]  }
0x36e: {  	v0 =	vmax.f32 v0, v2;
	v2 =	vld [tilespmem:s1+$0x230]  }
0x36f: {  	v0 =	vmax.f32 v0, v3;
	v3 =	vld [tilespmem:s1+$0x2B0]  }
0x370: {  	v0 =	vmax.f32 v0, v4;
	v4 =	vld [tilespmem:s1+$0x330]  }
0x371: {  	v0 =	vmax.f32 v0, v5;
	v5 =	vld [tilespmem:s1+$0x3B0]  }
0x372: {  	v0 =	vmax.f32 v0, v1  }
0x373: {  	v0 =	vmax.f32 v0, v2  }
0x374: {  	v0 =	vmax.f32 v0, v3  }
0x375: {  	v0 =	vmax.f32 v0, v4  }
0x376: {  	v0 =	vmax.f32 v0, v5  }
0x377: {  	[tilespmem:s0+$0x13030] =	vst v0  }
0x378: {  	v0 =	vld [tilespmem:s1+$0xFFFFFC40]  }
0x379: {  	v1 =	vld [tilespmem:s1+$0xFFFFFCC0]  }
0x37a: {  	v2 =	vld [tilespmem:s1+$0xFFFFFD40]  }
0x37b: {  	v3 =	vld [tilespmem:s1+$0xFFFFFDC0]  }
0x37c: {  	v4 =	vld [tilespmem:s1+$0xFFFFFE40]  }
0x37d: {  	v5 =	vld [tilespmem:s1+$0xFFFFFEC0]  }
0x37e: {  	v0 =	vmax.f32 v0, v1;
	v1 =	vld [tilespmem:s1+$0xFFFFFF40]  }
0x37f: {  	v0 =	vmax.f32 v0, v2;
	v2 =	vld [tilespmem:s1+$0xFFFFFFC0]  }
0x380: {  	v0 =	vmax.f32 v0, v3;
	v3 =	vld [tilespmem:s1+$0x40]  }
0x381: {  	v0 =	vmax.f32 v0, v4;
	v4 =	vld [tilespmem:s1+$0xC0]  }
0x382: {  	v0 =	vmax.f32 v0, v5;
	v5 =	vld [tilespmem:s1+$0x140]  }
0x383: {  	v0 =	vmax.f32 v0, v1;
	v1 =	vld [tilespmem:s1+$0x1C0]  }
0x384: {  	v0 =	vmax.f32 v0, v2;
	v2 =	vld [tilespmem:s1+$0x240]  }
0x385: {  	v0 =	vmax.f32 v0, v3;
	v3 =	vld [tilespmem:s1+$0x2C0]  }
0x386: {  	v0 =	vmax.f32 v0, v4;
	v4 =	vld [tilespmem:s1+$0x340]  }
0x387: {  	v0 =	vmax.f32 v0, v5;
	v5 =	vld [tilespmem:s1+$0x3C0]  }
0x388: {  	v0 =	vmax.f32 v0, v1  }
0x389: {  	v0 =	vmax.f32 v0, v2  }
0x38a: {  	v0 =	vmax.f32 v0, v3  }
0x38b: {  	v0 =	vmax.f32 v0, v4  }
0x38c: {  	v0 =	vmax.f32 v0, v5  }
0x38d: {  	[tilespmem:s0+$0x13040] =	vst v0  }
0x38e: {  	v0 =	vld [tilespmem:s1+$0xFFFFFC50]  }
0x38f: {  	v1 =	vld [tilespmem:s1+$0xFFFFFCD0]  }
0x390: {  	v2 =	vld [tilespmem:s1+$0xFFFFFD50]  }
0x391: {  	v3 =	vld [tilespmem:s1+$0xFFFFFDD0]  }
0x392: {  	v4 =	vld [tilespmem:s1+$0xFFFFFE50]  }
0x393: {  	v5 =	vld [tilespmem:s1+$0xFFFFFED0]  }
0x394: {  	v0 =	vmax.f32 v0, v1;
	v1 =	vld [tilespmem:s1+$0xFFFFFF50]  }
0x395: {  	v0 =	vmax.f32 v0, v2;
	v2 =	vld [tilespmem:s1+$0xFFFFFFD0]  }
0x396: {  	v0 =	vmax.f32 v0, v3;
	v3 =	vld [tilespmem:s1+$0x50]  }
0x397: {  	v0 =	vmax.f32 v0, v4;
	v4 =	vld [tilespmem:s1+$0xD0]  }
0x398: {  	v0 =	vmax.f32 v0, v5;
	v5 =	vld [tilespmem:s1+$0x150]  }
0x399: {  	v0 =	vmax.f32 v0, v1;
	v1 =	vld [tilespmem:s1+$0x1D0]  }
0x39a: {  	v0 =	vmax.f32 v0, v2;
	v2 =	vld [tilespmem:s1+$0x250]  }
0x39b: {  	v0 =	vmax.f32 v0, v3;
	v3 =	vld [tilespmem:s1+$0x2D0]  }
0x39c: {  	v0 =	vmax.f32 v0, v4;
	v4 =	vld [tilespmem:s1+$0x350]  }
0x39d: {  	v0 =	vmax.f32 v0, v5;
	v5 =	vld [tilespmem:s1+$0x3D0]  }
0x39e: {  	v0 =	vmax.f32 v0, v1  }
0x39f: {  	v0 =	vmax.f32 v0, v2  }
0x3a0: {  	v0 =	vmax.f32 v0, v3  }
0x3a1: {  	v0 =	vmax.f32 v0, v4  }
0x3a2: {  	v0 =	vmax.f32 v0, v5  }
0x3a3: {  	[tilespmem:s0+$0x13050] =	vst v0  }
0x3a4: {  	v0 =	vld [tilespmem:s1+$0xFFFFFC60]  }
0x3a5: {  	v1 =	vld [tilespmem:s1+$0xFFFFFCE0]  }
0x3a6: {  	v2 =	vld [tilespmem:s1+$0xFFFFFD60]  }
0x3a7: {  	v3 =	vld [tilespmem:s1+$0xFFFFFDE0]  }
0x3a8: {  	v4 =	vld [tilespmem:s1+$0xFFFFFE60]  }
0x3a9: {  	v5 =	vld [tilespmem:s1+$0xFFFFFEE0]  }
0x3aa: {  	v0 =	vmax.f32 v0, v1;
	v1 =	vld [tilespmem:s1+$0xFFFFFF60]  }
0x3ab: {  	v0 =	vmax.f32 v0, v2;
	v2 =	vld [tilespmem:s1+$0xFFFFFFE0]  }
0x3ac: {  	v0 =	vmax.f32 v0, v3;
	v3 =	vld [tilespmem:s1+$0x60]  }
0x3ad: {  	v0 =	vmax.f32 v0, v4;
	v4 =	vld [tilespmem:s1+$0xE0]  }
0x3ae: {  	v0 =	vmax.f32 v0, v5;
	v5 =	vld [tilespmem:s1+$0x160]  }
0x3af: {  	v0 =	vmax.f32 v0, v1;
	v1 =	vld [tilespmem:s1+$0x1E0]  }
0x3b0: {  	v0 =	vmax.f32 v0, v2;
	v2 =	vld [tilespmem:s1+$0x260]  }
0x3b1: {  	v0 =	vmax.f32 v0, v3;
	v3 =	vld [tilespmem:s1+$0x2E0]  }
0x3b2: {  	v0 =	vmax.f32 v0, v4;
	v4 =	vld [tilespmem:s1+$0x360]  }
0x3b3: {  	v0 =	vmax.f32 v0, v5;
	v5 =	vld [tilespmem:s1+$0x3E0]  }
0x3b4: {  	v0 =	vmax.f32 v0, v1  }
0x3b5: {  	v0 =	vmax.f32 v0, v2  }
0x3b6: {  	v0 =	vmax.f32 v0, v3  }
0x3b7: {  	v0 =	vmax.f32 v0, v4  }
0x3b8: {  	v0 =	vmax.f32 v0, v5  }
0x3b9: {  	[tilespmem:s0+$0x13060] =	vst v0  }
0x3ba: {  	v0 =	vld [tilespmem:s1+$0xFFFFFC70]  }
0x3bb: {  	v1 =	vld [tilespmem:s1+$0xFFFFFCF0]  }
0x3bc: {  	v2 =	vld [tilespmem:s1+$0xFFFFFD70]  }
0x3bd: {  	v3 =	vld [tilespmem:s1+$0xFFFFFDF0]  }
0x3be: {  	v5 =	vld [tilespmem:s1+$0xFFFFFE70]  }
0x3bf: {  	v6 =	vld [tilespmem:s1+$0xFFFFFEF0]  }
0x3c0: {  	v7 =	vld [tilespmem:s1+$0xFFFFFF70];
	v0 =	vmax.f32 v0, v1  }
0x3c1: {  	v8 =	vld [tilespmem:s1+$0xFFFFFFF0];
	v0 =	vmax.f32 v0, v2  }
0x3c2: {  	v4 =	vld [tilespmem:s1+$0x70];
	v0 =	vmax.f32 v0, v3  }
0x3c3: {  	v1 =	vld [tilespmem:s1+$0xF0];
	v0 =	vmax.f32 v0, v5  }
0x3c4: {  	v2 =	vld [tilespmem:s1+$0x170];
	v0 =	vmax.f32 v0, v6  }
0x3c5: {  	v3 =	vmax.f32 v0, v7;
	v0 =	vld [tilespmem:s1+$0x1F0]  }
0x3c6: {  	s8 =	simm.s32 $0x200;
	s10 =	simm.s32 $0xAC00;
	v5 =	vmax.f32 v3, v8;
	v3 =	vld [tilespmem:s1+$0x270]  }
.LBB2_12:
0x3c7: {  	p5 =	sne.s32 s8, $0xE00  }
0x3c8: {  	v4 =	vmax.f32 v5, v4;
	v5 =	vld [tilespmem:s1+$0x2F0];
	s10 =	sadd.s32 $0x800, s10;
	s11 =	smov.u32 s8;
	s8 =	sadd.s32 $0x200, s8  }
0x3c9: {  	v1 =	vmax.f32 v4, v1;
	v4 =	vld [tilespmem:s1+$0x370]  }
0x3ca: {  	v1 =	vmax.f32 v1, v2;
	v2 =	vld [tilespmem:s1+$0x3F0];
	s1 =	smov.u32 s10  }
0x3cb: {  	v0 =	vmax.f32 v1, v0  }
0x3cc: {  	v0 =	vmax.f32 v0, v3  }
0x3cd: {  	v0 =	vmax.f32 v0, v5  }
0x3ce: {  	v0 =	vmax.f32 v0, v4  }
0x3cf: {  	v0 =	vmax.f32 v0, v2  }
0x3d0: {  	[tilespmem:s0+$0x13070] =	vst v0  }
0x3d1: {  	v0 =	vld [tilespmem:s10+$0xFFFFFD00]  }
0x3d2: {  	v1 =	vld [tilespmem:s10+$0xFFFFFC80]  }
0x3d3: {  	v2 =	vld [tilespmem:s10+$0xFFFFFC00]  }
0x3d4: {  	v3 =	vld [tilespmem:s10+$0xFFFFFD80]  }
0x3d5: {  	v4 =	vld [tilespmem:s10+$0xFFFFFE00];
	_ =	sdelay $0x1  }
0x3d6: {  	v5 =	vld [tilespmem:s10+$0xFFFFFE80]  }
0x3d7: {  	v1 =	vmax.f32 v2, v1;
	v2 =	vld [tilespmem:s10+$0xFFFFFF00]  }
0x3d8: {  	v0 =	vmax.f32 v1, v0;
	v1 =	vld [tilespmem:s10+$0xFFFFFF80]  }
0x3d9: {  	v0 =	vmax.f32 v0, v3;
	v3 =	vld [tilespmem:s10+$0x0]  }
0x3da: {  	v0 =	vmax.f32 v0, v4;
	v4 =	vld [tilespmem:s10+$0x80]  }
0x3db: {  	v0 =	vmax.f32 v0, v5;
	v5 =	vld [tilespmem:s10+$0x100]  }
0x3dc: {  	v0 =	vmax.f32 v0, v2;
	v2 =	vld [tilespmem:s10+$0x180]  }
0x3dd: {  	v0 =	vmax.f32 v0, v1;
	v1 =	vld [tilespmem:s10+$0x200]  }
0x3de: {  	v0 =	vmax.f32 v0, v3;
	v3 =	vld [tilespmem:s10+$0x280]  }
0x3df: {  	v0 =	vmax.f32 v0, v4;
	v4 =	vld [tilespmem:s10+$0x300]  }
0x3e0: {  	v0 =	vmax.f32 v0, v5;
	v5 =	vld [tilespmem:s10+$0x380]  }
0x3e1: {  	v0 =	vmax.f32 v0, v2  }
0x3e2: {  	v0 =	vmax.f32 v0, v1  }
0x3e3: {  	v0 =	vmax.f32 v0, v3  }
0x3e4: {  	v0 =	vmax.f32 v0, v4  }
0x3e5: {  	s0 =	sshra.s32 s11, $0x2;
	v0 =	vmax.f32 v0, v5  }
0x3e6: {  	[tilespmem:s0+$0x13000] =	vst v0  }
0x3e7: {  	v0 =	vld [tilespmem:s10+$0xFFFFFC10]  }
0x3e8: {  	v1 =	vld [tilespmem:s10+$0xFFFFFC90]  }
0x3e9: {  	v2 =	vld [tilespmem:s10+$0xFFFFFD10]  }
0x3ea: {  	v3 =	vld [tilespmem:s10+$0xFFFFFD90]  }
0x3eb: {  	v4 =	vld [tilespmem:s10+$0xFFFFFE10]  }
0x3ec: {  	v5 =	vld [tilespmem:s10+$0xFFFFFE90]  }
0x3ed: {  	v0 =	vmax.f32 v0, v1;
	v1 =	vld [tilespmem:s10+$0xFFFFFF10]  }
0x3ee: {  	v0 =	vmax.f32 v0, v2;
	v2 =	vld [tilespmem:s10+$0xFFFFFF90]  }
0x3ef: {  	v0 =	vmax.f32 v0, v3;
	v3 =	vld [tilespmem:s10+$0x10]  }
0x3f0: {  	v0 =	vmax.f32 v0, v4;
	v4 =	vld [tilespmem:s10+$0x90]  }
0x3f1: {  	v0 =	vmax.f32 v0, v5;
	v5 =	vld [tilespmem:s10+$0x110]  }
0x3f2: {  	v0 =	vmax.f32 v0, v1;
	v1 =	vld [tilespmem:s10+$0x190]  }
0x3f3: {  	v0 =	vmax.f32 v0, v2;
	v2 =	vld [tilespmem:s10+$0x210]  }
0x3f4: {  	v0 =	vmax.f32 v0, v3;
	v3 =	vld [tilespmem:s10+$0x290]  }
0x3f5: {  	v0 =	vmax.f32 v0, v4;
	v4 =	vld [tilespmem:s10+$0x310]  }
0x3f6: {  	v0 =	vmax.f32 v0, v5;
	v5 =	vld [tilespmem:s10+$0x390]  }
0x3f7: {  	v0 =	vmax.f32 v0, v1  }
0x3f8: {  	v0 =	vmax.f32 v0, v2  }
0x3f9: {  	v0 =	vmax.f32 v0, v3  }
0x3fa: {  	v0 =	vmax.f32 v0, v4  }
0x3fb: {  	v0 =	vmax.f32 v0, v5  }
0x3fc: {  	[tilespmem:s0+$0x13010] =	vst v0  }
0x3fd: {  	v0 =	vld [tilespmem:s10+$0xFFFFFC20]  }
0x3fe: {  	v1 =	vld [tilespmem:s10+$0xFFFFFCA0]  }
0x3ff: {  	v2 =	vld [tilespmem:s10+$0xFFFFFD20]  }
0x400: {  	v3 =	vld [tilespmem:s10+$0xFFFFFDA0]  }
0x401: {  	v4 =	vld [tilespmem:s10+$0xFFFFFE20]  }
0x402: {  	v5 =	vld [tilespmem:s10+$0xFFFFFEA0]  }
0x403: {  	v0 =	vmax.f32 v0, v1;
	v1 =	vld [tilespmem:s10+$0xFFFFFF20]  }
0x404: {  	v0 =	vmax.f32 v0, v2;
	v2 =	vld [tilespmem:s10+$0xFFFFFFA0]  }
0x405: {  	v0 =	vmax.f32 v0, v3;
	v3 =	vld [tilespmem:s10+$0x20]  }
0x406: {  	v0 =	vmax.f32 v0, v4;
	v4 =	vld [tilespmem:s10+$0xA0]  }
0x407: {  	v0 =	vmax.f32 v0, v5;
	v5 =	vld [tilespmem:s10+$0x120]  }
0x408: {  	v0 =	vmax.f32 v0, v1;
	v1 =	vld [tilespmem:s10+$0x1A0]  }
0x409: {  	v0 =	vmax.f32 v0, v2;
	v2 =	vld [tilespmem:s10+$0x220]  }
0x40a: {  	v0 =	vmax.f32 v0, v3;
	v3 =	vld [tilespmem:s10+$0x2A0]  }
0x40b: {  	v0 =	vmax.f32 v0, v4;
	v4 =	vld [tilespmem:s10+$0x320]  }
0x40c: {  	v0 =	vmax.f32 v0, v5;
	v5 =	vld [tilespmem:s10+$0x3A0]  }
0x40d: {  	v0 =	vmax.f32 v0, v1  }
0x40e: {  	v0 =	vmax.f32 v0, v2  }
0x40f: {  	v0 =	vmax.f32 v0, v3  }
0x410: {  	v0 =	vmax.f32 v0, v4  }
0x411: {  	v0 =	vmax.f32 v0, v5  }
0x412: {  	[tilespmem:s0+$0x13020] =	vst v0  }
0x413: {  	v0 =	vld [tilespmem:s10+$0xFFFFFC30]  }
0x414: {  	v1 =	vld [tilespmem:s10+$0xFFFFFCB0]  }
0x415: {  	v2 =	vld [tilespmem:s10+$0xFFFFFD30]  }
0x416: {  	v3 =	vld [tilespmem:s10+$0xFFFFFDB0]  }
0x417: {  	v4 =	vld [tilespmem:s10+$0xFFFFFE30]  }
0x418: {  	v5 =	vld [tilespmem:s10+$0xFFFFFEB0]  }
0x419: {  	v0 =	vmax.f32 v0, v1;
	v1 =	vld [tilespmem:s10+$0xFFFFFF30]  }
0x41a: {  	v0 =	vmax.f32 v0, v2;
	v2 =	vld [tilespmem:s10+$0xFFFFFFB0]  }
0x41b: {  	v0 =	vmax.f32 v0, v3;
	v3 =	vld [tilespmem:s10+$0x30]  }
0x41c: {  	v0 =	vmax.f32 v0, v4;
	v4 =	vld [tilespmem:s10+$0xB0]  }
0x41d: {  	v0 =	vmax.f32 v0, v5;
	v5 =	vld [tilespmem:s10+$0x130]  }
0x41e: {  	v0 =	vmax.f32 v0, v1;
	v1 =	vld [tilespmem:s10+$0x1B0]  }
0x41f: {  	v0 =	vmax.f32 v0, v2;
	v2 =	vld [tilespmem:s10+$0x230]  }
0x420: {  	v0 =	vmax.f32 v0, v3;
	v3 =	vld [tilespmem:s10+$0x2B0]  }
0x421: {  	v0 =	vmax.f32 v0, v4;
	v4 =	vld [tilespmem:s10+$0x330]  }
0x422: {  	v0 =	vmax.f32 v0, v5;
	v5 =	vld [tilespmem:s10+$0x3B0]  }
0x423: {  	v0 =	vmax.f32 v0, v1  }
0x424: {  	v0 =	vmax.f32 v0, v2  }
0x425: {  	v0 =	vmax.f32 v0, v3  }
0x426: {  	v0 =	vmax.f32 v0, v4  }
0x427: {  	v0 =	vmax.f32 v0, v5  }
0x428: {  	[tilespmem:s0+$0x13030] =	vst v0  }
0x429: {  	v0 =	vld [tilespmem:s10+$0xFFFFFC40]  }
0x42a: {  	v1 =	vld [tilespmem:s10+$0xFFFFFCC0]  }
0x42b: {  	v2 =	vld [tilespmem:s10+$0xFFFFFD40]  }
0x42c: {  	v3 =	vld [tilespmem:s10+$0xFFFFFDC0]  }
0x42d: {  	v4 =	vld [tilespmem:s10+$0xFFFFFE40]  }
0x42e: {  	v5 =	vld [tilespmem:s10+$0xFFFFFEC0]  }
0x42f: {  	v0 =	vmax.f32 v0, v1;
	v1 =	vld [tilespmem:s10+$0xFFFFFF40]  }
0x430: {  	v0 =	vmax.f32 v0, v2;
	v2 =	vld [tilespmem:s10+$0xFFFFFFC0]  }
0x431: {  	v0 =	vmax.f32 v0, v3;
	v3 =	vld [tilespmem:s10+$0x40]  }
0x432: {  	v0 =	vmax.f32 v0, v4;
	v4 =	vld [tilespmem:s10+$0xC0]  }
0x433: {  	v0 =	vmax.f32 v0, v5;
	v5 =	vld [tilespmem:s10+$0x140]  }
0x434: {  	v0 =	vmax.f32 v0, v1;
	v1 =	vld [tilespmem:s10+$0x1C0]  }
0x435: {  	v0 =	vmax.f32 v0, v2;
	v2 =	vld [tilespmem:s10+$0x240]  }
0x436: {  	v0 =	vmax.f32 v0, v3;
	v3 =	vld [tilespmem:s10+$0x2C0]  }
0x437: {  	v0 =	vmax.f32 v0, v4;
	v4 =	vld [tilespmem:s10+$0x340]  }
0x438: {  	v0 =	vmax.f32 v0, v5;
	v5 =	vld [tilespmem:s10+$0x3C0]  }
0x439: {  	v0 =	vmax.f32 v0, v1  }
0x43a: {  	v0 =	vmax.f32 v0, v2  }
0x43b: {  	v0 =	vmax.f32 v0, v3  }
0x43c: {  	v0 =	vmax.f32 v0, v4  }
0x43d: {  	v0 =	vmax.f32 v0, v5  }
0x43e: {  	[tilespmem:s0+$0x13040] =	vst v0  }
0x43f: {  	v0 =	vld [tilespmem:s10+$0xFFFFFC50]  }
0x440: {  	v1 =	vld [tilespmem:s10+$0xFFFFFCD0]  }
0x441: {  	v2 =	vld [tilespmem:s10+$0xFFFFFD50]  }
0x442: {  	v3 =	vld [tilespmem:s10+$0xFFFFFDD0]  }
0x443: {  	v4 =	vld [tilespmem:s10+$0xFFFFFE50]  }
0x444: {  	v5 =	vld [tilespmem:s10+$0xFFFFFED0]  }
0x445: {  	v0 =	vmax.f32 v0, v1;
	v1 =	vld [tilespmem:s10+$0xFFFFFF50]  }
0x446: {  	v0 =	vmax.f32 v0, v2;
	v2 =	vld [tilespmem:s10+$0xFFFFFFD0]  }
0x447: {  	v0 =	vmax.f32 v0, v3;
	v3 =	vld [tilespmem:s10+$0x50]  }
0x448: {  	v0 =	vmax.f32 v0, v4;
	v4 =	vld [tilespmem:s10+$0xD0]  }
0x449: {  	v0 =	vmax.f32 v0, v5;
	v5 =	vld [tilespmem:s10+$0x150]  }
0x44a: {  	v0 =	vmax.f32 v0, v1;
	v1 =	vld [tilespmem:s10+$0x1D0]  }
0x44b: {  	v0 =	vmax.f32 v0, v2;
	v2 =	vld [tilespmem:s10+$0x250]  }
0x44c: {  	v0 =	vmax.f32 v0, v3;
	v3 =	vld [tilespmem:s10+$0x2D0]  }
0x44d: {  	v0 =	vmax.f32 v0, v4;
	v4 =	vld [tilespmem:s10+$0x350]  }
0x44e: {  	v0 =	vmax.f32 v0, v5;
	v5 =	vld [tilespmem:s10+$0x3D0]  }
0x44f: {  	v0 =	vmax.f32 v0, v1  }
0x450: {  	v0 =	vmax.f32 v0, v2  }
0x451: {  	v0 =	vmax.f32 v0, v3  }
0x452: {  	v0 =	vmax.f32 v0, v4  }
0x453: {  	v0 =	vmax.f32 v0, v5  }
0x454: {  	[tilespmem:s0+$0x13050] =	vst v0  }
0x455: {  	v0 =	vld [tilespmem:s10+$0xFFFFFC60]  }
0x456: {  	v1 =	vld [tilespmem:s10+$0xFFFFFCE0]  }
0x457: {  	v2 =	vld [tilespmem:s10+$0xFFFFFD60]  }
0x458: {  	v3 =	vld [tilespmem:s10+$0xFFFFFDE0]  }
0x459: {  	v4 =	vld [tilespmem:s10+$0xFFFFFE60]  }
0x45a: {  	v5 =	vld [tilespmem:s10+$0xFFFFFEE0]  }
0x45b: {  	v0 =	vmax.f32 v0, v1;
	v1 =	vld [tilespmem:s10+$0xFFFFFF60]  }
0x45c: {  	v0 =	vmax.f32 v0, v2;
	v2 =	vld [tilespmem:s10+$0xFFFFFFE0]  }
0x45d: {  	v0 =	vmax.f32 v0, v3;
	v3 =	vld [tilespmem:s10+$0x60]  }
0x45e: {  	v0 =	vmax.f32 v0, v4;
	v4 =	vld [tilespmem:s10+$0xE0]  }
0x45f: {  	v0 =	vmax.f32 v0, v5;
	v5 =	vld [tilespmem:s10+$0x160]  }
0x460: {  	v0 =	vmax.f32 v0, v1;
	v1 =	vld [tilespmem:s10+$0x1E0]  }
0x461: {  	v0 =	vmax.f32 v0, v2;
	v2 =	vld [tilespmem:s10+$0x260]  }
0x462: {  	v0 =	vmax.f32 v0, v3;
	v3 =	vld [tilespmem:s10+$0x2E0]  }
0x463: {  	v0 =	vmax.f32 v0, v4;
	v4 =	vld [tilespmem:s10+$0x360]  }
0x464: {  	v0 =	vmax.f32 v0, v5;
	v5 =	vld [tilespmem:s10+$0x3E0]  }
0x465: {  	v0 =	vmax.f32 v0, v1  }
0x466: {  	v0 =	vmax.f32 v0, v2  }
0x467: {  	v0 =	vmax.f32 v0, v3  }
0x468: {  	v0 =	vmax.f32 v0, v4  }
0x469: {  	v0 =	vmax.f32 v0, v5  }
0x46a: {  	[tilespmem:s0+$0x13060] =	vst v0  }
0x46b: {  	v0 =	vld [tilespmem:s10+$0xFFFFFC70]  }
0x46c: {  	v1 =	vld [tilespmem:s10+$0xFFFFFCF0]  }
0x46d: {  	v2 =	vld [tilespmem:s10+$0xFFFFFD70]  }
0x46e: {  	v3 =	vld [tilespmem:s10+$0xFFFFFDF0]  }
0x46f: {  	v5 =	vld [tilespmem:s10+$0xFFFFFE70]  }
0x470: {  	v6 =	vld [tilespmem:s10+$0xFFFFFEF0]  }
0x471: {  	v0 =	vmax.f32 v0, v1;
	v7 =	vld [tilespmem:s10+$0xFFFFFF70]  }
0x472: {  	v0 =	vmax.f32 v0, v2;
	v8 =	vld [tilespmem:s10+$0xFFFFFFF0]  }
.Ltmp9:
0x473: {  	v0 =	vmax.f32 v0, v3;
	v4 =	vld [tilespmem:s10+$0x70];
	(pc) =	sbr.rel @p5 .LBB2_12-.Ltmp9, $4  }
0x474: {  	v0 =	vmax.f32 v0, v5;
	v1 =	vld [tilespmem:s10+$0xF0]  }
0x475: {  	v0 =	vmax.f32 v0, v6;
	v2 =	vld [tilespmem:s10+$0x170]  }
0x476: {  	v3 =	vmax.f32 v0, v7;
	v0 =	vld [tilespmem:s10+$0x1F0]  }
0x477: {  	v5 =	vmax.f32 v3, v8;
	v3 =	vld [tilespmem:s10+$0x270]  }
0x478: {  	v4 =	vmax.f32 v5, v4;
	v61 =	vld [tilespmem:s1+$0x2F0]  }
0x479: {  	v62 =	vld [tilespmem:s1+$0x370];
	v1 =	vmax.f32 v4, v1  }
0x47a: {  	v63 =	vld [tilespmem:s1+$0x3F0];
	v1 =	vmax.f32 v1, v2  }
0x47b: {  	v0 =	vmax.f32 v1, v0  }
0x47c: {  	v0 =	vmax.f32 v0, v3  }
0x47d: {  	v0 =	vmax.f32 v0, v61  }
0x47e: {  	s11 =	sadd.s32 s3, s31;
	v0 =	vmax.f32 v0, v62  }
0x47f: {  	s1 =	sshll.u32 s11, $0x7;
	v0 =	vmax.f32 v0, v63  }
0x480: {  	s31 =	sadd.s32 s6, s1;
	[tilespmem:s0+$0x13070] =	vst v0;
	s0 =	sadd.s32 $0x6, s30  }
0x481: {  	[hbm4b:s31+s5] =	stream.linear.scatter [tilespmem:s20], [sflag:$0x7], $0x400, $0x38;
	[tilespmem:$0x13800] =	vst v63  }
0x482: {  	p5 =	sge.s32 s0, s4  }
0x483: {  	s0 =	sadd.s32 @!p5 s7, s0  }
0x484: {  	s0 =	sshll.u32 @!p5 s0, $0x9  }
0x485: {  	s1 =	simm.s32 @!p5 $0x80;
	s8 =	simm.s32 @!p5 $0xA800;
	s0 =	sshra.s32 @!p5 s0, $0x2  }
0x486: {  	[tilespmem:s8], [sflag:$0x3] =	stream.indirect.gather @!p5 [hbm4b:s2+s1], $0x80, s0, s1, $0xb8;
	[tilespmem:$0x13800] =	vst v63  }
.LBB2_14:
0x487: {  	s31 =	sor.u32 $0x3, s30  }
0x488: {  	p5 =	sge.s32 s31, s4  }
.Ltmp10:
0x489: {  	_ = 	snop;
	(pc) =	sbr.rel @p5 .LBB2_18-.Ltmp10, $1  }
0x48a: {  	_ =	sdelay $0x3  }
0x48b: {  	_ =	swait.ge [sflag:s21], $0x4000  }
0x48c: {  	[sflag:s21] =	ssyncset.done $0x0  }
0x48d: {  	s0 =	simm.s32 @!p4 $0x8;
	[sflag:s21] =	ssyncadd.s32 $0xFFFFC000  }
0x48e: {  	_ =	swait.ge @!p4 [sflag:s0], $0x400  }
0x48f: {  	[sflag:s0] =	ssyncset.done @!p4 $0x0  }
0x490: {  	s1 =	simm.s32 $0xEC00;
	[sflag:s0] =	ssyncadd.s32 @!p4 $0xFFFFFC00  }
0x491: {  	v0 =	vld [tilespmem:s1+$0xFFFFFC80]  }
0x492: {  	v1 =	vld [tilespmem:s1+$0xFFFFFC00]  }
0x493: {  	v2 =	vld [tilespmem:s1+$0xFFFFFD00]  }
0x494: {  	v3 =	vld [tilespmem:s1+$0xFFFFFD80]  }
0x495: {  	v4 =	vld [tilespmem:s1+$0xFFFFFE00]  }
0x496: {  	v5 =	vld [tilespmem:s1+$0xFFFFFE80]  }
0x497: {  	v0 =	vmax.f32 v1, v0;
	v1 =	vld [tilespmem:s1+$0xFFFFFF00]  }
0x498: {  	v0 =	vmax.f32 v0, v2;
	v2 =	vld [tilespmem:s1+$0xFFFFFF80]  }
0x499: {  	v0 =	vmax.f32 v0, v3;
	v3 =	vld [tilespmem:s1+$0x0]  }
0x49a: {  	v0 =	vmax.f32 v0, v4;
	v4 =	vld [tilespmem:s1+$0x80]  }
0x49b: {  	v0 =	vmax.f32 v0, v5;
	v5 =	vld [tilespmem:s1+$0x100]  }
0x49c: {  	v0 =	vmax.f32 v0, v1;
	v1 =	vld [tilespmem:s1+$0x180]  }
0x49d: {  	v0 =	vmax.f32 v0, v2;
	v2 =	vld [tilespmem:s1+$0x200]  }
0x49e: {  	v0 =	vmax.f32 v0, v3;
	v3 =	vld [tilespmem:s1+$0x280]  }
0x49f: {  	v0 =	vmax.f32 v0, v4;
	v4 =	vld [tilespmem:s1+$0x300]  }
0x4a0: {  	v0 =	vmax.f32 v0, v5;
	v5 =	vld [tilespmem:s1+$0x380]  }
0x4a1: {  	v0 =	vmax.f32 v0, v1  }
0x4a2: {  	v0 =	vmax.f32 v0, v2  }
0x4a3: {  	v0 =	vmax.f32 v0, v3  }
0x4a4: {  	v0 =	vmax.f32 v0, v4  }
0x4a5: {  	s0 =	simm.s32 $0x0;
	v0 =	vmax.f32 v0, v5  }
0x4a6: {  	[tilespmem:s0+$0x13400] =	vst v0  }
0x4a7: {  	v0 =	vld [tilespmem:s1+$0xFFFFFC10]  }
0x4a8: {  	v1 =	vld [tilespmem:s1+$0xFFFFFC90]  }
0x4a9: {  	v2 =	vld [tilespmem:s1+$0xFFFFFD10]  }
0x4aa: {  	v3 =	vld [tilespmem:s1+$0xFFFFFD90]  }
0x4ab: {  	v4 =	vld [tilespmem:s1+$0xFFFFFE10]  }
0x4ac: {  	v5 =	vld [tilespmem:s1+$0xFFFFFE90]  }
0x4ad: {  	v0 =	vmax.f32 v0, v1;
	v1 =	vld [tilespmem:s1+$0xFFFFFF10]  }
0x4ae: {  	v0 =	vmax.f32 v0, v2;
	v2 =	vld [tilespmem:s1+$0xFFFFFF90]  }
0x4af: {  	v0 =	vmax.f32 v0, v3;
	v3 =	vld [tilespmem:s1+$0x10]  }
0x4b0: {  	v0 =	vmax.f32 v0, v4;
	v4 =	vld [tilespmem:s1+$0x90]  }
0x4b1: {  	v0 =	vmax.f32 v0, v5;
	v5 =	vld [tilespmem:s1+$0x110]  }
0x4b2: {  	v0 =	vmax.f32 v0, v1;
	v1 =	vld [tilespmem:s1+$0x190]  }
0x4b3: {  	v0 =	vmax.f32 v0, v2;
	v2 =	vld [tilespmem:s1+$0x210]  }
0x4b4: {  	v0 =	vmax.f32 v0, v3;
	v3 =	vld [tilespmem:s1+$0x290]  }
0x4b5: {  	v0 =	vmax.f32 v0, v4;
	v4 =	vld [tilespmem:s1+$0x310]  }
0x4b6: {  	v0 =	vmax.f32 v0, v5;
	v5 =	vld [tilespmem:s1+$0x390]  }
0x4b7: {  	v0 =	vmax.f32 v0, v1  }
0x4b8: {  	v0 =	vmax.f32 v0, v2  }
0x4b9: {  	v0 =	vmax.f32 v0, v3  }
0x4ba: {  	v0 =	vmax.f32 v0, v4  }
0x4bb: {  	v0 =	vmax.f32 v0, v5  }
0x4bc: {  	[tilespmem:s0+$0x13410] =	vst v0  }
0x4bd: {  	v0 =	vld [tilespmem:s1+$0xFFFFFC20]  }
0x4be: {  	v1 =	vld [tilespmem:s1+$0xFFFFFCA0]  }
0x4bf: {  	v2 =	vld [tilespmem:s1+$0xFFFFFD20]  }
0x4c0: {  	v3 =	vld [tilespmem:s1+$0xFFFFFDA0]  }
0x4c1: {  	v4 =	vld [tilespmem:s1+$0xFFFFFE20]  }
0x4c2: {  	v5 =	vld [tilespmem:s1+$0xFFFFFEA0]  }
0x4c3: {  	v0 =	vmax.f32 v0, v1;
	v1 =	vld [tilespmem:s1+$0xFFFFFF20]  }
0x4c4: {  	v0 =	vmax.f32 v0, v2;
	v2 =	vld [tilespmem:s1+$0xFFFFFFA0]  }
0x4c5: {  	v0 =	vmax.f32 v0, v3;
	v3 =	vld [tilespmem:s1+$0x20]  }
0x4c6: {  	v0 =	vmax.f32 v0, v4;
	v4 =	vld [tilespmem:s1+$0xA0]  }
0x4c7: {  	v0 =	vmax.f32 v0, v5;
	v5 =	vld [tilespmem:s1+$0x120]  }
0x4c8: {  	v0 =	vmax.f32 v0, v1;
	v1 =	vld [tilespmem:s1+$0x1A0]  }
0x4c9: {  	v0 =	vmax.f32 v0, v2;
	v2 =	vld [tilespmem:s1+$0x220]  }
0x4ca: {  	v0 =	vmax.f32 v0, v3;
	v3 =	vld [tilespmem:s1+$0x2A0]  }
0x4cb: {  	v0 =	vmax.f32 v0, v4;
	v4 =	vld [tilespmem:s1+$0x320]  }
0x4cc: {  	v0 =	vmax.f32 v0, v5;
	v5 =	vld [tilespmem:s1+$0x3A0]  }
0x4cd: {  	v0 =	vmax.f32 v0, v1  }
0x4ce: {  	v0 =	vmax.f32 v0, v2  }
0x4cf: {  	v0 =	vmax.f32 v0, v3  }
0x4d0: {  	v0 =	vmax.f32 v0, v4  }
0x4d1: {  	v0 =	vmax.f32 v0, v5  }
0x4d2: {  	[tilespmem:s0+$0x13420] =	vst v0  }
0x4d3: {  	v0 =	vld [tilespmem:s1+$0xFFFFFC30]  }
0x4d4: {  	v1 =	vld [tilespmem:s1+$0xFFFFFCB0]  }
0x4d5: {  	v2 =	vld [tilespmem:s1+$0xFFFFFD30]  }
0x4d6: {  	v3 =	vld [tilespmem:s1+$0xFFFFFDB0]  }
0x4d7: {  	v4 =	vld [tilespmem:s1+$0xFFFFFE30]  }
0x4d8: {  	v5 =	vld [tilespmem:s1+$0xFFFFFEB0]  }
0x4d9: {  	v0 =	vmax.f32 v0, v1;
	v1 =	vld [tilespmem:s1+$0xFFFFFF30]  }
0x4da: {  	v0 =	vmax.f32 v0, v2;
	v2 =	vld [tilespmem:s1+$0xFFFFFFB0]  }
0x4db: {  	v0 =	vmax.f32 v0, v3;
	v3 =	vld [tilespmem:s1+$0x30]  }
0x4dc: {  	v0 =	vmax.f32 v0, v4;
	v4 =	vld [tilespmem:s1+$0xB0]  }
0x4dd: {  	v0 =	vmax.f32 v0, v5;
	v5 =	vld [tilespmem:s1+$0x130]  }
0x4de: {  	v0 =	vmax.f32 v0, v1;
	v1 =	vld [tilespmem:s1+$0x1B0]  }
0x4df: {  	v0 =	vmax.f32 v0, v2;
	v2 =	vld [tilespmem:s1+$0x230]  }
0x4e0: {  	v0 =	vmax.f32 v0, v3;
	v3 =	vld [tilespmem:s1+$0x2B0]  }
0x4e1: {  	v0 =	vmax.f32 v0, v4;
	v4 =	vld [tilespmem:s1+$0x330]  }
0x4e2: {  	v0 =	vmax.f32 v0, v5;
	v5 =	vld [tilespmem:s1+$0x3B0]  }
0x4e3: {  	v0 =	vmax.f32 v0, v1  }
0x4e4: {  	v0 =	vmax.f32 v0, v2  }
0x4e5: {  	v0 =	vmax.f32 v0, v3  }
0x4e6: {  	v0 =	vmax.f32 v0, v4  }
0x4e7: {  	v0 =	vmax.f32 v0, v5  }
0x4e8: {  	[tilespmem:s0+$0x13430] =	vst v0  }
0x4e9: {  	v0 =	vld [tilespmem:s1+$0xFFFFFC40]  }
0x4ea: {  	v1 =	vld [tilespmem:s1+$0xFFFFFCC0]  }
0x4eb: {  	v2 =	vld [tilespmem:s1+$0xFFFFFD40]  }
0x4ec: {  	v3 =	vld [tilespmem:s1+$0xFFFFFDC0]  }
0x4ed: {  	v4 =	vld [tilespmem:s1+$0xFFFFFE40]  }
0x4ee: {  	v5 =	vld [tilespmem:s1+$0xFFFFFEC0]  }
0x4ef: {  	v0 =	vmax.f32 v0, v1;
	v1 =	vld [tilespmem:s1+$0xFFFFFF40]  }
0x4f0: {  	v0 =	vmax.f32 v0, v2;
	v2 =	vld [tilespmem:s1+$0xFFFFFFC0]  }
0x4f1: {  	v0 =	vmax.f32 v0, v3;
	v3 =	vld [tilespmem:s1+$0x40]  }
0x4f2: {  	v0 =	vmax.f32 v0, v4;
	v4 =	vld [tilespmem:s1+$0xC0]  }
0x4f3: {  	v0 =	vmax.f32 v0, v5;
	v5 =	vld [tilespmem:s1+$0x140]  }
0x4f4: {  	v0 =	vmax.f32 v0, v1;
	v1 =	vld [tilespmem:s1+$0x1C0]  }
0x4f5: {  	v0 =	vmax.f32 v0, v2;
	v2 =	vld [tilespmem:s1+$0x240]  }
0x4f6: {  	v0 =	vmax.f32 v0, v3;
	v3 =	vld [tilespmem:s1+$0x2C0]  }
0x4f7: {  	v0 =	vmax.f32 v0, v4;
	v4 =	vld [tilespmem:s1+$0x340]  }
0x4f8: {  	v0 =	vmax.f32 v0, v5;
	v5 =	vld [tilespmem:s1+$0x3C0]  }
0x4f9: {  	v0 =	vmax.f32 v0, v1  }
0x4fa: {  	v0 =	vmax.f32 v0, v2  }
0x4fb: {  	v0 =	vmax.f32 v0, v3  }
0x4fc: {  	v0 =	vmax.f32 v0, v4  }
0x4fd: {  	v0 =	vmax.f32 v0, v5  }
0x4fe: {  	[tilespmem:s0+$0x13440] =	vst v0  }
0x4ff: {  	v0 =	vld [tilespmem:s1+$0xFFFFFC50]  }
0x500: {  	v1 =	vld [tilespmem:s1+$0xFFFFFCD0]  }
0x501: {  	v2 =	vld [tilespmem:s1+$0xFFFFFD50]  }
0x502: {  	v3 =	vld [tilespmem:s1+$0xFFFFFDD0]  }
0x503: {  	v4 =	vld [tilespmem:s1+$0xFFFFFE50]  }
0x504: {  	v5 =	vld [tilespmem:s1+$0xFFFFFED0]  }
0x505: {  	v0 =	vmax.f32 v0, v1;
	v1 =	vld [tilespmem:s1+$0xFFFFFF50]  }
0x506: {  	v0 =	vmax.f32 v0, v2;
	v2 =	vld [tilespmem:s1+$0xFFFFFFD0]  }
0x507: {  	v0 =	vmax.f32 v0, v3;
	v3 =	vld [tilespmem:s1+$0x50]  }
0x508: {  	v0 =	vmax.f32 v0, v4;
	v4 =	vld [tilespmem:s1+$0xD0]  }
0x509: {  	v0 =	vmax.f32 v0, v5;
	v5 =	vld [tilespmem:s1+$0x150]  }
0x50a: {  	v0 =	vmax.f32 v0, v1;
	v1 =	vld [tilespmem:s1+$0x1D0]  }
0x50b: {  	v0 =	vmax.f32 v0, v2;
	v2 =	vld [tilespmem:s1+$0x250]  }
0x50c: {  	v0 =	vmax.f32 v0, v3;
	v3 =	vld [tilespmem:s1+$0x2D0]  }
0x50d: {  	v0 =	vmax.f32 v0, v4;
	v4 =	vld [tilespmem:s1+$0x350]  }
0x50e: {  	v0 =	vmax.f32 v0, v5;
	v5 =	vld [tilespmem:s1+$0x3D0]  }
0x50f: {  	v0 =	vmax.f32 v0, v1  }
0x510: {  	v0 =	vmax.f32 v0, v2  }
0x511: {  	v0 =	vmax.f32 v0, v3  }
0x512: {  	v0 =	vmax.f32 v0, v4  }
0x513: {  	v0 =	vmax.f32 v0, v5  }
0x514: {  	[tilespmem:s0+$0x13450] =	vst v0  }
0x515: {  	v0 =	vld [tilespmem:s1+$0xFFFFFC60]  }
0x516: {  	v1 =	vld [tilespmem:s1+$0xFFFFFCE0]  }
0x517: {  	v2 =	vld [tilespmem:s1+$0xFFFFFD60]  }
0x518: {  	v3 =	vld [tilespmem:s1+$0xFFFFFDE0]  }
0x519: {  	v4 =	vld [tilespmem:s1+$0xFFFFFE60]  }
0x51a: {  	v5 =	vld [tilespmem:s1+$0xFFFFFEE0]  }
0x51b: {  	v0 =	vmax.f32 v0, v1;
	v1 =	vld [tilespmem:s1+$0xFFFFFF60]  }
0x51c: {  	v0 =	vmax.f32 v0, v2;
	v2 =	vld [tilespmem:s1+$0xFFFFFFE0]  }
0x51d: {  	v0 =	vmax.f32 v0, v3;
	v3 =	vld [tilespmem:s1+$0x60]  }
0x51e: {  	v0 =	vmax.f32 v0, v4;
	v4 =	vld [tilespmem:s1+$0xE0]  }
0x51f: {  	v0 =	vmax.f32 v0, v5;
	v5 =	vld [tilespmem:s1+$0x160]  }
0x520: {  	v0 =	vmax.f32 v0, v1;
	v1 =	vld [tilespmem:s1+$0x1E0]  }
0x521: {  	v0 =	vmax.f32 v0, v2;
	v2 =	vld [tilespmem:s1+$0x260]  }
0x522: {  	v0 =	vmax.f32 v0, v3;
	v3 =	vld [tilespmem:s1+$0x2E0]  }
0x523: {  	v0 =	vmax.f32 v0, v4;
	v4 =	vld [tilespmem:s1+$0x360]  }
0x524: {  	v0 =	vmax.f32 v0, v5;
	v5 =	vld [tilespmem:s1+$0x3E0]  }
0x525: {  	v0 =	vmax.f32 v0, v1  }
0x526: {  	v0 =	vmax.f32 v0, v2  }
0x527: {  	v0 =	vmax.f32 v0, v3  }
0x528: {  	v0 =	vmax.f32 v0, v4  }
0x529: {  	v0 =	vmax.f32 v0, v5  }
0x52a: {  	[tilespmem:s0+$0x13460] =	vst v0  }
0x52b: {  	v0 =	vld [tilespmem:s1+$0xFFFFFC70]  }
0x52c: {  	v1 =	vld [tilespmem:s1+$0xFFFFFCF0]  }
0x52d: {  	v2 =	vld [tilespmem:s1+$0xFFFFFD70]  }
0x52e: {  	v3 =	vld [tilespmem:s1+$0xFFFFFDF0]  }
0x52f: {  	v5 =	vld [tilespmem:s1+$0xFFFFFE70]  }
0x530: {  	v6 =	vld [tilespmem:s1+$0xFFFFFEF0]  }
0x531: {  	v7 =	vld [tilespmem:s1+$0xFFFFFF70];
	v0 =	vmax.f32 v0, v1  }
0x532: {  	v8 =	vld [tilespmem:s1+$0xFFFFFFF0];
	v0 =	vmax.f32 v0, v2  }
0x533: {  	v4 =	vld [tilespmem:s1+$0x70];
	v0 =	vmax.f32 v0, v3  }
0x534: {  	v1 =	vld [tilespmem:s1+$0xF0];
	v0 =	vmax.f32 v0, v5  }
0x535: {  	v2 =	vld [tilespmem:s1+$0x170];
	v0 =	vmax.f32 v0, v6  }
0x536: {  	v3 =	vmax.f32 v0, v7;
	v0 =	vld [tilespmem:s1+$0x1F0]  }
0x537: {  	s8 =	simm.s32 $0x200;
	s10 =	simm.s32 $0xEC00;
	v5 =	vmax.f32 v3, v8;
	v3 =	vld [tilespmem:s1+$0x270]  }
.LBB2_16:
0x538: {  	p4 =	sne.s32 s8, $0xE00  }
0x539: {  	v4 =	vmax.f32 v5, v4;
	v5 =	vld [tilespmem:s1+$0x2F0];
	s10 =	sadd.s32 $0x800, s10;
	s11 =	smov.u32 s8;
	s8 =	sadd.s32 $0x200, s8  }
0x53a: {  	v1 =	vmax.f32 v4, v1;
	v4 =	vld [tilespmem:s1+$0x370]  }
0x53b: {  	v1 =	vmax.f32 v1, v2;
	v2 =	vld [tilespmem:s1+$0x3F0];
	s1 =	smov.u32 s10  }
0x53c: {  	v0 =	vmax.f32 v1, v0  }
0x53d: {  	v0 =	vmax.f32 v0, v3  }
0x53e: {  	v0 =	vmax.f32 v0, v5  }
0x53f: {  	v0 =	vmax.f32 v0, v4  }
0x540: {  	v0 =	vmax.f32 v0, v2  }
0x541: {  	[tilespmem:s0+$0x13470] =	vst v0  }
0x542: {  	v0 =	vld [tilespmem:s10+$0xFFFFFD00]  }
0x543: {  	v1 =	vld [tilespmem:s10+$0xFFFFFC80]  }
0x544: {  	v2 =	vld [tilespmem:s10+$0xFFFFFC00]  }
0x545: {  	v3 =	vld [tilespmem:s10+$0xFFFFFD80]  }
0x546: {  	v4 =	vld [tilespmem:s10+$0xFFFFFE00];
	_ =	sdelay $0x1  }
0x547: {  	v5 =	vld [tilespmem:s10+$0xFFFFFE80]  }
0x548: {  	v1 =	vmax.f32 v2, v1;
	v2 =	vld [tilespmem:s10+$0xFFFFFF00]  }
0x549: {  	v0 =	vmax.f32 v1, v0;
	v1 =	vld [tilespmem:s10+$0xFFFFFF80]  }
0x54a: {  	v0 =	vmax.f32 v0, v3;
	v3 =	vld [tilespmem:s10+$0x0]  }
0x54b: {  	v0 =	vmax.f32 v0, v4;
	v4 =	vld [tilespmem:s10+$0x80]  }
0x54c: {  	v0 =	vmax.f32 v0, v5;
	v5 =	vld [tilespmem:s10+$0x100]  }
0x54d: {  	v0 =	vmax.f32 v0, v2;
	v2 =	vld [tilespmem:s10+$0x180]  }
0x54e: {  	v0 =	vmax.f32 v0, v1;
	v1 =	vld [tilespmem:s10+$0x200]  }
0x54f: {  	v0 =	vmax.f32 v0, v3;
	v3 =	vld [tilespmem:s10+$0x280]  }
0x550: {  	v0 =	vmax.f32 v0, v4;
	v4 =	vld [tilespmem:s10+$0x300]  }
0x551: {  	v0 =	vmax.f32 v0, v5;
	v5 =	vld [tilespmem:s10+$0x380]  }
0x552: {  	v0 =	vmax.f32 v0, v2  }
0x553: {  	v0 =	vmax.f32 v0, v1  }
0x554: {  	v0 =	vmax.f32 v0, v3  }
0x555: {  	v0 =	vmax.f32 v0, v4  }
0x556: {  	s0 =	sshra.s32 s11, $0x2;
	v0 =	vmax.f32 v0, v5  }
0x557: {  	[tilespmem:s0+$0x13400] =	vst v0  }
0x558: {  	v0 =	vld [tilespmem:s10+$0xFFFFFC10]  }
0x559: {  	v1 =	vld [tilespmem:s10+$0xFFFFFC90]  }
0x55a: {  	v2 =	vld [tilespmem:s10+$0xFFFFFD10]  }
0x55b: {  	v3 =	vld [tilespmem:s10+$0xFFFFFD90]  }
0x55c: {  	v4 =	vld [tilespmem:s10+$0xFFFFFE10]  }
0x55d: {  	v5 =	vld [tilespmem:s10+$0xFFFFFE90]  }
0x55e: {  	v0 =	vmax.f32 v0, v1;
	v1 =	vld [tilespmem:s10+$0xFFFFFF10]  }
0x55f: {  	v0 =	vmax.f32 v0, v2;
	v2 =	vld [tilespmem:s10+$0xFFFFFF90]  }
0x560: {  	v0 =	vmax.f32 v0, v3;
	v3 =	vld [tilespmem:s10+$0x10]  }
0x561: {  	v0 =	vmax.f32 v0, v4;
	v4 =	vld [tilespmem:s10+$0x90]  }
0x562: {  	v0 =	vmax.f32 v0, v5;
	v5 =	vld [tilespmem:s10+$0x110]  }
0x563: {  	v0 =	vmax.f32 v0, v1;
	v1 =	vld [tilespmem:s10+$0x190]  }
0x564: {  	v0 =	vmax.f32 v0, v2;
	v2 =	vld [tilespmem:s10+$0x210]  }
0x565: {  	v0 =	vmax.f32 v0, v3;
	v3 =	vld [tilespmem:s10+$0x290]  }
0x566: {  	v0 =	vmax.f32 v0, v4;
	v4 =	vld [tilespmem:s10+$0x310]  }
0x567: {  	v0 =	vmax.f32 v0, v5;
	v5 =	vld [tilespmem:s10+$0x390]  }
0x568: {  	v0 =	vmax.f32 v0, v1  }
0x569: {  	v0 =	vmax.f32 v0, v2  }
0x56a: {  	v0 =	vmax.f32 v0, v3  }
0x56b: {  	v0 =	vmax.f32 v0, v4  }
0x56c: {  	v0 =	vmax.f32 v0, v5  }
0x56d: {  	[tilespmem:s0+$0x13410] =	vst v0  }
0x56e: {  	v0 =	vld [tilespmem:s10+$0xFFFFFC20]  }
0x56f: {  	v1 =	vld [tilespmem:s10+$0xFFFFFCA0]  }
0x570: {  	v2 =	vld [tilespmem:s10+$0xFFFFFD20]  }
0x571: {  	v3 =	vld [tilespmem:s10+$0xFFFFFDA0]  }
0x572: {  	v4 =	vld [tilespmem:s10+$0xFFFFFE20]  }
0x573: {  	v5 =	vld [tilespmem:s10+$0xFFFFFEA0]  }
0x574: {  	v0 =	vmax.f32 v0, v1;
	v1 =	vld [tilespmem:s10+$0xFFFFFF20]  }
0x575: {  	v0 =	vmax.f32 v0, v2;
	v2 =	vld [tilespmem:s10+$0xFFFFFFA0]  }
0x576: {  	v0 =	vmax.f32 v0, v3;
	v3 =	vld [tilespmem:s10+$0x20]  }
0x577: {  	v0 =	vmax.f32 v0, v4;
	v4 =	vld [tilespmem:s10+$0xA0]  }
0x578: {  	v0 =	vmax.f32 v0, v5;
	v5 =	vld [tilespmem:s10+$0x120]  }
0x579: {  	v0 =	vmax.f32 v0, v1;
	v1 =	vld [tilespmem:s10+$0x1A0]  }
0x57a: {  	v0 =	vmax.f32 v0, v2;
	v2 =	vld [tilespmem:s10+$0x220]  }
0x57b: {  	v0 =	vmax.f32 v0, v3;
	v3 =	vld [tilespmem:s10+$0x2A0]  }
0x57c: {  	v0 =	vmax.f32 v0, v4;
	v4 =	vld [tilespmem:s10+$0x320]  }
0x57d: {  	v0 =	vmax.f32 v0, v5;
	v5 =	vld [tilespmem:s10+$0x3A0]  }
0x57e: {  	v0 =	vmax.f32 v0, v1  }
0x57f: {  	v0 =	vmax.f32 v0, v2  }
0x580: {  	v0 =	vmax.f32 v0, v3  }
0x581: {  	v0 =	vmax.f32 v0, v4  }
0x582: {  	v0 =	vmax.f32 v0, v5  }
0x583: {  	[tilespmem:s0+$0x13420] =	vst v0  }
0x584: {  	v0 =	vld [tilespmem:s10+$0xFFFFFC30]  }
0x585: {  	v1 =	vld [tilespmem:s10+$0xFFFFFCB0]  }
0x586: {  	v2 =	vld [tilespmem:s10+$0xFFFFFD30]  }
0x587: {  	v3 =	vld [tilespmem:s10+$0xFFFFFDB0]  }
0x588: {  	v4 =	vld [tilespmem:s10+$0xFFFFFE30]  }
0x589: {  	v5 =	vld [tilespmem:s10+$0xFFFFFEB0]  }
0x58a: {  	v0 =	vmax.f32 v0, v1;
	v1 =	vld [tilespmem:s10+$0xFFFFFF30]  }
0x58b: {  	v0 =	vmax.f32 v0, v2;
	v2 =	vld [tilespmem:s10+$0xFFFFFFB0]  }
0x58c: {  	v0 =	vmax.f32 v0, v3;
	v3 =	vld [tilespmem:s10+$0x30]  }
0x58d: {  	v0 =	vmax.f32 v0, v4;
	v4 =	vld [tilespmem:s10+$0xB0]  }
0x58e: {  	v0 =	vmax.f32 v0, v5;
	v5 =	vld [tilespmem:s10+$0x130]  }
0x58f: {  	v0 =	vmax.f32 v0, v1;
	v1 =	vld [tilespmem:s10+$0x1B0]  }
0x590: {  	v0 =	vmax.f32 v0, v2;
	v2 =	vld [tilespmem:s10+$0x230]  }
0x591: {  	v0 =	vmax.f32 v0, v3;
	v3 =	vld [tilespmem:s10+$0x2B0]  }
0x592: {  	v0 =	vmax.f32 v0, v4;
	v4 =	vld [tilespmem:s10+$0x330]  }
0x593: {  	v0 =	vmax.f32 v0, v5;
	v5 =	vld [tilespmem:s10+$0x3B0]  }
0x594: {  	v0 =	vmax.f32 v0, v1  }
0x595: {  	v0 =	vmax.f32 v0, v2  }
0x596: {  	v0 =	vmax.f32 v0, v3  }
0x597: {  	v0 =	vmax.f32 v0, v4  }
0x598: {  	v0 =	vmax.f32 v0, v5  }
0x599: {  	[tilespmem:s0+$0x13430] =	vst v0  }
0x59a: {  	v0 =	vld [tilespmem:s10+$0xFFFFFC40]  }
0x59b: {  	v1 =	vld [tilespmem:s10+$0xFFFFFCC0]  }
0x59c: {  	v2 =	vld [tilespmem:s10+$0xFFFFFD40]  }
0x59d: {  	v3 =	vld [tilespmem:s10+$0xFFFFFDC0]  }
0x59e: {  	v4 =	vld [tilespmem:s10+$0xFFFFFE40]  }
0x59f: {  	v5 =	vld [tilespmem:s10+$0xFFFFFEC0]  }
0x5a0: {  	v0 =	vmax.f32 v0, v1;
	v1 =	vld [tilespmem:s10+$0xFFFFFF40]  }
0x5a1: {  	v0 =	vmax.f32 v0, v2;
	v2 =	vld [tilespmem:s10+$0xFFFFFFC0]  }
0x5a2: {  	v0 =	vmax.f32 v0, v3;
	v3 =	vld [tilespmem:s10+$0x40]  }
0x5a3: {  	v0 =	vmax.f32 v0, v4;
	v4 =	vld [tilespmem:s10+$0xC0]  }
0x5a4: {  	v0 =	vmax.f32 v0, v5;
	v5 =	vld [tilespmem:s10+$0x140]  }
0x5a5: {  	v0 =	vmax.f32 v0, v1;
	v1 =	vld [tilespmem:s10+$0x1C0]  }
0x5a6: {  	v0 =	vmax.f32 v0, v2;
	v2 =	vld [tilespmem:s10+$0x240]  }
0x5a7: {  	v0 =	vmax.f32 v0, v3;
	v3 =	vld [tilespmem:s10+$0x2C0]  }
0x5a8: {  	v0 =	vmax.f32 v0, v4;
	v4 =	vld [tilespmem:s10+$0x340]  }
0x5a9: {  	v0 =	vmax.f32 v0, v5;
	v5 =	vld [tilespmem:s10+$0x3C0]  }
0x5aa: {  	v0 =	vmax.f32 v0, v1  }
0x5ab: {  	v0 =	vmax.f32 v0, v2  }
0x5ac: {  	v0 =	vmax.f32 v0, v3  }
0x5ad: {  	v0 =	vmax.f32 v0, v4  }
0x5ae: {  	v0 =	vmax.f32 v0, v5  }
0x5af: {  	[tilespmem:s0+$0x13440] =	vst v0  }
0x5b0: {  	v0 =	vld [tilespmem:s10+$0xFFFFFC50]  }
0x5b1: {  	v1 =	vld [tilespmem:s10+$0xFFFFFCD0]  }
0x5b2: {  	v2 =	vld [tilespmem:s10+$0xFFFFFD50]  }
0x5b3: {  	v3 =	vld [tilespmem:s10+$0xFFFFFDD0]  }
0x5b4: {  	v4 =	vld [tilespmem:s10+$0xFFFFFE50]  }
0x5b5: {  	v5 =	vld [tilespmem:s10+$0xFFFFFED0]  }
0x5b6: {  	v0 =	vmax.f32 v0, v1;
	v1 =	vld [tilespmem:s10+$0xFFFFFF50]  }
0x5b7: {  	v0 =	vmax.f32 v0, v2;
	v2 =	vld [tilespmem:s10+$0xFFFFFFD0]  }
0x5b8: {  	v0 =	vmax.f32 v0, v3;
	v3 =	vld [tilespmem:s10+$0x50]  }
0x5b9: {  	v0 =	vmax.f32 v0, v4;
	v4 =	vld [tilespmem:s10+$0xD0]  }
0x5ba: {  	v0 =	vmax.f32 v0, v5;
	v5 =	vld [tilespmem:s10+$0x150]  }
0x5bb: {  	v0 =	vmax.f32 v0, v1;
	v1 =	vld [tilespmem:s10+$0x1D0]  }
0x5bc: {  	v0 =	vmax.f32 v0, v2;
	v2 =	vld [tilespmem:s10+$0x250]  }
0x5bd: {  	v0 =	vmax.f32 v0, v3;
	v3 =	vld [tilespmem:s10+$0x2D0]  }
0x5be: {  	v0 =	vmax.f32 v0, v4;
	v4 =	vld [tilespmem:s10+$0x350]  }
0x5bf: {  	v0 =	vmax.f32 v0, v5;
	v5 =	vld [tilespmem:s10+$0x3D0]  }
0x5c0: {  	v0 =	vmax.f32 v0, v1  }
0x5c1: {  	v0 =	vmax.f32 v0, v2  }
0x5c2: {  	v0 =	vmax.f32 v0, v3  }
0x5c3: {  	v0 =	vmax.f32 v0, v4  }
0x5c4: {  	v0 =	vmax.f32 v0, v5  }
0x5c5: {  	[tilespmem:s0+$0x13450] =	vst v0  }
0x5c6: {  	v0 =	vld [tilespmem:s10+$0xFFFFFC60]  }
0x5c7: {  	v1 =	vld [tilespmem:s10+$0xFFFFFCE0]  }
0x5c8: {  	v2 =	vld [tilespmem:s10+$0xFFFFFD60]  }
0x5c9: {  	v3 =	vld [tilespmem:s10+$0xFFFFFDE0]  }
0x5ca: {  	v4 =	vld [tilespmem:s10+$0xFFFFFE60]  }
0x5cb: {  	v5 =	vld [tilespmem:s10+$0xFFFFFEE0]  }
0x5cc: {  	v0 =	vmax.f32 v0, v1;
	v1 =	vld [tilespmem:s10+$0xFFFFFF60]  }
0x5cd: {  	v0 =	vmax.f32 v0, v2;
	v2 =	vld [tilespmem:s10+$0xFFFFFFE0]  }
0x5ce: {  	v0 =	vmax.f32 v0, v3;
	v3 =	vld [tilespmem:s10+$0x60]  }
0x5cf: {  	v0 =	vmax.f32 v0, v4;
	v4 =	vld [tilespmem:s10+$0xE0]  }
0x5d0: {  	v0 =	vmax.f32 v0, v5;
	v5 =	vld [tilespmem:s10+$0x160]  }
0x5d1: {  	v0 =	vmax.f32 v0, v1;
	v1 =	vld [tilespmem:s10+$0x1E0]  }
0x5d2: {  	v0 =	vmax.f32 v0, v2;
	v2 =	vld [tilespmem:s10+$0x260]  }
0x5d3: {  	v0 =	vmax.f32 v0, v3;
	v3 =	vld [tilespmem:s10+$0x2E0]  }
0x5d4: {  	v0 =	vmax.f32 v0, v4;
	v4 =	vld [tilespmem:s10+$0x360]  }
0x5d5: {  	v0 =	vmax.f32 v0, v5;
	v5 =	vld [tilespmem:s10+$0x3E0]  }
0x5d6: {  	v0 =	vmax.f32 v0, v1  }
0x5d7: {  	v0 =	vmax.f32 v0, v2  }
0x5d8: {  	v0 =	vmax.f32 v0, v3  }
0x5d9: {  	v0 =	vmax.f32 v0, v4  }
0x5da: {  	v0 =	vmax.f32 v0, v5  }
0x5db: {  	[tilespmem:s0+$0x13460] =	vst v0  }
0x5dc: {  	v0 =	vld [tilespmem:s10+$0xFFFFFC70]  }
0x5dd: {  	v1 =	vld [tilespmem:s10+$0xFFFFFCF0]  }
0x5de: {  	v2 =	vld [tilespmem:s10+$0xFFFFFD70]  }
0x5df: {  	v3 =	vld [tilespmem:s10+$0xFFFFFDF0]  }
0x5e0: {  	v5 =	vld [tilespmem:s10+$0xFFFFFE70]  }
0x5e1: {  	v6 =	vld [tilespmem:s10+$0xFFFFFEF0]  }
0x5e2: {  	v0 =	vmax.f32 v0, v1;
	v7 =	vld [tilespmem:s10+$0xFFFFFF70]  }
0x5e3: {  	v0 =	vmax.f32 v0, v2;
	v8 =	vld [tilespmem:s10+$0xFFFFFFF0]  }
.Ltmp11:
0x5e4: {  	v0 =	vmax.f32 v0, v3;
	v4 =	vld [tilespmem:s10+$0x70];
	(pc) =	sbr.rel @p4 .LBB2_16-.Ltmp11, $4  }
0x5e5: {  	v0 =	vmax.f32 v0, v5;
	v1 =	vld [tilespmem:s10+$0xF0]  }
0x5e6: {  	v0 =	vmax.f32 v0, v6;
	v2 =	vld [tilespmem:s10+$0x170]  }
0x5e7: {  	v3 =	vmax.f32 v0, v7;
	v0 =	vld [tilespmem:s10+$0x1F0]  }
0x5e8: {  	v5 =	vmax.f32 v3, v8;
	v3 =	vld [tilespmem:s10+$0x270]  }
0x5e9: {  	v4 =	vmax.f32 v5, v4;
	v61 =	vld [tilespmem:s1+$0x2F0]  }
0x5ea: {  	v62 =	vld [tilespmem:s1+$0x370];
	v1 =	vmax.f32 v4, v1  }
0x5eb: {  	v63 =	vld [tilespmem:s1+$0x3F0];
	v1 =	vmax.f32 v1, v2  }
0x5ec: {  	v0 =	vmax.f32 v1, v0  }
0x5ed: {  	v0 =	vmax.f32 v0, v3  }
0x5ee: {  	v0 =	vmax.f32 v0, v61  }
0x5ef: {  	s11 =	sadd.s32 s3, s31;
	v0 =	vmax.f32 v0, v62  }
0x5f0: {  	s1 =	sshll.u32 s11, $0x7;
	v0 =	vmax.f32 v0, v63  }
0x5f1: {  	s31 =	sadd.s32 s6, s1;
	[tilespmem:s0+$0x13470] =	vst v0;
	s0 =	sadd.s32 $0x7, s30  }
0x5f2: {  	[hbm4b:s31+s5] =	stream.linear.scatter [tilespmem:s22], [sflag:$0x8], $0x400, $0x38;
	[tilespmem:$0x13800] =	vst v63  }
.Ltmp12:
0x5f3: {  	p4 =	sge.s32 s0, s4;
	(pc) =	sbr.rel .LBB2_18-.Ltmp12, $4  }
0x5f4: {  	s0 =	sadd.s32 @!p4 s7, s0  }
0x5f5: {  	s0 =	sshll.u32 @!p4 s0, $0x9  }
0x5f6: {  	s1 =	simm.s32 @!p4 $0x80;
	s8 =	simm.s32 @!p4 $0xE800;
	s0 =	sshra.s32 @!p4 s0, $0x2  }
0x5f7: {  	[tilespmem:s8], [sflag:$0x4] =	stream.indirect.gather @!p4 [hbm4b:s2+s1], $0x80, s0, s1, $0xb8;
	[tilespmem:$0x13800] =	vst v63  }
.LBB2_20:
0x5f8: {  	_ =	sfence.sel $0x180000  }
0x5f9: {  	[bflag:$0x0] =	sbarrier.arrive $0xFFFF  }
0x5fa: {  	_ =	strace $0x90000047  }
0x5fb: {  	s0 =	stileid.u32;
	[bflag:$0x2] =	sbarrier.arrive $0xFFFF  }
0x5fc: {  	p0 =	sne.s32 s0, $0x0;
	s0 =	rddreg [dreg:$0x2]  }
0x5fd: {  	s0 =	sadd.s32 @!p0 $0x100000, s0  }
0x5fe: {  	[sflag:s0] =	ssyncadd.tile.s32 @!p0 $0x1;
	_ =	shalt  }
.Lfunc_end2:
_tile_overlayer_lowered:
.L_overlay_start_2:
0x5ff: {  	(tag) =	ssettag $0x2  }
0x600: {  	s0 =	rddreg [dreg:$0x0];
	s2 =	stileid.u32  }
0x601: {  	s1 =	rddreg [dreg:$0x1];
	p0 =	sne.s32 s2, $0x0  }
0x602: {  	s3 =	rddreg [dreg:$0x2];
	[bflag:$0x3] =	sbarrier.arrive $0xFFFF;
	s2 =	simm.s32 @!p0 $0x1C09  }
0x603: {  	[timem:s3], [sflag:s2] =	dma.local @!p0 [hbm:s0], s1  }
0x604: {  	s0 =	simm.s32 @!p0 $0x9  }
0x605: {  	_ =	swait.ge @!p0 [sflag:s0], s1  }
0x606: {  	s1 =	ssub.s32 @!p0 $0x0, s1;
	[sflag:s0] =	ssyncset.done @!p0 $0x0  }
0x607: {  	[sflag:s0] =	ssyncadd.s32 @!p0 s1  }
0x608: {  	[bflag:$0x3] =	sbarrier.arrive $0xFFFF  }
0x609: {  	_ =	shalt  }

</sc_bundles>
